<compile_context>
chip_gen: v7x
topology: tpu7x:2x2x1
jax: 0.10.2.dev20260603
libtpu: 0.0.44.dev20260713+nightly
codegen_flags: <defaults>
</compile_context>

<pallas_src>
import functools

import jax
import jax.numpy as jnp
from jax import lax
from jax.experimental import pallas as pl
from jax.experimental.pallas import tpu as pltpu
from jax.experimental.pallas import tpu_sc as plsc

N = 10000
NFEAT = 128
NHID = 128
NCLASS = 40
NCPAD = 64

CHUNK = 128

_BCAST_DNUMS = lax.GatherDimensionNumbers(
    offset_dims=(), collapsed_slice_dims=(0,), start_index_map=(0,))


def _bcast_lane(vec, lane):
  idx = jnp.full((16, 1), lane, jnp.int32)
  return lax.gather(vec, idx, _BCAST_DNUMS, (1,),
                    mode=lax.GatherScatterMode.PROMISE_IN_BOUNDS)
NCORES = 2
NSUB = 16
NWORKERS = NCORES * NSUB
N_PAD = 10240
ROWS_PER_TILE = N_PAD // NSUB
ZCHUNK = 128


def _make_spmm(D, chunks_per_worker):
  epw = chunks_per_worker * CHUNK
  mesh = plsc.VectorSubcoreMesh(core_axis_name="c", subcore_axis_name="s")

  @functools.partial(
      pl.kernel,
      mesh=mesh,
      out_type=jax.ShapeDtypeStruct((NCORES, N_PAD, D), jnp.float32),
      scratch_types=[
          pltpu.VMEM((CHUNK,), jnp.int32),
          pltpu.VMEM((CHUNK,), jnp.int32),
          pltpu.VMEM((CHUNK,), jnp.float32),
          pltpu.VMEM((CHUNK, D), jnp.float32),
          pltpu.VMEM_SHARED((N_PAD, D), jnp.float32),
          pltpu.SemaphoreType.DMA,
      ],
      compiler_params=pltpu.CompilerParams(use_tc_tiling_on_sc=False),
  )
  def spmm(sup_hbm, src_hbm, dst_hbm, w_hbm, out_hbm,
           src_v, dst_v, w_v, rows_v, acc, sem):
    cid = lax.axis_index("c")
    sid = lax.axis_index("s")
    wid = sid * NCORES + cid

    def zrow(r, carry):
      for f in range(D // 16):
        rows_v[r, pl.ds(f * 16, 16)] = jnp.zeros((16,), jnp.float32)
      return carry
    lax.fori_loop(0, ZCHUNK, zrow, 0)
    for i in range(ROWS_PER_TILE // ZCHUNK):
      pltpu.sync_copy(
          rows_v.at[pl.ds(0, ZCHUNK)],
          acc.at[pl.ds(
              pl.multiple_of(sid * ROWS_PER_TILE + i * ZCHUNK, ZCHUNK),
              ZCHUNK)])
    plsc.subcore_barrier()

    def step(c, carry):
      base = pl.multiple_of(wid * epw + c * CHUNK, CHUNK)
      pltpu.sync_copy(src_hbm.at[pl.ds(base, CHUNK)], src_v)
      pltpu.sync_copy(dst_hbm.at[pl.ds(base, CHUNK)], dst_v)
      pltpu.sync_copy(w_hbm.at[pl.ds(base, CHUNK)], w_v)
      pltpu.async_copy(sup_hbm.at[src_v], rows_v, sem).wait()

      def scale(g, carry2):
        wv = w_v[pl.ds(pl.multiple_of(g * 16, 16), 16)]
        for e in range(16):
          wb = _bcast_lane(wv, e)
          r = g * 16 + e
          for f in range(D // 16):
            rows_v[r, pl.ds(f * 16, 16)] = rows_v[r, pl.ds(f * 16, 16)] * wb
        return carry2
      lax.fori_loop(0, CHUNK // 16, scale, 0)

      pltpu.sync_copy(rows_v, acc.at[dst_v], add=True)
      return carry
    lax.fori_loop(0, chunks_per_worker, step, 0)

    plsc.subcore_barrier()
    row0 = pl.multiple_of(sid * ROWS_PER_TILE, ZCHUNK)
    pltpu.sync_copy(acc.at[pl.ds(row0, ROWS_PER_TILE)],
                    out_hbm.at[cid].at[pl.ds(row0, ROWS_PER_TILE)])

  return spmm


def _mm1(x, w1):
  bm = 1000

  def body(x_ref, w_ref, o_ref):
    o_ref[...] = jnp.dot(x_ref[...], w_ref[...],
                         preferred_element_type=jnp.float32)

  return pl.pallas_call(
      body,
      grid=(N // bm,),
      in_specs=[
          pl.BlockSpec((bm, NFEAT), lambda i: (i, 0)),
          pl.BlockSpec((NFEAT, NHID), lambda i: (0, 0)),
      ],
      out_specs=pl.BlockSpec((bm, NHID), lambda i: (i, 0)),
      out_shape=jax.ShapeDtypeStruct((N, NHID), jnp.float32),
  )(x, w1)


def _mm2_fused(parts, b1, w2p):
  bm = 1000

  def body(p_ref, b_ref, w_ref, o_ref):
    h = jnp.maximum(p_ref[0] + p_ref[1] + b_ref[...], 0.0)
    o_ref[...] = jnp.dot(h, w_ref[...], preferred_element_type=jnp.float32)

  return pl.pallas_call(
      body,
      grid=(N // bm,),
      in_specs=[
          pl.BlockSpec((2, bm, NHID), lambda i: (0, i, 0)),
          pl.BlockSpec((1, NHID), lambda i: (0, 0)),
          pl.BlockSpec((NHID, NCPAD), lambda i: (0, 0)),
      ],
      out_specs=pl.BlockSpec((bm, NCPAD), lambda i: (i, 0)),
      out_shape=jax.ShapeDtypeStruct((N, NCPAD), jnp.float32),
  )(parts, b1.reshape(1, NHID), w2p)


def _log_softmax(parts2, b2p):
  bm = 1000

  def body(q_ref, b_ref, o_ref):
    zb = q_ref[0] + q_ref[1] + b_ref[...]
    col = lax.broadcasted_iota(jnp.int32, (bm, NCPAD), 1)
    valid = col < NCLASS
    logits = jnp.where(valid, zb, -jnp.inf)
    m = jnp.max(logits, axis=1, keepdims=True)
    e = jnp.where(valid, jnp.exp(zb - m), 0.0)
    lse = jnp.log(jnp.sum(e, axis=1, keepdims=True)) + m
    o_ref[...] = zb - lse

  return pl.pallas_call(
      body,
      grid=(N // bm,),
      in_specs=[
          pl.BlockSpec((2, bm, NCPAD), lambda i: (0, i, 0)),
          pl.BlockSpec((1, NCPAD), lambda i: (0, 0)),
      ],
      out_specs=pl.BlockSpec((bm, NCPAD), lambda i: (i, 0)),
      out_shape=jax.ShapeDtypeStruct((N, NCPAD), jnp.float32),
  )(parts2, b2p)


@jax.jit
def kernel(x, edge_index, edge_weight, W1, b1, W2, b2):
  e = edge_weight.shape[0]
  step = NWORKERS * CHUNK
  e_pad = ((e + step - 1) // step) * step
  cpw = e_pad // step
  pad = e_pad - e

  src = jnp.concatenate([edge_index[0], jnp.zeros((pad,), jnp.int32)])
  dst = jnp.concatenate([edge_index[1], jnp.zeros((pad,), jnp.int32)])
  w = jnp.concatenate([edge_weight, jnp.zeros((pad,), jnp.float32)])

  support1 = _mm1(x, W1)
  parts1 = _make_spmm(NHID, cpw)(support1, src, dst, w)
  w2p = jnp.pad(W2, ((0, 0), (0, NCPAD - NCLASS)))
  support2 = _mm2_fused(parts1, b1, w2p)
  parts2 = _make_spmm(NCPAD, cpw)(support2, src, dst, w)
  b2p = jnp.pad(b2, (0, NCPAD - NCLASS)).reshape(1, NCPAD)
  out = _log_softmax(parts2, b2p)
  return out[:, :NCLASS]

# --- scband reference (transcript-rebuilt; emitter-appended) ---
"""Pipeline reference for scband-masked-gcn-73461120631489 (READ-ONLY COPY).

The authoritative reference and input builder live on the scoring server;
editing this copy changes nothing except your own understanding.
"""

import jax, jax.numpy as jnp
import numpy as np

N = 10000
E = 320000
NFEAT = 128
NHID = 128
NCLASS = 40


def setup_inputs(seed: int = 0) -> dict:
    key = jax.random.key(seed)
    ks = jax.random.split(key, 8)
    x = jax.random.normal(ks[0], (N, NFEAT), dtype=jnp.float32)
    edge_index = jax.random.randint(ks[1], (2, E), 0, N, dtype=jnp.int32)
    edge_weight = jax.random.uniform(ks[2], (E,), dtype=jnp.float32)
    # Learned parameters (Masked_GraphConvolution: weight [in,out] + bias [out])
    W1 = jax.random.normal(ks[3], (NFEAT, NHID), dtype=jnp.float32) * (1.0 / np.sqrt(NFEAT))
    b1 = jnp.zeros((NHID,), dtype=jnp.float32)
    W2 = jax.random.normal(ks[4], (NHID, NCLASS), dtype=jnp.float32) * (1.0 / np.sqrt(NHID))
    b2 = jnp.zeros((NCLASS,), dtype=jnp.float32)
    return {"x": x, "edge_index": edge_index, "edge_weight": edge_weight,
            "W1": W1, "b1": b1, "W2": W2, "b2": b2}


def reference(x, edge_index, edge_weight, W1, b1, W2, b2):
    # Masked_GCN.forward (eval mode, masks = identity / no pruning applied):
    #   h = relu(gc1(x, adj)); h = dropout(h) [no-op in eval]; out = log_softmax(gc2(h, adj))
    # Each Masked_GraphConvolution: support = x @ W; out = spmm(adj, support) + b
    # adj represented sparsely as (edge_index, edge_weight): out[dst] += w * support[src]
    src = edge_index[0]
    dst = edge_index[1]

    # Layer 1
    support1 = x @ W1
    msgs1 = edge_weight[:, None] * jnp.take(support1, src, axis=0)
    h1 = jax.ops.segment_sum(msgs1, dst, num_segments=N) + b1
    h1 = jax.nn.relu(h1)

    # dropout: training=False -> identity

    # Layer 2
    support2 = h1 @ W2
    msgs2 = edge_weight[:, None] * jnp.take(support2, src, axis=0)
    h2 = jax.ops.segment_sum(msgs2, dst, num_segments=N) + b2

    return jax.nn.log_softmax(h2, axis=1)

if __name__ == "__main__":
    import jax
    _d = setup_inputs()
    print(jax.jit(kernel)(*tuple(_d.values())))

</pallas_src>

<mosaic_0001>
#map = affine_map<(d0, d1) -> (0, 0)>
#map1 = affine_map<(d0, d1) -> (0)>
#map2 = affine_map<(d0, d1) -> (0, 0, 0)>
module attributes {stable_mosaic.version = 14 : i64} {
  func.func @spmm(%arg0: i32, %arg1: i32, %arg2: memref<10000x128xf32, #tpu.memory_space<hbm>>, %arg3: memref<323584xi32, #tpu.memory_space<hbm>>, %arg4: memref<323584xi32, #tpu.memory_space<hbm>>, %arg5: memref<323584xf32, #tpu.memory_space<hbm>>, %arg6: memref<2x10240x128xf32, #tpu.memory_space<hbm>>, %arg7: memref<128xi32, #tpu.memory_space<vmem>>, %arg8: memref<128xi32, #tpu.memory_space<vmem>>, %arg9: memref<128xf32, #tpu.memory_space<vmem>>, %arg10: memref<128x128xf32, #tpu.memory_space<vmem>>, %arg11: memref<10240x128xf32, #tpu.memory_space<vmem_shared>>, %arg12: memref<!tpu.dma_semaphore, #tpu.memory_space<semaphore_mem>>) attributes {dimension_semantics = [#tpu.dimension_semantics<core_parallel>, #tpu.dimension_semantics<subcore_parallel>], iteration_bounds = array<i64: 2, 16>, scalar_prefetch = 0 : i64, scratch_operands = 6 : i64, tpu.core_type = #tpu.core_type<sc_vector_subcore>, window_params = [{transform_indices = #map}, {transform_indices = #map1}, {transform_indices = #map1}, {transform_indices = #map1}, {transform_indices = #map2}]} {
    %mul3A = arith.constant 2 : i32
    %mul3A_0 = arith.muli %arg1, %mul3A : i32
    %add3A = arith.addi %mul3A_0, %arg0 : i32
    %scan3A = arith.constant 0 : i32
    %scan3A_1 = arith.constant 0 : i32
    %scan3A_2 = arith.constant 128 : i32
    %scan3A_3 = arith.addi %scan3A_1, %scan3A_2 : i32
    %scan3A_4 = arith.constant 1 : i32
    scf.for %scan3A_40 = %scan3A_1 to %scan3A_3 step %scan3A_4  : i32 {
      %broadcast_in_dim3A = arith.constant 0.000000e+00 : f32
      %broadcast_in_dim3A_41 = vector.broadcast %broadcast_in_dim3A : f32 to vector<16xf32>
      %swap3A = arith.index_cast %scan3A_40 : i32 to index
      %swap3A_42 = arith.constant 0 : index
      %swap3A_43 = tpu.vector_load %arg10[%swap3A, %swap3A_42] {strides = array<i32>} : memref<128x128xf32, #tpu.memory_space<vmem>>, vector<1x16xf32>,
      %swap3A_44 = vector.shape_cast %swap3A_43 : vector<1x16xf32> to vector<16xf32>
      %swap3A_45 = vector.shape_cast %broadcast_in_dim3A_41 : vector<16xf32> to vector<1x16xf32>
      tpu.vector_store %arg10[%swap3A, %swap3A_42], %swap3A_45 {strides = array<i32>} : memref<128x128xf32, #tpu.memory_space<vmem>>, vector<1x16xf32>,
      %broadcast_in_dim3A_46 = arith.constant 0.000000e+00 : f32
      %broadcast_in_dim3A_47 = vector.broadcast %broadcast_in_dim3A_46 : f32 to vector<16xf32>
      %swap3A_48 = arith.index_cast %scan3A_40 : i32 to index
      %swap3A_49 = arith.constant 16 : index
      %swap3A_50 = tpu.vector_load %arg10[%swap3A_48, %swap3A_49] {strides = array<i32>} : memref<128x128xf32, #tpu.memory_space<vmem>>, vector<1x16xf32>,
      %swap3A_51 = vector.shape_cast %swap3A_50 : vector<1x16xf32> to vector<16xf32>
      %swap3A_52 = vector.shape_cast %broadcast_in_dim3A_47 : vector<16xf32> to vector<1x16xf32>
      tpu.vector_store %arg10[%swap3A_48, %swap3A_49], %swap3A_52 {strides = array<i32>} : memref<128x128xf32, #tpu.memory_space<vmem>>, vector<1x16xf32>,
      %broadcast_in_dim3A_53 = arith.constant 0.000000e+00 : f32
      %broadcast_in_dim3A_54 = vector.broadcast %broadcast_in_dim3A_53 : f32 to vector<16xf32>
      %swap3A_55 = arith.index_cast %scan3A_40 : i32 to index
      %swap3A_56 = arith.constant 32 : index
      %swap3A_57 = tpu.vector_load %arg10[%swap3A_55, %swap3A_56] {strides = array<i32>} : memref<128x128xf32, #tpu.memory_space<vmem>>, vector<1x16xf32>,
      %swap3A_58 = vector.shape_cast %swap3A_57 : vector<1x16xf32> to vector<16xf32>
      %swap3A_59 = vector.shape_cast %broadcast_in_dim3A_54 : vector<16xf32> to vector<1x16xf32>
      tpu.vector_store %arg10[%swap3A_55, %swap3A_56], %swap3A_59 {strides = array<i32>} : memref<128x128xf32, #tpu.memory_space<vmem>>, vector<1x16xf32>,
      %broadcast_in_dim3A_60 = arith.constant 0.000000e+00 : f32
      %broadcast_in_dim3A_61 = vector.broadcast %broadcast_in_dim3A_60 : f32 to vector<16xf32>
      %swap3A_62 = arith.index_cast %scan3A_40 : i32 to index
      %swap3A_63 = arith.constant 48 : index
      %swap3A_64 = tpu.vector_load %arg10[%swap3A_62, %swap3A_63] {strides = array<i32>} : memref<128x128xf32, #tpu.memory_space<vmem>>, vector<1x16xf32>,
      %swap3A_65 = vector.shape_cast %swap3A_64 : vector<1x16xf32> to vector<16xf32>
      %swap3A_66 = vector.shape_cast %broadcast_in_dim3A_61 : vector<16xf32> to vector<1x16xf32>
      tpu.vector_store %arg10[%swap3A_62, %swap3A_63], %swap3A_66 {strides = array<i32>} : memref<128x128xf32, #tpu.memory_space<vmem>>, vector<1x16xf32>,
      %broadcast_in_dim3A_67 = arith.constant 0.000000e+00 : f32
      %broadcast_in_dim3A_68 = vector.broadcast %broadcast_in_dim3A_67 : f32 to vector<16xf32>
      %swap3A_69 = arith.index_cast %scan3A_40 : i32 to index
      %swap3A_70 = arith.constant 64 : index
      %swap3A_71 = tpu.vector_load %arg10[%swap3A_69, %swap3A_70] {strides = array<i32>} : memref<128x128xf32, #tpu.memory_space<vmem>>, vector<1x16xf32>,
      %swap3A_72 = vector.shape_cast %swap3A_71 : vector<1x16xf32> to vector<16xf32>
      %swap3A_73 = vector.shape_cast %broadcast_in_dim3A_68 : vector<16xf32> to vector<1x16xf32>
      tpu.vector_store %arg10[%swap3A_69, %swap3A_70], %swap3A_73 {strides = array<i32>} : memref<128x128xf32, #tpu.memory_space<vmem>>, vector<1x16xf32>,
      %broadcast_in_dim3A_74 = arith.constant 0.000000e+00 : f32
      %broadcast_in_dim3A_75 = vector.broadcast %broadcast_in_dim3A_74 : f32 to vector<16xf32>
      %swap3A_76 = arith.index_cast %scan3A_40 : i32 to index
      %swap3A_77 = arith.constant 80 : index
      %swap3A_78 = tpu.vector_load %arg10[%swap3A_76, %swap3A_77] {strides = array<i32>} : memref<128x128xf32, #tpu.memory_space<vmem>>, vector<1x16xf32>,
      %swap3A_79 = vector.shape_cast %swap3A_78 : vector<1x16xf32> to vector<16xf32>
      %swap3A_80 = vector.shape_cast %broadcast_in_dim3A_75 : vector<16xf32> to vector<1x16xf32>
      tpu.vector_store %arg10[%swap3A_76, %swap3A_77], %swap3A_80 {strides = array<i32>} : memref<128x128xf32, #tpu.memory_space<vmem>>, vector<1x16xf32>,
      %broadcast_in_dim3A_81 = arith.constant 0.000000e+00 : f32
      %broadcast_in_dim3A_82 = vector.broadcast %broadcast_in_dim3A_81 : f32 to vector<16xf32>
      %swap3A_83 = arith.index_cast %scan3A_40 : i32 to index
      %swap3A_84 = arith.constant 96 : index
      %swap3A_85 = tpu.vector_load %arg10[%swap3A_83, %swap3A_84] {strides = array<i32>} : memref<128x128xf32, #tpu.memory_space<vmem>>, vector<1x16xf32>,
      %swap3A_86 = vector.shape_cast %swap3A_85 : vector<1x16xf32> to vector<16xf32>
      %swap3A_87 = vector.shape_cast %broadcast_in_dim3A_82 : vector<16xf32> to vector<1x16xf32>
      tpu.vector_store %arg10[%swap3A_83, %swap3A_84], %swap3A_87 {strides = array<i32>} : memref<128x128xf32, #tpu.memory_space<vmem>>, vector<1x16xf32>,
      %broadcast_in_dim3A_88 = arith.constant 0.000000e+00 : f32
      %broadcast_in_dim3A_89 = vector.broadcast %broadcast_in_dim3A_88 : f32 to vector<16xf32>
      %swap3A_90 = arith.index_cast %scan3A_40 : i32 to index
      %swap3A_91 = arith.constant 112 : index
      %swap3A_92 = tpu.vector_load %arg10[%swap3A_90, %swap3A_91] {strides = array<i32>} : memref<128x128xf32, #tpu.memory_space<vmem>>, vector<1x16xf32>,
      %swap3A_93 = vector.shape_cast %swap3A_92 : vector<1x16xf32> to vector<16xf32>
      %swap3A_94 = vector.shape_cast %broadcast_in_dim3A_89 : vector<16xf32> to vector<1x16xf32>
      tpu.vector_store %arg10[%swap3A_90, %swap3A_91], %swap3A_94 {strides = array<i32>} : memref<128x128xf32, #tpu.memory_space<vmem>>, vector<1x16xf32>,
    }
    %scan3A_5 = arith.constant 128 : i32
    %mul3A_6 = arith.constant 640 : i32
    %mul3A_7 = arith.muli %arg1, %mul3A_6 : i32
    %add3A_8 = arith.constant 0 : i32
    %add3A_9 = arith.addi %mul3A_7, %add3A_8 : i32
    %multiple_of3A = tpu.assume_multiple %add3A_9, 128 : i32
    "tpu.region"() ({
      %run_scoped3A = tpu.sem_alloc : memref<!tpu.dma_semaphore, #tpu.memory_space<semaphore_mem>>
      %dma_start3A = arith.constant 0 : i32
      %dma_start3A_40 = arith.constant 0 : i32
      %dma_start3A_41 = tpu.memref_slice %arg10[%dma_start3A, %dma_start3A_40] : memref<128x128xf32, #tpu.memory_space<vmem>> -> memref<128x128xf32, #tpu.memory_space<vmem>>
      %dma_start3A_42 = arith.constant 0 : i32
      %dma_start3A_43 = tpu.memref_slice %arg11[%multiple_of3A, %dma_start3A_42] : memref<10240x128xf32, #tpu.memory_space<vmem_shared>> -> memref<128x128xf32, #tpu.memory_space<vmem_shared>>
      %dma_start3A_44 = arith.constant 0 : i32
      %dma_start3A_45 = tpu.memref_slice %arg11[%multiple_of3A, %dma_start3A_44] : memref<10240x128xf32, #tpu.memory_space<vmem_shared>> -> memref<128x128xf32, #tpu.memory_space<vmem_shared>>
      %dma_start3A_46 = arith.constant 0 : i32
      %dma_start3A_47 = arith.constant 0 : i32
      %dma_start3A_48 = tpu.memref_slice %arg10[%dma_start3A_46, %dma_start3A_47] : memref<128x128xf32, #tpu.memory_space<vmem>> -> memref<128x128xf32, #tpu.memory_space<vmem>>
      tpu.enqueue_dma source(%dma_start3A_48 : memref<128x128xf32, #tpu.memory_space<vmem>>) target(%dma_start3A_45 : memref<128x128xf32, #tpu.memory_space<vmem_shared>>) target_semaphore(%run_scoped3A : memref<!tpu.dma_semaphore, #tpu.memory_space<semaphore_mem>>)
      %dma_wait3A = arith.constant 0 : i32
      %dma_wait3A_49 = arith.constant 0 : i32
      %dma_wait3A_50 = tpu.memref_slice %arg10[%dma_wait3A, %dma_wait3A_49] : memref<128x128xf32, #tpu.memory_space<vmem>> -> memref<128x128xf32, #tpu.memory_space<vmem>>
      %dma_wait3A_51 = arith.constant 0 : i32
      %dma_wait3A_52 = tpu.memref_slice %arg11[%multiple_of3A, %dma_wait3A_51] : memref<10240x128xf32, #tpu.memory_space<vmem_shared>> -> memref<128x128xf32, #tpu.memory_space<vmem_shared>>
      %dma_wait3A_53 = arith.constant 0 : i32
      %dma_wait3A_54 = tpu.memref_slice %arg11[%multiple_of3A, %dma_wait3A_53] : memref<10240x128xf32, #tpu.memory_space<vmem_shared>> -> memref<128x128xf32, #tpu.memory_space<vmem_shared>>
      %dma_wait3A_55 = arith.constant 0 : i32
      %dma_wait3A_56 = arith.constant 0 : i32
      %dma_wait3A_57 = tpu.memref_slice %arg10[%dma_wait3A_55, %dma_wait3A_56] : memref<128x128xf32, #tpu.memory_space<vmem>> -> memref<128x128xf32, #tpu.memory_space<vmem>>
      tpu.wait_dma2 semaphore(%run_scoped3A : memref<!tpu.dma_semaphore, #tpu.memory_space<semaphore_mem>>) src(%dma_wait3A_57 : memref<128x128xf32, #tpu.memory_space<vmem>>) dst(%dma_wait3A_54 : memref<128x128xf32, #tpu.memory_space<vmem_shared>>)
      tpu.yield
    }) : () -> ()
    %mul3A_10 = arith.constant 640 : i32
    %mul3A_11 = arith.muli %arg1, %mul3A_10 : i32
    %add3A_12 = arith.constant 128 : i32
    %add3A_13 = arith.addi %mul3A_11, %add3A_12 : i32
    %multiple_of3A_14 = tpu.assume_multiple %add3A_13, 128 : i32
    "tpu.region"() ({
      %run_scoped3A = tpu.sem_alloc : memref<!tpu.dma_semaphore, #tpu.memory_space<semaphore_mem>>
      %dma_start3A = arith.constant 0 : i32
      %dma_start3A_40 = arith.constant 0 : i32
      %dma_start3A_41 = tpu.memref_slice %arg10[%dma_start3A, %dma_start3A_40] : memref<128x128xf32, #tpu.memory_space<vmem>> -> memref<128x128xf32, #tpu.memory_space<vmem>>
      %dma_start3A_42 = arith.constant 0 : i32
      %dma_start3A_43 = tpu.memref_slice %arg11[%multiple_of3A_14, %dma_start3A_42] : memref<10240x128xf32, #tpu.memory_space<vmem_shared>> -> memref<128x128xf32, #tpu.memory_space<vmem_shared>>
      %dma_start3A_44 = arith.constant 0 : i32
      %dma_start3A_45 = tpu.memref_slice %arg11[%multiple_of3A_14, %dma_start3A_44] : memref<10240x128xf32, #tpu.memory_space<vmem_shared>> -> memref<128x128xf32, #tpu.memory_space<vmem_shared>>
      %dma_start3A_46 = arith.constant 0 : i32
      %dma_start3A_47 = arith.constant 0 : i32
      %dma_start3A_48 = tpu.memref_slice %arg10[%dma_start3A_46, %dma_start3A_47] : memref<128x128xf32, #tpu.memory_space<vmem>> -> memref<128x128xf32, #tpu.memory_space<vmem>>
      tpu.enqueue_dma source(%dma_start3A_48 : memref<128x128xf32, #tpu.memory_space<vmem>>) target(%dma_start3A_45 : memref<128x128xf32, #tpu.memory_space<vmem_shared>>) target_semaphore(%run_scoped3A : memref<!tpu.dma_semaphore, #tpu.memory_space<semaphore_mem>>)
      %dma_wait3A = arith.constant 0 : i32
      %dma_wait3A_49 = arith.constant 0 : i32
      %dma_wait3A_50 = tpu.memref_slice %arg10[%dma_wait3A, %dma_wait3A_49] : memref<128x128xf32, #tpu.memory_space<vmem>> -> memref<128x128xf32, #tpu.memory_space<vmem>>
      %dma_wait3A_51 = arith.constant 0 : i32
      %dma_wait3A_52 = tpu.memref_slice %arg11[%multiple_of3A_14, %dma_wait3A_51] : memref<10240x128xf32, #tpu.memory_space<vmem_shared>> -> memref<128x128xf32, #tpu.memory_space<vmem_shared>>
      %dma_wait3A_53 = arith.constant 0 : i32
      %dma_wait3A_54 = tpu.memref_slice %arg11[%multiple_of3A_14, %dma_wait3A_53] : memref<10240x128xf32, #tpu.memory_space<vmem_shared>> -> memref<128x128xf32, #tpu.memory_space<vmem_shared>>
      %dma_wait3A_55 = arith.constant 0 : i32
      %dma_wait3A_56 = arith.constant 0 : i32
      %dma_wait3A_57 = tpu.memref_slice %arg10[%dma_wait3A_55, %dma_wait3A_56] : memref<128x128xf32, #tpu.memory_space<vmem>> -> memref<128x128xf32, #tpu.memory_space<vmem>>
      tpu.wait_dma2 semaphore(%run_scoped3A : memref<!tpu.dma_semaphore, #tpu.memory_space<semaphore_mem>>) src(%dma_wait3A_57 : memref<128x128xf32, #tpu.memory_space<vmem>>) dst(%dma_wait3A_54 : memref<128x128xf32, #tpu.memory_space<vmem_shared>>)
      tpu.yield
    }) : () -> ()
    %mul3A_15 = arith.constant 640 : i32
    %mul3A_16 = arith.muli %arg1, %mul3A_15 : i32
    %add3A_17 = arith.constant 256 : i32
    %add3A_18 = arith.addi %mul3A_16, %add3A_17 : i32
    %multiple_of3A_19 = tpu.assume_multiple %add3A_18, 128 : i32
    "tpu.region"() ({
      %run_scoped3A = tpu.sem_alloc : memref<!tpu.dma_semaphore, #tpu.memory_space<semaphore_mem>>
      %dma_start3A = arith.constant 0 : i32
      %dma_start3A_40 = arith.constant 0 : i32
      %dma_start3A_41 = tpu.memref_slice %arg10[%dma_start3A, %dma_start3A_40] : memref<128x128xf32, #tpu.memory_space<vmem>> -> memref<128x128xf32, #tpu.memory_space<vmem>>
      %dma_start3A_42 = arith.constant 0 : i32
      %dma_start3A_43 = tpu.memref_slice %arg11[%multiple_of3A_19, %dma_start3A_42] : memref<10240x128xf32, #tpu.memory_space<vmem_shared>> -> memref<128x128xf32, #tpu.memory_space<vmem_shared>>
      %dma_start3A_44 = arith.constant 0 : i32
      %dma_start3A_45 = tpu.memref_slice %arg11[%multiple_of3A_19, %dma_start3A_44] : memref<10240x128xf32, #tpu.memory_space<vmem_shared>> -> memref<128x128xf32, #tpu.memory_space<vmem_shared>>
      %dma_start3A_46 = arith.constant 0 : i32
      %dma_start3A_47 = arith.constant 0 : i32
      %dma_start3A_48 = tpu.memref_slice %arg10[%dma_start3A_46, %dma_start3A_47] : memref<128x128xf32, #tpu.memory_space<vmem>> -> memref<128x128xf32, #tpu.memory_space<vmem>>
      tpu.enqueue_dma source(%dma_start3A_48 : memref<128x128xf32, #tpu.memory_space<vmem>>) target(%dma_start3A_45 : memref<128x128xf32, #tpu.memory_space<vmem_shared>>) target_semaphore(%run_scoped3A : memref<!tpu.dma_semaphore, #tpu.memory_space<semaphore_mem>>)
      %dma_wait3A = arith.constant 0 : i32
      %dma_wait3A_49 = arith.constant 0 : i32
      %dma_wait3A_50 = tpu.memref_slice %arg10[%dma_wait3A, %dma_wait3A_49] : memref<128x128xf32, #tpu.memory_space<vmem>> -> memref<128x128xf32, #tpu.memory_space<vmem>>
      %dma_wait3A_51 = arith.constant 0 : i32
      %dma_wait3A_52 = tpu.memref_slice %arg11[%multiple_of3A_19, %dma_wait3A_51] : memref<10240x128xf32, #tpu.memory_space<vmem_shared>> -> memref<128x128xf32, #tpu.memory_space<vmem_shared>>
      %dma_wait3A_53 = arith.constant 0 : i32
      %dma_wait3A_54 = tpu.memref_slice %arg11[%multiple_of3A_19, %dma_wait3A_53] : memref<10240x128xf32, #tpu.memory_space<vmem_shared>> -> memref<128x128xf32, #tpu.memory_space<vmem_shared>>
      %dma_wait3A_55 = arith.constant 0 : i32
      %dma_wait3A_56 = arith.constant 0 : i32
      %dma_wait3A_57 = tpu.memref_slice %arg10[%dma_wait3A_55, %dma_wait3A_56] : memref<128x128xf32, #tpu.memory_space<vmem>> -> memref<128x128xf32, #tpu.memory_space<vmem>>
      tpu.wait_dma2 semaphore(%run_scoped3A : memref<!tpu.dma_semaphore, #tpu.memory_space<semaphore_mem>>) src(%dma_wait3A_57 : memref<128x128xf32, #tpu.memory_space<vmem>>) dst(%dma_wait3A_54 : memref<128x128xf32, #tpu.memory_space<vmem_shared>>)
      tpu.yield
    }) : () -> ()
    %mul3A_20 = arith.constant 640 : i32
    %mul3A_21 = arith.muli %arg1, %mul3A_20 : i32
    %add3A_22 = arith.constant 384 : i32
    %add3A_23 = arith.addi %mul3A_21, %add3A_22 : i32
    %multiple_of3A_24 = tpu.assume_multiple %add3A_23, 128 : i32
    "tpu.region"() ({
      %run_scoped3A = tpu.sem_alloc : memref<!tpu.dma_semaphore, #tpu.memory_space<semaphore_mem>>
      %dma_start3A = arith.constant 0 : i32
      %dma_start3A_40 = arith.constant 0 : i32
      %dma_start3A_41 = tpu.memref_slice %arg10[%dma_start3A, %dma_start3A_40] : memref<128x128xf32, #tpu.memory_space<vmem>> -> memref<128x128xf32, #tpu.memory_space<vmem>>
      %dma_start3A_42 = arith.constant 0 : i32
      %dma_start3A_43 = tpu.memref_slice %arg11[%multiple_of3A_24, %dma_start3A_42] : memref<10240x128xf32, #tpu.memory_space<vmem_shared>> -> memref<128x128xf32, #tpu.memory_space<vmem_shared>>
      %dma_start3A_44 = arith.constant 0 : i32
      %dma_start3A_45 = tpu.memref_slice %arg11[%multiple_of3A_24, %dma_start3A_44] : memref<10240x128xf32, #tpu.memory_space<vmem_shared>> -> memref<128x128xf32, #tpu.memory_space<vmem_shared>>
      %dma_start3A_46 = arith.constant 0 : i32
      %dma_start3A_47 = arith.constant 0 : i32
      %dma_start3A_48 = tpu.memref_slice %arg10[%dma_start3A_46, %dma_start3A_47] : memref<128x128xf32, #tpu.memory_space<vmem>> -> memref<128x128xf32, #tpu.memory_space<vmem>>
      tpu.enqueue_dma source(%dma_start3A_48 : memref<128x128xf32, #tpu.memory_space<vmem>>) target(%dma_start3A_45 : memref<128x128xf32, #tpu.memory_space<vmem_shared>>) target_semaphore(%run_scoped3A : memref<!tpu.dma_semaphore, #tpu.memory_space<semaphore_mem>>)
      %dma_wait3A = arith.constant 0 : i32
      %dma_wait3A_49 = arith.constant 0 : i32
      %dma_wait3A_50 = tpu.memref_slice %arg10[%dma_wait3A, %dma_wait3A_49] : memref<128x128xf32, #tpu.memory_space<vmem>> -> memref<128x128xf32, #tpu.memory_space<vmem>>
      %dma_wait3A_51 = arith.constant 0 : i32
      %dma_wait3A_52 = tpu.memref_slice %arg11[%multiple_of3A_24, %dma_wait3A_51] : memref<10240x128xf32, #tpu.memory_space<vmem_shared>> -> memref<128x128xf32, #tpu.memory_space<vmem_shared>>
      %dma_wait3A_53 = arith.constant 0 : i32
      %dma_wait3A_54 = tpu.memref_slice %arg11[%multiple_of3A_24, %dma_wait3A_53] : memref<10240x128xf32, #tpu.memory_space<vmem_shared>> -> memref<128x128xf32, #tpu.memory_space<vmem_shared>>
      %dma_wait3A_55 = arith.constant 0 : i32
      %dma_wait3A_56 = arith.constant 0 : i32
      %dma_wait3A_57 = tpu.memref_slice %arg10[%dma_wait3A_55, %dma_wait3A_56] : memref<128x128xf32, #tpu.memory_space<vmem>> -> memref<128x128xf32, #tpu.memory_space<vmem>>
      tpu.wait_dma2 semaphore(%run_scoped3A : memref<!tpu.dma_semaphore, #tpu.memory_space<semaphore_mem>>) src(%dma_wait3A_57 : memref<128x128xf32, #tpu.memory_space<vmem>>) dst(%dma_wait3A_54 : memref<128x128xf32, #tpu.memory_space<vmem_shared>>)
      tpu.yield
    }) : () -> ()
    %mul3A_25 = arith.constant 640 : i32
    %mul3A_26 = arith.muli %arg1, %mul3A_25 : i32
    %add3A_27 = arith.constant 512 : i32
    %add3A_28 = arith.addi %mul3A_26, %add3A_27 : i32
    %multiple_of3A_29 = tpu.assume_multiple %add3A_28, 128 : i32
    "tpu.region"() ({
      %run_scoped3A = tpu.sem_alloc : memref<!tpu.dma_semaphore, #tpu.memory_space<semaphore_mem>>
      %dma_start3A = arith.constant 0 : i32
      %dma_start3A_40 = arith.constant 0 : i32
      %dma_start3A_41 = tpu.memref_slice %arg10[%dma_start3A, %dma_start3A_40] : memref<128x128xf32, #tpu.memory_space<vmem>> -> memref<128x128xf32, #tpu.memory_space<vmem>>
      %dma_start3A_42 = arith.constant 0 : i32
      %dma_start3A_43 = tpu.memref_slice %arg11[%multiple_of3A_29, %dma_start3A_42] : memref<10240x128xf32, #tpu.memory_space<vmem_shared>> -> memref<128x128xf32, #tpu.memory_space<vmem_shared>>
      %dma_start3A_44 = arith.constant 0 : i32
      %dma_start3A_45 = tpu.memref_slice %arg11[%multiple_of3A_29, %dma_start3A_44] : memref<10240x128xf32, #tpu.memory_space<vmem_shared>> -> memref<128x128xf32, #tpu.memory_space<vmem_shared>>
      %dma_start3A_46 = arith.constant 0 : i32
      %dma_start3A_47 = arith.constant 0 : i32
      %dma_start3A_48 = tpu.memref_slice %arg10[%dma_start3A_46, %dma_start3A_47] : memref<128x128xf32, #tpu.memory_space<vmem>> -> memref<128x128xf32, #tpu.memory_space<vmem>>
      tpu.enqueue_dma source(%dma_start3A_48 : memref<128x128xf32, #tpu.memory_space<vmem>>) target(%dma_start3A_45 : memref<128x128xf32, #tpu.memory_space<vmem_shared>>) target_semaphore(%run_scoped3A : memref<!tpu.dma_semaphore, #tpu.memory_space<semaphore_mem>>)
      %dma_wait3A = arith.constant 0 : i32
      %dma_wait3A_49 = arith.constant 0 : i32
      %dma_wait3A_50 = tpu.memref_slice %arg10[%dma_wait3A, %dma_wait3A_49] : memref<128x128xf32, #tpu.memory_space<vmem>> -> memref<128x128xf32, #tpu.memory_space<vmem>>
      %dma_wait3A_51 = arith.constant 0 : i32
      %dma_wait3A_52 = tpu.memref_slice %arg11[%multiple_of3A_29, %dma_wait3A_51] : memref<10240x128xf32, #tpu.memory_space<vmem_shared>> -> memref<128x128xf32, #tpu.memory_space<vmem_shared>>
      %dma_wait3A_53 = arith.constant 0 : i32
      %dma_wait3A_54 = tpu.memref_slice %arg11[%multiple_of3A_29, %dma_wait3A_53] : memref<10240x128xf32, #tpu.memory_space<vmem_shared>> -> memref<128x128xf32, #tpu.memory_space<vmem_shared>>
      %dma_wait3A_55 = arith.constant 0 : i32
      %dma_wait3A_56 = arith.constant 0 : i32
      %dma_wait3A_57 = tpu.memref_slice %arg10[%dma_wait3A_55, %dma_wait3A_56] : memref<128x128xf32, #tpu.memory_space<vmem>> -> memref<128x128xf32, #tpu.memory_space<vmem>>
      tpu.wait_dma2 semaphore(%run_scoped3A : memref<!tpu.dma_semaphore, #tpu.memory_space<semaphore_mem>>) src(%dma_wait3A_57 : memref<128x128xf32, #tpu.memory_space<vmem>>) dst(%dma_wait3A_54 : memref<128x128xf32, #tpu.memory_space<vmem_shared>>)
      tpu.yield
    }) : () -> ()
    %barrier3A = arith.constant 0 : index
    tpu.barrier barrier_id(%barrier3A)
    %scan3A_30 = arith.constant 0 : i32
    %scan3A_31 = arith.constant 0 : i32
    %scan3A_32 = arith.constant 79 : i32
    %scan3A_33 = arith.addi %scan3A_31, %scan3A_32 : i32
    %scan3A_34 = arith.constant 1 : i32
    scf.for %scan3A_40 = %scan3A_31 to %scan3A_33 step %scan3A_34  : i32 {
      %mul3A_41 = arith.constant 10112 : i32
      %mul3A_42 = arith.muli %add3A, %mul3A_41 : i32
      %mul3A_43 = arith.constant 128 : i32
      %mul3A_44 = arith.muli %scan3A_40, %mul3A_43 : i32
      %add3A_45 = arith.addi %mul3A_42, %mul3A_44 : i32
      %multiple_of3A_46 = tpu.assume_multiple %add3A_45, 128 : i32
      "tpu.region"() ({
        %run_scoped3A = tpu.sem_alloc : memref<!tpu.dma_semaphore, #tpu.memory_space<semaphore_mem>>
        %dma_start3A_57 = tpu.memref_slice %arg3[%multiple_of3A_46] : memref<323584xi32, #tpu.memory_space<hbm>> -> memref<128xi32, #tpu.memory_space<hbm>>
        %dma_start3A_58 = tpu.memref_slice %arg3[%multiple_of3A_46] : memref<323584xi32, #tpu.memory_space<hbm>> -> memref<128xi32, #tpu.memory_space<hbm>>
        tpu.enqueue_dma source(%dma_start3A_58 : memref<128xi32, #tpu.memory_space<hbm>>) target(%arg7 : memref<128xi32, #tpu.memory_space<vmem>>) target_semaphore(%run_scoped3A : memref<!tpu.dma_semaphore, #tpu.memory_space<semaphore_mem>>)
        %dma_wait3A_59 = tpu.memref_slice %arg3[%multiple_of3A_46] : memref<323584xi32, #tpu.memory_space<hbm>> -> memref<128xi32, #tpu.memory_space<hbm>>
        %dma_wait3A_60 = tpu.memref_slice %arg3[%multiple_of3A_46] : memref<323584xi32, #tpu.memory_space<hbm>> -> memref<128xi32, #tpu.memory_space<hbm>>
        tpu.wait_dma2 semaphore(%run_scoped3A : memref<!tpu.dma_semaphore, #tpu.memory_space<semaphore_mem>>) src(%dma_wait3A_60 : memref<128xi32, #tpu.memory_space<hbm>>) dst(%arg7 : memref<128xi32, #tpu.memory_space<vmem>>)
        tpu.yield
      }) : () -> ()
      "tpu.region"() ({
        %run_scoped3A = tpu.sem_alloc : memref<!tpu.dma_semaphore, #tpu.memory_space<semaphore_mem>>
        %dma_start3A_57 = tpu.memref_slice %arg4[%multiple_of3A_46] : memref<323584xi32, #tpu.memory_space<hbm>> -> memref<128xi32, #tpu.memory_space<hbm>>
        %dma_start3A_58 = tpu.memref_slice %arg4[%multiple_of3A_46] : memref<323584xi32, #tpu.memory_space<hbm>> -> memref<128xi32, #tpu.memory_space<hbm>>
        tpu.enqueue_dma source(%dma_start3A_58 : memref<128xi32, #tpu.memory_space<hbm>>) target(%arg8 : memref<128xi32, #tpu.memory_space<vmem>>) target_semaphore(%run_scoped3A : memref<!tpu.dma_semaphore, #tpu.memory_space<semaphore_mem>>)
        %dma_wait3A_59 = tpu.memref_slice %arg4[%multiple_of3A_46] : memref<323584xi32, #tpu.memory_space<hbm>> -> memref<128xi32, #tpu.memory_space<hbm>>
        %dma_wait3A_60 = tpu.memref_slice %arg4[%multiple_of3A_46] : memref<323584xi32, #tpu.memory_space<hbm>> -> memref<128xi32, #tpu.memory_space<hbm>>
        tpu.wait_dma2 semaphore(%run_scoped3A : memref<!tpu.dma_semaphore, #tpu.memory_space<semaphore_mem>>) src(%dma_wait3A_60 : memref<128xi32, #tpu.memory_space<hbm>>) dst(%arg8 : memref<128xi32, #tpu.memory_space<vmem>>)
        tpu.yield
      }) : () -> ()
      "tpu.region"() ({
        %run_scoped3A = tpu.sem_alloc : memref<!tpu.dma_semaphore, #tpu.memory_space<semaphore_mem>>
        %dma_start3A_57 = tpu.memref_slice %arg5[%multiple_of3A_46] : memref<323584xf32, #tpu.memory_space<hbm>> -> memref<128xf32, #tpu.memory_space<hbm>>
        %dma_start3A_58 = tpu.memref_slice %arg5[%multiple_of3A_46] : memref<323584xf32, #tpu.memory_space<hbm>> -> memref<128xf32, #tpu.memory_space<hbm>>
        tpu.enqueue_dma source(%dma_start3A_58 : memref<128xf32, #tpu.memory_space<hbm>>) target(%arg9 : memref<128xf32, #tpu.memory_space<vmem>>) target_semaphore(%run_scoped3A : memref<!tpu.dma_semaphore, #tpu.memory_space<semaphore_mem>>)
        %dma_wait3A_59 = tpu.memref_slice %arg5[%multiple_of3A_46] : memref<323584xf32, #tpu.memory_space<hbm>> -> memref<128xf32, #tpu.memory_space<hbm>>
        %dma_wait3A_60 = tpu.memref_slice %arg5[%multiple_of3A_46] : memref<323584xf32, #tpu.memory_space<hbm>> -> memref<128xf32, #tpu.memory_space<hbm>>
        tpu.wait_dma2 semaphore(%run_scoped3A : memref<!tpu.dma_semaphore, #tpu.memory_space<semaphore_mem>>) src(%dma_wait3A_60 : memref<128xf32, #tpu.memory_space<hbm>>) dst(%arg9 : memref<128xf32, #tpu.memory_space<vmem>>)
        tpu.yield
      }) : () -> ()
      %dma_start3A = arith.constant 0 : i32
      %dma_start3A_47 = arith.constant 0 : i32
      %dma_start3A_48 = tpu.memref_slice %arg2[%dma_start3A, %dma_start3A_47] : memref<10000x128xf32, #tpu.memory_space<hbm>> -> memref<10000x128xf32, #tpu.memory_space<hbm>>
      tpu.enqueue_indirect_dma source(%dma_start3A_48 : memref<10000x128xf32, #tpu.memory_space<hbm>>) target(%arg10 : memref<128x128xf32, #tpu.memory_space<vmem>>) offsets(%arg7 : memref<128xi32, #tpu.memory_space<vmem>>) semaphore(%arg12 : memref<!tpu.dma_semaphore, #tpu.memory_space<semaphore_mem>>)
      %dma_wait3A = arith.constant 0 : i32
      %dma_wait3A_49 = arith.constant 0 : i32
      %dma_wait3A_50 = tpu.memref_slice %arg2[%dma_wait3A, %dma_wait3A_49] : memref<10000x128xf32, #tpu.memory_space<hbm>> -> memref<10000x128xf32, #tpu.memory_space<hbm>>
      tpu.wait_indirect_dma semaphore(%arg12 : memref<!tpu.dma_semaphore, #tpu.memory_space<semaphore_mem>>) src(%dma_wait3A_50 : memref<10000x128xf32, #tpu.memory_space<hbm>>) dst(%arg10 : memref<128x128xf32, #tpu.memory_space<vmem>>)
      %scan3A_51 = arith.constant 0 : i32
      %scan3A_52 = arith.constant 0 : i32
      %scan3A_53 = arith.constant 8 : i32
      %scan3A_54 = arith.addi %scan3A_52, %scan3A_53 : i32
      %scan3A_55 = arith.constant 1 : i32
      scf.for %scan3A_57 = %scan3A_52 to %scan3A_54 step %scan3A_55  : i32 {
        %mul3A_58 = arith.constant 16 : i32
        %mul3A_59 = arith.muli %scan3A_57, %mul3A_58 : i32
        %multiple_of3A_60 = tpu.assume_multiple %mul3A_59, 16 : i32
        %get3A = arith.index_cast %multiple_of3A_60 : i32 to index
        %get3A_61 = tpu.vector_load %arg9[%get3A] {strides = array<i32>} : memref<128xf32, #tpu.memory_space<vmem>>, vector<16xf32>,
        %get3A_62 = vector.shape_cast %get3A_61 : vector<16xf32> to vector<16xf32>
        %broadcast_in_dim3A = arith.constant 0 : i32
        %broadcast_in_dim3A_63 = vector.broadcast %broadcast_in_dim3A : i32 to vector<16x1xi32>
        %gather3A = vector.shape_cast %broadcast_in_dim3A_63 : vector<16x1xi32> to vector<16xi32>
        %gather3A_64 = tpu.dynamic_gather %get3A_62[%gather3A] in [0] : vector<16xf32>, vector<16xi32> -> vector<16xf32>
        %mul3A_65 = arith.constant 16 : i32
        %mul3A_66 = arith.muli %scan3A_57, %mul3A_65 : i32
        %add3A_67 = arith.constant 0 : i32
        %add3A_68 = arith.addi %mul3A_66, %add3A_67 : i32
        %get3A_69 = arith.index_cast %add3A_68 : i32 to index
        %get3A_70 = arith.constant 0 : index
        %get3A_71 = tpu.vector_load %arg10[%get3A_69, %get3A_70] {strides = array<i32>} : memref<128x128xf32, #tpu.memory_space<vmem>>, vector<1x16xf32>,
        %get3A_72 = vector.shape_cast %get3A_71 : vector<1x16xf32> to vector<16xf32>
        %mul3A_73 = arith.mulf %get3A_72, %gather3A_64 : vector<16xf32>
        %swap3A = arith.index_cast %add3A_68 : i32 to index
        %swap3A_74 = arith.constant 0 : index
        %swap3A_75 = tpu.vector_load %arg10[%swap3A, %swap3A_74] {strides = array<i32>} : memref<128x128xf32, #tpu.memory_space<vmem>>, vector<1x16xf32>,
        %swap3A_76 = vector.shape_cast %swap3A_75 : vector<1x16xf32> to vector<16xf32>
        %swap3A_77 = vector.shape_cast %mul3A_73 : vector<16xf32> to vector<1x16xf32>
        tpu.vector_store %arg10[%swap3A, %swap3A_74], %swap3A_77 {strides = array<i32>} : memref<128x128xf32, #tpu.memory_space<vmem>>, vector<1x16xf32>,
        %get3A_78 = arith.index_cast %add3A_68 : i32 to index
        %get3A_79 = arith.constant 16 : index
        %get3A_80 = tpu.vector_load %arg10[%get3A_78, %get3A_79] {strides = array<i32>} : memref<128x128xf32, #tpu.memory_space<vmem>>, vector<1x16xf32>,
        %get3A_81 = vector.shape_cast %get3A_80 : vector<1x16xf32> to vector<16xf32>
        %mul3A_82 = arith.mulf %get3A_81, %gather3A_64 : vector<16xf32>
        %swap3A_83 = arith.index_cast %add3A_68 : i32 to index
        %swap3A_84 = arith.constant 16 : index
        %swap3A_85 = tpu.vector_load %arg10[%swap3A_83, %swap3A_84] {strides = array<i32>} : memref<128x128xf32, #tpu.memory_space<vmem>>, vector<1x16xf32>,
        %swap3A_86 = vector.shape_cast %swap3A_85 : vector<1x16xf32> to vector<16xf32>
        %swap3A_87 = vector.shape_cast %mul3A_82 : vector<16xf32> to vector<1x16xf32>
        tpu.vector_store %arg10[%swap3A_83, %swap3A_84], %swap3A_87 {strides = array<i32>} : memref<128x128xf32, #tpu.memory_space<vmem>>, vector<1x16xf32>,
        %get3A_88 = arith.index_cast %add3A_68 : i32 to index
        %get3A_89 = arith.constant 32 : index
        %get3A_90 = tpu.vector_load %arg10[%get3A_88, %get3A_89] {strides = array<i32>} : memref<128x128xf32, #tpu.memory_space<vmem>>, vector<1x16xf32>,
        %get3A_91 = vector.shape_cast %get3A_90 : vector<1x16xf32> to vector<16xf32>
        %mul3A_92 = arith.mulf %get3A_91, %gather3A_64 : vector<16xf32>
        %swap3A_93 = arith.index_cast %add3A_68 : i32 to index
        %swap3A_94 = arith.constant 32 : index
        %swap3A_95 = tpu.vector_load %arg10[%swap3A_93, %swap3A_94] {strides = array<i32>} : memref<128x128xf32, #tpu.memory_space<vmem>>, vector<1x16xf32>,
        %swap3A_96 = vector.shape_cast %swap3A_95 : vector<1x16xf32> to vector<16xf32>
        %swap3A_97 = vector.shape_cast %mul3A_92 : vector<16xf32> to vector<1x16xf32>
        tpu.vector_store %arg10[%swap3A_93, %swap3A_94], %swap3A_97 {strides = array<i32>} : memref<128x128xf32, #tpu.memory_space<vmem>>, vector<1x16xf32>,
        %get3A_98 = arith.index_cast %add3A_68 : i32 to index
        %get3A_99 = arith.constant 48 : index
        %get3A_100 = tpu.vector_load %arg10[%get3A_98, %get3A_99] {strides = array<i32>} : memref<128x128xf32, #tpu.memory_space<vmem>>, vector<1x16xf32>,
        %get3A_101 = vector.shape_cast %get3A_100 : vector<1x16xf32> to vector<16xf32>
        %mul3A_102 = arith.mulf %get3A_101, %gather3A_64 : vector<16xf32>
        %swap3A_103 = arith.index_cast %add3A_68 : i32 to index
        %swap3A_104 = arith.constant 48 : index
        %swap3A_105 = tpu.vector_load %arg10[%swap3A_103, %swap3A_104] {strides = array<i32>} : memref<128x128xf32, #tpu.memory_space<vmem>>, vector<1x16xf32>,
        %swap3A_106 = vector.shape_cast %swap3A_105 : vector<1x16xf32> to vector<16xf32>
        %swap3A_107 = vector.shape_cast %mul3A_102 : vector<16xf32> to vector<1x16xf32>
        tpu.vector_store %arg10[%swap3A_103, %swap3A_104], %swap3A_107 {strides = array<i32>} : memref<128x128xf32, #tpu.memory_space<vmem>>, vector<1x16xf32>,
        %get3A_108 = arith.index_cast %add3A_68 : i32 to index
        %get3A_109 = arith.constant 64 : index
        %get3A_110 = tpu.vector_load %arg10[%get3A_108, %get3A_109] {strides = array<i32>} : memref<128x128xf32, #tpu.memory_space<vmem>>, vector<1x16xf32>,
        %get3A_111 = vector.shape_cast %get3A_110 : vector<1x16xf32> to vector<16xf32>
        %mul3A_112 = arith.mulf %get3A_111, %gather3A_64 : vector<16xf32>
        %swap3A_113 = arith.index_cast %add3A_68 : i32 to index
        %swap3A_114 = arith.constant 64 : index
        %swap3A_115 = tpu.vector_load %arg10[%swap3A_113, %swap3A_114] {strides = array<i32>} : memref<128x128xf32, #tpu.memory_space<vmem>>, vector<1x16xf32>,
        %swap3A_116 = vector.shape_cast %swap3A_115 : vector<1x16xf32> to vector<16xf32>
        %swap3A_117 = vector.shape_cast %mul3A_112 : vector<16xf32> to vector<1x16xf32>
        tpu.vector_store %arg10[%swap3A_113, %swap3A_114], %swap3A_117 {strides = array<i32>} : memref<128x128xf32, #tpu.memory_space<vmem>>, vector<1x16xf32>,
        %get3A_118 = arith.index_cast %add3A_68 : i32 to index
        %get3A_119 = arith.constant 80 : index
        %get3A_120 = tpu.vector_load %arg10[%get3A_118, %get3A_119] {strides = array<i32>} : memref<128x128xf32, #tpu.memory_space<vmem>>, vector<1x16xf32>,
        %get3A_121 = vector.shape_cast %get3A_120 : vector<1x16xf32> to vector<16xf32>
        %mul3A_122 = arith.mulf %get3A_121, %gather3A_64 : vector<16xf32>
        %swap3A_123 = arith.index_cast %add3A_68 : i32 to index
        %swap3A_124 = arith.constant 80 : index
        %swap3A_125 = tpu.vector_load %arg10[%swap3A_123, %swap3A_124] {strides = array<i32>} : memref<128x128xf32, #tpu.memory_space<vmem>>, vector<1x16xf32>,
        %swap3A_126 = vector.shape_cast %swap3A_125 : vector<1x16xf32> to vector<16xf32>
        %swap3A_127 = vector.shape_cast %mul3A_122 : vector<16xf32> to vector<1x16xf32>
        tpu.vector_store %arg10[%swap3A_123, %swap3A_124], %swap3A_127 {strides = array<i32>} : memref<128x128xf32, #tpu.memory_space<vmem>>, vector<1x16xf32>,
        %get3A_128 = arith.index_cast %add3A_68 : i32 to index
        %get3A_129 = arith.constant 96 : index
        %get3A_130 = tpu.vector_load %arg10[%get3A_128, %get3A_129] {strides = array<i32>} : memref<128x128xf32, #tpu.memory_space<vmem>>, vector<1x16xf32>,
        %get3A_131 = vector.shape_cast %get3A_130 : vector<1x16xf32> to vector<16xf32>
        %mul3A_132 = arith.mulf %get3A_131, %gather3A_64 : vector<16xf32>
        %swap3A_133 = arith.index_cast %add3A_68 : i32 to index
        %swap3A_134 = arith.constant 96 : index
        %swap3A_135 = tpu.vector_load %arg10[%swap3A_133, %swap3A_134] {strides = array<i32>} : memref<128x128xf32, #tpu.memory_space<vmem>>, vector<1x16xf32>,
        %swap3A_136 = vector.shape_cast %swap3A_135 : vector<1x16xf32> to vector<16xf32>
        %swap3A_137 = vector.shape_cast %mul3A_132 : vector<16xf32> to vector<1x16xf32>
        tpu.vector_store %arg10[%swap3A_133, %swap3A_134], %swap3A_137 {strides = array<i32>} : memref<128x128xf32, #tpu.memory_space<vmem>>, vector<1x16xf32>,
        %get3A_138 = arith.index_cast %add3A_68 : i32 to index
        %get3A_139 = arith.constant 112 : index
        %get3A_140 = tpu.vector_load %arg10[%get3A_138, %get3A_139] {strides = array<i32>} : memref<128x128xf32, #tpu.memory_space<vmem>>, vector<1x16xf32>,
        %get3A_141 = vector.shape_cast %get3A_140 : vector<1x16xf32> to vector<16xf32>
        %mul3A_142 = arith.mulf %get3A_141, %gather3A_64 : vector<16xf32>
        %swap3A_143 = arith.index_cast %add3A_68 : i32 to index
        %swap3A_144 = arith.constant 112 : index
        %swap3A_145 = tpu.vector_load %arg10[%swap3A_143, %swap3A_144] {strides = array<i32>} : memref<128x128xf32, #tpu.memory_space<vmem>>, vector<1x16xf32>,
        %swap3A_146 = vector.shape_cast %swap3A_145 : vector<1x16xf32> to vector<16xf32>
        %swap3A_147 = vector.shape_cast %mul3A_142 : vector<16xf32> to vector<1x16xf32>
        tpu.vector_store %arg10[%swap3A_143, %swap3A_144], %swap3A_147 {strides = array<i32>} : memref<128x128xf32, #tpu.memory_space<vmem>>, vector<1x16xf32>,
        %broadcast_in_dim3A_148 = arith.constant 1 : i32
        %broadcast_in_dim3A_149 = vector.broadcast %broadcast_in_dim3A_148 : i32 to vector<16x1xi32>
        %gather3A_150 = vector.shape_cast %broadcast_in_dim3A_149 : vector<16x1xi32> to vector<16xi32>
        %gather3A_151 = tpu.dynamic_gather %get3A_62[%gather3A_150] in [0] : vector<16xf32>, vector<16xi32> -> vector<16xf32>
        %mul3A_152 = arith.constant 16 : i32
        %mul3A_153 = arith.muli %scan3A_57, %mul3A_152 : i32
        %add3A_154 = arith.constant 1 : i32
        %add3A_155 = arith.addi %mul3A_153, %add3A_154 : i32
        %get3A_156 = arith.index_cast %add3A_155 : i32 to index
        %get3A_157 = arith.constant 0 : index
        %get3A_158 = tpu.vector_load %arg10[%get3A_156, %get3A_157] {strides = array<i32>} : memref<128x128xf32, #tpu.memory_space<vmem>>, vector<1x16xf32>,
        %get3A_159 = vector.shape_cast %get3A_158 : vector<1x16xf32> to vector<16xf32>
        %mul3A_160 = arith.mulf %get3A_159, %gather3A_151 : vector<16xf32>
        %swap3A_161 = arith.index_cast %add3A_155 : i32 to index
        %swap3A_162 = arith.constant 0 : index
        %swap3A_163 = tpu.vector_load %arg10[%swap3A_161, %swap3A_162] {strides = array<i32>} : memref<128x128xf32, #tpu.memory_space<vmem>>, vector<1x16xf32>,
        %swap3A_164 = vector.shape_cast %swap3A_163 : vector<1x16xf32> to vector<16xf32>
        %swap3A_165 = vector.shape_cast %mul3A_160 : vector<16xf32> to vector<1x16xf32>
        tpu.vector_store %arg10[%swap3A_161, %swap3A_162], %swap3A_165 {strides = array<i32>} : memref<128x128xf32, #tpu.memory_space<vmem>>, vector<1x16xf32>,
        %get3A_166 = arith.index_cast %add3A_155 : i32 to index
        %get3A_167 = arith.constant 16 : index
        %get3A_168 = tpu.vector_load %arg10[%get3A_166, %get3A_167] {strides = array<i32>} : memref<128x128xf32, #tpu.memory_space<vmem>>, vector<1x16xf32>,
        %get3A_169 = vector.shape_cast %get3A_168 : vector<1x16xf32> to vector<16xf32>
        %mul3A_170 = arith.mulf %get3A_169, %gather3A_151 : vector<16xf32>
        %swap3A_171 = arith.index_cast %add3A_155 : i32 to index
        %swap3A_172 = arith.constant 16 : index
        %swap3A_173 = tpu.vector_load %arg10[%swap3A_171, %swap3A_172] {strides = array<i32>} : memref<128x128xf32, #tpu.memory_space<vmem>>, vector<1x16xf32>,
        %swap3A_174 = vector.shape_cast %swap3A_173 : vector<1x16xf32> to vector<16xf32>
        %swap3A_175 = vector.shape_cast %mul3A_170 : vector<16xf32> to vector<1x16xf32>
        tpu.vector_store %arg10[%swap3A_171, %swap3A_172], %swap3A_175 {strides = array<i32>} : memref<128x128xf32, #tpu.memory_space<vmem>>, vector<1x16xf32>,
        %get3A_176 = arith.index_cast %add3A_155 : i32 to index
        %get3A_177 = arith.constant 32 : index
        %get3A_178 = tpu.vector_load %arg10[%get3A_176, %get3A_177] {strides = array<i32>} : memref<128x128xf32, #tpu.memory_space<vmem>>, vector<1x16xf32>,
        %get3A_179 = vector.shape_cast %get3A_178 : vector<1x16xf32> to vector<16xf32>
        %mul3A_180 = arith.mulf %get3A_179, %gather3A_151 : vector<16xf32>
        %swap3A_181 = arith.index_cast %add3A_155 : i32 to index
        %swap3A_182 = arith.constant 32 : index
        %swap3A_183 = tpu.vector_load %arg10[%swap3A_181, %swap3A_182] {strides = array<i32>} : memref<128x128xf32, #tpu.memory_space<vmem>>, vector<1x16xf32>,
        %swap3A_184 = vector.shape_cast %swap3A_183 : vector<1x16xf32> to vector<16xf32>
        %swap3A_185 = vector.shape_cast %mul3A_180 : vector<16xf32> to vector<1x16xf32>
        tpu.vector_store %arg10[%swap3A_181, %swap3A_182], %swap3A_185 {strides = array<i32>} : memref<128x128xf32, #tpu.memory_space<vmem>>, vector<1x16xf32>,
        %get3A_186 = arith.index_cast %add3A_155 : i32 to index
        %get3A_187 = arith.constant 48 : index
        %get3A_188 = tpu.vector_load %arg10[%get3A_186, %get3A_187] {strides = array<i32>} : memref<128x128xf32, #tpu.memory_space<vmem>>, vector<1x16xf32>,
        %get3A_189 = vector.shape_cast %get3A_188 : vector<1x16xf32> to vector<16xf32>
        %mul3A_190 = arith.mulf %get3A_189, %gather3A_151 : vector<16xf32>
        %swap3A_191 = arith.index_cast %add3A_155 : i32 to index
        %swap3A_192 = arith.constant 48 : index
        %swap3A_193 = tpu.vector_load %arg10[%swap3A_191, %swap3A_192] {strides = array<i32>} : memref<128x128xf32, #tpu.memory_space<vmem>>, vector<1x16xf32>,
        %swap3A_194 = vector.shape_cast %swap3A_193 : vector<1x16xf32> to vector<16xf32>
        %swap3A_195 = vector.shape_cast %mul3A_190 : vector<16xf32> to vector<1x16xf32>
        tpu.vector_store %arg10[%swap3A_191, %swap3A_192], %swap3A_195 {strides = array<i32>} : memref<128x128xf32, #tpu.memory_space<vmem>>, vector<1x16xf32>,
        %get3A_196 = arith.index_cast %add3A_155 : i32 to index
        %get3A_197 = arith.constant 64 : index
        %get3A_198 = tpu.vector_load %arg10[%get3A_196, %get3A_197] {strides = array<i32>} : memref<128x128xf32, #tpu.memory_space<vmem>>, vector<1x16xf32>,
        %get3A_199 = vector.shape_cast %get3A_198 : vector<1x16xf32> to vector<16xf32>
        %mul3A_200 = arith.mulf %get3A_199, %gather3A_151 : vector<16xf32>
        %swap3A_201 = arith.index_cast %add3A_155 : i32 to index
        %swap3A_202 = arith.constant 64 : index
        %swap3A_203 = tpu.vector_load %arg10[%swap3A_201, %swap3A_202] {strides = array<i32>} : memref<128x128xf32, #tpu.memory_space<vmem>>, vector<1x16xf32>,
        %swap3A_204 = vector.shape_cast %swap3A_203 : vector<1x16xf32> to vector<16xf32>
        %swap3A_205 = vector.shape_cast %mul3A_200 : vector<16xf32> to vector<1x16xf32>
        tpu.vector_store %arg10[%swap3A_201, %swap3A_202], %swap3A_205 {strides = array<i32>} : memref<128x128xf32, #tpu.memory_space<vmem>>, vector<1x16xf32>,
        %get3A_206 = arith.index_cast %add3A_155 : i32 to index
        %get3A_207 = arith.constant 80 : index
        %get3A_208 = tpu.vector_load %arg10[%get3A_206, %get3A_207] {strides = array<i32>} : memref<128x128xf32, #tpu.memory_space<vmem>>, vector<1x16xf32>,
        %get3A_209 = vector.shape_cast %get3A_208 : vector<1x16xf32> to vector<16xf32>
        %mul3A_210 = arith.mulf %get3A_209, %gather3A_151 : vector<16xf32>
        %swap3A_211 = arith.index_cast %add3A_155 : i32 to index
        %swap3A_212 = arith.constant 80 : index
        %swap3A_213 = tpu.vector_load %arg10[%swap3A_211, %swap3A_212] {strides = array<i32>} : memref<128x128xf32, #tpu.memory_space<vmem>>, vector<1x16xf32>,
        %swap3A_214 = vector.shape_cast %swap3A_213 : vector<1x16xf32> to vector<16xf32>
        %swap3A_215 = vector.shape_cast %mul3A_210 : vector<16xf32> to vector<1x16xf32>
        tpu.vector_store %arg10[%swap3A_211, %swap3A_212], %swap3A_215 {strides = array<i32>} : memref<128x128xf32, #tpu.memory_space<vmem>>, vector<1x16xf32>,
        %get3A_216 = arith.index_cast %add3A_155 : i32 to index
        %get3A_217 = arith.constant 96 : index
        %get3A_218 = tpu.vector_load %arg10[%get3A_216, %get3A_217] {strides = array<i32>} : memref<128x128xf32, #tpu.memory_space<vmem>>, vector<1x16xf32>,
        %get3A_219 = vector.shape_cast %get3A_218 : vector<1x16xf32> to vector<16xf32>
        %mul3A_220 = arith.mulf %get3A_219, %gather3A_151 : vector<16xf32>
        %swap3A_221 = arith.index_cast %add3A_155 : i32 to index
        %swap3A_222 = arith.constant 96 : index
        %swap3A_223 = tpu.vector_load %arg10[%swap3A_221, %swap3A_222] {strides = array<i32>} : memref<128x128xf32, #tpu.memory_space<vmem>>, vector<1x16xf32>,
        %swap3A_224 = vector.shape_cast %swap3A_223 : vector<1x16xf32> to vector<16xf32>
        %swap3A_225 = vector.shape_cast %mul3A_220 : vector<16xf32> to vector<1x16xf32>
        tpu.vector_store %arg10[%swap3A_221, %swap3A_222], %swap3A_225 {strides = array<i32>} : memref<128x128xf32, #tpu.memory_space<vmem>>, vector<1x16xf32>,
        %get3A_226 = arith.index_cast %add3A_155 : i32 to index
        %get3A_227 = arith.constant 112 : index
        %get3A_228 = tpu.vector_load %arg10[%get3A_226, %get3A_227] {strides = array<i32>} : memref<128x128xf32, #tpu.memory_space<vmem>>, vector<1x16xf32>,
        %get3A_229 = vector.shape_cast %get3A_228 : vector<1x16xf32> to vector<16xf32>
        %mul3A_230 = arith.mulf %get3A_229, %gather3A_151 : vector<16xf32>
        %swap3A_231 = arith.index_cast %add3A_155 : i32 to index
        %swap3A_232 = arith.constant 112 : index
        %swap3A_233 = tpu.vector_load %arg10[%swap3A_231, %swap3A_232] {strides = array<i32>} : memref<128x128xf32, #tpu.memory_space<vmem>>, vector<1x16xf32>,
        %swap3A_234 = vector.shape_cast %swap3A_233 : vector<1x16xf32> to vector<16xf32>
        %swap3A_235 = vector.shape_cast %mul3A_230 : vector<16xf32> to vector<1x16xf32>
        tpu.vector_store %arg10[%swap3A_231, %swap3A_232], %swap3A_235 {strides = array<i32>} : memref<128x128xf32, #tpu.memory_space<vmem>>, vector<1x16xf32>,
        %broadcast_in_dim3A_236 = arith.constant 2 : i32
        %broadcast_in_dim3A_237 = vector.broadcast %broadcast_in_dim3A_236 : i32 to vector<16x1xi32>
        %gather3A_238 = vector.shape_cast %broadcast_in_dim3A_237 : vector<16x1xi32> to vector<16xi32>
        %gather3A_239 = tpu.dynamic_gather %get3A_62[%gather3A_238] in [0] : vector<16xf32>, vector<16xi32> -> vector<16xf32>
        %mul3A_240 = arith.constant 16 : i32
        %mul3A_241 = arith.muli %scan3A_57, %mul3A_240 : i32
        %add3A_242 = arith.constant 2 : i32
        %add3A_243 = arith.addi %mul3A_241, %add3A_242 : i32
        %get3A_244 = arith.index_cast %add3A_243 : i32 to index
        %get3A_245 = arith.constant 0 : index
        %get3A_246 = tpu.vector_load %arg10[%get3A_244, %get3A_245] {strides = array<i32>} : memref<128x128xf32, #tpu.memory_space<vmem>>, vector<1x16xf32>,
        %get3A_247 = vector.shape_cast %get3A_246 : vector<1x16xf32> to vector<16xf32>
        %mul3A_248 = arith.mulf %get3A_247, %gather3A_239 : vector<16xf32>
        %swap3A_249 = arith.index_cast %add3A_243 : i32 to index
        %swap3A_250 = arith.constant 0 : index
        %swap3A_251 = tpu.vector_load %arg10[%swap3A_249, %swap3A_250] {strides = array<i32>} : memref<128x128xf32, #tpu.memory_space<vmem>>, vector<1x16xf32>,
        %swap3A_252 = vector.shape_cast %swap3A_251 : vector<1x16xf32> to vector<16xf32>
        %swap3A_253 = vector.shape_cast %mul3A_248 : vector<16xf32> to vector<1x16xf32>
        tpu.vector_store %arg10[%swap3A_249, %swap3A_250], %swap3A_253 {strides = array<i32>} : memref<128x128xf32, #tpu.memory_space<vmem>>, vector<1x16xf32>,
        %get3A_254 = arith.index_cast %add3A_243 : i32 to index
        %get3A_255 = arith.constant 16 : index
        %get3A_256 = tpu.vector_load %arg10[%get3A_254, %get3A_255] {strides = array<i32>} : memref<128x128xf32, #tpu.memory_space<vmem>>, vector<1x16xf32>,
        %get3A_257 = vector.shape_cast %get3A_256 : vector<1x16xf32> to vector<16xf32>
        %mul3A_258 = arith.mulf %get3A_257, %gather3A_239 : vector<16xf32>
        %swap3A_259 = arith.index_cast %add3A_243 : i32 to index
        %swap3A_260 = arith.constant 16 : index
        %swap3A_261 = tpu.vector_load %arg10[%swap3A_259, %swap3A_260] {strides = array<i32>} : memref<128x128xf32, #tpu.memory_space<vmem>>, vector<1x16xf32>,
        %swap3A_262 = vector.shape_cast %swap3A_261 : vector<1x16xf32> to vector<16xf32>
        %swap3A_263 = vector.shape_cast %mul3A_258 : vector<16xf32> to vector<1x16xf32>
        tpu.vector_store %arg10[%swap3A_259, %swap3A_260], %swap3A_263 {strides = array<i32>} : memref<128x128xf32, #tpu.memory_space<vmem>>, vector<1x16xf32>,
        %get3A_264 = arith.index_cast %add3A_243 : i32 to index
        %get3A_265 = arith.constant 32 : index
        %get3A_266 = tpu.vector_load %arg10[%get3A_264, %get3A_265] {strides = array<i32>} : memref<128x128xf32, #tpu.memory_space<vmem>>, vector<1x16xf32>,
        %get3A_267 = vector.shape_cast %get3A_266 : vector<1x16xf32> to vector<16xf32>
        %mul3A_268 = arith.mulf %get3A_267, %gather3A_239 : vector<16xf32>
        %swap3A_269 = arith.index_cast %add3A_243 : i32 to index
        %swap3A_270 = arith.constant 32 : index
        %swap3A_271 = tpu.vector_load %arg10[%swap3A_269, %swap3A_270] {strides = array<i32>} : memref<128x128xf32, #tpu.memory_space<vmem>>, vector<1x16xf32>,
        %swap3A_272 = vector.shape_cast %swap3A_271 : vector<1x16xf32> to vector<16xf32>
        %swap3A_273 = vector.shape_cast %mul3A_268 : vector<16xf32> to vector<1x16xf32>
        tpu.vector_store %arg10[%swap3A_269, %swap3A_270], %swap3A_273 {strides = array<i32>} : memref<128x128xf32, #tpu.memory_space<vmem>>, vector<1x16xf32>,
        %get3A_274 = arith.index_cast %add3A_243 : i32 to index
        %get3A_275 = arith.constant 48 : index
        %get3A_276 = tpu.vector_load %arg10[%get3A_274, %get3A_275] {strides = array<i32>} : memref<128x128xf32, #tpu.memory_space<vmem>>, vector<1x16xf32>,
        %get3A_277 = vector.shape_cast %get3A_276 : vector<1x16xf32> to vector<16xf32>
        %mul3A_278 = arith.mulf %get3A_277, %gather3A_239 : vector<16xf32>
        %swap3A_279 = arith.index_cast %add3A_243 : i32 to index
        %swap3A_280 = arith.constant 48 : index
        %swap3A_281 = tpu.vector_load %arg10[%swap3A_279, %swap3A_280] {strides = array<i32>} : memref<128x128xf32, #tpu.memory_space<vmem>>, vector<1x16xf32>,
        %swap3A_282 = vector.shape_cast %swap3A_281 : vector<1x16xf32> to vector<16xf32>
        %swap3A_283 = vector.shape_cast %mul3A_278 : vector<16xf32> to vector<1x16xf32>
        tpu.vector_store %arg10[%swap3A_279, %swap3A_280], %swap3A_283 {strides = array<i32>} : memref<128x128xf32, #tpu.memory_space<vmem>>, vector<1x16xf32>,
        %get3A_284 = arith.index_cast %add3A_243 : i32 to index
        %get3A_285 = arith.constant 64 : index
        %get3A_286 = tpu.vector_load %arg10[%get3A_284, %get3A_285] {strides = array<i32>} : memref<128x128xf32, #tpu.memory_space<vmem>>, vector<1x16xf32>,
        %get3A_287 = vector.shape_cast %get3A_286 : vector<1x16xf32> to vector<16xf32>
        %mul3A_288 = arith.mulf %get3A_287, %gather3A_239 : vector<16xf32>
        %swap3A_289 = arith.index_cast %add3A_243 : i32 to index
        %swap3A_290 = arith.constant 64 : index
        %swap3A_291 = tpu.vector_load %arg10[%swap3A_289, %swap3A_290] {strides = array<i32>} : memref<128x128xf32, #tpu.memory_space<vmem>>, vector<1x16xf32>,
        %swap3A_292 = vector.shape_cast %swap3A_291 : vector<1x16xf32> to vector<16xf32>
        %swap3A_293 = vector.shape_cast %mul3A_288 : vector<16xf32> to vector<1x16xf32>
        tpu.vector_store %arg10[%swap3A_289, %swap3A_290], %swap3A_293 {strides = array<i32>} : memref<128x128xf32, #tpu.memory_space<vmem>>, vector<1x16xf32>,
        %get3A_294 = arith.index_cast %add3A_243 : i32 to index
        %get3A_295 = arith.constant 80 : index
        %get3A_296 = tpu.vector_load %arg10[%get3A_294, %get3A_295] {strides = array<i32>} : memref<128x128xf32, #tpu.memory_space<vmem>>, vector<1x16xf32>,
        %get3A_297 = vector.shape_cast %get3A_296 : vector<1x16xf32> to vector<16xf32>
        %mul3A_298 = arith.mulf %get3A_297, %gather3A_239 : vector<16xf32>
        %swap3A_299 = arith.index_cast %add3A_243 : i32 to index
        %swap3A_300 = arith.constant 80 : index
        %swap3A_301 = tpu.vector_load %arg10[%swap3A_299, %swap3A_300] {strides = array<i32>} : memref<128x128xf32, #tpu.memory_space<vmem>>, vector<1x16xf32>,
        %swap3A_302 = vector.shape_cast %swap3A_301 : vector<1x16xf32> to vector<16xf32>
        %swap3A_303 = vector.shape_cast %mul3A_298 : vector<16xf32> to vector<1x16xf32>
        tpu.vector_store %arg10[%swap3A_299, %swap3A_300], %swap3A_303 {strides = array<i32>} : memref<128x128xf32, #tpu.memory_space<vmem>>, vector<1x16xf32>,
        %get3A_304 = arith.index_cast %add3A_243 : i32 to index
        %get3A_305 = arith.constant 96 : index
        %get3A_306 = tpu.vector_load %arg10[%get3A_304, %get3A_305] {strides = array<i32>} : memref<128x128xf32, #tpu.memory_space<vmem>>, vector<1x16xf32>,
        %get3A_307 = vector.shape_cast %get3A_306 : vector<1x16xf32> to vector<16xf32>
        %mul3A_308 = arith.mulf %get3A_307, %gather3A_239 : vector<16xf32>
        %swap3A_309 = arith.index_cast %add3A_243 : i32 to index
        %swap3A_310 = arith.constant 96 : index
        %swap3A_311 = tpu.vector_load %arg10[%swap3A_309, %swap3A_310] {strides = array<i32>} : memref<128x128xf32, #tpu.memory_space<vmem>>, vector<1x16xf32>,
        %swap3A_312 = vector.shape_cast %swap3A_311 : vector<1x16xf32> to vector<16xf32>
        %swap3A_313 = vector.shape_cast %mul3A_308 : vector<16xf32> to vector<1x16xf32>
        tpu.vector_store %arg10[%swap3A_309, %swap3A_310], %swap3A_313 {strides = array<i32>} : memref<128x128xf32, #tpu.memory_space<vmem>>, vector<1x16xf32>,
        %get3A_314 = arith.index_cast %add3A_243 : i32 to index
        %get3A_315 = arith.constant 112 : index
        %get3A_316 = tpu.vector_load %arg10[%get3A_314, %get3A_315] {strides = array<i32>} : memref<128x128xf32, #tpu.memory_space<vmem>>, vector<1x16xf32>,
        %get3A_317 = vector.shape_cast %get3A_316 : vector<1x16xf32> to vector<16xf32>
        %mul3A_318 = arith.mulf %get3A_317, %gather3A_239 : vector<16xf32>
        %swap3A_319 = arith.index_cast %add3A_243 : i32 to index
        %swap3A_320 = arith.constant 112 : index
        %swap3A_321 = tpu.vector_load %arg10[%swap3A_319, %swap3A_320] {strides = array<i32>} : memref<128x128xf32, #tpu.memory_space<vmem>>, vector<1x16xf32>,
        %swap3A_322 = vector.shape_cast %swap3A_321 : vector<1x16xf32> to vector<16xf32>
        %swap3A_323 = vector.shape_cast %mul3A_318 : vector<16xf32> to vector<1x16xf32>
        tpu.vector_store %arg10[%swap3A_319, %swap3A_320], %swap3A_323 {strides = array<i32>} : memref<128x128xf32, #tpu.memory_space<vmem>>, vector<1x16xf32>,
        %broadcast_in_dim3A_324 = arith.constant 3 : i32
        %broadcast_in_dim3A_325 = vector.broadcast %broadcast_in_dim3A_324 : i32 to vector<16x1xi32>
        %gather3A_326 = vector.shape_cast %broadcast_in_dim3A_325 : vector<16x1xi32> to vector<16xi32>
        %gather3A_327 = tpu.dynamic_gather %get3A_62[%gather3A_326] in [0] : vector<16xf32>, vector<16xi32> -> vector<16xf32>
        %mul3A_328 = arith.constant 16 : i32
        %mul3A_329 = arith.muli %scan3A_57, %mul3A_328 : i32
        %add3A_330 = arith.constant 3 : i32
        %add3A_331 = arith.addi %mul3A_329, %add3A_330 : i32
        %get3A_332 = arith.index_cast %add3A_331 : i32 to index
        %get3A_333 = arith.constant 0 : index
        %get3A_334 = tpu.vector_load %arg10[%get3A_332, %get3A_333] {strides = array<i32>} : memref<128x128xf32, #tpu.memory_space<vmem>>, vector<1x16xf32>,
        %get3A_335 = vector.shape_cast %get3A_334 : vector<1x16xf32> to vector<16xf32>
        %mul3A_336 = arith.mulf %get3A_335, %gather3A_327 : vector<16xf32>
        %swap3A_337 = arith.index_cast %add3A_331 : i32 to index
        %swap3A_338 = arith.constant 0 : index
        %swap3A_339 = tpu.vector_load %arg10[%swap3A_337, %swap3A_338] {strides = array<i32>} : memref<128x128xf32, #tpu.memory_space<vmem>>, vector<1x16xf32>,
        %swap3A_340 = vector.shape_cast %swap3A_339 : vector<1x16xf32> to vector<16xf32>
        %swap3A_341 = vector.shape_cast %mul3A_336 : vector<16xf32> to vector<1x16xf32>
        tpu.vector_store %arg10[%swap3A_337, %swap3A_338], %swap3A_341 {strides = array<i32>} : memref<128x128xf32, #tpu.memory_space<vmem>>, vector<1x16xf32>,
        %get3A_342 = arith.index_cast %add3A_331 : i32 to index
        %get3A_343 = arith.constant 16 : index
        %get3A_344 = tpu.vector_load %arg10[%get3A_342, %get3A_343] {strides = array<i32>} : memref<128x128xf32, #tpu.memory_space<vmem>>, vector<1x16xf32>,
        %get3A_345 = vector.shape_cast %get3A_344 : vector<1x16xf32> to vector<16xf32>
        %mul3A_346 = arith.mulf %get3A_345, %gather3A_327 : vector<16xf32>
        %swap3A_347 = arith.index_cast %add3A_331 : i32 to index
        %swap3A_348 = arith.constant 16 : index
        %swap3A_349 = tpu.vector_load %arg10[%swap3A_347, %swap3A_348] {strides = array<i32>} : memref<128x128xf32, #tpu.memory_space<vmem>>, vector<1x16xf32>,
        %swap3A_350 = vector.shape_cast %swap3A_349 : vector<1x16xf32> to vector<16xf32>
        %swap3A_351 = vector.shape_cast %mul3A_346 : vector<16xf32> to vector<1x16xf32>
        tpu.vector_store %arg10[%swap3A_347, %swap3A_348], %swap3A_351 {strides = array<i32>} : memref<128x128xf32, #tpu.memory_space<vmem>>, vector<1x16xf32>,
        %get3A_352 = arith.index_cast %add3A_331 : i32 to index
        %get3A_353 = arith.constant 32 : index
        %get3A_354 = tpu.vector_load %arg10[%get3A_352, %get3A_353] {strides = array<i32>} : memref<128x128xf32, #tpu.memory_space<vmem>>, vector<1x16xf32>,
        %get3A_355 = vector.shape_cast %get3A_354 : vector<1x16xf32> to vector<16xf32>
        %mul3A_356 = arith.mulf %get3A_355, %gather3A_327 : vector<16xf32>
        %swap3A_357 = arith.index_cast %add3A_331 : i32 to index
        %swap3A_358 = arith.constant 32 : index
        %swap3A_359 = tpu.vector_load %arg10[%swap3A_357, %swap3A_358] {strides = array<i32>} : memref<128x128xf32, #tpu.memory_space<vmem>>, vector<1x16xf32>,
        %swap3A_360 = vector.shape_cast %swap3A_359 : vector<1x16xf32> to vector<16xf32>
        %swap3A_361 = vector.shape_cast %mul3A_356 : vector<16xf32> to vector<1x16xf32>
        tpu.vector_store %arg10[%swap3A_357, %swap3A_358], %swap3A_361 {strides = array<i32>} : memref<128x128xf32, #tpu.memory_space<vmem>>, vector<1x16xf32>,
        %get3A_362 = arith.index_cast %add3A_331 : i32 to index
        %get3A_363 = arith.constant 48 : index
        %get3A_364 = tpu.vector_load %arg10[%get3A_362, %get3A_363] {strides = array<i32>} : memref<128x128xf32, #tpu.memory_space<vmem>>, vector<1x16xf32>,
        %get3A_365 = vector.shape_cast %get3A_364 : vector<1x16xf32> to vector<16xf32>
        %mul3A_366 = arith.mulf %get3A_365, %gather3A_327 : vector<16xf32>
        %swap3A_367 = arith.index_cast %add3A_331 : i32 to index
        %swap3A_368 = arith.constant 48 : index
        %swap3A_369 = tpu.vector_load %arg10[%swap3A_367, %swap3A_368] {strides = array<i32>} : memref<128x128xf32, #tpu.memory_space<vmem>>, vector<1x16xf32>,
        %swap3A_370 = vector.shape_cast %swap3A_369 : vector<1x16xf32> to vector<16xf32>
        %swap3A_371 = vector.shape_cast %mul3A_366 : vector<16xf32> to vector<1x16xf32>
        tpu.vector_store %arg10[%swap3A_367, %swap3A_368], %swap3A_371 {strides = array<i32>} : memref<128x128xf32, #tpu.memory_space<vmem>>, vector<1x16xf32>,
        %get3A_372 = arith.index_cast %add3A_331 : i32 to index
        %get3A_373 = arith.constant 64 : index
        %get3A_374 = tpu.vector_load %arg10[%get3A_372, %get3A_373] {strides = array<i32>} : memref<128x128xf32, #tpu.memory_space<vmem>>, vector<1x16xf32>,
        %get3A_375 = vector.shape_cast %get3A_374 : vector<1x16xf32> to vector<16xf32>
        %mul3A_376 = arith.mulf %get3A_375, %gather3A_327 : vector<16xf32>
        %swap3A_377 = arith.index_cast %add3A_331 : i32 to index
        %swap3A_378 = arith.constant 64 : index
        %swap3A_379 = tpu.vector_load %arg10[%swap3A_377, %swap3A_378] {strides = array<i32>} : memref<128x128xf32, #tpu.memory_space<vmem>>, vector<1x16xf32>,
        %swap3A_380 = vector.shape_cast %swap3A_379 : vector<1x16xf32> to vector<16xf32>
        %swap3A_381 = vector.shape_cast %mul3A_376 : vector<16xf32> to vector<1x16xf32>
        tpu.vector_store %arg10[%swap3A_377, %swap3A_378], %swap3A_381 {strides = array<i32>} : memref<128x128xf32, #tpu.memory_space<vmem>>, vector<1x16xf32>,
        %get3A_382 = arith.index_cast %add3A_331 : i32 to index
        %get3A_383 = arith.constant 80 : index
        %get3A_384 = tpu.vector_load %arg10[%get3A_382, %get3A_383] {strides = array<i32>} : memref<128x128xf32, #tpu.memory_space<vmem>>, vector<1x16xf32>,
        %get3A_385 = vector.shape_cast %get3A_384 : vector<1x16xf32> to vector<16xf32>
        %mul3A_386 = arith.mulf %get3A_385, %gather3A_327 : vector<16xf32>
        %swap3A_387 = arith.index_cast %add3A_331 : i32 to index
        %swap3A_388 = arith.constant 80 : index
        %swap3A_389 = tpu.vector_load %arg10[%swap3A_387, %swap3A_388] {strides = array<i32>} : memref<128x128xf32, #tpu.memory_space<vmem>>, vector<1x16xf32>,
        %swap3A_390 = vector.shape_cast %swap3A_389 : vector<1x16xf32> to vector<16xf32>
        %swap3A_391 = vector.shape_cast %mul3A_386 : vector<16xf32> to vector<1x16xf32>
        tpu.vector_store %arg10[%swap3A_387, %swap3A_388], %swap3A_391 {strides = array<i32>} : memref<128x128xf32, #tpu.memory_space<vmem>>, vector<1x16xf32>,
        %get3A_392 = arith.index_cast %add3A_331 : i32 to index
        %get3A_393 = arith.constant 96 : index
        %get3A_394 = tpu.vector_load %arg10[%get3A_392, %get3A_393] {strides = array<i32>} : memref<128x128xf32, #tpu.memory_space<vmem>>, vector<1x16xf32>,
        %get3A_395 = vector.shape_cast %get3A_394 : vector<1x16xf32> to vector<16xf32>
        %mul3A_396 = arith.mulf %get3A_395, %gather3A_327 : vector<16xf32>
        %swap3A_397 = arith.index_cast %add3A_331 : i32 to index
        %swap3A_398 = arith.constant 96 : index
        %swap3A_399 = tpu.vector_load %arg10[%swap3A_397, %swap3A_398] {strides = array<i32>} : memref<128x128xf32, #tpu.memory_space<vmem>>, vector<1x16xf32>,
        %swap3A_400 = vector.shape_cast %swap3A_399 : vector<1x16xf32> to vector<16xf32>
        %swap3A_401 = vector.shape_cast %mul3A_396 : vector<16xf32> to vector<1x16xf32>
        tpu.vector_store %arg10[%swap3A_397, %swap3A_398], %swap3A_401 {strides = array<i32>} : memref<128x128xf32, #tpu.memory_space<vmem>>, vector<1x16xf32>,
        %get3A_402 = arith.index_cast %add3A_331 : i32 to index
        %get3A_403 = arith.constant 112 : index
        %get3A_404 = tpu.vector_load %arg10[%get3A_402, %get3A_403] {strides = array<i32>} : memref<128x128xf32, #tpu.memory_space<vmem>>, vector<1x16xf32>,
        %get3A_405 = vector.shape_cast %get3A_404 : vector<1x16xf32> to vector<16xf32>
        %mul3A_406 = arith.mulf %get3A_405, %gather3A_327 : vector<16xf32>
        %swap3A_407 = arith.index_cast %add3A_331 : i32 to index
        %swap3A_408 = arith.constant 112 : index
        %swap3A_409 = tpu.vector_load %arg10[%swap3A_407, %swap3A_408] {strides = array<i32>} : memref<128x128xf32, #tpu.memory_space<vmem>>, vector<1x16xf32>,
        %swap3A_410 = vector.shape_cast %swap3A_409 : vector<1x16xf32> to vector<16xf32>
        %swap3A_411 = vector.shape_cast %mul3A_406 : vector<16xf32> to vector<1x16xf32>
        tpu.vector_store %arg10[%swap3A_407, %swap3A_408], %swap3A_411 {strides = array<i32>} : memref<128x128xf32, #tpu.memory_space<vmem>>, vector<1x16xf32>,
        %broadcast_in_dim3A_412 = arith.constant 4 : i32
        %broadcast_in_dim3A_413 = vector.broadcast %broadcast_in_dim3A_412 : i32 to vector<16x1xi32>
        %gather3A_414 = vector.shape_cast %broadcast_in_dim3A_413 : vector<16x1xi32> to vector<16xi32>
        %gather3A_415 = tpu.dynamic_gather %get3A_62[%gather3A_414] in [0] : vector<16xf32>, vector<16xi32> -> vector<16xf32>
        %mul3A_416 = arith.constant 16 : i32
        %mul3A_417 = arith.muli %scan3A_57, %mul3A_416 : i32
        %add3A_418 = arith.constant 4 : i32
        %add3A_419 = arith.addi %mul3A_417, %add3A_418 : i32
        %get3A_420 = arith.index_cast %add3A_419 : i32 to index
        %get3A_421 = arith.constant 0 : index
        %get3A_422 = tpu.vector_load %arg10[%get3A_420, %get3A_421] {strides = array<i32>} : memref<128x128xf32, #tpu.memory_space<vmem>>, vector<1x16xf32>,
        %get3A_423 = vector.shape_cast %get3A_422 : vector<1x16xf32> to vector<16xf32>
        %mul3A_424 = arith.mulf %get3A_423, %gather3A_415 : vector<16xf32>
        %swap3A_425 = arith.index_cast %add3A_419 : i32 to index
        %swap3A_426 = arith.constant 0 : index
        %swap3A_427 = tpu.vector_load %arg10[%swap3A_425, %swap3A_426] {strides = array<i32>} : memref<128x128xf32, #tpu.memory_space<vmem>>, vector<1x16xf32>,
        %swap3A_428 = vector.shape_cast %swap3A_427 : vector<1x16xf32> to vector<16xf32>
        %swap3A_429 = vector.shape_cast %mul3A_424 : vector<16xf32> to vector<1x16xf32>
        tpu.vector_store %arg10[%swap3A_425, %swap3A_426], %swap3A_429 {strides = array<i32>} : memref<128x128xf32, #tpu.memory_space<vmem>>, vector<1x16xf32>,
        %get3A_430 = arith.index_cast %add3A_419 : i32 to index
        %get3A_431 = arith.constant 16 : index
        %get3A_432 = tpu.vector_load %arg10[%get3A_430, %get3A_431] {strides = array<i32>} : memref<128x128xf32, #tpu.memory_space<vmem>>, vector<1x16xf32>,
        %get3A_433 = vector.shape_cast %get3A_432 : vector<1x16xf32> to vector<16xf32>
        %mul3A_434 = arith.mulf %get3A_433, %gather3A_415 : vector<16xf32>
        %swap3A_435 = arith.index_cast %add3A_419 : i32 to index
        %swap3A_436 = arith.constant 16 : index
        %swap3A_437 = tpu.vector_load %arg10[%swap3A_435, %swap3A_436] {strides = array<i32>} : memref<128x128xf32, #tpu.memory_space<vmem>>, vector<1x16xf32>,
        %swap3A_438 = vector.shape_cast %swap3A_437 : vector<1x16xf32> to vector<16xf32>
        %swap3A_439 = vector.shape_cast %mul3A_434 : vector<16xf32> to vector<1x16xf32>
        tpu.vector_store %arg10[%swap3A_435, %swap3A_436], %swap3A_439 {strides = array<i32>} : memref<128x128xf32, #tpu.memory_space<vmem>>, vector<1x16xf32>,
        %get3A_440 = arith.index_cast %add3A_419 : i32 to index
        %get3A_441 = arith.constant 32 : index
        %get3A_442 = tpu.vector_load %arg10[%get3A_440, %get3A_441] {strides = array<i32>} : memref<128x128xf32, #tpu.memory_space<vmem>>, vector<1x16xf32>,
        %get3A_443 = vector.shape_cast %get3A_442 : vector<1x16xf32> to vector<16xf32>
        %mul3A_444 = arith.mulf %get3A_443, %gather3A_415 : vector<16xf32>
        %swap3A_445 = arith.index_cast %add3A_419 : i32 to index
        %swap3A_446 = arith.constant 32 : index
        %swap3A_447 = tpu.vector_load %arg10[%swap3A_445, %swap3A_446] {strides = array<i32>} : memref<128x128xf32, #tpu.memory_space<vmem>>, vector<1x16xf32>,
        %swap3A_448 = vector.shape_cast %swap3A_447 : vector<1x16xf32> to vector<16xf32>
        %swap3A_449 = vector.shape_cast %mul3A_444 : vector<16xf32> to vector<1x16xf32>
        tpu.vector_store %arg10[%swap3A_445, %swap3A_446], %swap3A_449 {strides = array<i32>} : memref<128x128xf32, #tpu.memory_space<vmem>>, vector<1x16xf32>,
        %get3A_450 = arith.index_cast %add3A_419 : i32 to index
        %get3A_451 = arith.constant 48 : index
        %get3A_452 = tpu.vector_load %arg10[%get3A_450, %get3A_451] {strides = array<i32>} : memref<128x128xf32, #tpu.memory_space<vmem>>, vector<1x16xf32>,
        %get3A_453 = vector.shape_cast %get3A_452 : vector<1x16xf32> to vector<16xf32>
        %mul3A_454 = arith.mulf %get3A_453, %gather3A_415 : vector<16xf32>
        %swap3A_455 = arith.index_cast %add3A_419 : i32 to index
        %swap3A_456 = arith.constant 48 : index
        %swap3A_457 = tpu.vector_load %arg10[%swap3A_455, %swap3A_456] {strides = array<i32>} : memref<128x128xf32, #tpu.memory_space<vmem>>, vector<1x16xf32>,
        %swap3A_458 = vector.shape_cast %swap3A_457 : vector<1x16xf32> to vector<16xf32>
        %swap3A_459 = vector.shape_cast %mul3A_454 : vector<16xf32> to vector<1x16xf32>
        tpu.vector_store %arg10[%swap3A_455, %swap3A_456], %swap3A_459 {strides = array<i32>} : memref<128x128xf32, #tpu.memory_space<vmem>>, vector<1x16xf32>,
        %get3A_460 = arith.index_cast %add3A_419 : i32 to index
        %get3A_461 = arith.constant 64 : index
        %get3A_462 = tpu.vector_load %arg10[%get3A_460, %get3A_461] {strides = array<i32>} : memref<128x128xf32, #tpu.memory_space<vmem>>, vector<1x16xf32>,
        %get3A_463 = vector.shape_cast %get3A_462 : vector<1x16xf32> to vector<16xf32>
        %mul3A_464 = arith.mulf %get3A_463, %gather3A_415 : vector<16xf32>
        %swap3A_465 = arith.index_cast %add3A_419 : i32 to index
        %swap3A_466 = arith.constant 64 : index
        %swap3A_467 = tpu.vector_load %arg10[%swap3A_465, %swap3A_466] {strides = array<i32>} : memref<128x128xf32, #tpu.memory_space<vmem>>, vector<1x16xf32>,
        %swap3A_468 = vector.shape_cast %swap3A_467 : vector<1x16xf32> to vector<16xf32>
        %swap3A_469 = vector.shape_cast %mul3A_464 : vector<16xf32> to vector<1x16xf32>
        tpu.vector_store %arg10[%swap3A_465, %swap3A_466], %swap3A_469 {strides = array<i32>} : memref<128x128xf32, #tpu.memory_space<vmem>>, vector<1x16xf32>,
        %get3A_470 = arith.index_cast %add3A_419 : i32 to index
        %get3A_471 = arith.constant 80 : index
        %get3A_472 = tpu.vector_load %arg10[%get3A_470, %get3A_471] {strides = array<i32>} : memref<128x128xf32, #tpu.memory_space<vmem>>, vector<1x16xf32>,
        %get3A_473 = vector.shape_cast %get3A_472 : vector<1x16xf32> to vector<16xf32>
        %mul3A_474 = arith.mulf %get3A_473, %gather3A_415 : vector<16xf32>
        %swap3A_475 = arith.index_cast %add3A_419 : i32 to index
        %swap3A_476 = arith.constant 80 : index
        %swap3A_477 = tpu.vector_load %arg10[%swap3A_475, %swap3A_476] {strides = array<i32>} : memref<128x128xf32, #tpu.memory_space<vmem>>, vector<1x16xf32>,
        %swap3A_478 = vector.shape_cast %swap3A_477 : vector<1x16xf32> to vector<16xf32>
        %swap3A_479 = vector.shape_cast %mul3A_474 : vector<16xf32> to vector<1x16xf32>
        tpu.vector_store %arg10[%swap3A_475, %swap3A_476], %swap3A_479 {strides = array<i32>} : memref<128x128xf32, #tpu.memory_space<vmem>>, vector<1x16xf32>,
        %get3A_480 = arith.index_cast %add3A_419 : i32 to index
        %get3A_481 = arith.constant 96 : index
        %get3A_482 = tpu.vector_load %arg10[%get3A_480, %get3A_481] {strides = array<i32>} : memref<128x128xf32, #tpu.memory_space<vmem>>, vector<1x16xf32>,
        %get3A_483 = vector.shape_cast %get3A_482 : vector<1x16xf32> to vector<16xf32>
        %mul3A_484 = arith.mulf %get3A_483, %gather3A_415 : vector<16xf32>
        %swap3A_485 = arith.index_cast %add3A_419 : i32 to index
        %swap3A_486 = arith.constant 96 : index
        %swap3A_487 = tpu.vector_load %arg10[%swap3A_485, %swap3A_486] {strides = array<i32>} : memref<128x128xf32, #tpu.memory_space<vmem>>, vector<1x16xf32>,
        %swap3A_488 = vector.shape_cast %swap3A_487 : vector<1x16xf32> to vector<16xf32>
        %swap3A_489 = vector.shape_cast %mul3A_484 : vector<16xf32> to vector<1x16xf32>
        tpu.vector_store %arg10[%swap3A_485, %swap3A_486], %swap3A_489 {strides = array<i32>} : memref<128x128xf32, #tpu.memory_space<vmem>>, vector<1x16xf32>,
        %get3A_490 = arith.index_cast %add3A_419 : i32 to index
        %get3A_491 = arith.constant 112 : index
        %get3A_492 = tpu.vector_load %arg10[%get3A_490, %get3A_491] {strides = array<i32>} : memref<128x128xf32, #tpu.memory_space<vmem>>, vector<1x16xf32>,
        %get3A_493 = vector.shape_cast %get3A_492 : vector<1x16xf32> to vector<16xf32>
        %mul3A_494 = arith.mulf %get3A_493, %gather3A_415 : vector<16xf32>
        %swap3A_495 = arith.index_cast %add3A_419 : i32 to index
        %swap3A_496 = arith.constant 112 : index
        %swap3A_497 = tpu.vector_load %arg10[%swap3A_495, %swap3A_496] {strides = array<i32>} : memref<128x128xf32, #tpu.memory_space<vmem>>, vector<1x16xf32>,
        %swap3A_498 = vector.shape_cast %swap3A_497 : vector<1x16xf32> to vector<16xf32>
        %swap3A_499 = vector.shape_cast %mul3A_494 : vector<16xf32> to vector<1x16xf32>
        tpu.vector_store %arg10[%swap3A_495, %swap3A_496], %swap3A_499 {strides = array<i32>} : memref<128x128xf32, #tpu.memory_space<vmem>>, vector<1x16xf32>,
        %broadcast_in_dim3A_500 = arith.constant 5 : i32
        %broadcast_in_dim3A_501 = vector.broadcast %broadcast_in_dim3A_500 : i32 to vector<16x1xi32>
        %gather3A_502 = vector.shape_cast %broadcast_in_dim3A_501 : vector<16x1xi32> to vector<16xi32>
        %gather3A_503 = tpu.dynamic_gather %get3A_62[%gather3A_502] in [0] : vector<16xf32>, vector<16xi32> -> vector<16xf32>
        %mul3A_504 = arith.constant 16 : i32
        %mul3A_505 = arith.muli %scan3A_57, %mul3A_504 : i32
        %add3A_506 = arith.constant 5 : i32
        %add3A_507 = arith.addi %mul3A_505, %add3A_506 : i32
        %get3A_508 = arith.index_cast %add3A_507 : i32 to index
        %get3A_509 = arith.constant 0 : index
        %get3A_510 = tpu.vector_load %arg10[%get3A_508, %get3A_509] {strides = array<i32>} : memref<128x128xf32, #tpu.memory_space<vmem>>, vector<1x16xf32>,
        %get3A_511 = vector.shape_cast %get3A_510 : vector<1x16xf32> to vector<16xf32>
        %mul3A_512 = arith.mulf %get3A_511, %gather3A_503 : vector<16xf32>
        %swap3A_513 = arith.index_cast %add3A_507 : i32 to index
        %swap3A_514 = arith.constant 0 : index
        %swap3A_515 = tpu.vector_load %arg10[%swap3A_513, %swap3A_514] {strides = array<i32>} : memref<128x128xf32, #tpu.memory_space<vmem>>, vector<1x16xf32>,
        %swap3A_516 = vector.shape_cast %swap3A_515 : vector<1x16xf32> to vector<16xf32>
        %swap3A_517 = vector.shape_cast %mul3A_512 : vector<16xf32> to vector<1x16xf32>
        tpu.vector_store %arg10[%swap3A_513, %swap3A_514], %swap3A_517 {strides = array<i32>} : memref<128x128xf32, #tpu.memory_space<vmem>>, vector<1x16xf32>,
        %get3A_518 = arith.index_cast %add3A_507 : i32 to index
        %get3A_519 = arith.constant 16 : index
        %get3A_520 = tpu.vector_load %arg10[%get3A_518, %get3A_519] {strides = array<i32>} : memref<128x128xf32, #tpu.memory_space<vmem>>, vector<1x16xf32>,
        %get3A_521 = vector.shape_cast %get3A_520 : vector<1x16xf32> to vector<16xf32>
        %mul3A_522 = arith.mulf %get3A_521, %gather3A_503 : vector<16xf32>
        %swap3A_523 = arith.index_cast %add3A_507 : i32 to index
        %swap3A_524 = arith.constant 16 : index
        %swap3A_525 = tpu.vector_load %arg10[%swap3A_523, %swap3A_524] {strides = array<i32>} : memref<128x128xf32, #tpu.memory_space<vmem>>, vector<1x16xf32>,
        %swap3A_526 = vector.shape_cast %swap3A_525 : vector<1x16xf32> to vector<16xf32>
        %swap3A_527 = vector.shape_cast %mul3A_522 : vector<16xf32> to vector<1x16xf32>
        tpu.vector_store %arg10[%swap3A_523, %swap3A_524], %swap3A_527 {strides = array<i32>} : memref<128x128xf32, #tpu.memory_space<vmem>>, vector<1x16xf32>,
        %get3A_528 = arith.index_cast %add3A_507 : i32 to index
        %get3A_529 = arith.constant 32 : index
        %get3A_530 = tpu.vector_load %arg10[%get3A_528, %get3A_529] {strides = array<i32>} : memref<128x128xf32, #tpu.memory_space<vmem>>, vector<1x16xf32>,
        %get3A_531 = vector.shape_cast %get3A_530 : vector<1x16xf32> to vector<16xf32>
        %mul3A_532 = arith.mulf %get3A_531, %gather3A_503 : vector<16xf32>
        %swap3A_533 = arith.index_cast %add3A_507 : i32 to index
        %swap3A_534 = arith.constant 32 : index
        %swap3A_535 = tpu.vector_load %arg10[%swap3A_533, %swap3A_534] {strides = array<i32>} : memref<128x128xf32, #tpu.memory_space<vmem>>, vector<1x16xf32>,
        %swap3A_536 = vector.shape_cast %swap3A_535 : vector<1x16xf32> to vector<16xf32>
        %swap3A_537 = vector.shape_cast %mul3A_532 : vector<16xf32> to vector<1x16xf32>
        tpu.vector_store %arg10[%swap3A_533, %swap3A_534], %swap3A_537 {strides = array<i32>} : memref<128x128xf32, #tpu.memory_space<vmem>>, vector<1x16xf32>,
        %get3A_538 = arith.index_cast %add3A_507 : i32 to index
        %get3A_539 = arith.constant 48 : index
        %get3A_540 = tpu.vector_load %arg10[%get3A_538, %get3A_539] {strides = array<i32>} : memref<128x128xf32, #tpu.memory_space<vmem>>, vector<1x16xf32>,
        %get3A_541 = vector.shape_cast %get3A_540 : vector<1x16xf32> to vector<16xf32>
        %mul3A_542 = arith.mulf %get3A_541, %gather3A_503 : vector<16xf32>
        %swap3A_543 = arith.index_cast %add3A_507 : i32 to index
        %swap3A_544 = arith.constant 48 : index
        %swap3A_545 = tpu.vector_load %arg10[%swap3A_543, %swap3A_544] {strides = array<i32>} : memref<128x128xf32, #tpu.memory_space<vmem>>, vector<1x16xf32>,
        %swap3A_546 = vector.shape_cast %swap3A_545 : vector<1x16xf32> to vector<16xf32>
        %swap3A_547 = vector.shape_cast %mul3A_542 : vector<16xf32> to vector<1x16xf32>
        tpu.vector_store %arg10[%swap3A_543, %swap3A_544], %swap3A_547 {strides = array<i32>} : memref<128x128xf32, #tpu.memory_space<vmem>>, vector<1x16xf32>,
        %get3A_548 = arith.index_cast %add3A_507 : i32 to index
        %get3A_549 = arith.constant 64 : index
        %get3A_550 = tpu.vector_load %arg10[%get3A_548, %get3A_549] {strides = array<i32>} : memref<128x128xf32, #tpu.memory_space<vmem>>, vector<1x16xf32>,
        %get3A_551 = vector.shape_cast %get3A_550 : vector<1x16xf32> to vector<16xf32>
        %mul3A_552 = arith.mulf %get3A_551, %gather3A_503 : vector<16xf32>
        %swap3A_553 = arith.index_cast %add3A_507 : i32 to index
        %swap3A_554 = arith.constant 64 : index
        %swap3A_555 = tpu.vector_load %arg10[%swap3A_553, %swap3A_554] {strides = array<i32>} : memref<128x128xf32, #tpu.memory_space<vmem>>, vector<1x16xf32>,
        %swap3A_556 = vector.shape_cast %swap3A_555 : vector<1x16xf32> to vector<16xf32>
        %swap3A_557 = vector.shape_cast %mul3A_552 : vector<16xf32> to vector<1x16xf32>
        tpu.vector_store %arg10[%swap3A_553, %swap3A_554], %swap3A_557 {strides = array<i32>} : memref<128x128xf32, #tpu.memory_space<vmem>>, vector<1x16xf32>,
        %get3A_558 = arith.index_cast %add3A_507 : i32 to index
        %get3A_559 = arith.constant 80 : index
        %get3A_560 = tpu.vector_load %arg10[%get3A_558, %get3A_559] {strides = array<i32>} : memref<128x128xf32, #tpu.memory_space<vmem>>, vector<1x16xf32>,
        %get3A_561 = vector.shape_cast %get3A_560 : vector<1x16xf32> to vector<16xf32>
        %mul3A_562 = arith.mulf %get3A_561, %gather3A_503 : vector<16xf32>
        %swap3A_563 = arith.index_cast %add3A_507 : i32 to index
        %swap3A_564 = arith.constant 80 : index
        %swap3A_565 = tpu.vector_load %arg10[%swap3A_563, %swap3A_564] {strides = array<i32>} : memref<128x128xf32, #tpu.memory_space<vmem>>, vector<1x16xf32>,
        %swap3A_566 = vector.shape_cast %swap3A_565 : vector<1x16xf32> to vector<16xf32>
        %swap3A_567 = vector.shape_cast %mul3A_562 : vector<16xf32> to vector<1x16xf32>
        tpu.vector_store %arg10[%swap3A_563, %swap3A_564], %swap3A_567 {strides = array<i32>} : memref<128x128xf32, #tpu.memory_space<vmem>>, vector<1x16xf32>,
        %get3A_568 = arith.index_cast %add3A_507 : i32 to index
        %get3A_569 = arith.constant 96 : index
        %get3A_570 = tpu.vector_load %arg10[%get3A_568, %get3A_569] {strides = array<i32>} : memref<128x128xf32, #tpu.memory_space<vmem>>, vector<1x16xf32>,
        %get3A_571 = vector.shape_cast %get3A_570 : vector<1x16xf32> to vector<16xf32>
        %mul3A_572 = arith.mulf %get3A_571, %gather3A_503 : vector<16xf32>
        %swap3A_573 = arith.index_cast %add3A_507 : i32 to index
        %swap3A_574 = arith.constant 96 : index
        %swap3A_575 = tpu.vector_load %arg10[%swap3A_573, %swap3A_574] {strides = array<i32>} : memref<128x128xf32, #tpu.memory_space<vmem>>, vector<1x16xf32>,
        %swap3A_576 = vector.shape_cast %swap3A_575 : vector<1x16xf32> to vector<16xf32>
        %swap3A_577 = vector.shape_cast %mul3A_572 : vector<16xf32> to vector<1x16xf32>
        tpu.vector_store %arg10[%swap3A_573, %swap3A_574], %swap3A_577 {strides = array<i32>} : memref<128x128xf32, #tpu.memory_space<vmem>>, vector<1x16xf32>,
        %get3A_578 = arith.index_cast %add3A_507 : i32 to index
        %get3A_579 = arith.constant 112 : index
        %get3A_580 = tpu.vector_load %arg10[%get3A_578, %get3A_579] {strides = array<i32>} : memref<128x128xf32, #tpu.memory_space<vmem>>, vector<1x16xf32>,
        %get3A_581 = vector.shape_cast %get3A_580 : vector<1x16xf32> to vector<16xf32>
        %mul3A_582 = arith.mulf %get3A_581, %gather3A_503 : vector<16xf32>
        %swap3A_583 = arith.index_cast %add3A_507 : i32 to index
        %swap3A_584 = arith.constant 112 : index
        %swap3A_585 = tpu.vector_load %arg10[%swap3A_583, %swap3A_584] {strides = array<i32>} : memref<128x128xf32, #tpu.memory_space<vmem>>, vector<1x16xf32>,
        %swap3A_586 = vector.shape_cast %swap3A_585 : vector<1x16xf32> to vector<16xf32>
        %swap3A_587 = vector.shape_cast %mul3A_582 : vector<16xf32> to vector<1x16xf32>
        tpu.vector_store %arg10[%swap3A_583, %swap3A_584], %swap3A_587 {strides = array<i32>} : memref<128x128xf32, #tpu.memory_space<vmem>>, vector<1x16xf32>,
        %broadcast_in_dim3A_588 = arith.constant 6 : i32
        %broadcast_in_dim3A_589 = vector.broadcast %broadcast_in_dim3A_588 : i32 to vector<16x1xi32>
        %gather3A_590 = vector.shape_cast %broadcast_in_dim3A_589 : vector<16x1xi32> to vector<16xi32>
        %gather3A_591 = tpu.dynamic_gather %get3A_62[%gather3A_590] in [0] : vector<16xf32>, vector<16xi32> -> vector<16xf32>
        %mul3A_592 = arith.constant 16 : i32
        %mul3A_593 = arith.muli %scan3A_57, %mul3A_592 : i32
        %add3A_594 = arith.constant 6 : i32
        %add3A_595 = arith.addi %mul3A_593, %add3A_594 : i32
        %get3A_596 = arith.index_cast %add3A_595 : i32 to index
        %get3A_597 = arith.constant 0 : index
        %get3A_598 = tpu.vector_load %arg10[%get3A_596, %get3A_597] {strides = array<i32>} : memref<128x128xf32, #tpu.memory_space<vmem>>, vector<1x16xf32>,
        %get3A_599 = vector.shape_cast %get3A_598 : vector<1x16xf32> to vector<16xf32>
        %mul3A_600 = arith.mulf %get3A_599, %gather3A_591 : vector<16xf32>
        %swap3A_601 = arith.index_cast %add3A_595 : i32 to index
        %swap3A_602 = arith.constant 0 : index
        %swap3A_603 = tpu.vector_load %arg10[%swap3A_601, %swap3A_602] {strides = array<i32>} : memref<128x128xf32, #tpu.memory_space<vmem>>, vector<1x16xf32>,
        %swap3A_604 = vector.shape_cast %swap3A_603 : vector<1x16xf32> to vector<16xf32>
        %swap3A_605 = vector.shape_cast %mul3A_600 : vector<16xf32> to vector<1x16xf32>
        tpu.vector_store %arg10[%swap3A_601, %swap3A_602], %swap3A_605 {strides = array<i32>} : memref<128x128xf32, #tpu.memory_space<vmem>>, vector<1x16xf32>,
        %get3A_606 = arith.index_cast %add3A_595 : i32 to index
        %get3A_607 = arith.constant 16 : index
        %get3A_608 = tpu.vector_load %arg10[%get3A_606, %get3A_607] {strides = array<i32>} : memref<128x128xf32, #tpu.memory_space<vmem>>, vector<1x16xf32>,
        %get3A_609 = vector.shape_cast %get3A_608 : vector<1x16xf32> to vector<16xf32>
        %mul3A_610 = arith.mulf %get3A_609, %gather3A_591 : vector<16xf32>
        %swap3A_611 = arith.index_cast %add3A_595 : i32 to index
        %swap3A_612 = arith.constant 16 : index
        %swap3A_613 = tpu.vector_load %arg10[%swap3A_611, %swap3A_612] {strides = array<i32>} : memref<128x128xf32, #tpu.memory_space<vmem>>, vector<1x16xf32>,
        %swap3A_614 = vector.shape_cast %swap3A_613 : vector<1x16xf32> to vector<16xf32>
        %swap3A_615 = vector.shape_cast %mul3A_610 : vector<16xf32> to vector<1x16xf32>
        tpu.vector_store %arg10[%swap3A_611, %swap3A_612], %swap3A_615 {strides = array<i32>} : memref<128x128xf32, #tpu.memory_space<vmem>>, vector<1x16xf32>,
        %get3A_616 = arith.index_cast %add3A_595 : i32 to index
        %get3A_617 = arith.constant 32 : index
        %get3A_618 = tpu.vector_load %arg10[%get3A_616, %get3A_617] {strides = array<i32>} : memref<128x128xf32, #tpu.memory_space<vmem>>, vector<1x16xf32>,
        %get3A_619 = vector.shape_cast %get3A_618 : vector<1x16xf32> to vector<16xf32>
        %mul3A_620 = arith.mulf %get3A_619, %gather3A_591 : vector<16xf32>
        %swap3A_621 = arith.index_cast %add3A_595 : i32 to index
        %swap3A_622 = arith.constant 32 : index
        %swap3A_623 = tpu.vector_load %arg10[%swap3A_621, %swap3A_622] {strides = array<i32>} : memref<128x128xf32, #tpu.memory_space<vmem>>, vector<1x16xf32>,
        %swap3A_624 = vector.shape_cast %swap3A_623 : vector<1x16xf32> to vector<16xf32>
        %swap3A_625 = vector.shape_cast %mul3A_620 : vector<16xf32> to vector<1x16xf32>
        tpu.vector_store %arg10[%swap3A_621, %swap3A_622], %swap3A_625 {strides = array<i32>} : memref<128x128xf32, #tpu.memory_space<vmem>>, vector<1x16xf32>,
        %get3A_626 = arith.index_cast %add3A_595 : i32 to index
        %get3A_627 = arith.constant 48 : index
        %get3A_628 = tpu.vector_load %arg10[%get3A_626, %get3A_627] {strides = array<i32>} : memref<128x128xf32, #tpu.memory_space<vmem>>, vector<1x16xf32>,
        %get3A_629 = vector.shape_cast %get3A_628 : vector<1x16xf32> to vector<16xf32>
        %mul3A_630 = arith.mulf %get3A_629, %gather3A_591 : vector<16xf32>
        %swap3A_631 = arith.index_cast %add3A_595 : i32 to index
        %swap3A_632 = arith.constant 48 : index
        %swap3A_633 = tpu.vector_load %arg10[%swap3A_631, %swap3A_632] {strides = array<i32>} : memref<128x128xf32, #tpu.memory_space<vmem>>, vector<1x16xf32>,
        %swap3A_634 = vector.shape_cast %swap3A_633 : vector<1x16xf32> to vector<16xf32>
        %swap3A_635 = vector.shape_cast %mul3A_630 : vector<16xf32> to vector<1x16xf32>
        tpu.vector_store %arg10[%swap3A_631, %swap3A_632], %swap3A_635 {strides = array<i32>} : memref<128x128xf32, #tpu.memory_space<vmem>>, vector<1x16xf32>,
        %get3A_636 = arith.index_cast %add3A_595 : i32 to index
        %get3A_637 = arith.constant 64 : index
        %get3A_638 = tpu.vector_load %arg10[%get3A_636, %get3A_637] {strides = array<i32>} : memref<128x128xf32, #tpu.memory_space<vmem>>, vector<1x16xf32>,
        %get3A_639 = vector.shape_cast %get3A_638 : vector<1x16xf32> to vector<16xf32>
        %mul3A_640 = arith.mulf %get3A_639, %gather3A_591 : vector<16xf32>
        %swap3A_641 = arith.index_cast %add3A_595 : i32 to index
        %swap3A_642 = arith.constant 64 : index
        %swap3A_643 = tpu.vector_load %arg10[%swap3A_641, %swap3A_642] {strides = array<i32>} : memref<128x128xf32, #tpu.memory_space<vmem>>, vector<1x16xf32>,
        %swap3A_644 = vector.shape_cast %swap3A_643 : vector<1x16xf32> to vector<16xf32>
        %swap3A_645 = vector.shape_cast %mul3A_640 : vector<16xf32> to vector<1x16xf32>
        tpu.vector_store %arg10[%swap3A_641, %swap3A_642], %swap3A_645 {strides = array<i32>} : memref<128x128xf32, #tpu.memory_space<vmem>>, vector<1x16xf32>,
        %get3A_646 = arith.index_cast %add3A_595 : i32 to index
        %get3A_647 = arith.constant 80 : index
        %get3A_648 = tpu.vector_load %arg10[%get3A_646, %get3A_647] {strides = array<i32>} : memref<128x128xf32, #tpu.memory_space<vmem>>, vector<1x16xf32>,
        %get3A_649 = vector.shape_cast %get3A_648 : vector<1x16xf32> to vector<16xf32>
        %mul3A_650 = arith.mulf %get3A_649, %gather3A_591 : vector<16xf32>
        %swap3A_651 = arith.index_cast %add3A_595 : i32 to index
        %swap3A_652 = arith.constant 80 : index
        %swap3A_653 = tpu.vector_load %arg10[%swap3A_651, %swap3A_652] {strides = array<i32>} : memref<128x128xf32, #tpu.memory_space<vmem>>, vector<1x16xf32>,
        %swap3A_654 = vector.shape_cast %swap3A_653 : vector<1x16xf32> to vector<16xf32>
        %swap3A_655 = vector.shape_cast %mul3A_650 : vector<16xf32> to vector<1x16xf32>
        tpu.vector_store %arg10[%swap3A_651, %swap3A_652], %swap3A_655 {strides = array<i32>} : memref<128x128xf32, #tpu.memory_space<vmem>>, vector<1x16xf32>,
        %get3A_656 = arith.index_cast %add3A_595 : i32 to index
        %get3A_657 = arith.constant 96 : index
        %get3A_658 = tpu.vector_load %arg10[%get3A_656, %get3A_657] {strides = array<i32>} : memref<128x128xf32, #tpu.memory_space<vmem>>, vector<1x16xf32>,
        %get3A_659 = vector.shape_cast %get3A_658 : vector<1x16xf32> to vector<16xf32>
        %mul3A_660 = arith.mulf %get3A_659, %gather3A_591 : vector<16xf32>
        %swap3A_661 = arith.index_cast %add3A_595 : i32 to index
        %swap3A_662 = arith.constant 96 : index
        %swap3A_663 = tpu.vector_load %arg10[%swap3A_661, %swap3A_662] {strides = array<i32>} : memref<128x128xf32, #tpu.memory_space<vmem>>, vector<1x16xf32>,
        %swap3A_664 = vector.shape_cast %swap3A_663 : vector<1x16xf32> to vector<16xf32>
        %swap3A_665 = vector.shape_cast %mul3A_660 : vector<16xf32> to vector<1x16xf32>
        tpu.vector_store %arg10[%swap3A_661, %swap3A_662], %swap3A_665 {strides = array<i32>} : memref<128x128xf32, #tpu.memory_space<vmem>>, vector<1x16xf32>,
        %get3A_666 = arith.index_cast %add3A_595 : i32 to index
        %get3A_667 = arith.constant 112 : index
        %get3A_668 = tpu.vector_load %arg10[%get3A_666, %get3A_667] {strides = array<i32>} : memref<128x128xf32, #tpu.memory_space<vmem>>, vector<1x16xf32>,
        %get3A_669 = vector.shape_cast %get3A_668 : vector<1x16xf32> to vector<16xf32>
        %mul3A_670 = arith.mulf %get3A_669, %gather3A_591 : vector<16xf32>
        %swap3A_671 = arith.index_cast %add3A_595 : i32 to index
        %swap3A_672 = arith.constant 112 : index
        %swap3A_673 = tpu.vector_load %arg10[%swap3A_671, %swap3A_672] {strides = array<i32>} : memref<128x128xf32, #tpu.memory_space<vmem>>, vector<1x16xf32>,
        %swap3A_674 = vector.shape_cast %swap3A_673 : vector<1x16xf32> to vector<16xf32>
        %swap3A_675 = vector.shape_cast %mul3A_670 : vector<16xf32> to vector<1x16xf32>
        tpu.vector_store %arg10[%swap3A_671, %swap3A_672], %swap3A_675 {strides = array<i32>} : memref<128x128xf32, #tpu.memory_space<vmem>>, vector<1x16xf32>,
        %broadcast_in_dim3A_676 = arith.constant 7 : i32
        %broadcast_in_dim3A_677 = vector.broadcast %broadcast_in_dim3A_676 : i32 to vector<16x1xi32>
        %gather3A_678 = vector.shape_cast %broadcast_in_dim3A_677 : vector<16x1xi32> to vector<16xi32>
        %gather3A_679 = tpu.dynamic_gather %get3A_62[%gather3A_678] in [0] : vector<16xf32>, vector<16xi32> -> vector<16xf32>
        %mul3A_680 = arith.constant 16 : i32
        %mul3A_681 = arith.muli %scan3A_57, %mul3A_680 : i32
        %add3A_682 = arith.constant 7 : i32
        %add3A_683 = arith.addi %mul3A_681, %add3A_682 : i32
        %get3A_684 = arith.index_cast %add3A_683 : i32 to index
        %get3A_685 = arith.constant 0 : index
        %get3A_686 = tpu.vector_load %arg10[%get3A_684, %get3A_685] {strides = array<i32>} : memref<128x128xf32, #tpu.memory_space<vmem>>, vector<1x16xf32>,
        %get3A_687 = vector.shape_cast %get3A_686 : vector<1x16xf32> to vector<16xf32>
        %mul3A_688 = arith.mulf %get3A_687, %gather3A_679 : vector<16xf32>
        %swap3A_689 = arith.index_cast %add3A_683 : i32 to index
        %swap3A_690 = arith.constant 0 : index
        %swap3A_691 = tpu.vector_load %arg10[%swap3A_689, %swap3A_690] {strides = array<i32>} : memref<128x128xf32, #tpu.memory_space<vmem>>, vector<1x16xf32>,
        %swap3A_692 = vector.shape_cast %swap3A_691 : vector<1x16xf32> to vector<16xf32>
        %swap3A_693 = vector.shape_cast %mul3A_688 : vector<16xf32> to vector<1x16xf32>
        tpu.vector_store %arg10[%swap3A_689, %swap3A_690], %swap3A_693 {strides = array<i32>} : memref<128x128xf32, #tpu.memory_space<vmem>>, vector<1x16xf32>,
        %get3A_694 = arith.index_cast %add3A_683 : i32 to index
        %get3A_695 = arith.constant 16 : index
        %get3A_696 = tpu.vector_load %arg10[%get3A_694, %get3A_695] {strides = array<i32>} : memref<128x128xf32, #tpu.memory_space<vmem>>, vector<1x16xf32>,
        %get3A_697 = vector.shape_cast %get3A_696 : vector<1x16xf32> to vector<16xf32>
        %mul3A_698 = arith.mulf %get3A_697, %gather3A_679 : vector<16xf32>
        %swap3A_699 = arith.index_cast %add3A_683 : i32 to index
        %swap3A_700 = arith.constant 16 : index
        %swap3A_701 = tpu.vector_load %arg10[%swap3A_699, %swap3A_700] {strides = array<i32>} : memref<128x128xf32, #tpu.memory_space<vmem>>, vector<1x16xf32>,
        %swap3A_702 = vector.shape_cast %swap3A_701 : vector<1x16xf32> to vector<16xf32>
        %swap3A_703 = vector.shape_cast %mul3A_698 : vector<16xf32> to vector<1x16xf32>
        tpu.vector_store %arg10[%swap3A_699, %swap3A_700], %swap3A_703 {strides = array<i32>} : memref<128x128xf32, #tpu.memory_space<vmem>>, vector<1x16xf32>,
        %get3A_704 = arith.index_cast %add3A_683 : i32 to index
        %get3A_705 = arith.constant 32 : index
        %get3A_706 = tpu.vector_load %arg10[%get3A_704, %get3A_705] {strides = array<i32>} : memref<128x128xf32, #tpu.memory_space<vmem>>, vector<1x16xf32>,
        %get3A_707 = vector.shape_cast %get3A_706 : vector<1x16xf32> to vector<16xf32>
        %mul3A_708 = arith.mulf %get3A_707, %gather3A_679 : vector<16xf32>
        %swap3A_709 = arith.index_cast %add3A_683 : i32 to index
        %swap3A_710 = arith.constant 32 : index
        %swap3A_711 = tpu.vector_load %arg10[%swap3A_709, %swap3A_710] {strides = array<i32>} : memref<128x128xf32, #tpu.memory_space<vmem>>, vector<1x16xf32>,
        %swap3A_712 = vector.shape_cast %swap3A_711 : vector<1x16xf32> to vector<16xf32>
        %swap3A_713 = vector.shape_cast %mul3A_708 : vector<16xf32> to vector<1x16xf32>
        tpu.vector_store %arg10[%swap3A_709, %swap3A_710], %swap3A_713 {strides = array<i32>} : memref<128x128xf32, #tpu.memory_space<vmem>>, vector<1x16xf32>,
        %get3A_714 = arith.index_cast %add3A_683 : i32 to index
        %get3A_715 = arith.constant 48 : index
        %get3A_716 = tpu.vector_load %arg10[%get3A_714, %get3A_715] {strides = array<i32>} : memref<128x128xf32, #tpu.memory_space<vmem>>, vector<1x16xf32>,
        %get3A_717 = vector.shape_cast %get3A_716 : vector<1x16xf32> to vector<16xf32>
        %mul3A_718 = arith.mulf %get3A_717, %gather3A_679 : vector<16xf32>
        %swap3A_719 = arith.index_cast %add3A_683 : i32 to index
        %swap3A_720 = arith.constant 48 : index
        %swap3A_721 = tpu.vector_load %arg10[%swap3A_719, %swap3A_720] {strides = array<i32>} : memref<128x128xf32, #tpu.memory_space<vmem>>, vector<1x16xf32>,
        %swap3A_722 = vector.shape_cast %swap3A_721 : vector<1x16xf32> to vector<16xf32>
        %swap3A_723 = vector.shape_cast %mul3A_718 : vector<16xf32> to vector<1x16xf32>
        tpu.vector_store %arg10[%swap3A_719, %swap3A_720], %swap3A_723 {strides = array<i32>} : memref<128x128xf32, #tpu.memory_space<vmem>>, vector<1x16xf32>,
        %get3A_724 = arith.index_cast %add3A_683 : i32 to index
        %get3A_725 = arith.constant 64 : index
        %get3A_726 = tpu.vector_load %arg10[%get3A_724, %get3A_725] {strides = array<i32>} : memref<128x128xf32, #tpu.memory_space<vmem>>, vector<1x16xf32>,
        %get3A_727 = vector.shape_cast %get3A_726 : vector<1x16xf32> to vector<16xf32>
        %mul3A_728 = arith.mulf %get3A_727, %gather3A_679 : vector<16xf32>
        %swap3A_729 = arith.index_cast %add3A_683 : i32 to index
        %swap3A_730 = arith.constant 64 : index
        %swap3A_731 = tpu.vector_load %arg10[%swap3A_729, %swap3A_730] {strides = array<i32>} : memref<128x128xf32, #tpu.memory_space<vmem>>, vector<1x16xf32>,
        %swap3A_732 = vector.shape_cast %swap3A_731 : vector<1x16xf32> to vector<16xf32>
        %swap3A_733 = vector.shape_cast %mul3A_728 : vector<16xf32> to vector<1x16xf32>
        tpu.vector_store %arg10[%swap3A_729, %swap3A_730], %swap3A_733 {strides = array<i32>} : memref<128x128xf32, #tpu.memory_space<vmem>>, vector<1x16xf32>,
        %get3A_734 = arith.index_cast %add3A_683 : i32 to index
        %get3A_735 = arith.constant 80 : index
        %get3A_736 = tpu.vector_load %arg10[%get3A_734, %get3A_735] {strides = array<i32>} : memref<128x128xf32, #tpu.memory_space<vmem>>, vector<1x16xf32>,
        %get3A_737 = vector.shape_cast %get3A_736 : vector<1x16xf32> to vector<16xf32>
        %mul3A_738 = arith.mulf %get3A_737, %gather3A_679 : vector<16xf32>
        %swap3A_739 = arith.index_cast %add3A_683 : i32 to index
        %swap3A_740 = arith.constant 80 : index
        %swap3A_741 = tpu.vector_load %arg10[%swap3A_739, %swap3A_740] {strides = array<i32>} : memref<128x128xf32, #tpu.memory_space<vmem>>, vector<1x16xf32>,
        %swap3A_742 = vector.shape_cast %swap3A_741 : vector<1x16xf32> to vector<16xf32>
        %swap3A_743 = vector.shape_cast %mul3A_738 : vector<16xf32> to vector<1x16xf32>
        tpu.vector_store %arg10[%swap3A_739, %swap3A_740], %swap3A_743 {strides = array<i32>} : memref<128x128xf32, #tpu.memory_space<vmem>>, vector<1x16xf32>,
        %get3A_744 = arith.index_cast %add3A_683 : i32 to index
        %get3A_745 = arith.constant 96 : index
        %get3A_746 = tpu.vector_load %arg10[%get3A_744, %get3A_745] {strides = array<i32>} : memref<128x128xf32, #tpu.memory_space<vmem>>, vector<1x16xf32>,
        %get3A_747 = vector.shape_cast %get3A_746 : vector<1x16xf32> to vector<16xf32>
        %mul3A_748 = arith.mulf %get3A_747, %gather3A_679 : vector<16xf32>
        %swap3A_749 = arith.index_cast %add3A_683 : i32 to index
        %swap3A_750 = arith.constant 96 : index
        %swap3A_751 = tpu.vector_load %arg10[%swap3A_749, %swap3A_750] {strides = array<i32>} : memref<128x128xf32, #tpu.memory_space<vmem>>, vector<1x16xf32>,
        %swap3A_752 = vector.shape_cast %swap3A_751 : vector<1x16xf32> to vector<16xf32>
        %swap3A_753 = vector.shape_cast %mul3A_748 : vector<16xf32> to vector<1x16xf32>
        tpu.vector_store %arg10[%swap3A_749, %swap3A_750], %swap3A_753 {strides = array<i32>} : memref<128x128xf32, #tpu.memory_space<vmem>>, vector<1x16xf32>,
        %get3A_754 = arith.index_cast %add3A_683 : i32 to index
        %get3A_755 = arith.constant 112 : index
        %get3A_756 = tpu.vector_load %arg10[%get3A_754, %get3A_755] {strides = array<i32>} : memref<128x128xf32, #tpu.memory_space<vmem>>, vector<1x16xf32>,
        %get3A_757 = vector.shape_cast %get3A_756 : vector<1x16xf32> to vector<16xf32>
        %mul3A_758 = arith.mulf %get3A_757, %gather3A_679 : vector<16xf32>
        %swap3A_759 = arith.index_cast %add3A_683 : i32 to index
        %swap3A_760 = arith.constant 112 : index
        %swap3A_761 = tpu.vector_load %arg10[%swap3A_759, %swap3A_760] {strides = array<i32>} : memref<128x128xf32, #tpu.memory_space<vmem>>, vector<1x16xf32>,
        %swap3A_762 = vector.shape_cast %swap3A_761 : vector<1x16xf32> to vector<16xf32>
        %swap3A_763 = vector.shape_cast %mul3A_758 : vector<16xf32> to vector<1x16xf32>
        tpu.vector_store %arg10[%swap3A_759, %swap3A_760], %swap3A_763 {strides = array<i32>} : memref<128x128xf32, #tpu.memory_space<vmem>>, vector<1x16xf32>,
        %broadcast_in_dim3A_764 = arith.constant 8 : i32
        %broadcast_in_dim3A_765 = vector.broadcast %broadcast_in_dim3A_764 : i32 to vector<16x1xi32>
        %gather3A_766 = vector.shape_cast %broadcast_in_dim3A_765 : vector<16x1xi32> to vector<16xi32>
        %gather3A_767 = tpu.dynamic_gather %get3A_62[%gather3A_766] in [0] : vector<16xf32>, vector<16xi32> -> vector<16xf32>
        %mul3A_768 = arith.constant 16 : i32
        %mul3A_769 = arith.muli %scan3A_57, %mul3A_768 : i32
        %add3A_770 = arith.constant 8 : i32
        %add3A_771 = arith.addi %mul3A_769, %add3A_770 : i32
        %get3A_772 = arith.index_cast %add3A_771 : i32 to index
        %get3A_773 = arith.constant 0 : index
        %get3A_774 = tpu.vector_load %arg10[%get3A_772, %get3A_773] {strides = array<i32>} : memref<128x128xf32, #tpu.memory_space<vmem>>, vector<1x16xf32>,
        %get3A_775 = vector.shape_cast %get3A_774 : vector<1x16xf32> to vector<16xf32>
        %mul3A_776 = arith.mulf %get3A_775, %gather3A_767 : vector<16xf32>
        %swap3A_777 = arith.index_cast %add3A_771 : i32 to index
        %swap3A_778 = arith.constant 0 : index
        %swap3A_779 = tpu.vector_load %arg10[%swap3A_777, %swap3A_778] {strides = array<i32>} : memref<128x128xf32, #tpu.memory_space<vmem>>, vector<1x16xf32>,
        %swap3A_780 = vector.shape_cast %swap3A_779 : vector<1x16xf32> to vector<16xf32>
        %swap3A_781 = vector.shape_cast %mul3A_776 : vector<16xf32> to vector<1x16xf32>
        tpu.vector_store %arg10[%swap3A_777, %swap3A_778], %swap3A_781 {strides = array<i32>} : memref<128x128xf32, #tpu.memory_space<vmem>>, vector<1x16xf32>,
        %get3A_782 = arith.index_cast %add3A_771 : i32 to index
        %get3A_783 = arith.constant 16 : index
        %get3A_784 = tpu.vector_load %arg10[%get3A_782, %get3A_783] {strides = array<i32>} : memref<128x128xf32, #tpu.memory_space<vmem>>, vector<1x16xf32>,
        %get3A_785 = vector.shape_cast %get3A_784 : vector<1x16xf32> to vector<16xf32>
        %mul3A_786 = arith.mulf %get3A_785, %gather3A_767 : vector<16xf32>
        %swap3A_787 = arith.index_cast %add3A_771 : i32 to index
        %swap3A_788 = arith.constant 16 : index
        %swap3A_789 = tpu.vector_load %arg10[%swap3A_787, %swap3A_788] {strides = array<i32>} : memref<128x128xf32, #tpu.memory_space<vmem>>, vector<1x16xf32>,
        %swap3A_790 = vector.shape_cast %swap3A_789 : vector<1x16xf32> to vector<16xf32>
        %swap3A_791 = vector.shape_cast %mul3A_786 : vector<16xf32> to vector<1x16xf32>
        tpu.vector_store %arg10[%swap3A_787, %swap3A_788], %swap3A_791 {strides = array<i32>} : memref<128x128xf32, #tpu.memory_space<vmem>>, vector<1x16xf32>,
        %get3A_792 = arith.index_cast %add3A_771 : i32 to index
        %get3A_793 = arith.constant 32 : index
        %get3A_794 = tpu.vector_load %arg10[%get3A_792, %get3A_793] {strides = array<i32>} : memref<128x128xf32, #tpu.memory_space<vmem>>, vector<1x16xf32>,
        %get3A_795 = vector.shape_cast %get3A_794 : vector<1x16xf32> to vector<16xf32>
        %mul3A_796 = arith.mulf %get3A_795, %gather3A_767 : vector<16xf32>
        %swap3A_797 = arith.index_cast %add3A_771 : i32 to index
        %swap3A_798 = arith.constant 32 : index
        %swap3A_799 = tpu.vector_load %arg10[%swap3A_797, %swap3A_798] {strides = array<i32>} : memref<128x128xf32, #tpu.memory_space<vmem>>, vector<1x16xf32>,
        %swap3A_800 = vector.shape_cast %swap3A_799 : vector<1x16xf32> to vector<16xf32>
        %swap3A_801 = vector.shape_cast %mul3A_796 : vector<16xf32> to vector<1x16xf32>
        tpu.vector_store %arg10[%swap3A_797, %swap3A_798], %swap3A_801 {strides = array<i32>} : memref<128x128xf32, #tpu.memory_space<vmem>>, vector<1x16xf32>,
        %get3A_802 = arith.index_cast %add3A_771 : i32 to index
        %get3A_803 = arith.constant 48 : index
        %get3A_804 = tpu.vector_load %arg10[%get3A_802, %get3A_803] {strides = array<i32>} : memref<128x128xf32, #tpu.memory_space<vmem>>, vector<1x16xf32>,
        %get3A_805 = vector.shape_cast %get3A_804 : vector<1x16xf32> to vector<16xf32>
        %mul3A_806 = arith.mulf %get3A_805, %gather3A_767 : vector<16xf32>
        %swap3A_807 = arith.index_cast %add3A_771 : i32 to index
        %swap3A_808 = arith.constant 48 : index
        %swap3A_809 = tpu.vector_load %arg10[%swap3A_807, %swap3A_808] {strides = array<i32>} : memref<128x128xf32, #tpu.memory_space<vmem>>, vector<1x16xf32>,
        %swap3A_810 = vector.shape_cast %swap3A_809 : vector<1x16xf32> to vector<16xf32>
        %swap3A_811 = vector.shape_cast %mul3A_806 : vector<16xf32> to vector<1x16xf32>
        tpu.vector_store %arg10[%swap3A_807, %swap3A_808], %swap3A_811 {strides = array<i32>} : memref<128x128xf32, #tpu.memory_space<vmem>>, vector<1x16xf32>,
        %get3A_812 = arith.index_cast %add3A_771 : i32 to index
        %get3A_813 = arith.constant 64 : index
        %get3A_814 = tpu.vector_load %arg10[%get3A_812, %get3A_813] {strides = array<i32>} : memref<128x128xf32, #tpu.memory_space<vmem>>, vector<1x16xf32>,
        %get3A_815 = vector.shape_cast %get3A_814 : vector<1x16xf32> to vector<16xf32>
        %mul3A_816 = arith.mulf %get3A_815, %gather3A_767 : vector<16xf32>
        %swap3A_817 = arith.index_cast %add3A_771 : i32 to index
        %swap3A_818 = arith.constant 64 : index
        %swap3A_819 = tpu.vector_load %arg10[%swap3A_817, %swap3A_818] {strides = array<i32>} : memref<128x128xf32, #tpu.memory_space<vmem>>, vector<1x16xf32>,
        %swap3A_820 = vector.shape_cast %swap3A_819 : vector<1x16xf32> to vector<16xf32>
        %swap3A_821 = vector.shape_cast %mul3A_816 : vector<16xf32> to vector<1x16xf32>
        tpu.vector_store %arg10[%swap3A_817, %swap3A_818], %swap3A_821 {strides = array<i32>} : memref<128x128xf32, #tpu.memory_space<vmem>>, vector<1x16xf32>,
        %get3A_822 = arith.index_cast %add3A_771 : i32 to index
        %get3A_823 = arith.constant 80 : index
        %get3A_824 = tpu.vector_load %arg10[%get3A_822, %get3A_823] {strides = array<i32>} : memref<128x128xf32, #tpu.memory_space<vmem>>, vector<1x16xf32>,
        %get3A_825 = vector.shape_cast %get3A_824 : vector<1x16xf32> to vector<16xf32>
        %mul3A_826 = arith.mulf %get3A_825, %gather3A_767 : vector<16xf32>
        %swap3A_827 = arith.index_cast %add3A_771 : i32 to index
        %swap3A_828 = arith.constant 80 : index
        %swap3A_829 = tpu.vector_load %arg10[%swap3A_827, %swap3A_828] {strides = array<i32>} : memref<128x128xf32, #tpu.memory_space<vmem>>, vector<1x16xf32>,
        %swap3A_830 = vector.shape_cast %swap3A_829 : vector<1x16xf32> to vector<16xf32>
        %swap3A_831 = vector.shape_cast %mul3A_826 : vector<16xf32> to vector<1x16xf32>
        tpu.vector_store %arg10[%swap3A_827, %swap3A_828], %swap3A_831 {strides = array<i32>} : memref<128x128xf32, #tpu.memory_space<vmem>>, vector<1x16xf32>,
        %get3A_832 = arith.index_cast %add3A_771 : i32 to index
        %get3A_833 = arith.constant 96 : index
        %get3A_834 = tpu.vector_load %arg10[%get3A_832, %get3A_833] {strides = array<i32>} : memref<128x128xf32, #tpu.memory_space<vmem>>, vector<1x16xf32>,
        %get3A_835 = vector.shape_cast %get3A_834 : vector<1x16xf32> to vector<16xf32>
        %mul3A_836 = arith.mulf %get3A_835, %gather3A_767 : vector<16xf32>
        %swap3A_837 = arith.index_cast %add3A_771 : i32 to index
        %swap3A_838 = arith.constant 96 : index
        %swap3A_839 = tpu.vector_load %arg10[%swap3A_837, %swap3A_838] {strides = array<i32>} : memref<128x128xf32, #tpu.memory_space<vmem>>, vector<1x16xf32>,
        %swap3A_840 = vector.shape_cast %swap3A_839 : vector<1x16xf32> to vector<16xf32>
        %swap3A_841 = vector.shape_cast %mul3A_836 : vector<16xf32> to vector<1x16xf32>
        tpu.vector_store %arg10[%swap3A_837, %swap3A_838], %swap3A_841 {strides = array<i32>} : memref<128x128xf32, #tpu.memory_space<vmem>>, vector<1x16xf32>,
        %get3A_842 = arith.index_cast %add3A_771 : i32 to index
        %get3A_843 = arith.constant 112 : index
        %get3A_844 = tpu.vector_load %arg10[%get3A_842, %get3A_843] {strides = array<i32>} : memref<128x128xf32, #tpu.memory_space<vmem>>, vector<1x16xf32>,
        %get3A_845 = vector.shape_cast %get3A_844 : vector<1x16xf32> to vector<16xf32>
        %mul3A_846 = arith.mulf %get3A_845, %gather3A_767 : vector<16xf32>
        %swap3A_847 = arith.index_cast %add3A_771 : i32 to index
        %swap3A_848 = arith.constant 112 : index
        %swap3A_849 = tpu.vector_load %arg10[%swap3A_847, %swap3A_848] {strides = array<i32>} : memref<128x128xf32, #tpu.memory_space<vmem>>, vector<1x16xf32>,
        %swap3A_850 = vector.shape_cast %swap3A_849 : vector<1x16xf32> to vector<16xf32>
        %swap3A_851 = vector.shape_cast %mul3A_846 : vector<16xf32> to vector<1x16xf32>
        tpu.vector_store %arg10[%swap3A_847, %swap3A_848], %swap3A_851 {strides = array<i32>} : memref<128x128xf32, #tpu.memory_space<vmem>>, vector<1x16xf32>,
        %broadcast_in_dim3A_852 = arith.constant 9 : i32
        %broadcast_in_dim3A_853 = vector.broadcast %broadcast_in_dim3A_852 : i32 to vector<16x1xi32>
        %gather3A_854 = vector.shape_cast %broadcast_in_dim3A_853 : vector<16x1xi32> to vector<16xi32>
        %gather3A_855 = tpu.dynamic_gather %get3A_62[%gather3A_854] in [0] : vector<16xf32>, vector<16xi32> -> vector<16xf32>
        %mul3A_856 = arith.constant 16 : i32
        %mul3A_857 = arith.muli %scan3A_57, %mul3A_856 : i32
        %add3A_858 = arith.constant 9 : i32
        %add3A_859 = arith.addi %mul3A_857, %add3A_858 : i32
        %get3A_860 = arith.index_cast %add3A_859 : i32 to index
        %get3A_861 = arith.constant 0 : index
        %get3A_862 = tpu.vector_load %arg10[%get3A_860, %get3A_861] {strides = array<i32>} : memref<128x128xf32, #tpu.memory_space<vmem>>, vector<1x16xf32>,
        %get3A_863 = vector.shape_cast %get3A_862 : vector<1x16xf32> to vector<16xf32>
        %mul3A_864 = arith.mulf %get3A_863, %gather3A_855 : vector<16xf32>
        %swap3A_865 = arith.index_cast %add3A_859 : i32 to index
        %swap3A_866 = arith.constant 0 : index
        %swap3A_867 = tpu.vector_load %arg10[%swap3A_865, %swap3A_866] {strides = array<i32>} : memref<128x128xf32, #tpu.memory_space<vmem>>, vector<1x16xf32>,
        %swap3A_868 = vector.shape_cast %swap3A_867 : vector<1x16xf32> to vector<16xf32>
        %swap3A_869 = vector.shape_cast %mul3A_864 : vector<16xf32> to vector<1x16xf32>
        tpu.vector_store %arg10[%swap3A_865, %swap3A_866], %swap3A_869 {strides = array<i32>} : memref<128x128xf32, #tpu.memory_space<vmem>>, vector<1x16xf32>,
        %get3A_870 = arith.index_cast %add3A_859 : i32 to index
        %get3A_871 = arith.constant 16 : index
        %get3A_872 = tpu.vector_load %arg10[%get3A_870, %get3A_871] {strides = array<i32>} : memref<128x128xf32, #tpu.memory_space<vmem>>, vector<1x16xf32>,
        %get3A_873 = vector.shape_cast %get3A_872 : vector<1x16xf32> to vector<16xf32>
        %mul3A_874 = arith.mulf %get3A_873, %gather3A_855 : vector<16xf32>
        %swap3A_875 = arith.index_cast %add3A_859 : i32 to index
        %swap3A_876 = arith.constant 16 : index
        %swap3A_877 = tpu.vector_load %arg10[%swap3A_875, %swap3A_876] {strides = array<i32>} : memref<128x128xf32, #tpu.memory_space<vmem>>, vector<1x16xf32>,
        %swap3A_878 = vector.shape_cast %swap3A_877 : vector<1x16xf32> to vector<16xf32>
        %swap3A_879 = vector.shape_cast %mul3A_874 : vector<16xf32> to vector<1x16xf32>
        tpu.vector_store %arg10[%swap3A_875, %swap3A_876], %swap3A_879 {strides = array<i32>} : memref<128x128xf32, #tpu.memory_space<vmem>>, vector<1x16xf32>,
        %get3A_880 = arith.index_cast %add3A_859 : i32 to index
        %get3A_881 = arith.constant 32 : index
        %get3A_882 = tpu.vector_load %arg10[%get3A_880, %get3A_881] {strides = array<i32>} : memref<128x128xf32, #tpu.memory_space<vmem>>, vector<1x16xf32>,
        %get3A_883 = vector.shape_cast %get3A_882 : vector<1x16xf32> to vector<16xf32>
        %mul3A_884 = arith.mulf %get3A_883, %gather3A_855 : vector<16xf32>
        %swap3A_885 = arith.index_cast %add3A_859 : i32 to index
        %swap3A_886 = arith.constant 32 : index
        %swap3A_887 = tpu.vector_load %arg10[%swap3A_885, %swap3A_886] {strides = array<i32>} : memref<128x128xf32, #tpu.memory_space<vmem>>, vector<1x16xf32>,
        %swap3A_888 = vector.shape_cast %swap3A_887 : vector<1x16xf32> to vector<16xf32>
        %swap3A_889 = vector.shape_cast %mul3A_884 : vector<16xf32> to vector<1x16xf32>
        tpu.vector_store %arg10[%swap3A_885, %swap3A_886], %swap3A_889 {strides = array<i32>} : memref<128x128xf32, #tpu.memory_space<vmem>>, vector<1x16xf32>,
        %get3A_890 = arith.index_cast %add3A_859 : i32 to index
        %get3A_891 = arith.constant 48 : index
        %get3A_892 = tpu.vector_load %arg10[%get3A_890, %get3A_891] {strides = array<i32>} : memref<128x128xf32, #tpu.memory_space<vmem>>, vector<1x16xf32>,
        %get3A_893 = vector.shape_cast %get3A_892 : vector<1x16xf32> to vector<16xf32>
        %mul3A_894 = arith.mulf %get3A_893, %gather3A_855 : vector<16xf32>
        %swap3A_895 = arith.index_cast %add3A_859 : i32 to index
        %swap3A_896 = arith.constant 48 : index
        %swap3A_897 = tpu.vector_load %arg10[%swap3A_895, %swap3A_896] {strides = array<i32>} : memref<128x128xf32, #tpu.memory_space<vmem>>, vector<1x16xf32>,
        %swap3A_898 = vector.shape_cast %swap3A_897 : vector<1x16xf32> to vector<16xf32>
        %swap3A_899 = vector.shape_cast %mul3A_894 : vector<16xf32> to vector<1x16xf32>
        tpu.vector_store %arg10[%swap3A_895, %swap3A_896], %swap3A_899 {strides = array<i32>} : memref<128x128xf32, #tpu.memory_space<vmem>>, vector<1x16xf32>,
        %get3A_900 = arith.index_cast %add3A_859 : i32 to index
        %get3A_901 = arith.constant 64 : index
        %get3A_902 = tpu.vector_load %arg10[%get3A_900, %get3A_901] {strides = array<i32>} : memref<128x128xf32, #tpu.memory_space<vmem>>, vector<1x16xf32>,
        %get3A_903 = vector.shape_cast %get3A_902 : vector<1x16xf32> to vector<16xf32>
        %mul3A_904 = arith.mulf %get3A_903, %gather3A_855 : vector<16xf32>
        %swap3A_905 = arith.index_cast %add3A_859 : i32 to index
        %swap3A_906 = arith.constant 64 : index
        %swap3A_907 = tpu.vector_load %arg10[%swap3A_905, %swap3A_906] {strides = array<i32>} : memref<128x128xf32, #tpu.memory_space<vmem>>, vector<1x16xf32>,
        %swap3A_908 = vector.shape_cast %swap3A_907 : vector<1x16xf32> to vector<16xf32>
        %swap3A_909 = vector.shape_cast %mul3A_904 : vector<16xf32> to vector<1x16xf32>
        tpu.vector_store %arg10[%swap3A_905, %swap3A_906], %swap3A_909 {strides = array<i32>} : memref<128x128xf32, #tpu.memory_space<vmem>>, vector<1x16xf32>,
        %get3A_910 = arith.index_cast %add3A_859 : i32 to index
        %get3A_911 = arith.constant 80 : index
        %get3A_912 = tpu.vector_load %arg10[%get3A_910, %get3A_911] {strides = array<i32>} : memref<128x128xf32, #tpu.memory_space<vmem>>, vector<1x16xf32>,
        %get3A_913 = vector.shape_cast %get3A_912 : vector<1x16xf32> to vector<16xf32>
        %mul3A_914 = arith.mulf %get3A_913, %gather3A_855 : vector<16xf32>
        %swap3A_915 = arith.index_cast %add3A_859 : i32 to index
        %swap3A_916 = arith.constant 80 : index
        %swap3A_917 = tpu.vector_load %arg10[%swap3A_915, %swap3A_916] {strides = array<i32>} : memref<128x128xf32, #tpu.memory_space<vmem>>, vector<1x16xf32>,
        %swap3A_918 = vector.shape_cast %swap3A_917 : vector<1x16xf32> to vector<16xf32>
        %swap3A_919 = vector.shape_cast %mul3A_914 : vector<16xf32> to vector<1x16xf32>
        tpu.vector_store %arg10[%swap3A_915, %swap3A_916], %swap3A_919 {strides = array<i32>} : memref<128x128xf32, #tpu.memory_space<vmem>>, vector<1x16xf32>,
        %get3A_920 = arith.index_cast %add3A_859 : i32 to index
        %get3A_921 = arith.constant 96 : index
        %get3A_922 = tpu.vector_load %arg10[%get3A_920, %get3A_921] {strides = array<i32>} : memref<128x128xf32, #tpu.memory_space<vmem>>, vector<1x16xf32>,
        %get3A_923 = vector.shape_cast %get3A_922 : vector<1x16xf32> to vector<16xf32>
        %mul3A_924 = arith.mulf %get3A_923, %gather3A_855 : vector<16xf32>
        %swap3A_925 = arith.index_cast %add3A_859 : i32 to index
        %swap3A_926 = arith.constant 96 : index
        %swap3A_927 = tpu.vector_load %arg10[%swap3A_925, %swap3A_926] {strides = array<i32>} : memref<128x128xf32, #tpu.memory_space<vmem>>, vector<1x16xf32>,
        %swap3A_928 = vector.shape_cast %swap3A_927 : vector<1x16xf32> to vector<16xf32>
        %swap3A_929 = vector.shape_cast %mul3A_924 : vector<16xf32> to vector<1x16xf32>
        tpu.vector_store %arg10[%swap3A_925, %swap3A_926], %swap3A_929 {strides = array<i32>} : memref<128x128xf32, #tpu.memory_space<vmem>>, vector<1x16xf32>,
        %get3A_930 = arith.index_cast %add3A_859 : i32 to index
        %get3A_931 = arith.constant 112 : index
        %get3A_932 = tpu.vector_load %arg10[%get3A_930, %get3A_931] {strides = array<i32>} : memref<128x128xf32, #tpu.memory_space<vmem>>, vector<1x16xf32>,
        %get3A_933 = vector.shape_cast %get3A_932 : vector<1x16xf32> to vector<16xf32>
        %mul3A_934 = arith.mulf %get3A_933, %gather3A_855 : vector<16xf32>
        %swap3A_935 = arith.index_cast %add3A_859 : i32 to index
        %swap3A_936 = arith.constant 112 : index
        %swap3A_937 = tpu.vector_load %arg10[%swap3A_935, %swap3A_936] {strides = array<i32>} : memref<128x128xf32, #tpu.memory_space<vmem>>, vector<1x16xf32>,
        %swap3A_938 = vector.shape_cast %swap3A_937 : vector<1x16xf32> to vector<16xf32>
        %swap3A_939 = vector.shape_cast %mul3A_934 : vector<16xf32> to vector<1x16xf32>
        tpu.vector_store %arg10[%swap3A_935, %swap3A_936], %swap3A_939 {strides = array<i32>} : memref<128x128xf32, #tpu.memory_space<vmem>>, vector<1x16xf32>,
        %broadcast_in_dim3A_940 = arith.constant 10 : i32
        %broadcast_in_dim3A_941 = vector.broadcast %broadcast_in_dim3A_940 : i32 to vector<16x1xi32>
        %gather3A_942 = vector.shape_cast %broadcast_in_dim3A_941 : vector<16x1xi32> to vector<16xi32>
        %gather3A_943 = tpu.dynamic_gather %get3A_62[%gather3A_942] in [0] : vector<16xf32>, vector<16xi32> -> vector<16xf32>
        %mul3A_944 = arith.constant 16 : i32
        %mul3A_945 = arith.muli %scan3A_57, %mul3A_944 : i32
        %add3A_946 = arith.constant 10 : i32
        %add3A_947 = arith.addi %mul3A_945, %add3A_946 : i32
        %get3A_948 = arith.index_cast %add3A_947 : i32 to index
        %get3A_949 = arith.constant 0 : index
        %get3A_950 = tpu.vector_load %arg10[%get3A_948, %get3A_949] {strides = array<i32>} : memref<128x128xf32, #tpu.memory_space<vmem>>, vector<1x16xf32>,
        %get3A_951 = vector.shape_cast %get3A_950 : vector<1x16xf32> to vector<16xf32>
        %mul3A_952 = arith.mulf %get3A_951, %gather3A_943 : vector<16xf32>
        %swap3A_953 = arith.index_cast %add3A_947 : i32 to index
        %swap3A_954 = arith.constant 0 : index
        %swap3A_955 = tpu.vector_load %arg10[%swap3A_953, %swap3A_954] {strides = array<i32>} : memref<128x128xf32, #tpu.memory_space<vmem>>, vector<1x16xf32>,
        %swap3A_956 = vector.shape_cast %swap3A_955 : vector<1x16xf32> to vector<16xf32>
        %swap3A_957 = vector.shape_cast %mul3A_952 : vector<16xf32> to vector<1x16xf32>
        tpu.vector_store %arg10[%swap3A_953, %swap3A_954], %swap3A_957 {strides = array<i32>} : memref<128x128xf32, #tpu.memory_space<vmem>>, vector<1x16xf32>,
        %get3A_958 = arith.index_cast %add3A_947 : i32 to index
        %get3A_959 = arith.constant 16 : index
        %get3A_960 = tpu.vector_load %arg10[%get3A_958, %get3A_959] {strides = array<i32>} : memref<128x128xf32, #tpu.memory_space<vmem>>, vector<1x16xf32>,
        %get3A_961 = vector.shape_cast %get3A_960 : vector<1x16xf32> to vector<16xf32>
        %mul3A_962 = arith.mulf %get3A_961, %gather3A_943 : vector<16xf32>
        %swap3A_963 = arith.index_cast %add3A_947 : i32 to index
        %swap3A_964 = arith.constant 16 : index
        %swap3A_965 = tpu.vector_load %arg10[%swap3A_963, %swap3A_964] {strides = array<i32>} : memref<128x128xf32, #tpu.memory_space<vmem>>, vector<1x16xf32>,
        %swap3A_966 = vector.shape_cast %swap3A_965 : vector<1x16xf32> to vector<16xf32>
        %swap3A_967 = vector.shape_cast %mul3A_962 : vector<16xf32> to vector<1x16xf32>
        tpu.vector_store %arg10[%swap3A_963, %swap3A_964], %swap3A_967 {strides = array<i32>} : memref<128x128xf32, #tpu.memory_space<vmem>>, vector<1x16xf32>,
        %get3A_968 = arith.index_cast %add3A_947 : i32 to index
        %get3A_969 = arith.constant 32 : index
        %get3A_970 = tpu.vector_load %arg10[%get3A_968, %get3A_969] {strides = array<i32>} : memref<128x128xf32, #tpu.memory_space<vmem>>, vector<1x16xf32>,
        %get3A_971 = vector.shape_cast %get3A_970 : vector<1x16xf32> to vector<16xf32>
        %mul3A_972 = arith.mulf %get3A_971, %gather3A_943 : vector<16xf32>
        %swap3A_973 = arith.index_cast %add3A_947 : i32 to index
        %swap3A_974 = arith.constant 32 : index
        %swap3A_975 = tpu.vector_load %arg10[%swap3A_973, %swap3A_974] {strides = array<i32>} : memref<128x128xf32, #tpu.memory_space<vmem>>, vector<1x16xf32>,
        %swap3A_976 = vector.shape_cast %swap3A_975 : vector<1x16xf32> to vector<16xf32>
        %swap3A_977 = vector.shape_cast %mul3A_972 : vector<16xf32> to vector<1x16xf32>
        tpu.vector_store %arg10[%swap3A_973, %swap3A_974], %swap3A_977 {strides = array<i32>} : memref<128x128xf32, #tpu.memory_space<vmem>>, vector<1x16xf32>,
        %get3A_978 = arith.index_cast %add3A_947 : i32 to index
        %get3A_979 = arith.constant 48 : index
        %get3A_980 = tpu.vector_load %arg10[%get3A_978, %get3A_979] {strides = array<i32>} : memref<128x128xf32, #tpu.memory_space<vmem>>, vector<1x16xf32>,
        %get3A_981 = vector.shape_cast %get3A_980 : vector<1x16xf32> to vector<16xf32>
        %mul3A_982 = arith.mulf %get3A_981, %gather3A_943 : vector<16xf32>
        %swap3A_983 = arith.index_cast %add3A_947 : i32 to index
        %swap3A_984 = arith.constant 48 : index
        %swap3A_985 = tpu.vector_load %arg10[%swap3A_983, %swap3A_984] {strides = array<i32>} : memref<128x128xf32, #tpu.memory_space<vmem>>, vector<1x16xf32>,
        %swap3A_986 = vector.shape_cast %swap3A_985 : vector<1x16xf32> to vector<16xf32>
        %swap3A_987 = vector.shape_cast %mul3A_982 : vector<16xf32> to vector<1x16xf32>
        tpu.vector_store %arg10[%swap3A_983, %swap3A_984], %swap3A_987 {strides = array<i32>} : memref<128x128xf32, #tpu.memory_space<vmem>>, vector<1x16xf32>,
        %get3A_988 = arith.index_cast %add3A_947 : i32 to index
        %get3A_989 = arith.constant 64 : index
        %get3A_990 = tpu.vector_load %arg10[%get3A_988, %get3A_989] {strides = array<i32>} : memref<128x128xf32, #tpu.memory_space<vmem>>, vector<1x16xf32>,
        %get3A_991 = vector.shape_cast %get3A_990 : vector<1x16xf32> to vector<16xf32>
        %mul3A_992 = arith.mulf %get3A_991, %gather3A_943 : vector<16xf32>
        %swap3A_993 = arith.index_cast %add3A_947 : i32 to index
        %swap3A_994 = arith.constant 64 : index
        %swap3A_995 = tpu.vector_load %arg10[%swap3A_993, %swap3A_994] {strides = array<i32>} : memref<128x128xf32, #tpu.memory_space<vmem>>, vector<1x16xf32>,
        %swap3A_996 = vector.shape_cast %swap3A_995 : vector<1x16xf32> to vector<16xf32>
        %swap3A_997 = vector.shape_cast %mul3A_992 : vector<16xf32> to vector<1x16xf32>
        tpu.vector_store %arg10[%swap3A_993, %swap3A_994], %swap3A_997 {strides = array<i32>} : memref<128x128xf32, #tpu.memory_space<vmem>>, vector<1x16xf32>,
        %get3A_998 = arith.index_cast %add3A_947 : i32 to index
        %get3A_999 = arith.constant 80 : index
        %get3A_1000 = tpu.vector_load %arg10[%get3A_998, %get3A_999] {strides = array<i32>} : memref<128x128xf32, #tpu.memory_space<vmem>>, vector<1x16xf32>,
        %get3A_1001 = vector.shape_cast %get3A_1000 : vector<1x16xf32> to vector<16xf32>
        %mul3A_1002 = arith.mulf %get3A_1001, %gather3A_943 : vector<16xf32>
        %swap3A_1003 = arith.index_cast %add3A_947 : i32 to index
        %swap3A_1004 = arith.constant 80 : index
        %swap3A_1005 = tpu.vector_load %arg10[%swap3A_1003, %swap3A_1004] {strides = array<i32>} : memref<128x128xf32, #tpu.memory_space<vmem>>, vector<1x16xf32>,
        %swap3A_1006 = vector.shape_cast %swap3A_1005 : vector<1x16xf32> to vector<16xf32>
        %swap3A_1007 = vector.shape_cast %mul3A_1002 : vector<16xf32> to vector<1x16xf32>
        tpu.vector_store %arg10[%swap3A_1003, %swap3A_1004], %swap3A_1007 {strides = array<i32>} : memref<128x128xf32, #tpu.memory_space<vmem>>, vector<1x16xf32>,
        %get3A_1008 = arith.index_cast %add3A_947 : i32 to index
        %get3A_1009 = arith.constant 96 : index
        %get3A_1010 = tpu.vector_load %arg10[%get3A_1008, %get3A_1009] {strides = array<i32>} : memref<128x128xf32, #tpu.memory_space<vmem>>, vector<1x16xf32>,
        %get3A_1011 = vector.shape_cast %get3A_1010 : vector<1x16xf32> to vector<16xf32>
        %mul3A_1012 = arith.mulf %get3A_1011, %gather3A_943 : vector<16xf32>
        %swap3A_1013 = arith.index_cast %add3A_947 : i32 to index
        %swap3A_1014 = arith.constant 96 : index
        %swap3A_1015 = tpu.vector_load %arg10[%swap3A_1013, %swap3A_1014] {strides = array<i32>} : memref<128x128xf32, #tpu.memory_space<vmem>>, vector<1x16xf32>,
        %swap3A_1016 = vector.shape_cast %swap3A_1015 : vector<1x16xf32> to vector<16xf32>
        %swap3A_1017 = vector.shape_cast %mul3A_1012 : vector<16xf32> to vector<1x16xf32>
        tpu.vector_store %arg10[%swap3A_1013, %swap3A_1014], %swap3A_1017 {strides = array<i32>} : memref<128x128xf32, #tpu.memory_space<vmem>>, vector<1x16xf32>,
        %get3A_1018 = arith.index_cast %add3A_947 : i32 to index
        %get3A_1019 = arith.constant 112 : index
        %get3A_1020 = tpu.vector_load %arg10[%get3A_1018, %get3A_1019] {strides = array<i32>} : memref<128x128xf32, #tpu.memory_space<vmem>>, vector<1x16xf32>,
        %get3A_1021 = vector.shape_cast %get3A_1020 : vector<1x16xf32> to vector<16xf32>
        %mul3A_1022 = arith.mulf %get3A_1021, %gather3A_943 : vector<16xf32>
        %swap3A_1023 = arith.index_cast %add3A_947 : i32 to index
        %swap3A_1024 = arith.constant 112 : index
        %swap3A_1025 = tpu.vector_load %arg10[%swap3A_1023, %swap3A_1024] {strides = array<i32>} : memref<128x128xf32, #tpu.memory_space<vmem>>, vector<1x16xf32>,
        %swap3A_1026 = vector.shape_cast %swap3A_1025 : vector<1x16xf32> to vector<16xf32>
        %swap3A_1027 = vector.shape_cast %mul3A_1022 : vector<16xf32> to vector<1x16xf32>
        tpu.vector_store %arg10[%swap3A_1023, %swap3A_1024], %swap3A_1027 {strides = array<i32>} : memref<128x128xf32, #tpu.memory_space<vmem>>, vector<1x16xf32>,
        %broadcast_in_dim3A_1028 = arith.constant 11 : i32
        %broadcast_in_dim3A_1029 = vector.broadcast %broadcast_in_dim3A_1028 : i32 to vector<16x1xi32>
        %gather3A_1030 = vector.shape_cast %broadcast_in_dim3A_1029 : vector<16x1xi32> to vector<16xi32>
        %gather3A_1031 = tpu.dynamic_gather %get3A_62[%gather3A_1030] in [0] : vector<16xf32>, vector<16xi32> -> vector<16xf32>
        %mul3A_1032 = arith.constant 16 : i32
        %mul3A_1033 = arith.muli %scan3A_57, %mul3A_1032 : i32
        %add3A_1034 = arith.constant 11 : i32
        %add3A_1035 = arith.addi %mul3A_1033, %add3A_1034 : i32
        %get3A_1036 = arith.index_cast %add3A_1035 : i32 to index
        %get3A_1037 = arith.constant 0 : index
        %get3A_1038 = tpu.vector_load %arg10[%get3A_1036, %get3A_1037] {strides = array<i32>} : memref<128x128xf32, #tpu.memory_space<vmem>>, vector<1x16xf32>,
        %get3A_1039 = vector.shape_cast %get3A_1038 : vector<1x16xf32> to vector<16xf32>
        %mul3A_1040 = arith.mulf %get3A_1039, %gather3A_1031 : vector<16xf32>
        %swap3A_1041 = arith.index_cast %add3A_1035 : i32 to index
        %swap3A_1042 = arith.constant 0 : index
        %swap3A_1043 = tpu.vector_load %arg10[%swap3A_1041, %swap3A_1042] {strides = array<i32>} : memref<128x128xf32, #tpu.memory_space<vmem>>, vector<1x16xf32>,
        %swap3A_1044 = vector.shape_cast %swap3A_1043 : vector<1x16xf32> to vector<16xf32>
        %swap3A_1045 = vector.shape_cast %mul3A_1040 : vector<16xf32> to vector<1x16xf32>
        tpu.vector_store %arg10[%swap3A_1041, %swap3A_1042], %swap3A_1045 {strides = array<i32>} : memref<128x128xf32, #tpu.memory_space<vmem>>, vector<1x16xf32>,
        %get3A_1046 = arith.index_cast %add3A_1035 : i32 to index
        %get3A_1047 = arith.constant 16 : index
        %get3A_1048 = tpu.vector_load %arg10[%get3A_1046, %get3A_1047] {strides = array<i32>} : memref<128x128xf32, #tpu.memory_space<vmem>>, vector<1x16xf32>,
        %get3A_1049 = vector.shape_cast %get3A_1048 : vector<1x16xf32> to vector<16xf32>
        %mul3A_1050 = arith.mulf %get3A_1049, %gather3A_1031 : vector<16xf32>
        %swap3A_1051 = arith.index_cast %add3A_1035 : i32 to index
        %swap3A_1052 = arith.constant 16 : index
        %swap3A_1053 = tpu.vector_load %arg10[%swap3A_1051, %swap3A_1052] {strides = array<i32>} : memref<128x128xf32, #tpu.memory_space<vmem>>, vector<1x16xf32>,
        %swap3A_1054 = vector.shape_cast %swap3A_1053 : vector<1x16xf32> to vector<16xf32>
        %swap3A_1055 = vector.shape_cast %mul3A_1050 : vector<16xf32> to vector<1x16xf32>
        tpu.vector_store %arg10[%swap3A_1051, %swap3A_1052], %swap3A_1055 {strides = array<i32>} : memref<128x128xf32, #tpu.memory_space<vmem>>, vector<1x16xf32>,
        %get3A_1056 = arith.index_cast %add3A_1035 : i32 to index
        %get3A_1057 = arith.constant 32 : index
        %get3A_1058 = tpu.vector_load %arg10[%get3A_1056, %get3A_1057] {strides = array<i32>} : memref<128x128xf32, #tpu.memory_space<vmem>>, vector<1x16xf32>,
        %get3A_1059 = vector.shape_cast %get3A_1058 : vector<1x16xf32> to vector<16xf32>
        %mul3A_1060 = arith.mulf %get3A_1059, %gather3A_1031 : vector<16xf32>
        %swap3A_1061 = arith.index_cast %add3A_1035 : i32 to index
        %swap3A_1062 = arith.constant 32 : index
        %swap3A_1063 = tpu.vector_load %arg10[%swap3A_1061, %swap3A_1062] {strides = array<i32>} : memref<128x128xf32, #tpu.memory_space<vmem>>, vector<1x16xf32>,
        %swap3A_1064 = vector.shape_cast %swap3A_1063 : vector<1x16xf32> to vector<16xf32>
        %swap3A_1065 = vector.shape_cast %mul3A_1060 : vector<16xf32> to vector<1x16xf32>
        tpu.vector_store %arg10[%swap3A_1061, %swap3A_1062], %swap3A_1065 {strides = array<i32>} : memref<128x128xf32, #tpu.memory_space<vmem>>, vector<1x16xf32>,
        %get3A_1066 = arith.index_cast %add3A_1035 : i32 to index
        %get3A_1067 = arith.constant 48 : index
        %get3A_1068 = tpu.vector_load %arg10[%get3A_1066, %get3A_1067] {strides = array<i32>} : memref<128x128xf32, #tpu.memory_space<vmem>>, vector<1x16xf32>,
        %get3A_1069 = vector.shape_cast %get3A_1068 : vector<1x16xf32> to vector<16xf32>
        %mul3A_1070 = arith.mulf %get3A_1069, %gather3A_1031 : vector<16xf32>
        %swap3A_1071 = arith.index_cast %add3A_1035 : i32 to index
        %swap3A_1072 = arith.constant 48 : index
        %swap3A_1073 = tpu.vector_load %arg10[%swap3A_1071, %swap3A_1072] {strides = array<i32>} : memref<128x128xf32, #tpu.memory_space<vmem>>, vector<1x16xf32>,
        %swap3A_1074 = vector.shape_cast %swap3A_1073 : vector<1x16xf32> to vector<16xf32>
        %swap3A_1075 = vector.shape_cast %mul3A_1070 : vector<16xf32> to vector<1x16xf32>
        tpu.vector_store %arg10[%swap3A_1071, %swap3A_1072], %swap3A_1075 {strides = array<i32>} : memref<128x128xf32, #tpu.memory_space<vmem>>, vector<1x16xf32>,
        %get3A_1076 = arith.index_cast %add3A_1035 : i32 to index
        %get3A_1077 = arith.constant 64 : index
        %get3A_1078 = tpu.vector_load %arg10[%get3A_1076, %get3A_1077] {strides = array<i32>} : memref<128x128xf32, #tpu.memory_space<vmem>>, vector<1x16xf32>,
        %get3A_1079 = vector.shape_cast %get3A_1078 : vector<1x16xf32> to vector<16xf32>
        %mul3A_1080 = arith.mulf %get3A_1079, %gather3A_1031 : vector<16xf32>
        %swap3A_1081 = arith.index_cast %add3A_1035 : i32 to index
        %swap3A_1082 = arith.constant 64 : index
        %swap3A_1083 = tpu.vector_load %arg10[%swap3A_1081, %swap3A_1082] {strides = array<i32>} : memref<128x128xf32, #tpu.memory_space<vmem>>, vector<1x16xf32>,
        %swap3A_1084 = vector.shape_cast %swap3A_1083 : vector<1x16xf32> to vector<16xf32>
        %swap3A_1085 = vector.shape_cast %mul3A_1080 : vector<16xf32> to vector<1x16xf32>
        tpu.vector_store %arg10[%swap3A_1081, %swap3A_1082], %swap3A_1085 {strides = array<i32>} : memref<128x128xf32, #tpu.memory_space<vmem>>, vector<1x16xf32>,
        %get3A_1086 = arith.index_cast %add3A_1035 : i32 to index
        %get3A_1087 = arith.constant 80 : index
        %get3A_1088 = tpu.vector_load %arg10[%get3A_1086, %get3A_1087] {strides = array<i32>} : memref<128x128xf32, #tpu.memory_space<vmem>>, vector<1x16xf32>,
        %get3A_1089 = vector.shape_cast %get3A_1088 : vector<1x16xf32> to vector<16xf32>
        %mul3A_1090 = arith.mulf %get3A_1089, %gather3A_1031 : vector<16xf32>
        %swap3A_1091 = arith.index_cast %add3A_1035 : i32 to index
        %swap3A_1092 = arith.constant 80 : index
        %swap3A_1093 = tpu.vector_load %arg10[%swap3A_1091, %swap3A_1092] {strides = array<i32>} : memref<128x128xf32, #tpu.memory_space<vmem>>, vector<1x16xf32>,
        %swap3A_1094 = vector.shape_cast %swap3A_1093 : vector<1x16xf32> to vector<16xf32>
        %swap3A_1095 = vector.shape_cast %mul3A_1090 : vector<16xf32> to vector<1x16xf32>
        tpu.vector_store %arg10[%swap3A_1091, %swap3A_1092], %swap3A_1095 {strides = array<i32>} : memref<128x128xf32, #tpu.memory_space<vmem>>, vector<1x16xf32>,
        %get3A_1096 = arith.index_cast %add3A_1035 : i32 to index
        %get3A_1097 = arith.constant 96 : index
        %get3A_1098 = tpu.vector_load %arg10[%get3A_1096, %get3A_1097] {strides = array<i32>} : memref<128x128xf32, #tpu.memory_space<vmem>>, vector<1x16xf32>,
        %get3A_1099 = vector.shape_cast %get3A_1098 : vector<1x16xf32> to vector<16xf32>
        %mul3A_1100 = arith.mulf %get3A_1099, %gather3A_1031 : vector<16xf32>
        %swap3A_1101 = arith.index_cast %add3A_1035 : i32 to index
        %swap3A_1102 = arith.constant 96 : index
        %swap3A_1103 = tpu.vector_load %arg10[%swap3A_1101, %swap3A_1102] {strides = array<i32>} : memref<128x128xf32, #tpu.memory_space<vmem>>, vector<1x16xf32>,
        %swap3A_1104 = vector.shape_cast %swap3A_1103 : vector<1x16xf32> to vector<16xf32>
        %swap3A_1105 = vector.shape_cast %mul3A_1100 : vector<16xf32> to vector<1x16xf32>
        tpu.vector_store %arg10[%swap3A_1101, %swap3A_1102], %swap3A_1105 {strides = array<i32>} : memref<128x128xf32, #tpu.memory_space<vmem>>, vector<1x16xf32>,
        %get3A_1106 = arith.index_cast %add3A_1035 : i32 to index
        %get3A_1107 = arith.constant 112 : index
        %get3A_1108 = tpu.vector_load %arg10[%get3A_1106, %get3A_1107] {strides = array<i32>} : memref<128x128xf32, #tpu.memory_space<vmem>>, vector<1x16xf32>,
        %get3A_1109 = vector.shape_cast %get3A_1108 : vector<1x16xf32> to vector<16xf32>
        %mul3A_1110 = arith.mulf %get3A_1109, %gather3A_1031 : vector<16xf32>
        %swap3A_1111 = arith.index_cast %add3A_1035 : i32 to index
        %swap3A_1112 = arith.constant 112 : index
        %swap3A_1113 = tpu.vector_load %arg10[%swap3A_1111, %swap3A_1112] {strides = array<i32>} : memref<128x128xf32, #tpu.memory_space<vmem>>, vector<1x16xf32>,
        %swap3A_1114 = vector.shape_cast %swap3A_1113 : vector<1x16xf32> to vector<16xf32>
        %swap3A_1115 = vector.shape_cast %mul3A_1110 : vector<16xf32> to vector<1x16xf32>
        tpu.vector_store %arg10[%swap3A_1111, %swap3A_1112], %swap3A_1115 {strides = array<i32>} : memref<128x128xf32, #tpu.memory_space<vmem>>, vector<1x16xf32>,
        %broadcast_in_dim3A_1116 = arith.constant 12 : i32
        %broadcast_in_dim3A_1117 = vector.broadcast %broadcast_in_dim3A_1116 : i32 to vector<16x1xi32>
        %gather3A_1118 = vector.shape_cast %broadcast_in_dim3A_1117 : vector<16x1xi32> to vector<16xi32>
        %gather3A_1119 = tpu.dynamic_gather %get3A_62[%gather3A_1118] in [0] : vector<16xf32>, vector<16xi32> -> vector<16xf32>
        %mul3A_1120 = arith.constant 16 : i32
        %mul3A_1121 = arith.muli %scan3A_57, %mul3A_1120 : i32
        %add3A_1122 = arith.constant 12 : i32
        %add3A_1123 = arith.addi %mul3A_1121, %add3A_1122 : i32
        %get3A_1124 = arith.index_cast %add3A_1123 : i32 to index
        %get3A_1125 = arith.constant 0 : index
        %get3A_1126 = tpu.vector_load %arg10[%get3A_1124, %get3A_1125] {strides = array<i32>} : memref<128x128xf32, #tpu.memory_space<vmem>>, vector<1x16xf32>,
        %get3A_1127 = vector.shape_cast %get3A_1126 : vector<1x16xf32> to vector<16xf32>
        %mul3A_1128 = arith.mulf %get3A_1127, %gather3A_1119 : vector<16xf32>
        %swap3A_1129 = arith.index_cast %add3A_1123 : i32 to index
        %swap3A_1130 = arith.constant 0 : index
        %swap3A_1131 = tpu.vector_load %arg10[%swap3A_1129, %swap3A_1130] {strides = array<i32>} : memref<128x128xf32, #tpu.memory_space<vmem>>, vector<1x16xf32>,
        %swap3A_1132 = vector.shape_cast %swap3A_1131 : vector<1x16xf32> to vector<16xf32>
        %swap3A_1133 = vector.shape_cast %mul3A_1128 : vector<16xf32> to vector<1x16xf32>
        tpu.vector_store %arg10[%swap3A_1129, %swap3A_1130], %swap3A_1133 {strides = array<i32>} : memref<128x128xf32, #tpu.memory_space<vmem>>, vector<1x16xf32>,
        %get3A_1134 = arith.index_cast %add3A_1123 : i32 to index
        %get3A_1135 = arith.constant 16 : index
        %get3A_1136 = tpu.vector_load %arg10[%get3A_1134, %get3A_1135] {strides = array<i32>} : memref<128x128xf32, #tpu.memory_space<vmem>>, vector<1x16xf32>,
        %get3A_1137 = vector.shape_cast %get3A_1136 : vector<1x16xf32> to vector<16xf32>
        %mul3A_1138 = arith.mulf %get3A_1137, %gather3A_1119 : vector<16xf32>
        %swap3A_1139 = arith.index_cast %add3A_1123 : i32 to index
        %swap3A_1140 = arith.constant 16 : index
        %swap3A_1141 = tpu.vector_load %arg10[%swap3A_1139, %swap3A_1140] {strides = array<i32>} : memref<128x128xf32, #tpu.memory_space<vmem>>, vector<1x16xf32>,
        %swap3A_1142 = vector.shape_cast %swap3A_1141 : vector<1x16xf32> to vector<16xf32>
        %swap3A_1143 = vector.shape_cast %mul3A_1138 : vector<16xf32> to vector<1x16xf32>
        tpu.vector_store %arg10[%swap3A_1139, %swap3A_1140], %swap3A_1143 {strides = array<i32>} : memref<128x128xf32, #tpu.memory_space<vmem>>, vector<1x16xf32>,
        %get3A_1144 = arith.index_cast %add3A_1123 : i32 to index
        %get3A_1145 = arith.constant 32 : index
        %get3A_1146 = tpu.vector_load %arg10[%get3A_1144, %get3A_1145] {strides = array<i32>} : memref<128x128xf32, #tpu.memory_space<vmem>>, vector<1x16xf32>,
        %get3A_1147 = vector.shape_cast %get3A_1146 : vector<1x16xf32> to vector<16xf32>
        %mul3A_1148 = arith.mulf %get3A_1147, %gather3A_1119 : vector<16xf32>
        %swap3A_1149 = arith.index_cast %add3A_1123 : i32 to index
        %swap3A_1150 = arith.constant 32 : index
        %swap3A_1151 = tpu.vector_load %arg10[%swap3A_1149, %swap3A_1150] {strides = array<i32>} : memref<128x128xf32, #tpu.memory_space<vmem>>, vector<1x16xf32>,
        %swap3A_1152 = vector.shape_cast %swap3A_1151 : vector<1x16xf32> to vector<16xf32>
        %swap3A_1153 = vector.shape_cast %mul3A_1148 : vector<16xf32> to vector<1x16xf32>
        tpu.vector_store %arg10[%swap3A_1149, %swap3A_1150], %swap3A_1153 {strides = array<i32>} : memref<128x128xf32, #tpu.memory_space<vmem>>, vector<1x16xf32>,
        %get3A_1154 = arith.index_cast %add3A_1123 : i32 to index
        %get3A_1155 = arith.constant 48 : index
        %get3A_1156 = tpu.vector_load %arg10[%get3A_1154, %get3A_1155] {strides = array<i32>} : memref<128x128xf32, #tpu.memory_space<vmem>>, vector<1x16xf32>,
        %get3A_1157 = vector.shape_cast %get3A_1156 : vector<1x16xf32> to vector<16xf32>
        %mul3A_1158 = arith.mulf %get3A_1157, %gather3A_1119 : vector<16xf32>
        %swap3A_1159 = arith.index_cast %add3A_1123 : i32 to index
        %swap3A_1160 = arith.constant 48 : index
        %swap3A_1161 = tpu.vector_load %arg10[%swap3A_1159, %swap3A_1160] {strides = array<i32>} : memref<128x128xf32, #tpu.memory_space<vmem>>, vector<1x16xf32>,
        %swap3A_1162 = vector.shape_cast %swap3A_1161 : vector<1x16xf32> to vector<16xf32>
        %swap3A_1163 = vector.shape_cast %mul3A_1158 : vector<16xf32> to vector<1x16xf32>
        tpu.vector_store %arg10[%swap3A_1159, %swap3A_1160], %swap3A_1163 {strides = array<i32>} : memref<128x128xf32, #tpu.memory_space<vmem>>, vector<1x16xf32>,
        %get3A_1164 = arith.index_cast %add3A_1123 : i32 to index
        %get3A_1165 = arith.constant 64 : index
        %get3A_1166 = tpu.vector_load %arg10[%get3A_1164, %get3A_1165] {strides = array<i32>} : memref<128x128xf32, #tpu.memory_space<vmem>>, vector<1x16xf32>,
        %get3A_1167 = vector.shape_cast %get3A_1166 : vector<1x16xf32> to vector<16xf32>
        %mul3A_1168 = arith.mulf %get3A_1167, %gather3A_1119 : vector<16xf32>
        %swap3A_1169 = arith.index_cast %add3A_1123 : i32 to index
        %swap3A_1170 = arith.constant 64 : index
        %swap3A_1171 = tpu.vector_load %arg10[%swap3A_1169, %swap3A_1170] {strides = array<i32>} : memref<128x128xf32, #tpu.memory_space<vmem>>, vector<1x16xf32>,
        %swap3A_1172 = vector.shape_cast %swap3A_1171 : vector<1x16xf32> to vector<16xf32>
        %swap3A_1173 = vector.shape_cast %mul3A_1168 : vector<16xf32> to vector<1x16xf32>
        tpu.vector_store %arg10[%swap3A_1169, %swap3A_1170], %swap3A_1173 {strides = array<i32>} : memref<128x128xf32, #tpu.memory_space<vmem>>, vector<1x16xf32>,
        %get3A_1174 = arith.index_cast %add3A_1123 : i32 to index
        %get3A_1175 = arith.constant 80 : index
        %get3A_1176 = tpu.vector_load %arg10[%get3A_1174, %get3A_1175] {strides = array<i32>} : memref<128x128xf32, #tpu.memory_space<vmem>>, vector<1x16xf32>,
        %get3A_1177 = vector.shape_cast %get3A_1176 : vector<1x16xf32> to vector<16xf32>
        %mul3A_1178 = arith.mulf %get3A_1177, %gather3A_1119 : vector<16xf32>
        %swap3A_1179 = arith.index_cast %add3A_1123 : i32 to index
        %swap3A_1180 = arith.constant 80 : index
        %swap3A_1181 = tpu.vector_load %arg10[%swap3A_1179, %swap3A_1180] {strides = array<i32>} : memref<128x128xf32, #tpu.memory_space<vmem>>, vector<1x16xf32>,
        %swap3A_1182 = vector.shape_cast %swap3A_1181 : vector<1x16xf32> to vector<16xf32>
        %swap3A_1183 = vector.shape_cast %mul3A_1178 : vector<16xf32> to vector<1x16xf32>
        tpu.vector_store %arg10[%swap3A_1179, %swap3A_1180], %swap3A_1183 {strides = array<i32>} : memref<128x128xf32, #tpu.memory_space<vmem>>, vector<1x16xf32>,
        %get3A_1184 = arith.index_cast %add3A_1123 : i32 to index
        %get3A_1185 = arith.constant 96 : index
        %get3A_1186 = tpu.vector_load %arg10[%get3A_1184, %get3A_1185] {strides = array<i32>} : memref<128x128xf32, #tpu.memory_space<vmem>>, vector<1x16xf32>,
        %get3A_1187 = vector.shape_cast %get3A_1186 : vector<1x16xf32> to vector<16xf32>
        %mul3A_1188 = arith.mulf %get3A_1187, %gather3A_1119 : vector<16xf32>
        %swap3A_1189 = arith.index_cast %add3A_1123 : i32 to index
        %swap3A_1190 = arith.constant 96 : index
        %swap3A_1191 = tpu.vector_load %arg10[%swap3A_1189, %swap3A_1190] {strides = array<i32>} : memref<128x128xf32, #tpu.memory_space<vmem>>, vector<1x16xf32>,
        %swap3A_1192 = vector.shape_cast %swap3A_1191 : vector<1x16xf32> to vector<16xf32>
        %swap3A_1193 = vector.shape_cast %mul3A_1188 : vector<16xf32> to vector<1x16xf32>
        tpu.vector_store %arg10[%swap3A_1189, %swap3A_1190], %swap3A_1193 {strides = array<i32>} : memref<128x128xf32, #tpu.memory_space<vmem>>, vector<1x16xf32>,
        %get3A_1194 = arith.index_cast %add3A_1123 : i32 to index
        %get3A_1195 = arith.constant 112 : index
        %get3A_1196 = tpu.vector_load %arg10[%get3A_1194, %get3A_1195] {strides = array<i32>} : memref<128x128xf32, #tpu.memory_space<vmem>>, vector<1x16xf32>,
        %get3A_1197 = vector.shape_cast %get3A_1196 : vector<1x16xf32> to vector<16xf32>
        %mul3A_1198 = arith.mulf %get3A_1197, %gather3A_1119 : vector<16xf32>
        %swap3A_1199 = arith.index_cast %add3A_1123 : i32 to index
        %swap3A_1200 = arith.constant 112 : index
        %swap3A_1201 = tpu.vector_load %arg10[%swap3A_1199, %swap3A_1200] {strides = array<i32>} : memref<128x128xf32, #tpu.memory_space<vmem>>, vector<1x16xf32>,
        %swap3A_1202 = vector.shape_cast %swap3A_1201 : vector<1x16xf32> to vector<16xf32>
        %swap3A_1203 = vector.shape_cast %mul3A_1198 : vector<16xf32> to vector<1x16xf32>
        tpu.vector_store %arg10[%swap3A_1199, %swap3A_1200], %swap3A_1203 {strides = array<i32>} : memref<128x128xf32, #tpu.memory_space<vmem>>, vector<1x16xf32>,
        %broadcast_in_dim3A_1204 = arith.constant 13 : i32
        %broadcast_in_dim3A_1205 = vector.broadcast %broadcast_in_dim3A_1204 : i32 to vector<16x1xi32>
        %gather3A_1206 = vector.shape_cast %broadcast_in_dim3A_1205 : vector<16x1xi32> to vector<16xi32>
        %gather3A_1207 = tpu.dynamic_gather %get3A_62[%gather3A_1206] in [0] : vector<16xf32>, vector<16xi32> -> vector<16xf32>
        %mul3A_1208 = arith.constant 16 : i32
        %mul3A_1209 = arith.muli %scan3A_57, %mul3A_1208 : i32
        %add3A_1210 = arith.constant 13 : i32
        %add3A_1211 = arith.addi %mul3A_1209, %add3A_1210 : i32
        %get3A_1212 = arith.index_cast %add3A_1211 : i32 to index
        %get3A_1213 = arith.constant 0 : index
        %get3A_1214 = tpu.vector_load %arg10[%get3A_1212, %get3A_1213] {strides = array<i32>} : memref<128x128xf32, #tpu.memory_space<vmem>>, vector<1x16xf32>,
        %get3A_1215 = vector.shape_cast %get3A_1214 : vector<1x16xf32> to vector<16xf32>
        %mul3A_1216 = arith.mulf %get3A_1215, %gather3A_1207 : vector<16xf32>
        %swap3A_1217 = arith.index_cast %add3A_1211 : i32 to index
        %swap3A_1218 = arith.constant 0 : index
        %swap3A_1219 = tpu.vector_load %arg10[%swap3A_1217, %swap3A_1218] {strides = array<i32>} : memref<128x128xf32, #tpu.memory_space<vmem>>, vector<1x16xf32>,
        %swap3A_1220 = vector.shape_cast %swap3A_1219 : vector<1x16xf32> to vector<16xf32>
        %swap3A_1221 = vector.shape_cast %mul3A_1216 : vector<16xf32> to vector<1x16xf32>
        tpu.vector_store %arg10[%swap3A_1217, %swap3A_1218], %swap3A_1221 {strides = array<i32>} : memref<128x128xf32, #tpu.memory_space<vmem>>, vector<1x16xf32>,
        %get3A_1222 = arith.index_cast %add3A_1211 : i32 to index
        %get3A_1223 = arith.constant 16 : index
        %get3A_1224 = tpu.vector_load %arg10[%get3A_1222, %get3A_1223] {strides = array<i32>} : memref<128x128xf32, #tpu.memory_space<vmem>>, vector<1x16xf32>,
        %get3A_1225 = vector.shape_cast %get3A_1224 : vector<1x16xf32> to vector<16xf32>
        %mul3A_1226 = arith.mulf %get3A_1225, %gather3A_1207 : vector<16xf32>
        %swap3A_1227 = arith.index_cast %add3A_1211 : i32 to index
        %swap3A_1228 = arith.constant 16 : index
        %swap3A_1229 = tpu.vector_load %arg10[%swap3A_1227, %swap3A_1228] {strides = array<i32>} : memref<128x128xf32, #tpu.memory_space<vmem>>, vector<1x16xf32>,
        %swap3A_1230 = vector.shape_cast %swap3A_1229 : vector<1x16xf32> to vector<16xf32>
        %swap3A_1231 = vector.shape_cast %mul3A_1226 : vector<16xf32> to vector<1x16xf32>
        tpu.vector_store %arg10[%swap3A_1227, %swap3A_1228], %swap3A_1231 {strides = array<i32>} : memref<128x128xf32, #tpu.memory_space<vmem>>, vector<1x16xf32>,
        %get3A_1232 = arith.index_cast %add3A_1211 : i32 to index
        %get3A_1233 = arith.constant 32 : index
        %get3A_1234 = tpu.vector_load %arg10[%get3A_1232, %get3A_1233] {strides = array<i32>} : memref<128x128xf32, #tpu.memory_space<vmem>>, vector<1x16xf32>,
        %get3A_1235 = vector.shape_cast %get3A_1234 : vector<1x16xf32> to vector<16xf32>
        %mul3A_1236 = arith.mulf %get3A_1235, %gather3A_1207 : vector<16xf32>
        %swap3A_1237 = arith.index_cast %add3A_1211 : i32 to index
        %swap3A_1238 = arith.constant 32 : index
        %swap3A_1239 = tpu.vector_load %arg10[%swap3A_1237, %swap3A_1238] {strides = array<i32>} : memref<128x128xf32, #tpu.memory_space<vmem>>, vector<1x16xf32>,
        %swap3A_1240 = vector.shape_cast %swap3A_1239 : vector<1x16xf32> to vector<16xf32>
        %swap3A_1241 = vector.shape_cast %mul3A_1236 : vector<16xf32> to vector<1x16xf32>
        tpu.vector_store %arg10[%swap3A_1237, %swap3A_1238], %swap3A_1241 {strides = array<i32>} : memref<128x128xf32, #tpu.memory_space<vmem>>, vector<1x16xf32>,
        %get3A_1242 = arith.index_cast %add3A_1211 : i32 to index
        %get3A_1243 = arith.constant 48 : index
        %get3A_1244 = tpu.vector_load %arg10[%get3A_1242, %get3A_1243] {strides = array<i32>} : memref<128x128xf32, #tpu.memory_space<vmem>>, vector<1x16xf32>,
        %get3A_1245 = vector.shape_cast %get3A_1244 : vector<1x16xf32> to vector<16xf32>
        %mul3A_1246 = arith.mulf %get3A_1245, %gather3A_1207 : vector<16xf32>
        %swap3A_1247 = arith.index_cast %add3A_1211 : i32 to index
        %swap3A_1248 = arith.constant 48 : index
        %swap3A_1249 = tpu.vector_load %arg10[%swap3A_1247, %swap3A_1248] {strides = array<i32>} : memref<128x128xf32, #tpu.memory_space<vmem>>, vector<1x16xf32>,
        %swap3A_1250 = vector.shape_cast %swap3A_1249 : vector<1x16xf32> to vector<16xf32>
        %swap3A_1251 = vector.shape_cast %mul3A_1246 : vector<16xf32> to vector<1x16xf32>
        tpu.vector_store %arg10[%swap3A_1247, %swap3A_1248], %swap3A_1251 {strides = array<i32>} : memref<128x128xf32, #tpu.memory_space<vmem>>, vector<1x16xf32>,
        %get3A_1252 = arith.index_cast %add3A_1211 : i32 to index
        %get3A_1253 = arith.constant 64 : index
        %get3A_1254 = tpu.vector_load %arg10[%get3A_1252, %get3A_1253] {strides = array<i32>} : memref<128x128xf32, #tpu.memory_space<vmem>>, vector<1x16xf32>,
        %get3A_1255 = vector.shape_cast %get3A_1254 : vector<1x16xf32> to vector<16xf32>
        %mul3A_1256 = arith.mulf %get3A_1255, %gather3A_1207 : vector<16xf32>
        %swap3A_1257 = arith.index_cast %add3A_1211 : i32 to index
        %swap3A_1258 = arith.constant 64 : index
        %swap3A_1259 = tpu.vector_load %arg10[%swap3A_1257, %swap3A_1258] {strides = array<i32>} : memref<128x128xf32, #tpu.memory_space<vmem>>, vector<1x16xf32>,
        %swap3A_1260 = vector.shape_cast %swap3A_1259 : vector<1x16xf32> to vector<16xf32>
        %swap3A_1261 = vector.shape_cast %mul3A_1256 : vector<16xf32> to vector<1x16xf32>
        tpu.vector_store %arg10[%swap3A_1257, %swap3A_1258], %swap3A_1261 {strides = array<i32>} : memref<128x128xf32, #tpu.memory_space<vmem>>, vector<1x16xf32>,
        %get3A_1262 = arith.index_cast %add3A_1211 : i32 to index
        %get3A_1263 = arith.constant 80 : index
        %get3A_1264 = tpu.vector_load %arg10[%get3A_1262, %get3A_1263] {strides = array<i32>} : memref<128x128xf32, #tpu.memory_space<vmem>>, vector<1x16xf32>,
        %get3A_1265 = vector.shape_cast %get3A_1264 : vector<1x16xf32> to vector<16xf32>
        %mul3A_1266 = arith.mulf %get3A_1265, %gather3A_1207 : vector<16xf32>
        %swap3A_1267 = arith.index_cast %add3A_1211 : i32 to index
        %swap3A_1268 = arith.constant 80 : index
        %swap3A_1269 = tpu.vector_load %arg10[%swap3A_1267, %swap3A_1268] {strides = array<i32>} : memref<128x128xf32, #tpu.memory_space<vmem>>, vector<1x16xf32>,
        %swap3A_1270 = vector.shape_cast %swap3A_1269 : vector<1x16xf32> to vector<16xf32>
        %swap3A_1271 = vector.shape_cast %mul3A_1266 : vector<16xf32> to vector<1x16xf32>
        tpu.vector_store %arg10[%swap3A_1267, %swap3A_1268], %swap3A_1271 {strides = array<i32>} : memref<128x128xf32, #tpu.memory_space<vmem>>, vector<1x16xf32>,
        %get3A_1272 = arith.index_cast %add3A_1211 : i32 to index
        %get3A_1273 = arith.constant 96 : index
        %get3A_1274 = tpu.vector_load %arg10[%get3A_1272, %get3A_1273] {strides = array<i32>} : memref<128x128xf32, #tpu.memory_space<vmem>>, vector<1x16xf32>,
        %get3A_1275 = vector.shape_cast %get3A_1274 : vector<1x16xf32> to vector<16xf32>
        %mul3A_1276 = arith.mulf %get3A_1275, %gather3A_1207 : vector<16xf32>
        %swap3A_1277 = arith.index_cast %add3A_1211 : i32 to index
        %swap3A_1278 = arith.constant 96 : index
        %swap3A_1279 = tpu.vector_load %arg10[%swap3A_1277, %swap3A_1278] {strides = array<i32>} : memref<128x128xf32, #tpu.memory_space<vmem>>, vector<1x16xf32>,
        %swap3A_1280 = vector.shape_cast %swap3A_1279 : vector<1x16xf32> to vector<16xf32>
        %swap3A_1281 = vector.shape_cast %mul3A_1276 : vector<16xf32> to vector<1x16xf32>
        tpu.vector_store %arg10[%swap3A_1277, %swap3A_1278], %swap3A_1281 {strides = array<i32>} : memref<128x128xf32, #tpu.memory_space<vmem>>, vector<1x16xf32>,
        %get3A_1282 = arith.index_cast %add3A_1211 : i32 to index
        %get3A_1283 = arith.constant 112 : index
        %get3A_1284 = tpu.vector_load %arg10[%get3A_1282, %get3A_1283] {strides = array<i32>} : memref<128x128xf32, #tpu.memory_space<vmem>>, vector<1x16xf32>,
        %get3A_1285 = vector.shape_cast %get3A_1284 : vector<1x16xf32> to vector<16xf32>
        %mul3A_1286 = arith.mulf %get3A_1285, %gather3A_1207 : vector<16xf32>
        %swap3A_1287 = arith.index_cast %add3A_1211 : i32 to index
        %swap3A_1288 = arith.constant 112 : index
        %swap3A_1289 = tpu.vector_load %arg10[%swap3A_1287, %swap3A_1288] {strides = array<i32>} : memref<128x128xf32, #tpu.memory_space<vmem>>, vector<1x16xf32>,
        %swap3A_1290 = vector.shape_cast %swap3A_1289 : vector<1x16xf32> to vector<16xf32>
        %swap3A_1291 = vector.shape_cast %mul3A_1286 : vector<16xf32> to vector<1x16xf32>
        tpu.vector_store %arg10[%swap3A_1287, %swap3A_1288], %swap3A_1291 {strides = array<i32>} : memref<128x128xf32, #tpu.memory_space<vmem>>, vector<1x16xf32>,
        %broadcast_in_dim3A_1292 = arith.constant 14 : i32
        %broadcast_in_dim3A_1293 = vector.broadcast %broadcast_in_dim3A_1292 : i32 to vector<16x1xi32>
        %gather3A_1294 = vector.shape_cast %broadcast_in_dim3A_1293 : vector<16x1xi32> to vector<16xi32>
        %gather3A_1295 = tpu.dynamic_gather %get3A_62[%gather3A_1294] in [0] : vector<16xf32>, vector<16xi32> -> vector<16xf32>
        %mul3A_1296 = arith.constant 16 : i32
        %mul3A_1297 = arith.muli %scan3A_57, %mul3A_1296 : i32
        %add3A_1298 = arith.constant 14 : i32
        %add3A_1299 = arith.addi %mul3A_1297, %add3A_1298 : i32
        %get3A_1300 = arith.index_cast %add3A_1299 : i32 to index
        %get3A_1301 = arith.constant 0 : index
        %get3A_1302 = tpu.vector_load %arg10[%get3A_1300, %get3A_1301] {strides = array<i32>} : memref<128x128xf32, #tpu.memory_space<vmem>>, vector<1x16xf32>,
        %get3A_1303 = vector.shape_cast %get3A_1302 : vector<1x16xf32> to vector<16xf32>
        %mul3A_1304 = arith.mulf %get3A_1303, %gather3A_1295 : vector<16xf32>
        %swap3A_1305 = arith.index_cast %add3A_1299 : i32 to index
        %swap3A_1306 = arith.constant 0 : index
        %swap3A_1307 = tpu.vector_load %arg10[%swap3A_1305, %swap3A_1306] {strides = array<i32>} : memref<128x128xf32, #tpu.memory_space<vmem>>, vector<1x16xf32>,
        %swap3A_1308 = vector.shape_cast %swap3A_1307 : vector<1x16xf32> to vector<16xf32>
        %swap3A_1309 = vector.shape_cast %mul3A_1304 : vector<16xf32> to vector<1x16xf32>
        tpu.vector_store %arg10[%swap3A_1305, %swap3A_1306], %swap3A_1309 {strides = array<i32>} : memref<128x128xf32, #tpu.memory_space<vmem>>, vector<1x16xf32>,
        %get3A_1310 = arith.index_cast %add3A_1299 : i32 to index
        %get3A_1311 = arith.constant 16 : index
        %get3A_1312 = tpu.vector_load %arg10[%get3A_1310, %get3A_1311] {strides = array<i32>} : memref<128x128xf32, #tpu.memory_space<vmem>>, vector<1x16xf32>,
        %get3A_1313 = vector.shape_cast %get3A_1312 : vector<1x16xf32> to vector<16xf32>
        %mul3A_1314 = arith.mulf %get3A_1313, %gather3A_1295 : vector<16xf32>
        %swap3A_1315 = arith.index_cast %add3A_1299 : i32 to index
        %swap3A_1316 = arith.constant 16 : index
        %swap3A_1317 = tpu.vector_load %arg10[%swap3A_1315, %swap3A_1316] {strides = array<i32>} : memref<128x128xf32, #tpu.memory_space<vmem>>, vector<1x16xf32>,
        %swap3A_1318 = vector.shape_cast %swap3A_1317 : vector<1x16xf32> to vector<16xf32>
        %swap3A_1319 = vector.shape_cast %mul3A_1314 : vector<16xf32> to vector<1x16xf32>
        tpu.vector_store %arg10[%swap3A_1315, %swap3A_1316], %swap3A_1319 {strides = array<i32>} : memref<128x128xf32, #tpu.memory_space<vmem>>, vector<1x16xf32>,
        %get3A_1320 = arith.index_cast %add3A_1299 : i32 to index
        %get3A_1321 = arith.constant 32 : index
        %get3A_1322 = tpu.vector_load %arg10[%get3A_1320, %get3A_1321] {strides = array<i32>} : memref<128x128xf32, #tpu.memory_space<vmem>>, vector<1x16xf32>,
        %get3A_1323 = vector.shape_cast %get3A_1322 : vector<1x16xf32> to vector<16xf32>
        %mul3A_1324 = arith.mulf %get3A_1323, %gather3A_1295 : vector<16xf32>
        %swap3A_1325 = arith.index_cast %add3A_1299 : i32 to index
        %swap3A_1326 = arith.constant 32 : index
        %swap3A_1327 = tpu.vector_load %arg10[%swap3A_1325, %swap3A_1326] {strides = array<i32>} : memref<128x128xf32, #tpu.memory_space<vmem>>, vector<1x16xf32>,
        %swap3A_1328 = vector.shape_cast %swap3A_1327 : vector<1x16xf32> to vector<16xf32>
        %swap3A_1329 = vector.shape_cast %mul3A_1324 : vector<16xf32> to vector<1x16xf32>
        tpu.vector_store %arg10[%swap3A_1325, %swap3A_1326], %swap3A_1329 {strides = array<i32>} : memref<128x128xf32, #tpu.memory_space<vmem>>, vector<1x16xf32>,
        %get3A_1330 = arith.index_cast %add3A_1299 : i32 to index
        %get3A_1331 = arith.constant 48 : index
        %get3A_1332 = tpu.vector_load %arg10[%get3A_1330, %get3A_1331] {strides = array<i32>} : memref<128x128xf32, #tpu.memory_space<vmem>>, vector<1x16xf32>,
        %get3A_1333 = vector.shape_cast %get3A_1332 : vector<1x16xf32> to vector<16xf32>
        %mul3A_1334 = arith.mulf %get3A_1333, %gather3A_1295 : vector<16xf32>
        %swap3A_1335 = arith.index_cast %add3A_1299 : i32 to index
        %swap3A_1336 = arith.constant 48 : index
        %swap3A_1337 = tpu.vector_load %arg10[%swap3A_1335, %swap3A_1336] {strides = array<i32>} : memref<128x128xf32, #tpu.memory_space<vmem>>, vector<1x16xf32>,
        %swap3A_1338 = vector.shape_cast %swap3A_1337 : vector<1x16xf32> to vector<16xf32>
        %swap3A_1339 = vector.shape_cast %mul3A_1334 : vector<16xf32> to vector<1x16xf32>
        tpu.vector_store %arg10[%swap3A_1335, %swap3A_1336], %swap3A_1339 {strides = array<i32>} : memref<128x128xf32, #tpu.memory_space<vmem>>, vector<1x16xf32>,
        %get3A_1340 = arith.index_cast %add3A_1299 : i32 to index
        %get3A_1341 = arith.constant 64 : index
        %get3A_1342 = tpu.vector_load %arg10[%get3A_1340, %get3A_1341] {strides = array<i32>} : memref<128x128xf32, #tpu.memory_space<vmem>>, vector<1x16xf32>,
        %get3A_1343 = vector.shape_cast %get3A_1342 : vector<1x16xf32> to vector<16xf32>
        %mul3A_1344 = arith.mulf %get3A_1343, %gather3A_1295 : vector<16xf32>
        %swap3A_1345 = arith.index_cast %add3A_1299 : i32 to index
        %swap3A_1346 = arith.constant 64 : index
        %swap3A_1347 = tpu.vector_load %arg10[%swap3A_1345, %swap3A_1346] {strides = array<i32>} : memref<128x128xf32, #tpu.memory_space<vmem>>, vector<1x16xf32>,
        %swap3A_1348 = vector.shape_cast %swap3A_1347 : vector<1x16xf32> to vector<16xf32>
        %swap3A_1349 = vector.shape_cast %mul3A_1344 : vector<16xf32> to vector<1x16xf32>
        tpu.vector_store %arg10[%swap3A_1345, %swap3A_1346], %swap3A_1349 {strides = array<i32>} : memref<128x128xf32, #tpu.memory_space<vmem>>, vector<1x16xf32>,
        %get3A_1350 = arith.index_cast %add3A_1299 : i32 to index
        %get3A_1351 = arith.constant 80 : index
        %get3A_1352 = tpu.vector_load %arg10[%get3A_1350, %get3A_1351] {strides = array<i32>} : memref<128x128xf32, #tpu.memory_space<vmem>>, vector<1x16xf32>,
        %get3A_1353 = vector.shape_cast %get3A_1352 : vector<1x16xf32> to vector<16xf32>
        %mul3A_1354 = arith.mulf %get3A_1353, %gather3A_1295 : vector<16xf32>
        %swap3A_1355 = arith.index_cast %add3A_1299 : i32 to index
        %swap3A_1356 = arith.constant 80 : index
        %swap3A_1357 = tpu.vector_load %arg10[%swap3A_1355, %swap3A_1356] {strides = array<i32>} : memref<128x128xf32, #tpu.memory_space<vmem>>, vector<1x16xf32>,
        %swap3A_1358 = vector.shape_cast %swap3A_1357 : vector<1x16xf32> to vector<16xf32>
        %swap3A_1359 = vector.shape_cast %mul3A_1354 : vector<16xf32> to vector<1x16xf32>
        tpu.vector_store %arg10[%swap3A_1355, %swap3A_1356], %swap3A_1359 {strides = array<i32>} : memref<128x128xf32, #tpu.memory_space<vmem>>, vector<1x16xf32>,
        %get3A_1360 = arith.index_cast %add3A_1299 : i32 to index
        %get3A_1361 = arith.constant 96 : index
        %get3A_1362 = tpu.vector_load %arg10[%get3A_1360, %get3A_1361] {strides = array<i32>} : memref<128x128xf32, #tpu.memory_space<vmem>>, vector<1x16xf32>,
        %get3A_1363 = vector.shape_cast %get3A_1362 : vector<1x16xf32> to vector<16xf32>
        %mul3A_1364 = arith.mulf %get3A_1363, %gather3A_1295 : vector<16xf32>
        %swap3A_1365 = arith.index_cast %add3A_1299 : i32 to index
        %swap3A_1366 = arith.constant 96 : index
        %swap3A_1367 = tpu.vector_load %arg10[%swap3A_1365, %swap3A_1366] {strides = array<i32>} : memref<128x128xf32, #tpu.memory_space<vmem>>, vector<1x16xf32>,
        %swap3A_1368 = vector.shape_cast %swap3A_1367 : vector<1x16xf32> to vector<16xf32>
        %swap3A_1369 = vector.shape_cast %mul3A_1364 : vector<16xf32> to vector<1x16xf32>
        tpu.vector_store %arg10[%swap3A_1365, %swap3A_1366], %swap3A_1369 {strides = array<i32>} : memref<128x128xf32, #tpu.memory_space<vmem>>, vector<1x16xf32>,
        %get3A_1370 = arith.index_cast %add3A_1299 : i32 to index
        %get3A_1371 = arith.constant 112 : index
        %get3A_1372 = tpu.vector_load %arg10[%get3A_1370, %get3A_1371] {strides = array<i32>} : memref<128x128xf32, #tpu.memory_space<vmem>>, vector<1x16xf32>,
        %get3A_1373 = vector.shape_cast %get3A_1372 : vector<1x16xf32> to vector<16xf32>
        %mul3A_1374 = arith.mulf %get3A_1373, %gather3A_1295 : vector<16xf32>
        %swap3A_1375 = arith.index_cast %add3A_1299 : i32 to index
        %swap3A_1376 = arith.constant 112 : index
        %swap3A_1377 = tpu.vector_load %arg10[%swap3A_1375, %swap3A_1376] {strides = array<i32>} : memref<128x128xf32, #tpu.memory_space<vmem>>, vector<1x16xf32>,
        %swap3A_1378 = vector.shape_cast %swap3A_1377 : vector<1x16xf32> to vector<16xf32>
        %swap3A_1379 = vector.shape_cast %mul3A_1374 : vector<16xf32> to vector<1x16xf32>
        tpu.vector_store %arg10[%swap3A_1375, %swap3A_1376], %swap3A_1379 {strides = array<i32>} : memref<128x128xf32, #tpu.memory_space<vmem>>, vector<1x16xf32>,
        %broadcast_in_dim3A_1380 = arith.constant 15 : i32
        %broadcast_in_dim3A_1381 = vector.broadcast %broadcast_in_dim3A_1380 : i32 to vector<16x1xi32>
        %gather3A_1382 = vector.shape_cast %broadcast_in_dim3A_1381 : vector<16x1xi32> to vector<16xi32>
        %gather3A_1383 = tpu.dynamic_gather %get3A_62[%gather3A_1382] in [0] : vector<16xf32>, vector<16xi32> -> vector<16xf32>
        %mul3A_1384 = arith.constant 16 : i32
        %mul3A_1385 = arith.muli %scan3A_57, %mul3A_1384 : i32
        %add3A_1386 = arith.constant 15 : i32
        %add3A_1387 = arith.addi %mul3A_1385, %add3A_1386 : i32
        %get3A_1388 = arith.index_cast %add3A_1387 : i32 to index
        %get3A_1389 = arith.constant 0 : index
        %get3A_1390 = tpu.vector_load %arg10[%get3A_1388, %get3A_1389] {strides = array<i32>} : memref<128x128xf32, #tpu.memory_space<vmem>>, vector<1x16xf32>,
        %get3A_1391 = vector.shape_cast %get3A_1390 : vector<1x16xf32> to vector<16xf32>
        %mul3A_1392 = arith.mulf %get3A_1391, %gather3A_1383 : vector<16xf32>
        %swap3A_1393 = arith.index_cast %add3A_1387 : i32 to index
        %swap3A_1394 = arith.constant 0 : index
        %swap3A_1395 = tpu.vector_load %arg10[%swap3A_1393, %swap3A_1394] {strides = array<i32>} : memref<128x128xf32, #tpu.memory_space<vmem>>, vector<1x16xf32>,
        %swap3A_1396 = vector.shape_cast %swap3A_1395 : vector<1x16xf32> to vector<16xf32>
        %swap3A_1397 = vector.shape_cast %mul3A_1392 : vector<16xf32> to vector<1x16xf32>
        tpu.vector_store %arg10[%swap3A_1393, %swap3A_1394], %swap3A_1397 {strides = array<i32>} : memref<128x128xf32, #tpu.memory_space<vmem>>, vector<1x16xf32>,
        %get3A_1398 = arith.index_cast %add3A_1387 : i32 to index
        %get3A_1399 = arith.constant 16 : index
        %get3A_1400 = tpu.vector_load %arg10[%get3A_1398, %get3A_1399] {strides = array<i32>} : memref<128x128xf32, #tpu.memory_space<vmem>>, vector<1x16xf32>,
        %get3A_1401 = vector.shape_cast %get3A_1400 : vector<1x16xf32> to vector<16xf32>
        %mul3A_1402 = arith.mulf %get3A_1401, %gather3A_1383 : vector<16xf32>
        %swap3A_1403 = arith.index_cast %add3A_1387 : i32 to index
        %swap3A_1404 = arith.constant 16 : index
        %swap3A_1405 = tpu.vector_load %arg10[%swap3A_1403, %swap3A_1404] {strides = array<i32>} : memref<128x128xf32, #tpu.memory_space<vmem>>, vector<1x16xf32>,
        %swap3A_1406 = vector.shape_cast %swap3A_1405 : vector<1x16xf32> to vector<16xf32>
        %swap3A_1407 = vector.shape_cast %mul3A_1402 : vector<16xf32> to vector<1x16xf32>
        tpu.vector_store %arg10[%swap3A_1403, %swap3A_1404], %swap3A_1407 {strides = array<i32>} : memref<128x128xf32, #tpu.memory_space<vmem>>, vector<1x16xf32>,
        %get3A_1408 = arith.index_cast %add3A_1387 : i32 to index
        %get3A_1409 = arith.constant 32 : index
        %get3A_1410 = tpu.vector_load %arg10[%get3A_1408, %get3A_1409] {strides = array<i32>} : memref<128x128xf32, #tpu.memory_space<vmem>>, vector<1x16xf32>,
        %get3A_1411 = vector.shape_cast %get3A_1410 : vector<1x16xf32> to vector<16xf32>
        %mul3A_1412 = arith.mulf %get3A_1411, %gather3A_1383 : vector<16xf32>
        %swap3A_1413 = arith.index_cast %add3A_1387 : i32 to index
        %swap3A_1414 = arith.constant 32 : index
        %swap3A_1415 = tpu.vector_load %arg10[%swap3A_1413, %swap3A_1414] {strides = array<i32>} : memref<128x128xf32, #tpu.memory_space<vmem>>, vector<1x16xf32>,
        %swap3A_1416 = vector.shape_cast %swap3A_1415 : vector<1x16xf32> to vector<16xf32>
        %swap3A_1417 = vector.shape_cast %mul3A_1412 : vector<16xf32> to vector<1x16xf32>
        tpu.vector_store %arg10[%swap3A_1413, %swap3A_1414], %swap3A_1417 {strides = array<i32>} : memref<128x128xf32, #tpu.memory_space<vmem>>, vector<1x16xf32>,
        %get3A_1418 = arith.index_cast %add3A_1387 : i32 to index
        %get3A_1419 = arith.constant 48 : index
        %get3A_1420 = tpu.vector_load %arg10[%get3A_1418, %get3A_1419] {strides = array<i32>} : memref<128x128xf32, #tpu.memory_space<vmem>>, vector<1x16xf32>,
        %get3A_1421 = vector.shape_cast %get3A_1420 : vector<1x16xf32> to vector<16xf32>
        %mul3A_1422 = arith.mulf %get3A_1421, %gather3A_1383 : vector<16xf32>
        %swap3A_1423 = arith.index_cast %add3A_1387 : i32 to index
        %swap3A_1424 = arith.constant 48 : index
        %swap3A_1425 = tpu.vector_load %arg10[%swap3A_1423, %swap3A_1424] {strides = array<i32>} : memref<128x128xf32, #tpu.memory_space<vmem>>, vector<1x16xf32>,
        %swap3A_1426 = vector.shape_cast %swap3A_1425 : vector<1x16xf32> to vector<16xf32>
        %swap3A_1427 = vector.shape_cast %mul3A_1422 : vector<16xf32> to vector<1x16xf32>
        tpu.vector_store %arg10[%swap3A_1423, %swap3A_1424], %swap3A_1427 {strides = array<i32>} : memref<128x128xf32, #tpu.memory_space<vmem>>, vector<1x16xf32>,
        %get3A_1428 = arith.index_cast %add3A_1387 : i32 to index
        %get3A_1429 = arith.constant 64 : index
        %get3A_1430 = tpu.vector_load %arg10[%get3A_1428, %get3A_1429] {strides = array<i32>} : memref<128x128xf32, #tpu.memory_space<vmem>>, vector<1x16xf32>,
        %get3A_1431 = vector.shape_cast %get3A_1430 : vector<1x16xf32> to vector<16xf32>
        %mul3A_1432 = arith.mulf %get3A_1431, %gather3A_1383 : vector<16xf32>
        %swap3A_1433 = arith.index_cast %add3A_1387 : i32 to index
        %swap3A_1434 = arith.constant 64 : index
        %swap3A_1435 = tpu.vector_load %arg10[%swap3A_1433, %swap3A_1434] {strides = array<i32>} : memref<128x128xf32, #tpu.memory_space<vmem>>, vector<1x16xf32>,
        %swap3A_1436 = vector.shape_cast %swap3A_1435 : vector<1x16xf32> to vector<16xf32>
        %swap3A_1437 = vector.shape_cast %mul3A_1432 : vector<16xf32> to vector<1x16xf32>
        tpu.vector_store %arg10[%swap3A_1433, %swap3A_1434], %swap3A_1437 {strides = array<i32>} : memref<128x128xf32, #tpu.memory_space<vmem>>, vector<1x16xf32>,
        %get3A_1438 = arith.index_cast %add3A_1387 : i32 to index
        %get3A_1439 = arith.constant 80 : index
        %get3A_1440 = tpu.vector_load %arg10[%get3A_1438, %get3A_1439] {strides = array<i32>} : memref<128x128xf32, #tpu.memory_space<vmem>>, vector<1x16xf32>,
        %get3A_1441 = vector.shape_cast %get3A_1440 : vector<1x16xf32> to vector<16xf32>
        %mul3A_1442 = arith.mulf %get3A_1441, %gather3A_1383 : vector<16xf32>
        %swap3A_1443 = arith.index_cast %add3A_1387 : i32 to index
        %swap3A_1444 = arith.constant 80 : index
        %swap3A_1445 = tpu.vector_load %arg10[%swap3A_1443, %swap3A_1444] {strides = array<i32>} : memref<128x128xf32, #tpu.memory_space<vmem>>, vector<1x16xf32>,
        %swap3A_1446 = vector.shape_cast %swap3A_1445 : vector<1x16xf32> to vector<16xf32>
        %swap3A_1447 = vector.shape_cast %mul3A_1442 : vector<16xf32> to vector<1x16xf32>
        tpu.vector_store %arg10[%swap3A_1443, %swap3A_1444], %swap3A_1447 {strides = array<i32>} : memref<128x128xf32, #tpu.memory_space<vmem>>, vector<1x16xf32>,
        %get3A_1448 = arith.index_cast %add3A_1387 : i32 to index
        %get3A_1449 = arith.constant 96 : index
        %get3A_1450 = tpu.vector_load %arg10[%get3A_1448, %get3A_1449] {strides = array<i32>} : memref<128x128xf32, #tpu.memory_space<vmem>>, vector<1x16xf32>,
        %get3A_1451 = vector.shape_cast %get3A_1450 : vector<1x16xf32> to vector<16xf32>
        %mul3A_1452 = arith.mulf %get3A_1451, %gather3A_1383 : vector<16xf32>
        %swap3A_1453 = arith.index_cast %add3A_1387 : i32 to index
        %swap3A_1454 = arith.constant 96 : index
        %swap3A_1455 = tpu.vector_load %arg10[%swap3A_1453, %swap3A_1454] {strides = array<i32>} : memref<128x128xf32, #tpu.memory_space<vmem>>, vector<1x16xf32>,
        %swap3A_1456 = vector.shape_cast %swap3A_1455 : vector<1x16xf32> to vector<16xf32>
        %swap3A_1457 = vector.shape_cast %mul3A_1452 : vector<16xf32> to vector<1x16xf32>
        tpu.vector_store %arg10[%swap3A_1453, %swap3A_1454], %swap3A_1457 {strides = array<i32>} : memref<128x128xf32, #tpu.memory_space<vmem>>, vector<1x16xf32>,
        %get3A_1458 = arith.index_cast %add3A_1387 : i32 to index
        %get3A_1459 = arith.constant 112 : index
        %get3A_1460 = tpu.vector_load %arg10[%get3A_1458, %get3A_1459] {strides = array<i32>} : memref<128x128xf32, #tpu.memory_space<vmem>>, vector<1x16xf32>,
        %get3A_1461 = vector.shape_cast %get3A_1460 : vector<1x16xf32> to vector<16xf32>
        %mul3A_1462 = arith.mulf %get3A_1461, %gather3A_1383 : vector<16xf32>
        %swap3A_1463 = arith.index_cast %add3A_1387 : i32 to index
        %swap3A_1464 = arith.constant 112 : index
        %swap3A_1465 = tpu.vector_load %arg10[%swap3A_1463, %swap3A_1464] {strides = array<i32>} : memref<128x128xf32, #tpu.memory_space<vmem>>, vector<1x16xf32>,
        %swap3A_1466 = vector.shape_cast %swap3A_1465 : vector<1x16xf32> to vector<16xf32>
        %swap3A_1467 = vector.shape_cast %mul3A_1462 : vector<16xf32> to vector<1x16xf32>
        tpu.vector_store %arg10[%swap3A_1463, %swap3A_1464], %swap3A_1467 {strides = array<i32>} : memref<128x128xf32, #tpu.memory_space<vmem>>, vector<1x16xf32>,
      }
      %scan3A_56 = arith.constant 8 : i32
      "tpu.region"() ({
        %run_scoped3A = tpu.sem_alloc : memref<!tpu.dma_semaphore, #tpu.memory_space<semaphore_mem>>
        %dma_start3A_57 = arith.constant 0 : i32
        %dma_start3A_58 = arith.constant 0 : i32
        %dma_start3A_59 = tpu.memref_slice %arg11[%dma_start3A_57, %dma_start3A_58] : memref<10240x128xf32, #tpu.memory_space<vmem_shared>> -> memref<10240x128xf32, #tpu.memory_space<vmem_shared>>
        tpu.enqueue_indirect_dma source(%arg10 : memref<128x128xf32, #tpu.memory_space<vmem>>) target(%dma_start3A_59 : memref<10240x128xf32, #tpu.memory_space<vmem_shared>>) offsets(%arg8 : memref<128xi32, #tpu.memory_space<vmem>>) semaphore(%run_scoped3A : memref<!tpu.dma_semaphore, #tpu.memory_space<semaphore_mem>>) {add = true}
        %dma_wait3A_60 = arith.constant 0 : i32
        %dma_wait3A_61 = arith.constant 0 : i32
        %dma_wait3A_62 = tpu.memref_slice %arg11[%dma_wait3A_60, %dma_wait3A_61] : memref<10240x128xf32, #tpu.memory_space<vmem_shared>> -> memref<10240x128xf32, #tpu.memory_space<vmem_shared>>
        tpu.wait_indirect_dma semaphore(%run_scoped3A : memref<!tpu.dma_semaphore, #tpu.memory_space<semaphore_mem>>) src(%arg10 : memref<128x128xf32, #tpu.memory_space<vmem>>) dst(%dma_wait3A_62 : memref<10240x128xf32, #tpu.memory_space<vmem_shared>>)
        tpu.yield
      }) : () -> ()
    }
    %scan3A_35 = arith.constant 79 : i32
    %barrier3A_36 = arith.constant 0 : index
    tpu.barrier barrier_id(%barrier3A_36)
    %mul3A_37 = arith.constant 640 : i32
    %mul3A_38 = arith.muli %arg1, %mul3A_37 : i32
    %multiple_of3A_39 = tpu.assume_multiple %mul3A_38, 128 : i32
    "tpu.region"() ({
      %run_scoped3A = tpu.sem_alloc : memref<!tpu.dma_semaphore, #tpu.memory_space<semaphore_mem>>
      %dma_start3A = arith.constant 0 : i32
      %dma_start3A_40 = arith.constant 0 : i32
      %dma_start3A_41 = tpu.memref_slice %arg6[%arg0, %dma_start3A, %dma_start3A_40] : memref<2x10240x128xf32, #tpu.memory_space<hbm>> -> memref<1x10240x128xf32, #tpu.memory_space<hbm>>
      %dma_start3A_42 = tpu.memref_squeeze %dma_start3A_41 : memref<1x10240x128xf32, #tpu.memory_space<hbm>> -> memref<10240x128xf32, #tpu.memory_space<hbm>>
      %dma_start3A_43 = arith.constant 0 : i32
      %dma_start3A_44 = tpu.memref_slice %dma_start3A_42[%multiple_of3A_39, %dma_start3A_43] : memref<10240x128xf32, #tpu.memory_space<hbm>> -> memref<640x128xf32, #tpu.memory_space<hbm>>
      %dma_start3A_45 = arith.constant 0 : i32
      %dma_start3A_46 = tpu.memref_slice %arg11[%multiple_of3A_39, %dma_start3A_45] : memref<10240x128xf32, #tpu.memory_space<vmem_shared>> -> memref<640x128xf32, #tpu.memory_space<vmem_shared>>
      tpu.enqueue_dma source(%dma_start3A_46 : memref<640x128xf32, #tpu.memory_space<vmem_shared>>) target(%dma_start3A_44 : memref<640x128xf32, #tpu.memory_space<hbm>>) target_semaphore(%run_scoped3A : memref<!tpu.dma_semaphore, #tpu.memory_space<semaphore_mem>>)
      %dma_wait3A = arith.constant 0 : i32
      %dma_wait3A_47 = arith.constant 0 : i32
      %dma_wait3A_48 = tpu.memref_slice %arg6[%arg0, %dma_wait3A, %dma_wait3A_47] : memref<2x10240x128xf32, #tpu.memory_space<hbm>> -> memref<1x10240x128xf32, #tpu.memory_space<hbm>>
      %dma_wait3A_49 = tpu.memref_squeeze %dma_wait3A_48 : memref<1x10240x128xf32, #tpu.memory_space<hbm>> -> memref<10240x128xf32, #tpu.memory_space<hbm>>
      %dma_wait3A_50 = arith.constant 0 : i32
      %dma_wait3A_51 = tpu.memref_slice %dma_wait3A_49[%multiple_of3A_39, %dma_wait3A_50] : memref<10240x128xf32, #tpu.memory_space<hbm>> -> memref<640x128xf32, #tpu.memory_space<hbm>>
      %dma_wait3A_52 = arith.constant 0 : i32
      %dma_wait3A_53 = tpu.memref_slice %arg11[%multiple_of3A_39, %dma_wait3A_52] : memref<10240x128xf32, #tpu.memory_space<vmem_shared>> -> memref<640x128xf32, #tpu.memory_space<vmem_shared>>
      tpu.wait_dma2 semaphore(%run_scoped3A : memref<!tpu.dma_semaphore, #tpu.memory_space<semaphore_mem>>) src(%dma_wait3A_53 : memref<640x128xf32, #tpu.memory_space<vmem_shared>>) dst(%dma_wait3A_51 : memref<640x128xf32, #tpu.memory_space<hbm>>)
      tpu.yield
    }) : () -> ()
    return
  }
}

#map = affine_map<(d0, d1) -> (0, 0)>
#map1 = affine_map<(d0, d1) -> (0)>
#map2 = affine_map<(d0, d1) -> (0, 0, 0)>
module attributes {stable_mosaic.version = 14 : i64} {
  func.func @spmm(%arg0: i32, %arg1: i32, %arg2: memref<10000x64xf32, #tpu.memory_space<hbm>>, %arg3: memref<323584xi32, #tpu.memory_space<hbm>>, %arg4: memref<323584xi32, #tpu.memory_space<hbm>>, %arg5: memref<323584xf32, #tpu.memory_space<hbm>>, %arg6: memref<2x10240x64xf32, #tpu.memory_space<hbm>>, %arg7: memref<128xi32, #tpu.memory_space<vmem>>, %arg8: memref<128xi32, #tpu.memory_space<vmem>>, %arg9: memref<128xf32, #tpu.memory_space<vmem>>, %arg10: memref<128x64xf32, #tpu.memory_space<vmem>>, %arg11: memref<10240x64xf32, #tpu.memory_space<vmem_shared>>, %arg12: memref<!tpu.dma_semaphore, #tpu.memory_space<semaphore_mem>>) attributes {dimension_semantics = [#tpu.dimension_semantics<core_parallel>, #tpu.dimension_semantics<subcore_parallel>], iteration_bounds = array<i64: 2, 16>, scalar_prefetch = 0 : i64, scratch_operands = 6 : i64, tpu.core_type = #tpu.core_type<sc_vector_subcore>, window_params = [{transform_indices = #map}, {transform_indices = #map1}, {transform_indices = #map1}, {transform_indices = #map1}, {transform_indices = #map2}]} {
    %mul3A = arith.constant 2 : i32
    %mul3A_0 = arith.muli %arg1, %mul3A : i32
    %add3A = arith.addi %mul3A_0, %arg0 : i32
    %scan3A = arith.constant 0 : i32
    %scan3A_1 = arith.constant 0 : i32
    %scan3A_2 = arith.constant 128 : i32
    %scan3A_3 = arith.addi %scan3A_1, %scan3A_2 : i32
    %scan3A_4 = arith.constant 1 : i32
    scf.for %scan3A_40 = %scan3A_1 to %scan3A_3 step %scan3A_4  : i32 {
      %broadcast_in_dim3A = arith.constant 0.000000e+00 : f32
      %broadcast_in_dim3A_41 = vector.broadcast %broadcast_in_dim3A : f32 to vector<16xf32>
      %swap3A = arith.index_cast %scan3A_40 : i32 to index
      %swap3A_42 = arith.constant 0 : index
      %swap3A_43 = tpu.vector_load %arg10[%swap3A, %swap3A_42] {strides = array<i32>} : memref<128x64xf32, #tpu.memory_space<vmem>>, vector<1x16xf32>,
      %swap3A_44 = vector.shape_cast %swap3A_43 : vector<1x16xf32> to vector<16xf32>
      %swap3A_45 = vector.shape_cast %broadcast_in_dim3A_41 : vector<16xf32> to vector<1x16xf32>
      tpu.vector_store %arg10[%swap3A, %swap3A_42], %swap3A_45 {strides = array<i32>} : memref<128x64xf32, #tpu.memory_space<vmem>>, vector<1x16xf32>,
      %broadcast_in_dim3A_46 = arith.constant 0.000000e+00 : f32
      %broadcast_in_dim3A_47 = vector.broadcast %broadcast_in_dim3A_46 : f32 to vector<16xf32>
      %swap3A_48 = arith.index_cast %scan3A_40 : i32 to index
      %swap3A_49 = arith.constant 16 : index
      %swap3A_50 = tpu.vector_load %arg10[%swap3A_48, %swap3A_49] {strides = array<i32>} : memref<128x64xf32, #tpu.memory_space<vmem>>, vector<1x16xf32>,
      %swap3A_51 = vector.shape_cast %swap3A_50 : vector<1x16xf32> to vector<16xf32>
      %swap3A_52 = vector.shape_cast %broadcast_in_dim3A_47 : vector<16xf32> to vector<1x16xf32>
      tpu.vector_store %arg10[%swap3A_48, %swap3A_49], %swap3A_52 {strides = array<i32>} : memref<128x64xf32, #tpu.memory_space<vmem>>, vector<1x16xf32>,
      %broadcast_in_dim3A_53 = arith.constant 0.000000e+00 : f32
      %broadcast_in_dim3A_54 = vector.broadcast %broadcast_in_dim3A_53 : f32 to vector<16xf32>
      %swap3A_55 = arith.index_cast %scan3A_40 : i32 to index
      %swap3A_56 = arith.constant 32 : index
      %swap3A_57 = tpu.vector_load %arg10[%swap3A_55, %swap3A_56] {strides = array<i32>} : memref<128x64xf32, #tpu.memory_space<vmem>>, vector<1x16xf32>,
      %swap3A_58 = vector.shape_cast %swap3A_57 : vector<1x16xf32> to vector<16xf32>
      %swap3A_59 = vector.shape_cast %broadcast_in_dim3A_54 : vector<16xf32> to vector<1x16xf32>
      tpu.vector_store %arg10[%swap3A_55, %swap3A_56], %swap3A_59 {strides = array<i32>} : memref<128x64xf32, #tpu.memory_space<vmem>>, vector<1x16xf32>,
      %broadcast_in_dim3A_60 = arith.constant 0.000000e+00 : f32
      %broadcast_in_dim3A_61 = vector.broadcast %broadcast_in_dim3A_60 : f32 to vector<16xf32>
      %swap3A_62 = arith.index_cast %scan3A_40 : i32 to index
      %swap3A_63 = arith.constant 48 : index
      %swap3A_64 = tpu.vector_load %arg10[%swap3A_62, %swap3A_63] {strides = array<i32>} : memref<128x64xf32, #tpu.memory_space<vmem>>, vector<1x16xf32>,
      %swap3A_65 = vector.shape_cast %swap3A_64 : vector<1x16xf32> to vector<16xf32>
      %swap3A_66 = vector.shape_cast %broadcast_in_dim3A_61 : vector<16xf32> to vector<1x16xf32>
      tpu.vector_store %arg10[%swap3A_62, %swap3A_63], %swap3A_66 {strides = array<i32>} : memref<128x64xf32, #tpu.memory_space<vmem>>, vector<1x16xf32>,
    }
    %scan3A_5 = arith.constant 128 : i32
    %mul3A_6 = arith.constant 640 : i32
    %mul3A_7 = arith.muli %arg1, %mul3A_6 : i32
    %add3A_8 = arith.constant 0 : i32
    %add3A_9 = arith.addi %mul3A_7, %add3A_8 : i32
    %multiple_of3A = tpu.assume_multiple %add3A_9, 128 : i32
    "tpu.region"() ({
      %run_scoped3A = tpu.sem_alloc : memref<!tpu.dma_semaphore, #tpu.memory_space<semaphore_mem>>
      %dma_start3A = arith.constant 0 : i32
      %dma_start3A_40 = arith.constant 0 : i32
      %dma_start3A_41 = tpu.memref_slice %arg10[%dma_start3A, %dma_start3A_40] : memref<128x64xf32, #tpu.memory_space<vmem>> -> memref<128x64xf32, #tpu.memory_space<vmem>>
      %dma_start3A_42 = arith.constant 0 : i32
      %dma_start3A_43 = tpu.memref_slice %arg11[%multiple_of3A, %dma_start3A_42] : memref<10240x64xf32, #tpu.memory_space<vmem_shared>> -> memref<128x64xf32, #tpu.memory_space<vmem_shared>>
      %dma_start3A_44 = arith.constant 0 : i32
      %dma_start3A_45 = tpu.memref_slice %arg11[%multiple_of3A, %dma_start3A_44] : memref<10240x64xf32, #tpu.memory_space<vmem_shared>> -> memref<128x64xf32, #tpu.memory_space<vmem_shared>>
      %dma_start3A_46 = arith.constant 0 : i32
      %dma_start3A_47 = arith.constant 0 : i32
      %dma_start3A_48 = tpu.memref_slice %arg10[%dma_start3A_46, %dma_start3A_47] : memref<128x64xf32, #tpu.memory_space<vmem>> -> memref<128x64xf32, #tpu.memory_space<vmem>>
      tpu.enqueue_dma source(%dma_start3A_48 : memref<128x64xf32, #tpu.memory_space<vmem>>) target(%dma_start3A_45 : memref<128x64xf32, #tpu.memory_space<vmem_shared>>) target_semaphore(%run_scoped3A : memref<!tpu.dma_semaphore, #tpu.memory_space<semaphore_mem>>)
      %dma_wait3A = arith.constant 0 : i32
      %dma_wait3A_49 = arith.constant 0 : i32
      %dma_wait3A_50 = tpu.memref_slice %arg10[%dma_wait3A, %dma_wait3A_49] : memref<128x64xf32, #tpu.memory_space<vmem>> -> memref<128x64xf32, #tpu.memory_space<vmem>>
      %dma_wait3A_51 = arith.constant 0 : i32
      %dma_wait3A_52 = tpu.memref_slice %arg11[%multiple_of3A, %dma_wait3A_51] : memref<10240x64xf32, #tpu.memory_space<vmem_shared>> -> memref<128x64xf32, #tpu.memory_space<vmem_shared>>
      %dma_wait3A_53 = arith.constant 0 : i32
      %dma_wait3A_54 = tpu.memref_slice %arg11[%multiple_of3A, %dma_wait3A_53] : memref<10240x64xf32, #tpu.memory_space<vmem_shared>> -> memref<128x64xf32, #tpu.memory_space<vmem_shared>>
      %dma_wait3A_55 = arith.constant 0 : i32
      %dma_wait3A_56 = arith.constant 0 : i32
      %dma_wait3A_57 = tpu.memref_slice %arg10[%dma_wait3A_55, %dma_wait3A_56] : memref<128x64xf32, #tpu.memory_space<vmem>> -> memref<128x64xf32, #tpu.memory_space<vmem>>
      tpu.wait_dma2 semaphore(%run_scoped3A : memref<!tpu.dma_semaphore, #tpu.memory_space<semaphore_mem>>) src(%dma_wait3A_57 : memref<128x64xf32, #tpu.memory_space<vmem>>) dst(%dma_wait3A_54 : memref<128x64xf32, #tpu.memory_space<vmem_shared>>)
      tpu.yield
    }) : () -> ()
    %mul3A_10 = arith.constant 640 : i32
    %mul3A_11 = arith.muli %arg1, %mul3A_10 : i32
    %add3A_12 = arith.constant 128 : i32
    %add3A_13 = arith.addi %mul3A_11, %add3A_12 : i32
    %multiple_of3A_14 = tpu.assume_multiple %add3A_13, 128 : i32
    "tpu.region"() ({
      %run_scoped3A = tpu.sem_alloc : memref<!tpu.dma_semaphore, #tpu.memory_space<semaphore_mem>>
      %dma_start3A = arith.constant 0 : i32
      %dma_start3A_40 = arith.constant 0 : i32
      %dma_start3A_41 = tpu.memref_slice %arg10[%dma_start3A, %dma_start3A_40] : memref<128x64xf32, #tpu.memory_space<vmem>> -> memref<128x64xf32, #tpu.memory_space<vmem>>
      %dma_start3A_42 = arith.constant 0 : i32
      %dma_start3A_43 = tpu.memref_slice %arg11[%multiple_of3A_14, %dma_start3A_42] : memref<10240x64xf32, #tpu.memory_space<vmem_shared>> -> memref<128x64xf32, #tpu.memory_space<vmem_shared>>
      %dma_start3A_44 = arith.constant 0 : i32
      %dma_start3A_45 = tpu.memref_slice %arg11[%multiple_of3A_14, %dma_start3A_44] : memref<10240x64xf32, #tpu.memory_space<vmem_shared>> -> memref<128x64xf32, #tpu.memory_space<vmem_shared>>
      %dma_start3A_46 = arith.constant 0 : i32
      %dma_start3A_47 = arith.constant 0 : i32
      %dma_start3A_48 = tpu.memref_slice %arg10[%dma_start3A_46, %dma_start3A_47] : memref<128x64xf32, #tpu.memory_space<vmem>> -> memref<128x64xf32, #tpu.memory_space<vmem>>
      tpu.enqueue_dma source(%dma_start3A_48 : memref<128x64xf32, #tpu.memory_space<vmem>>) target(%dma_start3A_45 : memref<128x64xf32, #tpu.memory_space<vmem_shared>>) target_semaphore(%run_scoped3A : memref<!tpu.dma_semaphore, #tpu.memory_space<semaphore_mem>>)
      %dma_wait3A = arith.constant 0 : i32
      %dma_wait3A_49 = arith.constant 0 : i32
      %dma_wait3A_50 = tpu.memref_slice %arg10[%dma_wait3A, %dma_wait3A_49] : memref<128x64xf32, #tpu.memory_space<vmem>> -> memref<128x64xf32, #tpu.memory_space<vmem>>
      %dma_wait3A_51 = arith.constant 0 : i32
      %dma_wait3A_52 = tpu.memref_slice %arg11[%multiple_of3A_14, %dma_wait3A_51] : memref<10240x64xf32, #tpu.memory_space<vmem_shared>> -> memref<128x64xf32, #tpu.memory_space<vmem_shared>>
      %dma_wait3A_53 = arith.constant 0 : i32
      %dma_wait3A_54 = tpu.memref_slice %arg11[%multiple_of3A_14, %dma_wait3A_53] : memref<10240x64xf32, #tpu.memory_space<vmem_shared>> -> memref<128x64xf32, #tpu.memory_space<vmem_shared>>
      %dma_wait3A_55 = arith.constant 0 : i32
      %dma_wait3A_56 = arith.constant 0 : i32
      %dma_wait3A_57 = tpu.memref_slice %arg10[%dma_wait3A_55, %dma_wait3A_56] : memref<128x64xf32, #tpu.memory_space<vmem>> -> memref<128x64xf32, #tpu.memory_space<vmem>>
      tpu.wait_dma2 semaphore(%run_scoped3A : memref<!tpu.dma_semaphore, #tpu.memory_space<semaphore_mem>>) src(%dma_wait3A_57 : memref<128x64xf32, #tpu.memory_space<vmem>>) dst(%dma_wait3A_54 : memref<128x64xf32, #tpu.memory_space<vmem_shared>>)
      tpu.yield
    }) : () -> ()
    %mul3A_15 = arith.constant 640 : i32
    %mul3A_16 = arith.muli %arg1, %mul3A_15 : i32
    %add3A_17 = arith.constant 256 : i32
    %add3A_18 = arith.addi %mul3A_16, %add3A_17 : i32
    %multiple_of3A_19 = tpu.assume_multiple %add3A_18, 128 : i32
    "tpu.region"() ({
      %run_scoped3A = tpu.sem_alloc : memref<!tpu.dma_semaphore, #tpu.memory_space<semaphore_mem>>
      %dma_start3A = arith.constant 0 : i32
      %dma_start3A_40 = arith.constant 0 : i32
      %dma_start3A_41 = tpu.memref_slice %arg10[%dma_start3A, %dma_start3A_40] : memref<128x64xf32, #tpu.memory_space<vmem>> -> memref<128x64xf32, #tpu.memory_space<vmem>>
      %dma_start3A_42 = arith.constant 0 : i32
      %dma_start3A_43 = tpu.memref_slice %arg11[%multiple_of3A_19, %dma_start3A_42] : memref<10240x64xf32, #tpu.memory_space<vmem_shared>> -> memref<128x64xf32, #tpu.memory_space<vmem_shared>>
      %dma_start3A_44 = arith.constant 0 : i32
      %dma_start3A_45 = tpu.memref_slice %arg11[%multiple_of3A_19, %dma_start3A_44] : memref<10240x64xf32, #tpu.memory_space<vmem_shared>> -> memref<128x64xf32, #tpu.memory_space<vmem_shared>>
      %dma_start3A_46 = arith.constant 0 : i32
      %dma_start3A_47 = arith.constant 0 : i32
      %dma_start3A_48 = tpu.memref_slice %arg10[%dma_start3A_46, %dma_start3A_47] : memref<128x64xf32, #tpu.memory_space<vmem>> -> memref<128x64xf32, #tpu.memory_space<vmem>>
      tpu.enqueue_dma source(%dma_start3A_48 : memref<128x64xf32, #tpu.memory_space<vmem>>) target(%dma_start3A_45 : memref<128x64xf32, #tpu.memory_space<vmem_shared>>) target_semaphore(%run_scoped3A : memref<!tpu.dma_semaphore, #tpu.memory_space<semaphore_mem>>)
      %dma_wait3A = arith.constant 0 : i32
      %dma_wait3A_49 = arith.constant 0 : i32
      %dma_wait3A_50 = tpu.memref_slice %arg10[%dma_wait3A, %dma_wait3A_49] : memref<128x64xf32, #tpu.memory_space<vmem>> -> memref<128x64xf32, #tpu.memory_space<vmem>>
      %dma_wait3A_51 = arith.constant 0 : i32
      %dma_wait3A_52 = tpu.memref_slice %arg11[%multiple_of3A_19, %dma_wait3A_51] : memref<10240x64xf32, #tpu.memory_space<vmem_shared>> -> memref<128x64xf32, #tpu.memory_space<vmem_shared>>
      %dma_wait3A_53 = arith.constant 0 : i32
      %dma_wait3A_54 = tpu.memref_slice %arg11[%multiple_of3A_19, %dma_wait3A_53] : memref<10240x64xf32, #tpu.memory_space<vmem_shared>> -> memref<128x64xf32, #tpu.memory_space<vmem_shared>>
      %dma_wait3A_55 = arith.constant 0 : i32
      %dma_wait3A_56 = arith.constant 0 : i32
      %dma_wait3A_57 = tpu.memref_slice %arg10[%dma_wait3A_55, %dma_wait3A_56] : memref<128x64xf32, #tpu.memory_space<vmem>> -> memref<128x64xf32, #tpu.memory_space<vmem>>
      tpu.wait_dma2 semaphore(%run_scoped3A : memref<!tpu.dma_semaphore, #tpu.memory_space<semaphore_mem>>) src(%dma_wait3A_57 : memref<128x64xf32, #tpu.memory_space<vmem>>) dst(%dma_wait3A_54 : memref<128x64xf32, #tpu.memory_space<vmem_shared>>)
      tpu.yield
    }) : () -> ()
    %mul3A_20 = arith.constant 640 : i32
    %mul3A_21 = arith.muli %arg1, %mul3A_20 : i32
    %add3A_22 = arith.constant 384 : i32
    %add3A_23 = arith.addi %mul3A_21, %add3A_22 : i32
    %multiple_of3A_24 = tpu.assume_multiple %add3A_23, 128 : i32
    "tpu.region"() ({
      %run_scoped3A = tpu.sem_alloc : memref<!tpu.dma_semaphore, #tpu.memory_space<semaphore_mem>>
      %dma_start3A = arith.constant 0 : i32
      %dma_start3A_40 = arith.constant 0 : i32
      %dma_start3A_41 = tpu.memref_slice %arg10[%dma_start3A, %dma_start3A_40] : memref<128x64xf32, #tpu.memory_space<vmem>> -> memref<128x64xf32, #tpu.memory_space<vmem>>
      %dma_start3A_42 = arith.constant 0 : i32
      %dma_start3A_43 = tpu.memref_slice %arg11[%multiple_of3A_24, %dma_start3A_42] : memref<10240x64xf32, #tpu.memory_space<vmem_shared>> -> memref<128x64xf32, #tpu.memory_space<vmem_shared>>
      %dma_start3A_44 = arith.constant 0 : i32
      %dma_start3A_45 = tpu.memref_slice %arg11[%multiple_of3A_24, %dma_start3A_44] : memref<10240x64xf32, #tpu.memory_space<vmem_shared>> -> memref<128x64xf32, #tpu.memory_space<vmem_shared>>
      %dma_start3A_46 = arith.constant 0 : i32
      %dma_start3A_47 = arith.constant 0 : i32
      %dma_start3A_48 = tpu.memref_slice %arg10[%dma_start3A_46, %dma_start3A_47] : memref<128x64xf32, #tpu.memory_space<vmem>> -> memref<128x64xf32, #tpu.memory_space<vmem>>
      tpu.enqueue_dma source(%dma_start3A_48 : memref<128x64xf32, #tpu.memory_space<vmem>>) target(%dma_start3A_45 : memref<128x64xf32, #tpu.memory_space<vmem_shared>>) target_semaphore(%run_scoped3A : memref<!tpu.dma_semaphore, #tpu.memory_space<semaphore_mem>>)
      %dma_wait3A = arith.constant 0 : i32
      %dma_wait3A_49 = arith.constant 0 : i32
      %dma_wait3A_50 = tpu.memref_slice %arg10[%dma_wait3A, %dma_wait3A_49] : memref<128x64xf32, #tpu.memory_space<vmem>> -> memref<128x64xf32, #tpu.memory_space<vmem>>
      %dma_wait3A_51 = arith.constant 0 : i32
      %dma_wait3A_52 = tpu.memref_slice %arg11[%multiple_of3A_24, %dma_wait3A_51] : memref<10240x64xf32, #tpu.memory_space<vmem_shared>> -> memref<128x64xf32, #tpu.memory_space<vmem_shared>>
      %dma_wait3A_53 = arith.constant 0 : i32
      %dma_wait3A_54 = tpu.memref_slice %arg11[%multiple_of3A_24, %dma_wait3A_53] : memref<10240x64xf32, #tpu.memory_space<vmem_shared>> -> memref<128x64xf32, #tpu.memory_space<vmem_shared>>
      %dma_wait3A_55 = arith.constant 0 : i32
      %dma_wait3A_56 = arith.constant 0 : i32
      %dma_wait3A_57 = tpu.memref_slice %arg10[%dma_wait3A_55, %dma_wait3A_56] : memref<128x64xf32, #tpu.memory_space<vmem>> -> memref<128x64xf32, #tpu.memory_space<vmem>>
      tpu.wait_dma2 semaphore(%run_scoped3A : memref<!tpu.dma_semaphore, #tpu.memory_space<semaphore_mem>>) src(%dma_wait3A_57 : memref<128x64xf32, #tpu.memory_space<vmem>>) dst(%dma_wait3A_54 : memref<128x64xf32, #tpu.memory_space<vmem_shared>>)
      tpu.yield
    }) : () -> ()
    %mul3A_25 = arith.constant 640 : i32
    %mul3A_26 = arith.muli %arg1, %mul3A_25 : i32
    %add3A_27 = arith.constant 512 : i32
    %add3A_28 = arith.addi %mul3A_26, %add3A_27 : i32
    %multiple_of3A_29 = tpu.assume_multiple %add3A_28, 128 : i32
    "tpu.region"() ({
      %run_scoped3A = tpu.sem_alloc : memref<!tpu.dma_semaphore, #tpu.memory_space<semaphore_mem>>
      %dma_start3A = arith.constant 0 : i32
      %dma_start3A_40 = arith.constant 0 : i32
      %dma_start3A_41 = tpu.memref_slice %arg10[%dma_start3A, %dma_start3A_40] : memref<128x64xf32, #tpu.memory_space<vmem>> -> memref<128x64xf32, #tpu.memory_space<vmem>>
      %dma_start3A_42 = arith.constant 0 : i32
      %dma_start3A_43 = tpu.memref_slice %arg11[%multiple_of3A_29, %dma_start3A_42] : memref<10240x64xf32, #tpu.memory_space<vmem_shared>> -> memref<128x64xf32, #tpu.memory_space<vmem_shared>>
      %dma_start3A_44 = arith.constant 0 : i32
      %dma_start3A_45 = tpu.memref_slice %arg11[%multiple_of3A_29, %dma_start3A_44] : memref<10240x64xf32, #tpu.memory_space<vmem_shared>> -> memref<128x64xf32, #tpu.memory_space<vmem_shared>>
      %dma_start3A_46 = arith.constant 0 : i32
      %dma_start3A_47 = arith.constant 0 : i32
      %dma_start3A_48 = tpu.memref_slice %arg10[%dma_start3A_46, %dma_start3A_47] : memref<128x64xf32, #tpu.memory_space<vmem>> -> memref<128x64xf32, #tpu.memory_space<vmem>>
      tpu.enqueue_dma source(%dma_start3A_48 : memref<128x64xf32, #tpu.memory_space<vmem>>) target(%dma_start3A_45 : memref<128x64xf32, #tpu.memory_space<vmem_shared>>) target_semaphore(%run_scoped3A : memref<!tpu.dma_semaphore, #tpu.memory_space<semaphore_mem>>)
      %dma_wait3A = arith.constant 0 : i32
      %dma_wait3A_49 = arith.constant 0 : i32
      %dma_wait3A_50 = tpu.memref_slice %arg10[%dma_wait3A, %dma_wait3A_49] : memref<128x64xf32, #tpu.memory_space<vmem>> -> memref<128x64xf32, #tpu.memory_space<vmem>>
      %dma_wait3A_51 = arith.constant 0 : i32
      %dma_wait3A_52 = tpu.memref_slice %arg11[%multiple_of3A_29, %dma_wait3A_51] : memref<10240x64xf32, #tpu.memory_space<vmem_shared>> -> memref<128x64xf32, #tpu.memory_space<vmem_shared>>
      %dma_wait3A_53 = arith.constant 0 : i32
      %dma_wait3A_54 = tpu.memref_slice %arg11[%multiple_of3A_29, %dma_wait3A_53] : memref<10240x64xf32, #tpu.memory_space<vmem_shared>> -> memref<128x64xf32, #tpu.memory_space<vmem_shared>>
      %dma_wait3A_55 = arith.constant 0 : i32
      %dma_wait3A_56 = arith.constant 0 : i32
      %dma_wait3A_57 = tpu.memref_slice %arg10[%dma_wait3A_55, %dma_wait3A_56] : memref<128x64xf32, #tpu.memory_space<vmem>> -> memref<128x64xf32, #tpu.memory_space<vmem>>
      tpu.wait_dma2 semaphore(%run_scoped3A : memref<!tpu.dma_semaphore, #tpu.memory_space<semaphore_mem>>) src(%dma_wait3A_57 : memref<128x64xf32, #tpu.memory_space<vmem>>) dst(%dma_wait3A_54 : memref<128x64xf32, #tpu.memory_space<vmem_shared>>)
      tpu.yield
    }) : () -> ()
    %barrier3A = arith.constant 0 : index
    tpu.barrier barrier_id(%barrier3A)
    %scan3A_30 = arith.constant 0 : i32
    %scan3A_31 = arith.constant 0 : i32
    %scan3A_32 = arith.constant 79 : i32
    %scan3A_33 = arith.addi %scan3A_31, %scan3A_32 : i32
    %scan3A_34 = arith.constant 1 : i32
    scf.for %scan3A_40 = %scan3A_31 to %scan3A_33 step %scan3A_34  : i32 {
      %mul3A_41 = arith.constant 10112 : i32
      %mul3A_42 = arith.muli %add3A, %mul3A_41 : i32
      %mul3A_43 = arith.constant 128 : i32
      %mul3A_44 = arith.muli %scan3A_40, %mul3A_43 : i32
      %add3A_45 = arith.addi %mul3A_42, %mul3A_44 : i32
      %multiple_of3A_46 = tpu.assume_multiple %add3A_45, 128 : i32
      "tpu.region"() ({
        %run_scoped3A = tpu.sem_alloc : memref<!tpu.dma_semaphore, #tpu.memory_space<semaphore_mem>>
        %dma_start3A_57 = tpu.memref_slice %arg3[%multiple_of3A_46] : memref<323584xi32, #tpu.memory_space<hbm>> -> memref<128xi32, #tpu.memory_space<hbm>>
        %dma_start3A_58 = tpu.memref_slice %arg3[%multiple_of3A_46] : memref<323584xi32, #tpu.memory_space<hbm>> -> memref<128xi32, #tpu.memory_space<hbm>>
        tpu.enqueue_dma source(%dma_start3A_58 : memref<128xi32, #tpu.memory_space<hbm>>) target(%arg7 : memref<128xi32, #tpu.memory_space<vmem>>) target_semaphore(%run_scoped3A : memref<!tpu.dma_semaphore, #tpu.memory_space<semaphore_mem>>)
        %dma_wait3A_59 = tpu.memref_slice %arg3[%multiple_of3A_46] : memref<323584xi32, #tpu.memory_space<hbm>> -> memref<128xi32, #tpu.memory_space<hbm>>
        %dma_wait3A_60 = tpu.memref_slice %arg3[%multiple_of3A_46] : memref<323584xi32, #tpu.memory_space<hbm>> -> memref<128xi32, #tpu.memory_space<hbm>>
        tpu.wait_dma2 semaphore(%run_scoped3A : memref<!tpu.dma_semaphore, #tpu.memory_space<semaphore_mem>>) src(%dma_wait3A_60 : memref<128xi32, #tpu.memory_space<hbm>>) dst(%arg7 : memref<128xi32, #tpu.memory_space<vmem>>)
        tpu.yield
      }) : () -> ()
      "tpu.region"() ({
        %run_scoped3A = tpu.sem_alloc : memref<!tpu.dma_semaphore, #tpu.memory_space<semaphore_mem>>
        %dma_start3A_57 = tpu.memref_slice %arg4[%multiple_of3A_46] : memref<323584xi32, #tpu.memory_space<hbm>> -> memref<128xi32, #tpu.memory_space<hbm>>
        %dma_start3A_58 = tpu.memref_slice %arg4[%multiple_of3A_46] : memref<323584xi32, #tpu.memory_space<hbm>> -> memref<128xi32, #tpu.memory_space<hbm>>
        tpu.enqueue_dma source(%dma_start3A_58 : memref<128xi32, #tpu.memory_space<hbm>>) target(%arg8 : memref<128xi32, #tpu.memory_space<vmem>>) target_semaphore(%run_scoped3A : memref<!tpu.dma_semaphore, #tpu.memory_space<semaphore_mem>>)
        %dma_wait3A_59 = tpu.memref_slice %arg4[%multiple_of3A_46] : memref<323584xi32, #tpu.memory_space<hbm>> -> memref<128xi32, #tpu.memory_space<hbm>>
        %dma_wait3A_60 = tpu.memref_slice %arg4[%multiple_of3A_46] : memref<323584xi32, #tpu.memory_space<hbm>> -> memref<128xi32, #tpu.memory_space<hbm>>
        tpu.wait_dma2 semaphore(%run_scoped3A : memref<!tpu.dma_semaphore, #tpu.memory_space<semaphore_mem>>) src(%dma_wait3A_60 : memref<128xi32, #tpu.memory_space<hbm>>) dst(%arg8 : memref<128xi32, #tpu.memory_space<vmem>>)
        tpu.yield
      }) : () -> ()
      "tpu.region"() ({
        %run_scoped3A = tpu.sem_alloc : memref<!tpu.dma_semaphore, #tpu.memory_space<semaphore_mem>>
        %dma_start3A_57 = tpu.memref_slice %arg5[%multiple_of3A_46] : memref<323584xf32, #tpu.memory_space<hbm>> -> memref<128xf32, #tpu.memory_space<hbm>>
        %dma_start3A_58 = tpu.memref_slice %arg5[%multiple_of3A_46] : memref<323584xf32, #tpu.memory_space<hbm>> -> memref<128xf32, #tpu.memory_space<hbm>>
        tpu.enqueue_dma source(%dma_start3A_58 : memref<128xf32, #tpu.memory_space<hbm>>) target(%arg9 : memref<128xf32, #tpu.memory_space<vmem>>) target_semaphore(%run_scoped3A : memref<!tpu.dma_semaphore, #tpu.memory_space<semaphore_mem>>)
        %dma_wait3A_59 = tpu.memref_slice %arg5[%multiple_of3A_46] : memref<323584xf32, #tpu.memory_space<hbm>> -> memref<128xf32, #tpu.memory_space<hbm>>
        %dma_wait3A_60 = tpu.memref_slice %arg5[%multiple_of3A_46] : memref<323584xf32, #tpu.memory_space<hbm>> -> memref<128xf32, #tpu.memory_space<hbm>>
        tpu.wait_dma2 semaphore(%run_scoped3A : memref<!tpu.dma_semaphore, #tpu.memory_space<semaphore_mem>>) src(%dma_wait3A_60 : memref<128xf32, #tpu.memory_space<hbm>>) dst(%arg9 : memref<128xf32, #tpu.memory_space<vmem>>)
        tpu.yield
      }) : () -> ()
      %dma_start3A = arith.constant 0 : i32
      %dma_start3A_47 = arith.constant 0 : i32
      %dma_start3A_48 = tpu.memref_slice %arg2[%dma_start3A, %dma_start3A_47] : memref<10000x64xf32, #tpu.memory_space<hbm>> -> memref<10000x64xf32, #tpu.memory_space<hbm>>
      tpu.enqueue_indirect_dma source(%dma_start3A_48 : memref<10000x64xf32, #tpu.memory_space<hbm>>) target(%arg10 : memref<128x64xf32, #tpu.memory_space<vmem>>) offsets(%arg7 : memref<128xi32, #tpu.memory_space<vmem>>) semaphore(%arg12 : memref<!tpu.dma_semaphore, #tpu.memory_space<semaphore_mem>>)
      %dma_wait3A = arith.constant 0 : i32
      %dma_wait3A_49 = arith.constant 0 : i32
      %dma_wait3A_50 = tpu.memref_slice %arg2[%dma_wait3A, %dma_wait3A_49] : memref<10000x64xf32, #tpu.memory_space<hbm>> -> memref<10000x64xf32, #tpu.memory_space<hbm>>
      tpu.wait_indirect_dma semaphore(%arg12 : memref<!tpu.dma_semaphore, #tpu.memory_space<semaphore_mem>>) src(%dma_wait3A_50 : memref<10000x64xf32, #tpu.memory_space<hbm>>) dst(%arg10 : memref<128x64xf32, #tpu.memory_space<vmem>>)
      %scan3A_51 = arith.constant 0 : i32
      %scan3A_52 = arith.constant 0 : i32
      %scan3A_53 = arith.constant 8 : i32
      %scan3A_54 = arith.addi %scan3A_52, %scan3A_53 : i32
      %scan3A_55 = arith.constant 1 : i32
      scf.for %scan3A_57 = %scan3A_52 to %scan3A_54 step %scan3A_55  : i32 {
        %mul3A_58 = arith.constant 16 : i32
        %mul3A_59 = arith.muli %scan3A_57, %mul3A_58 : i32
        %multiple_of3A_60 = tpu.assume_multiple %mul3A_59, 16 : i32
        %get3A = arith.index_cast %multiple_of3A_60 : i32 to index
        %get3A_61 = tpu.vector_load %arg9[%get3A] {strides = array<i32>} : memref<128xf32, #tpu.memory_space<vmem>>, vector<16xf32>,
        %get3A_62 = vector.shape_cast %get3A_61 : vector<16xf32> to vector<16xf32>
        %broadcast_in_dim3A = arith.constant 0 : i32
        %broadcast_in_dim3A_63 = vector.broadcast %broadcast_in_dim3A : i32 to vector<16x1xi32>
        %gather3A = vector.shape_cast %broadcast_in_dim3A_63 : vector<16x1xi32> to vector<16xi32>
        %gather3A_64 = tpu.dynamic_gather %get3A_62[%gather3A] in [0] : vector<16xf32>, vector<16xi32> -> vector<16xf32>
        %mul3A_65 = arith.constant 16 : i32
        %mul3A_66 = arith.muli %scan3A_57, %mul3A_65 : i32
        %add3A_67 = arith.constant 0 : i32
        %add3A_68 = arith.addi %mul3A_66, %add3A_67 : i32
        %get3A_69 = arith.index_cast %add3A_68 : i32 to index
        %get3A_70 = arith.constant 0 : index
        %get3A_71 = tpu.vector_load %arg10[%get3A_69, %get3A_70] {strides = array<i32>} : memref<128x64xf32, #tpu.memory_space<vmem>>, vector<1x16xf32>,
        %get3A_72 = vector.shape_cast %get3A_71 : vector<1x16xf32> to vector<16xf32>
        %mul3A_73 = arith.mulf %get3A_72, %gather3A_64 : vector<16xf32>
        %swap3A = arith.index_cast %add3A_68 : i32 to index
        %swap3A_74 = arith.constant 0 : index
        %swap3A_75 = tpu.vector_load %arg10[%swap3A, %swap3A_74] {strides = array<i32>} : memref<128x64xf32, #tpu.memory_space<vmem>>, vector<1x16xf32>,
        %swap3A_76 = vector.shape_cast %swap3A_75 : vector<1x16xf32> to vector<16xf32>
        %swap3A_77 = vector.shape_cast %mul3A_73 : vector<16xf32> to vector<1x16xf32>
        tpu.vector_store %arg10[%swap3A, %swap3A_74], %swap3A_77 {strides = array<i32>} : memref<128x64xf32, #tpu.memory_space<vmem>>, vector<1x16xf32>,
        %get3A_78 = arith.index_cast %add3A_68 : i32 to index
        %get3A_79 = arith.constant 16 : index
        %get3A_80 = tpu.vector_load %arg10[%get3A_78, %get3A_79] {strides = array<i32>} : memref<128x64xf32, #tpu.memory_space<vmem>>, vector<1x16xf32>,
        %get3A_81 = vector.shape_cast %get3A_80 : vector<1x16xf32> to vector<16xf32>
        %mul3A_82 = arith.mulf %get3A_81, %gather3A_64 : vector<16xf32>
        %swap3A_83 = arith.index_cast %add3A_68 : i32 to index
        %swap3A_84 = arith.constant 16 : index
        %swap3A_85 = tpu.vector_load %arg10[%swap3A_83, %swap3A_84] {strides = array<i32>} : memref<128x64xf32, #tpu.memory_space<vmem>>, vector<1x16xf32>,
        %swap3A_86 = vector.shape_cast %swap3A_85 : vector<1x16xf32> to vector<16xf32>
        %swap3A_87 = vector.shape_cast %mul3A_82 : vector<16xf32> to vector<1x16xf32>
        tpu.vector_store %arg10[%swap3A_83, %swap3A_84], %swap3A_87 {strides = array<i32>} : memref<128x64xf32, #tpu.memory_space<vmem>>, vector<1x16xf32>,
        %get3A_88 = arith.index_cast %add3A_68 : i32 to index
        %get3A_89 = arith.constant 32 : index
        %get3A_90 = tpu.vector_load %arg10[%get3A_88, %get3A_89] {strides = array<i32>} : memref<128x64xf32, #tpu.memory_space<vmem>>, vector<1x16xf32>,
        %get3A_91 = vector.shape_cast %get3A_90 : vector<1x16xf32> to vector<16xf32>
        %mul3A_92 = arith.mulf %get3A_91, %gather3A_64 : vector<16xf32>
        %swap3A_93 = arith.index_cast %add3A_68 : i32 to index
        %swap3A_94 = arith.constant 32 : index
        %swap3A_95 = tpu.vector_load %arg10[%swap3A_93, %swap3A_94] {strides = array<i32>} : memref<128x64xf32, #tpu.memory_space<vmem>>, vector<1x16xf32>,
        %swap3A_96 = vector.shape_cast %swap3A_95 : vector<1x16xf32> to vector<16xf32>
        %swap3A_97 = vector.shape_cast %mul3A_92 : vector<16xf32> to vector<1x16xf32>
        tpu.vector_store %arg10[%swap3A_93, %swap3A_94], %swap3A_97 {strides = array<i32>} : memref<128x64xf32, #tpu.memory_space<vmem>>, vector<1x16xf32>,
        %get3A_98 = arith.index_cast %add3A_68 : i32 to index
        %get3A_99 = arith.constant 48 : index
        %get3A_100 = tpu.vector_load %arg10[%get3A_98, %get3A_99] {strides = array<i32>} : memref<128x64xf32, #tpu.memory_space<vmem>>, vector<1x16xf32>,
        %get3A_101 = vector.shape_cast %get3A_100 : vector<1x16xf32> to vector<16xf32>
        %mul3A_102 = arith.mulf %get3A_101, %gather3A_64 : vector<16xf32>
        %swap3A_103 = arith.index_cast %add3A_68 : i32 to index
        %swap3A_104 = arith.constant 48 : index
        %swap3A_105 = tpu.vector_load %arg10[%swap3A_103, %swap3A_104] {strides = array<i32>} : memref<128x64xf32, #tpu.memory_space<vmem>>, vector<1x16xf32>,
        %swap3A_106 = vector.shape_cast %swap3A_105 : vector<1x16xf32> to vector<16xf32>
        %swap3A_107 = vector.shape_cast %mul3A_102 : vector<16xf32> to vector<1x16xf32>
        tpu.vector_store %arg10[%swap3A_103, %swap3A_104], %swap3A_107 {strides = array<i32>} : memref<128x64xf32, #tpu.memory_space<vmem>>, vector<1x16xf32>,
        %broadcast_in_dim3A_108 = arith.constant 1 : i32
        %broadcast_in_dim3A_109 = vector.broadcast %broadcast_in_dim3A_108 : i32 to vector<16x1xi32>
        %gather3A_110 = vector.shape_cast %broadcast_in_dim3A_109 : vector<16x1xi32> to vector<16xi32>
        %gather3A_111 = tpu.dynamic_gather %get3A_62[%gather3A_110] in [0] : vector<16xf32>, vector<16xi32> -> vector<16xf32>
        %mul3A_112 = arith.constant 16 : i32
        %mul3A_113 = arith.muli %scan3A_57, %mul3A_112 : i32
        %add3A_114 = arith.constant 1 : i32
        %add3A_115 = arith.addi %mul3A_113, %add3A_114 : i32
        %get3A_116 = arith.index_cast %add3A_115 : i32 to index
        %get3A_117 = arith.constant 0 : index
        %get3A_118 = tpu.vector_load %arg10[%get3A_116, %get3A_117] {strides = array<i32>} : memref<128x64xf32, #tpu.memory_space<vmem>>, vector<1x16xf32>,
        %get3A_119 = vector.shape_cast %get3A_118 : vector<1x16xf32> to vector<16xf32>
        %mul3A_120 = arith.mulf %get3A_119, %gather3A_111 : vector<16xf32>
        %swap3A_121 = arith.index_cast %add3A_115 : i32 to index
        %swap3A_122 = arith.constant 0 : index
        %swap3A_123 = tpu.vector_load %arg10[%swap3A_121, %swap3A_122] {strides = array<i32>} : memref<128x64xf32, #tpu.memory_space<vmem>>, vector<1x16xf32>,
        %swap3A_124 = vector.shape_cast %swap3A_123 : vector<1x16xf32> to vector<16xf32>
        %swap3A_125 = vector.shape_cast %mul3A_120 : vector<16xf32> to vector<1x16xf32>
        tpu.vector_store %arg10[%swap3A_121, %swap3A_122], %swap3A_125 {strides = array<i32>} : memref<128x64xf32, #tpu.memory_space<vmem>>, vector<1x16xf32>,
        %get3A_126 = arith.index_cast %add3A_115 : i32 to index
        %get3A_127 = arith.constant 16 : index
        %get3A_128 = tpu.vector_load %arg10[%get3A_126, %get3A_127] {strides = array<i32>} : memref<128x64xf32, #tpu.memory_space<vmem>>, vector<1x16xf32>,
        %get3A_129 = vector.shape_cast %get3A_128 : vector<1x16xf32> to vector<16xf32>
        %mul3A_130 = arith.mulf %get3A_129, %gather3A_111 : vector<16xf32>
        %swap3A_131 = arith.index_cast %add3A_115 : i32 to index
        %swap3A_132 = arith.constant 16 : index
        %swap3A_133 = tpu.vector_load %arg10[%swap3A_131, %swap3A_132] {strides = array<i32>} : memref<128x64xf32, #tpu.memory_space<vmem>>, vector<1x16xf32>,
        %swap3A_134 = vector.shape_cast %swap3A_133 : vector<1x16xf32> to vector<16xf32>
        %swap3A_135 = vector.shape_cast %mul3A_130 : vector<16xf32> to vector<1x16xf32>
        tpu.vector_store %arg10[%swap3A_131, %swap3A_132], %swap3A_135 {strides = array<i32>} : memref<128x64xf32, #tpu.memory_space<vmem>>, vector<1x16xf32>,
        %get3A_136 = arith.index_cast %add3A_115 : i32 to index
        %get3A_137 = arith.constant 32 : index
        %get3A_138 = tpu.vector_load %arg10[%get3A_136, %get3A_137] {strides = array<i32>} : memref<128x64xf32, #tpu.memory_space<vmem>>, vector<1x16xf32>,
        %get3A_139 = vector.shape_cast %get3A_138 : vector<1x16xf32> to vector<16xf32>
        %mul3A_140 = arith.mulf %get3A_139, %gather3A_111 : vector<16xf32>
        %swap3A_141 = arith.index_cast %add3A_115 : i32 to index
        %swap3A_142 = arith.constant 32 : index
        %swap3A_143 = tpu.vector_load %arg10[%swap3A_141, %swap3A_142] {strides = array<i32>} : memref<128x64xf32, #tpu.memory_space<vmem>>, vector<1x16xf32>,
        %swap3A_144 = vector.shape_cast %swap3A_143 : vector<1x16xf32> to vector<16xf32>
        %swap3A_145 = vector.shape_cast %mul3A_140 : vector<16xf32> to vector<1x16xf32>
        tpu.vector_store %arg10[%swap3A_141, %swap3A_142], %swap3A_145 {strides = array<i32>} : memref<128x64xf32, #tpu.memory_space<vmem>>, vector<1x16xf32>,
        %get3A_146 = arith.index_cast %add3A_115 : i32 to index
        %get3A_147 = arith.constant 48 : index
        %get3A_148 = tpu.vector_load %arg10[%get3A_146, %get3A_147] {strides = array<i32>} : memref<128x64xf32, #tpu.memory_space<vmem>>, vector<1x16xf32>,
        %get3A_149 = vector.shape_cast %get3A_148 : vector<1x16xf32> to vector<16xf32>
        %mul3A_150 = arith.mulf %get3A_149, %gather3A_111 : vector<16xf32>
        %swap3A_151 = arith.index_cast %add3A_115 : i32 to index
        %swap3A_152 = arith.constant 48 : index
        %swap3A_153 = tpu.vector_load %arg10[%swap3A_151, %swap3A_152] {strides = array<i32>} : memref<128x64xf32, #tpu.memory_space<vmem>>, vector<1x16xf32>,
        %swap3A_154 = vector.shape_cast %swap3A_153 : vector<1x16xf32> to vector<16xf32>
        %swap3A_155 = vector.shape_cast %mul3A_150 : vector<16xf32> to vector<1x16xf32>
        tpu.vector_store %arg10[%swap3A_151, %swap3A_152], %swap3A_155 {strides = array<i32>} : memref<128x64xf32, #tpu.memory_space<vmem>>, vector<1x16xf32>,
        %broadcast_in_dim3A_156 = arith.constant 2 : i32
        %broadcast_in_dim3A_157 = vector.broadcast %broadcast_in_dim3A_156 : i32 to vector<16x1xi32>
        %gather3A_158 = vector.shape_cast %broadcast_in_dim3A_157 : vector<16x1xi32> to vector<16xi32>
        %gather3A_159 = tpu.dynamic_gather %get3A_62[%gather3A_158] in [0] : vector<16xf32>, vector<16xi32> -> vector<16xf32>
        %mul3A_160 = arith.constant 16 : i32
        %mul3A_161 = arith.muli %scan3A_57, %mul3A_160 : i32
        %add3A_162 = arith.constant 2 : i32
        %add3A_163 = arith.addi %mul3A_161, %add3A_162 : i32
        %get3A_164 = arith.index_cast %add3A_163 : i32 to index
        %get3A_165 = arith.constant 0 : index
        %get3A_166 = tpu.vector_load %arg10[%get3A_164, %get3A_165] {strides = array<i32>} : memref<128x64xf32, #tpu.memory_space<vmem>>, vector<1x16xf32>,
        %get3A_167 = vector.shape_cast %get3A_166 : vector<1x16xf32> to vector<16xf32>
        %mul3A_168 = arith.mulf %get3A_167, %gather3A_159 : vector<16xf32>
        %swap3A_169 = arith.index_cast %add3A_163 : i32 to index
        %swap3A_170 = arith.constant 0 : index
        %swap3A_171 = tpu.vector_load %arg10[%swap3A_169, %swap3A_170] {strides = array<i32>} : memref<128x64xf32, #tpu.memory_space<vmem>>, vector<1x16xf32>,
        %swap3A_172 = vector.shape_cast %swap3A_171 : vector<1x16xf32> to vector<16xf32>
        %swap3A_173 = vector.shape_cast %mul3A_168 : vector<16xf32> to vector<1x16xf32>
        tpu.vector_store %arg10[%swap3A_169, %swap3A_170], %swap3A_173 {strides = array<i32>} : memref<128x64xf32, #tpu.memory_space<vmem>>, vector<1x16xf32>,
        %get3A_174 = arith.index_cast %add3A_163 : i32 to index
        %get3A_175 = arith.constant 16 : index
        %get3A_176 = tpu.vector_load %arg10[%get3A_174, %get3A_175] {strides = array<i32>} : memref<128x64xf32, #tpu.memory_space<vmem>>, vector<1x16xf32>,
        %get3A_177 = vector.shape_cast %get3A_176 : vector<1x16xf32> to vector<16xf32>
        %mul3A_178 = arith.mulf %get3A_177, %gather3A_159 : vector<16xf32>
        %swap3A_179 = arith.index_cast %add3A_163 : i32 to index
        %swap3A_180 = arith.constant 16 : index
        %swap3A_181 = tpu.vector_load %arg10[%swap3A_179, %swap3A_180] {strides = array<i32>} : memref<128x64xf32, #tpu.memory_space<vmem>>, vector<1x16xf32>,
        %swap3A_182 = vector.shape_cast %swap3A_181 : vector<1x16xf32> to vector<16xf32>
        %swap3A_183 = vector.shape_cast %mul3A_178 : vector<16xf32> to vector<1x16xf32>
        tpu.vector_store %arg10[%swap3A_179, %swap3A_180], %swap3A_183 {strides = array<i32>} : memref<128x64xf32, #tpu.memory_space<vmem>>, vector<1x16xf32>,
        %get3A_184 = arith.index_cast %add3A_163 : i32 to index
        %get3A_185 = arith.constant 32 : index
        %get3A_186 = tpu.vector_load %arg10[%get3A_184, %get3A_185] {strides = array<i32>} : memref<128x64xf32, #tpu.memory_space<vmem>>, vector<1x16xf32>,
        %get3A_187 = vector.shape_cast %get3A_186 : vector<1x16xf32> to vector<16xf32>
        %mul3A_188 = arith.mulf %get3A_187, %gather3A_159 : vector<16xf32>
        %swap3A_189 = arith.index_cast %add3A_163 : i32 to index
        %swap3A_190 = arith.constant 32 : index
        %swap3A_191 = tpu.vector_load %arg10[%swap3A_189, %swap3A_190] {strides = array<i32>} : memref<128x64xf32, #tpu.memory_space<vmem>>, vector<1x16xf32>,
        %swap3A_192 = vector.shape_cast %swap3A_191 : vector<1x16xf32> to vector<16xf32>
        %swap3A_193 = vector.shape_cast %mul3A_188 : vector<16xf32> to vector<1x16xf32>
        tpu.vector_store %arg10[%swap3A_189, %swap3A_190], %swap3A_193 {strides = array<i32>} : memref<128x64xf32, #tpu.memory_space<vmem>>, vector<1x16xf32>,
        %get3A_194 = arith.index_cast %add3A_163 : i32 to index
        %get3A_195 = arith.constant 48 : index
        %get3A_196 = tpu.vector_load %arg10[%get3A_194, %get3A_195] {strides = array<i32>} : memref<128x64xf32, #tpu.memory_space<vmem>>, vector<1x16xf32>,
        %get3A_197 = vector.shape_cast %get3A_196 : vector<1x16xf32> to vector<16xf32>
        %mul3A_198 = arith.mulf %get3A_197, %gather3A_159 : vector<16xf32>
        %swap3A_199 = arith.index_cast %add3A_163 : i32 to index
        %swap3A_200 = arith.constant 48 : index
        %swap3A_201 = tpu.vector_load %arg10[%swap3A_199, %swap3A_200] {strides = array<i32>} : memref<128x64xf32, #tpu.memory_space<vmem>>, vector<1x16xf32>,
        %swap3A_202 = vector.shape_cast %swap3A_201 : vector<1x16xf32> to vector<16xf32>
        %swap3A_203 = vector.shape_cast %mul3A_198 : vector<16xf32> to vector<1x16xf32>
        tpu.vector_store %arg10[%swap3A_199, %swap3A_200], %swap3A_203 {strides = array<i32>} : memref<128x64xf32, #tpu.memory_space<vmem>>, vector<1x16xf32>,
        %broadcast_in_dim3A_204 = arith.constant 3 : i32
        %broadcast_in_dim3A_205 = vector.broadcast %broadcast_in_dim3A_204 : i32 to vector<16x1xi32>
        %gather3A_206 = vector.shape_cast %broadcast_in_dim3A_205 : vector<16x1xi32> to vector<16xi32>
        %gather3A_207 = tpu.dynamic_gather %get3A_62[%gather3A_206] in [0] : vector<16xf32>, vector<16xi32> -> vector<16xf32>
        %mul3A_208 = arith.constant 16 : i32
        %mul3A_209 = arith.muli %scan3A_57, %mul3A_208 : i32
        %add3A_210 = arith.constant 3 : i32
        %add3A_211 = arith.addi %mul3A_209, %add3A_210 : i32
        %get3A_212 = arith.index_cast %add3A_211 : i32 to index
        %get3A_213 = arith.constant 0 : index
        %get3A_214 = tpu.vector_load %arg10[%get3A_212, %get3A_213] {strides = array<i32>} : memref<128x64xf32, #tpu.memory_space<vmem>>, vector<1x16xf32>,
        %get3A_215 = vector.shape_cast %get3A_214 : vector<1x16xf32> to vector<16xf32>
        %mul3A_216 = arith.mulf %get3A_215, %gather3A_207 : vector<16xf32>
        %swap3A_217 = arith.index_cast %add3A_211 : i32 to index
        %swap3A_218 = arith.constant 0 : index
        %swap3A_219 = tpu.vector_load %arg10[%swap3A_217, %swap3A_218] {strides = array<i32>} : memref<128x64xf32, #tpu.memory_space<vmem>>, vector<1x16xf32>,
        %swap3A_220 = vector.shape_cast %swap3A_219 : vector<1x16xf32> to vector<16xf32>
        %swap3A_221 = vector.shape_cast %mul3A_216 : vector<16xf32> to vector<1x16xf32>
        tpu.vector_store %arg10[%swap3A_217, %swap3A_218], %swap3A_221 {strides = array<i32>} : memref<128x64xf32, #tpu.memory_space<vmem>>, vector<1x16xf32>,
        %get3A_222 = arith.index_cast %add3A_211 : i32 to index
        %get3A_223 = arith.constant 16 : index
        %get3A_224 = tpu.vector_load %arg10[%get3A_222, %get3A_223] {strides = array<i32>} : memref<128x64xf32, #tpu.memory_space<vmem>>, vector<1x16xf32>,
        %get3A_225 = vector.shape_cast %get3A_224 : vector<1x16xf32> to vector<16xf32>
        %mul3A_226 = arith.mulf %get3A_225, %gather3A_207 : vector<16xf32>
        %swap3A_227 = arith.index_cast %add3A_211 : i32 to index
        %swap3A_228 = arith.constant 16 : index
        %swap3A_229 = tpu.vector_load %arg10[%swap3A_227, %swap3A_228] {strides = array<i32>} : memref<128x64xf32, #tpu.memory_space<vmem>>, vector<1x16xf32>,
        %swap3A_230 = vector.shape_cast %swap3A_229 : vector<1x16xf32> to vector<16xf32>
        %swap3A_231 = vector.shape_cast %mul3A_226 : vector<16xf32> to vector<1x16xf32>
        tpu.vector_store %arg10[%swap3A_227, %swap3A_228], %swap3A_231 {strides = array<i32>} : memref<128x64xf32, #tpu.memory_space<vmem>>, vector<1x16xf32>,
        %get3A_232 = arith.index_cast %add3A_211 : i32 to index
        %get3A_233 = arith.constant 32 : index
        %get3A_234 = tpu.vector_load %arg10[%get3A_232, %get3A_233] {strides = array<i32>} : memref<128x64xf32, #tpu.memory_space<vmem>>, vector<1x16xf32>,
        %get3A_235 = vector.shape_cast %get3A_234 : vector<1x16xf32> to vector<16xf32>
        %mul3A_236 = arith.mulf %get3A_235, %gather3A_207 : vector<16xf32>
        %swap3A_237 = arith.index_cast %add3A_211 : i32 to index
        %swap3A_238 = arith.constant 32 : index
        %swap3A_239 = tpu.vector_load %arg10[%swap3A_237, %swap3A_238] {strides = array<i32>} : memref<128x64xf32, #tpu.memory_space<vmem>>, vector<1x16xf32>,
        %swap3A_240 = vector.shape_cast %swap3A_239 : vector<1x16xf32> to vector<16xf32>
        %swap3A_241 = vector.shape_cast %mul3A_236 : vector<16xf32> to vector<1x16xf32>
        tpu.vector_store %arg10[%swap3A_237, %swap3A_238], %swap3A_241 {strides = array<i32>} : memref<128x64xf32, #tpu.memory_space<vmem>>, vector<1x16xf32>,
        %get3A_242 = arith.index_cast %add3A_211 : i32 to index
        %get3A_243 = arith.constant 48 : index
        %get3A_244 = tpu.vector_load %arg10[%get3A_242, %get3A_243] {strides = array<i32>} : memref<128x64xf32, #tpu.memory_space<vmem>>, vector<1x16xf32>,
        %get3A_245 = vector.shape_cast %get3A_244 : vector<1x16xf32> to vector<16xf32>
        %mul3A_246 = arith.mulf %get3A_245, %gather3A_207 : vector<16xf32>
        %swap3A_247 = arith.index_cast %add3A_211 : i32 to index
        %swap3A_248 = arith.constant 48 : index
        %swap3A_249 = tpu.vector_load %arg10[%swap3A_247, %swap3A_248] {strides = array<i32>} : memref<128x64xf32, #tpu.memory_space<vmem>>, vector<1x16xf32>,
        %swap3A_250 = vector.shape_cast %swap3A_249 : vector<1x16xf32> to vector<16xf32>
        %swap3A_251 = vector.shape_cast %mul3A_246 : vector<16xf32> to vector<1x16xf32>
        tpu.vector_store %arg10[%swap3A_247, %swap3A_248], %swap3A_251 {strides = array<i32>} : memref<128x64xf32, #tpu.memory_space<vmem>>, vector<1x16xf32>,
        %broadcast_in_dim3A_252 = arith.constant 4 : i32
        %broadcast_in_dim3A_253 = vector.broadcast %broadcast_in_dim3A_252 : i32 to vector<16x1xi32>
        %gather3A_254 = vector.shape_cast %broadcast_in_dim3A_253 : vector<16x1xi32> to vector<16xi32>
        %gather3A_255 = tpu.dynamic_gather %get3A_62[%gather3A_254] in [0] : vector<16xf32>, vector<16xi32> -> vector<16xf32>
        %mul3A_256 = arith.constant 16 : i32
        %mul3A_257 = arith.muli %scan3A_57, %mul3A_256 : i32
        %add3A_258 = arith.constant 4 : i32
        %add3A_259 = arith.addi %mul3A_257, %add3A_258 : i32
        %get3A_260 = arith.index_cast %add3A_259 : i32 to index
        %get3A_261 = arith.constant 0 : index
        %get3A_262 = tpu.vector_load %arg10[%get3A_260, %get3A_261] {strides = array<i32>} : memref<128x64xf32, #tpu.memory_space<vmem>>, vector<1x16xf32>,
        %get3A_263 = vector.shape_cast %get3A_262 : vector<1x16xf32> to vector<16xf32>
        %mul3A_264 = arith.mulf %get3A_263, %gather3A_255 : vector<16xf32>
        %swap3A_265 = arith.index_cast %add3A_259 : i32 to index
        %swap3A_266 = arith.constant 0 : index
        %swap3A_267 = tpu.vector_load %arg10[%swap3A_265, %swap3A_266] {strides = array<i32>} : memref<128x64xf32, #tpu.memory_space<vmem>>, vector<1x16xf32>,
        %swap3A_268 = vector.shape_cast %swap3A_267 : vector<1x16xf32> to vector<16xf32>
        %swap3A_269 = vector.shape_cast %mul3A_264 : vector<16xf32> to vector<1x16xf32>
        tpu.vector_store %arg10[%swap3A_265, %swap3A_266], %swap3A_269 {strides = array<i32>} : memref<128x64xf32, #tpu.memory_space<vmem>>, vector<1x16xf32>,
        %get3A_270 = arith.index_cast %add3A_259 : i32 to index
        %get3A_271 = arith.constant 16 : index
        %get3A_272 = tpu.vector_load %arg10[%get3A_270, %get3A_271] {strides = array<i32>} : memref<128x64xf32, #tpu.memory_space<vmem>>, vector<1x16xf32>,
        %get3A_273 = vector.shape_cast %get3A_272 : vector<1x16xf32> to vector<16xf32>
        %mul3A_274 = arith.mulf %get3A_273, %gather3A_255 : vector<16xf32>
        %swap3A_275 = arith.index_cast %add3A_259 : i32 to index
        %swap3A_276 = arith.constant 16 : index
        %swap3A_277 = tpu.vector_load %arg10[%swap3A_275, %swap3A_276] {strides = array<i32>} : memref<128x64xf32, #tpu.memory_space<vmem>>, vector<1x16xf32>,
        %swap3A_278 = vector.shape_cast %swap3A_277 : vector<1x16xf32> to vector<16xf32>
        %swap3A_279 = vector.shape_cast %mul3A_274 : vector<16xf32> to vector<1x16xf32>
        tpu.vector_store %arg10[%swap3A_275, %swap3A_276], %swap3A_279 {strides = array<i32>} : memref<128x64xf32, #tpu.memory_space<vmem>>, vector<1x16xf32>,
        %get3A_280 = arith.index_cast %add3A_259 : i32 to index
        %get3A_281 = arith.constant 32 : index
        %get3A_282 = tpu.vector_load %arg10[%get3A_280, %get3A_281] {strides = array<i32>} : memref<128x64xf32, #tpu.memory_space<vmem>>, vector<1x16xf32>,
        %get3A_283 = vector.shape_cast %get3A_282 : vector<1x16xf32> to vector<16xf32>
        %mul3A_284 = arith.mulf %get3A_283, %gather3A_255 : vector<16xf32>
        %swap3A_285 = arith.index_cast %add3A_259 : i32 to index
        %swap3A_286 = arith.constant 32 : index
        %swap3A_287 = tpu.vector_load %arg10[%swap3A_285, %swap3A_286] {strides = array<i32>} : memref<128x64xf32, #tpu.memory_space<vmem>>, vector<1x16xf32>,
        %swap3A_288 = vector.shape_cast %swap3A_287 : vector<1x16xf32> to vector<16xf32>
        %swap3A_289 = vector.shape_cast %mul3A_284 : vector<16xf32> to vector<1x16xf32>
        tpu.vector_store %arg10[%swap3A_285, %swap3A_286], %swap3A_289 {strides = array<i32>} : memref<128x64xf32, #tpu.memory_space<vmem>>, vector<1x16xf32>,
        %get3A_290 = arith.index_cast %add3A_259 : i32 to index
        %get3A_291 = arith.constant 48 : index
        %get3A_292 = tpu.vector_load %arg10[%get3A_290, %get3A_291] {strides = array<i32>} : memref<128x64xf32, #tpu.memory_space<vmem>>, vector<1x16xf32>,
        %get3A_293 = vector.shape_cast %get3A_292 : vector<1x16xf32> to vector<16xf32>
        %mul3A_294 = arith.mulf %get3A_293, %gather3A_255 : vector<16xf32>
        %swap3A_295 = arith.index_cast %add3A_259 : i32 to index
        %swap3A_296 = arith.constant 48 : index
        %swap3A_297 = tpu.vector_load %arg10[%swap3A_295, %swap3A_296] {strides = array<i32>} : memref<128x64xf32, #tpu.memory_space<vmem>>, vector<1x16xf32>,
        %swap3A_298 = vector.shape_cast %swap3A_297 : vector<1x16xf32> to vector<16xf32>
        %swap3A_299 = vector.shape_cast %mul3A_294 : vector<16xf32> to vector<1x16xf32>
        tpu.vector_store %arg10[%swap3A_295, %swap3A_296], %swap3A_299 {strides = array<i32>} : memref<128x64xf32, #tpu.memory_space<vmem>>, vector<1x16xf32>,
        %broadcast_in_dim3A_300 = arith.constant 5 : i32
        %broadcast_in_dim3A_301 = vector.broadcast %broadcast_in_dim3A_300 : i32 to vector<16x1xi32>
        %gather3A_302 = vector.shape_cast %broadcast_in_dim3A_301 : vector<16x1xi32> to vector<16xi32>
        %gather3A_303 = tpu.dynamic_gather %get3A_62[%gather3A_302] in [0] : vector<16xf32>, vector<16xi32> -> vector<16xf32>
        %mul3A_304 = arith.constant 16 : i32
        %mul3A_305 = arith.muli %scan3A_57, %mul3A_304 : i32
        %add3A_306 = arith.constant 5 : i32
        %add3A_307 = arith.addi %mul3A_305, %add3A_306 : i32
        %get3A_308 = arith.index_cast %add3A_307 : i32 to index
        %get3A_309 = arith.constant 0 : index
        %get3A_310 = tpu.vector_load %arg10[%get3A_308, %get3A_309] {strides = array<i32>} : memref<128x64xf32, #tpu.memory_space<vmem>>, vector<1x16xf32>,
        %get3A_311 = vector.shape_cast %get3A_310 : vector<1x16xf32> to vector<16xf32>
        %mul3A_312 = arith.mulf %get3A_311, %gather3A_303 : vector<16xf32>
        %swap3A_313 = arith.index_cast %add3A_307 : i32 to index
        %swap3A_314 = arith.constant 0 : index
        %swap3A_315 = tpu.vector_load %arg10[%swap3A_313, %swap3A_314] {strides = array<i32>} : memref<128x64xf32, #tpu.memory_space<vmem>>, vector<1x16xf32>,
        %swap3A_316 = vector.shape_cast %swap3A_315 : vector<1x16xf32> to vector<16xf32>
        %swap3A_317 = vector.shape_cast %mul3A_312 : vector<16xf32> to vector<1x16xf32>
        tpu.vector_store %arg10[%swap3A_313, %swap3A_314], %swap3A_317 {strides = array<i32>} : memref<128x64xf32, #tpu.memory_space<vmem>>, vector<1x16xf32>,
        %get3A_318 = arith.index_cast %add3A_307 : i32 to index
        %get3A_319 = arith.constant 16 : index
        %get3A_320 = tpu.vector_load %arg10[%get3A_318, %get3A_319] {strides = array<i32>} : memref<128x64xf32, #tpu.memory_space<vmem>>, vector<1x16xf32>,
        %get3A_321 = vector.shape_cast %get3A_320 : vector<1x16xf32> to vector<16xf32>
        %mul3A_322 = arith.mulf %get3A_321, %gather3A_303 : vector<16xf32>
        %swap3A_323 = arith.index_cast %add3A_307 : i32 to index
        %swap3A_324 = arith.constant 16 : index
        %swap3A_325 = tpu.vector_load %arg10[%swap3A_323, %swap3A_324] {strides = array<i32>} : memref<128x64xf32, #tpu.memory_space<vmem>>, vector<1x16xf32>,
        %swap3A_326 = vector.shape_cast %swap3A_325 : vector<1x16xf32> to vector<16xf32>
        %swap3A_327 = vector.shape_cast %mul3A_322 : vector<16xf32> to vector<1x16xf32>
        tpu.vector_store %arg10[%swap3A_323, %swap3A_324], %swap3A_327 {strides = array<i32>} : memref<128x64xf32, #tpu.memory_space<vmem>>, vector<1x16xf32>,
        %get3A_328 = arith.index_cast %add3A_307 : i32 to index
        %get3A_329 = arith.constant 32 : index
        %get3A_330 = tpu.vector_load %arg10[%get3A_328, %get3A_329] {strides = array<i32>} : memref<128x64xf32, #tpu.memory_space<vmem>>, vector<1x16xf32>,
        %get3A_331 = vector.shape_cast %get3A_330 : vector<1x16xf32> to vector<16xf32>
        %mul3A_332 = arith.mulf %get3A_331, %gather3A_303 : vector<16xf32>
        %swap3A_333 = arith.index_cast %add3A_307 : i32 to index
        %swap3A_334 = arith.constant 32 : index
        %swap3A_335 = tpu.vector_load %arg10[%swap3A_333, %swap3A_334] {strides = array<i32>} : memref<128x64xf32, #tpu.memory_space<vmem>>, vector<1x16xf32>,
        %swap3A_336 = vector.shape_cast %swap3A_335 : vector<1x16xf32> to vector<16xf32>
        %swap3A_337 = vector.shape_cast %mul3A_332 : vector<16xf32> to vector<1x16xf32>
        tpu.vector_store %arg10[%swap3A_333, %swap3A_334], %swap3A_337 {strides = array<i32>} : memref<128x64xf32, #tpu.memory_space<vmem>>, vector<1x16xf32>,
        %get3A_338 = arith.index_cast %add3A_307 : i32 to index
        %get3A_339 = arith.constant 48 : index
        %get3A_340 = tpu.vector_load %arg10[%get3A_338, %get3A_339] {strides = array<i32>} : memref<128x64xf32, #tpu.memory_space<vmem>>, vector<1x16xf32>,
        %get3A_341 = vector.shape_cast %get3A_340 : vector<1x16xf32> to vector<16xf32>
        %mul3A_342 = arith.mulf %get3A_341, %gather3A_303 : vector<16xf32>
        %swap3A_343 = arith.index_cast %add3A_307 : i32 to index
        %swap3A_344 = arith.constant 48 : index
        %swap3A_345 = tpu.vector_load %arg10[%swap3A_343, %swap3A_344] {strides = array<i32>} : memref<128x64xf32, #tpu.memory_space<vmem>>, vector<1x16xf32>,
        %swap3A_346 = vector.shape_cast %swap3A_345 : vector<1x16xf32> to vector<16xf32>
        %swap3A_347 = vector.shape_cast %mul3A_342 : vector<16xf32> to vector<1x16xf32>
        tpu.vector_store %arg10[%swap3A_343, %swap3A_344], %swap3A_347 {strides = array<i32>} : memref<128x64xf32, #tpu.memory_space<vmem>>, vector<1x16xf32>,
        %broadcast_in_dim3A_348 = arith.constant 6 : i32
        %broadcast_in_dim3A_349 = vector.broadcast %broadcast_in_dim3A_348 : i32 to vector<16x1xi32>
        %gather3A_350 = vector.shape_cast %broadcast_in_dim3A_349 : vector<16x1xi32> to vector<16xi32>
        %gather3A_351 = tpu.dynamic_gather %get3A_62[%gather3A_350] in [0] : vector<16xf32>, vector<16xi32> -> vector<16xf32>
        %mul3A_352 = arith.constant 16 : i32
        %mul3A_353 = arith.muli %scan3A_57, %mul3A_352 : i32
        %add3A_354 = arith.constant 6 : i32
        %add3A_355 = arith.addi %mul3A_353, %add3A_354 : i32
        %get3A_356 = arith.index_cast %add3A_355 : i32 to index
        %get3A_357 = arith.constant 0 : index
        %get3A_358 = tpu.vector_load %arg10[%get3A_356, %get3A_357] {strides = array<i32>} : memref<128x64xf32, #tpu.memory_space<vmem>>, vector<1x16xf32>,
        %get3A_359 = vector.shape_cast %get3A_358 : vector<1x16xf32> to vector<16xf32>
        %mul3A_360 = arith.mulf %get3A_359, %gather3A_351 : vector<16xf32>
        %swap3A_361 = arith.index_cast %add3A_355 : i32 to index
        %swap3A_362 = arith.constant 0 : index
        %swap3A_363 = tpu.vector_load %arg10[%swap3A_361, %swap3A_362] {strides = array<i32>} : memref<128x64xf32, #tpu.memory_space<vmem>>, vector<1x16xf32>,
        %swap3A_364 = vector.shape_cast %swap3A_363 : vector<1x16xf32> to vector<16xf32>
        %swap3A_365 = vector.shape_cast %mul3A_360 : vector<16xf32> to vector<1x16xf32>
        tpu.vector_store %arg10[%swap3A_361, %swap3A_362], %swap3A_365 {strides = array<i32>} : memref<128x64xf32, #tpu.memory_space<vmem>>, vector<1x16xf32>,
        %get3A_366 = arith.index_cast %add3A_355 : i32 to index
        %get3A_367 = arith.constant 16 : index
        %get3A_368 = tpu.vector_load %arg10[%get3A_366, %get3A_367] {strides = array<i32>} : memref<128x64xf32, #tpu.memory_space<vmem>>, vector<1x16xf32>,
        %get3A_369 = vector.shape_cast %get3A_368 : vector<1x16xf32> to vector<16xf32>
        %mul3A_370 = arith.mulf %get3A_369, %gather3A_351 : vector<16xf32>
        %swap3A_371 = arith.index_cast %add3A_355 : i32 to index
        %swap3A_372 = arith.constant 16 : index
        %swap3A_373 = tpu.vector_load %arg10[%swap3A_371, %swap3A_372] {strides = array<i32>} : memref<128x64xf32, #tpu.memory_space<vmem>>, vector<1x16xf32>,
        %swap3A_374 = vector.shape_cast %swap3A_373 : vector<1x16xf32> to vector<16xf32>
        %swap3A_375 = vector.shape_cast %mul3A_370 : vector<16xf32> to vector<1x16xf32>
        tpu.vector_store %arg10[%swap3A_371, %swap3A_372], %swap3A_375 {strides = array<i32>} : memref<128x64xf32, #tpu.memory_space<vmem>>, vector<1x16xf32>,
        %get3A_376 = arith.index_cast %add3A_355 : i32 to index
        %get3A_377 = arith.constant 32 : index
        %get3A_378 = tpu.vector_load %arg10[%get3A_376, %get3A_377] {strides = array<i32>} : memref<128x64xf32, #tpu.memory_space<vmem>>, vector<1x16xf32>,
        %get3A_379 = vector.shape_cast %get3A_378 : vector<1x16xf32> to vector<16xf32>
        %mul3A_380 = arith.mulf %get3A_379, %gather3A_351 : vector<16xf32>
        %swap3A_381 = arith.index_cast %add3A_355 : i32 to index
        %swap3A_382 = arith.constant 32 : index
        %swap3A_383 = tpu.vector_load %arg10[%swap3A_381, %swap3A_382] {strides = array<i32>} : memref<128x64xf32, #tpu.memory_space<vmem>>, vector<1x16xf32>,
        %swap3A_384 = vector.shape_cast %swap3A_383 : vector<1x16xf32> to vector<16xf32>
        %swap3A_385 = vector.shape_cast %mul3A_380 : vector<16xf32> to vector<1x16xf32>
        tpu.vector_store %arg10[%swap3A_381, %swap3A_382], %swap3A_385 {strides = array<i32>} : memref<128x64xf32, #tpu.memory_space<vmem>>, vector<1x16xf32>,
        %get3A_386 = arith.index_cast %add3A_355 : i32 to index
        %get3A_387 = arith.constant 48 : index
        %get3A_388 = tpu.vector_load %arg10[%get3A_386, %get3A_387] {strides = array<i32>} : memref<128x64xf32, #tpu.memory_space<vmem>>, vector<1x16xf32>,
        %get3A_389 = vector.shape_cast %get3A_388 : vector<1x16xf32> to vector<16xf32>
        %mul3A_390 = arith.mulf %get3A_389, %gather3A_351 : vector<16xf32>
        %swap3A_391 = arith.index_cast %add3A_355 : i32 to index
        %swap3A_392 = arith.constant 48 : index
        %swap3A_393 = tpu.vector_load %arg10[%swap3A_391, %swap3A_392] {strides = array<i32>} : memref<128x64xf32, #tpu.memory_space<vmem>>, vector<1x16xf32>,
        %swap3A_394 = vector.shape_cast %swap3A_393 : vector<1x16xf32> to vector<16xf32>
        %swap3A_395 = vector.shape_cast %mul3A_390 : vector<16xf32> to vector<1x16xf32>
        tpu.vector_store %arg10[%swap3A_391, %swap3A_392], %swap3A_395 {strides = array<i32>} : memref<128x64xf32, #tpu.memory_space<vmem>>, vector<1x16xf32>,
        %broadcast_in_dim3A_396 = arith.constant 7 : i32
        %broadcast_in_dim3A_397 = vector.broadcast %broadcast_in_dim3A_396 : i32 to vector<16x1xi32>
        %gather3A_398 = vector.shape_cast %broadcast_in_dim3A_397 : vector<16x1xi32> to vector<16xi32>
        %gather3A_399 = tpu.dynamic_gather %get3A_62[%gather3A_398] in [0] : vector<16xf32>, vector<16xi32> -> vector<16xf32>
        %mul3A_400 = arith.constant 16 : i32
        %mul3A_401 = arith.muli %scan3A_57, %mul3A_400 : i32
        %add3A_402 = arith.constant 7 : i32
        %add3A_403 = arith.addi %mul3A_401, %add3A_402 : i32
        %get3A_404 = arith.index_cast %add3A_403 : i32 to index
        %get3A_405 = arith.constant 0 : index
        %get3A_406 = tpu.vector_load %arg10[%get3A_404, %get3A_405] {strides = array<i32>} : memref<128x64xf32, #tpu.memory_space<vmem>>, vector<1x16xf32>,
        %get3A_407 = vector.shape_cast %get3A_406 : vector<1x16xf32> to vector<16xf32>
        %mul3A_408 = arith.mulf %get3A_407, %gather3A_399 : vector<16xf32>
        %swap3A_409 = arith.index_cast %add3A_403 : i32 to index
        %swap3A_410 = arith.constant 0 : index
        %swap3A_411 = tpu.vector_load %arg10[%swap3A_409, %swap3A_410] {strides = array<i32>} : memref<128x64xf32, #tpu.memory_space<vmem>>, vector<1x16xf32>,
        %swap3A_412 = vector.shape_cast %swap3A_411 : vector<1x16xf32> to vector<16xf32>
        %swap3A_413 = vector.shape_cast %mul3A_408 : vector<16xf32> to vector<1x16xf32>
        tpu.vector_store %arg10[%swap3A_409, %swap3A_410], %swap3A_413 {strides = array<i32>} : memref<128x64xf32, #tpu.memory_space<vmem>>, vector<1x16xf32>,
        %get3A_414 = arith.index_cast %add3A_403 : i32 to index
        %get3A_415 = arith.constant 16 : index
        %get3A_416 = tpu.vector_load %arg10[%get3A_414, %get3A_415] {strides = array<i32>} : memref<128x64xf32, #tpu.memory_space<vmem>>, vector<1x16xf32>,
        %get3A_417 = vector.shape_cast %get3A_416 : vector<1x16xf32> to vector<16xf32>
        %mul3A_418 = arith.mulf %get3A_417, %gather3A_399 : vector<16xf32>
        %swap3A_419 = arith.index_cast %add3A_403 : i32 to index
        %swap3A_420 = arith.constant 16 : index
        %swap3A_421 = tpu.vector_load %arg10[%swap3A_419, %swap3A_420] {strides = array<i32>} : memref<128x64xf32, #tpu.memory_space<vmem>>, vector<1x16xf32>,
        %swap3A_422 = vector.shape_cast %swap3A_421 : vector<1x16xf32> to vector<16xf32>
        %swap3A_423 = vector.shape_cast %mul3A_418 : vector<16xf32> to vector<1x16xf32>
        tpu.vector_store %arg10[%swap3A_419, %swap3A_420], %swap3A_423 {strides = array<i32>} : memref<128x64xf32, #tpu.memory_space<vmem>>, vector<1x16xf32>,
        %get3A_424 = arith.index_cast %add3A_403 : i32 to index
        %get3A_425 = arith.constant 32 : index
        %get3A_426 = tpu.vector_load %arg10[%get3A_424, %get3A_425] {strides = array<i32>} : memref<128x64xf32, #tpu.memory_space<vmem>>, vector<1x16xf32>,
        %get3A_427 = vector.shape_cast %get3A_426 : vector<1x16xf32> to vector<16xf32>
        %mul3A_428 = arith.mulf %get3A_427, %gather3A_399 : vector<16xf32>
        %swap3A_429 = arith.index_cast %add3A_403 : i32 to index
        %swap3A_430 = arith.constant 32 : index
        %swap3A_431 = tpu.vector_load %arg10[%swap3A_429, %swap3A_430] {strides = array<i32>} : memref<128x64xf32, #tpu.memory_space<vmem>>, vector<1x16xf32>,
        %swap3A_432 = vector.shape_cast %swap3A_431 : vector<1x16xf32> to vector<16xf32>
        %swap3A_433 = vector.shape_cast %mul3A_428 : vector<16xf32> to vector<1x16xf32>
        tpu.vector_store %arg10[%swap3A_429, %swap3A_430], %swap3A_433 {strides = array<i32>} : memref<128x64xf32, #tpu.memory_space<vmem>>, vector<1x16xf32>,
        %get3A_434 = arith.index_cast %add3A_403 : i32 to index
        %get3A_435 = arith.constant 48 : index
        %get3A_436 = tpu.vector_load %arg10[%get3A_434, %get3A_435] {strides = array<i32>} : memref<128x64xf32, #tpu.memory_space<vmem>>, vector<1x16xf32>,
        %get3A_437 = vector.shape_cast %get3A_436 : vector<1x16xf32> to vector<16xf32>
        %mul3A_438 = arith.mulf %get3A_437, %gather3A_399 : vector<16xf32>
        %swap3A_439 = arith.index_cast %add3A_403 : i32 to index
        %swap3A_440 = arith.constant 48 : index
        %swap3A_441 = tpu.vector_load %arg10[%swap3A_439, %swap3A_440] {strides = array<i32>} : memref<128x64xf32, #tpu.memory_space<vmem>>, vector<1x16xf32>,
        %swap3A_442 = vector.shape_cast %swap3A_441 : vector<1x16xf32> to vector<16xf32>
        %swap3A_443 = vector.shape_cast %mul3A_438 : vector<16xf32> to vector<1x16xf32>
        tpu.vector_store %arg10[%swap3A_439, %swap3A_440], %swap3A_443 {strides = array<i32>} : memref<128x64xf32, #tpu.memory_space<vmem>>, vector<1x16xf32>,
        %broadcast_in_dim3A_444 = arith.constant 8 : i32
        %broadcast_in_dim3A_445 = vector.broadcast %broadcast_in_dim3A_444 : i32 to vector<16x1xi32>
        %gather3A_446 = vector.shape_cast %broadcast_in_dim3A_445 : vector<16x1xi32> to vector<16xi32>
        %gather3A_447 = tpu.dynamic_gather %get3A_62[%gather3A_446] in [0] : vector<16xf32>, vector<16xi32> -> vector<16xf32>
        %mul3A_448 = arith.constant 16 : i32
        %mul3A_449 = arith.muli %scan3A_57, %mul3A_448 : i32
        %add3A_450 = arith.constant 8 : i32
        %add3A_451 = arith.addi %mul3A_449, %add3A_450 : i32
        %get3A_452 = arith.index_cast %add3A_451 : i32 to index
        %get3A_453 = arith.constant 0 : index
        %get3A_454 = tpu.vector_load %arg10[%get3A_452, %get3A_453] {strides = array<i32>} : memref<128x64xf32, #tpu.memory_space<vmem>>, vector<1x16xf32>,
        %get3A_455 = vector.shape_cast %get3A_454 : vector<1x16xf32> to vector<16xf32>
        %mul3A_456 = arith.mulf %get3A_455, %gather3A_447 : vector<16xf32>
        %swap3A_457 = arith.index_cast %add3A_451 : i32 to index
        %swap3A_458 = arith.constant 0 : index
        %swap3A_459 = tpu.vector_load %arg10[%swap3A_457, %swap3A_458] {strides = array<i32>} : memref<128x64xf32, #tpu.memory_space<vmem>>, vector<1x16xf32>,
        %swap3A_460 = vector.shape_cast %swap3A_459 : vector<1x16xf32> to vector<16xf32>
        %swap3A_461 = vector.shape_cast %mul3A_456 : vector<16xf32> to vector<1x16xf32>
        tpu.vector_store %arg10[%swap3A_457, %swap3A_458], %swap3A_461 {strides = array<i32>} : memref<128x64xf32, #tpu.memory_space<vmem>>, vector<1x16xf32>,
        %get3A_462 = arith.index_cast %add3A_451 : i32 to index
        %get3A_463 = arith.constant 16 : index
        %get3A_464 = tpu.vector_load %arg10[%get3A_462, %get3A_463] {strides = array<i32>} : memref<128x64xf32, #tpu.memory_space<vmem>>, vector<1x16xf32>,
        %get3A_465 = vector.shape_cast %get3A_464 : vector<1x16xf32> to vector<16xf32>
        %mul3A_466 = arith.mulf %get3A_465, %gather3A_447 : vector<16xf32>
        %swap3A_467 = arith.index_cast %add3A_451 : i32 to index
        %swap3A_468 = arith.constant 16 : index
        %swap3A_469 = tpu.vector_load %arg10[%swap3A_467, %swap3A_468] {strides = array<i32>} : memref<128x64xf32, #tpu.memory_space<vmem>>, vector<1x16xf32>,
        %swap3A_470 = vector.shape_cast %swap3A_469 : vector<1x16xf32> to vector<16xf32>
        %swap3A_471 = vector.shape_cast %mul3A_466 : vector<16xf32> to vector<1x16xf32>
        tpu.vector_store %arg10[%swap3A_467, %swap3A_468], %swap3A_471 {strides = array<i32>} : memref<128x64xf32, #tpu.memory_space<vmem>>, vector<1x16xf32>,
        %get3A_472 = arith.index_cast %add3A_451 : i32 to index
        %get3A_473 = arith.constant 32 : index
        %get3A_474 = tpu.vector_load %arg10[%get3A_472, %get3A_473] {strides = array<i32>} : memref<128x64xf32, #tpu.memory_space<vmem>>, vector<1x16xf32>,
        %get3A_475 = vector.shape_cast %get3A_474 : vector<1x16xf32> to vector<16xf32>
        %mul3A_476 = arith.mulf %get3A_475, %gather3A_447 : vector<16xf32>
        %swap3A_477 = arith.index_cast %add3A_451 : i32 to index
        %swap3A_478 = arith.constant 32 : index
        %swap3A_479 = tpu.vector_load %arg10[%swap3A_477, %swap3A_478] {strides = array<i32>} : memref<128x64xf32, #tpu.memory_space<vmem>>, vector<1x16xf32>,
        %swap3A_480 = vector.shape_cast %swap3A_479 : vector<1x16xf32> to vector<16xf32>
        %swap3A_481 = vector.shape_cast %mul3A_476 : vector<16xf32> to vector<1x16xf32>
        tpu.vector_store %arg10[%swap3A_477, %swap3A_478], %swap3A_481 {strides = array<i32>} : memref<128x64xf32, #tpu.memory_space<vmem>>, vector<1x16xf32>,
        %get3A_482 = arith.index_cast %add3A_451 : i32 to index
        %get3A_483 = arith.constant 48 : index
        %get3A_484 = tpu.vector_load %arg10[%get3A_482, %get3A_483] {strides = array<i32>} : memref<128x64xf32, #tpu.memory_space<vmem>>, vector<1x16xf32>,
        %get3A_485 = vector.shape_cast %get3A_484 : vector<1x16xf32> to vector<16xf32>
        %mul3A_486 = arith.mulf %get3A_485, %gather3A_447 : vector<16xf32>
        %swap3A_487 = arith.index_cast %add3A_451 : i32 to index
        %swap3A_488 = arith.constant 48 : index
        %swap3A_489 = tpu.vector_load %arg10[%swap3A_487, %swap3A_488] {strides = array<i32>} : memref<128x64xf32, #tpu.memory_space<vmem>>, vector<1x16xf32>,
        %swap3A_490 = vector.shape_cast %swap3A_489 : vector<1x16xf32> to vector<16xf32>
        %swap3A_491 = vector.shape_cast %mul3A_486 : vector<16xf32> to vector<1x16xf32>
        tpu.vector_store %arg10[%swap3A_487, %swap3A_488], %swap3A_491 {strides = array<i32>} : memref<128x64xf32, #tpu.memory_space<vmem>>, vector<1x16xf32>,
        %broadcast_in_dim3A_492 = arith.constant 9 : i32
        %broadcast_in_dim3A_493 = vector.broadcast %broadcast_in_dim3A_492 : i32 to vector<16x1xi32>
        %gather3A_494 = vector.shape_cast %broadcast_in_dim3A_493 : vector<16x1xi32> to vector<16xi32>
        %gather3A_495 = tpu.dynamic_gather %get3A_62[%gather3A_494] in [0] : vector<16xf32>, vector<16xi32> -> vector<16xf32>
        %mul3A_496 = arith.constant 16 : i32
        %mul3A_497 = arith.muli %scan3A_57, %mul3A_496 : i32
        %add3A_498 = arith.constant 9 : i32
        %add3A_499 = arith.addi %mul3A_497, %add3A_498 : i32
        %get3A_500 = arith.index_cast %add3A_499 : i32 to index
        %get3A_501 = arith.constant 0 : index
        %get3A_502 = tpu.vector_load %arg10[%get3A_500, %get3A_501] {strides = array<i32>} : memref<128x64xf32, #tpu.memory_space<vmem>>, vector<1x16xf32>,
        %get3A_503 = vector.shape_cast %get3A_502 : vector<1x16xf32> to vector<16xf32>
        %mul3A_504 = arith.mulf %get3A_503, %gather3A_495 : vector<16xf32>
        %swap3A_505 = arith.index_cast %add3A_499 : i32 to index
        %swap3A_506 = arith.constant 0 : index
        %swap3A_507 = tpu.vector_load %arg10[%swap3A_505, %swap3A_506] {strides = array<i32>} : memref<128x64xf32, #tpu.memory_space<vmem>>, vector<1x16xf32>,
        %swap3A_508 = vector.shape_cast %swap3A_507 : vector<1x16xf32> to vector<16xf32>
        %swap3A_509 = vector.shape_cast %mul3A_504 : vector<16xf32> to vector<1x16xf32>
        tpu.vector_store %arg10[%swap3A_505, %swap3A_506], %swap3A_509 {strides = array<i32>} : memref<128x64xf32, #tpu.memory_space<vmem>>, vector<1x16xf32>,
        %get3A_510 = arith.index_cast %add3A_499 : i32 to index
        %get3A_511 = arith.constant 16 : index
        %get3A_512 = tpu.vector_load %arg10[%get3A_510, %get3A_511] {strides = array<i32>} : memref<128x64xf32, #tpu.memory_space<vmem>>, vector<1x16xf32>,
        %get3A_513 = vector.shape_cast %get3A_512 : vector<1x16xf32> to vector<16xf32>
        %mul3A_514 = arith.mulf %get3A_513, %gather3A_495 : vector<16xf32>
        %swap3A_515 = arith.index_cast %add3A_499 : i32 to index
        %swap3A_516 = arith.constant 16 : index
        %swap3A_517 = tpu.vector_load %arg10[%swap3A_515, %swap3A_516] {strides = array<i32>} : memref<128x64xf32, #tpu.memory_space<vmem>>, vector<1x16xf32>,
        %swap3A_518 = vector.shape_cast %swap3A_517 : vector<1x16xf32> to vector<16xf32>
        %swap3A_519 = vector.shape_cast %mul3A_514 : vector<16xf32> to vector<1x16xf32>
        tpu.vector_store %arg10[%swap3A_515, %swap3A_516], %swap3A_519 {strides = array<i32>} : memref<128x64xf32, #tpu.memory_space<vmem>>, vector<1x16xf32>,
        %get3A_520 = arith.index_cast %add3A_499 : i32 to index
        %get3A_521 = arith.constant 32 : index
        %get3A_522 = tpu.vector_load %arg10[%get3A_520, %get3A_521] {strides = array<i32>} : memref<128x64xf32, #tpu.memory_space<vmem>>, vector<1x16xf32>,
        %get3A_523 = vector.shape_cast %get3A_522 : vector<1x16xf32> to vector<16xf32>
        %mul3A_524 = arith.mulf %get3A_523, %gather3A_495 : vector<16xf32>
        %swap3A_525 = arith.index_cast %add3A_499 : i32 to index
        %swap3A_526 = arith.constant 32 : index
        %swap3A_527 = tpu.vector_load %arg10[%swap3A_525, %swap3A_526] {strides = array<i32>} : memref<128x64xf32, #tpu.memory_space<vmem>>, vector<1x16xf32>,
        %swap3A_528 = vector.shape_cast %swap3A_527 : vector<1x16xf32> to vector<16xf32>
        %swap3A_529 = vector.shape_cast %mul3A_524 : vector<16xf32> to vector<1x16xf32>
        tpu.vector_store %arg10[%swap3A_525, %swap3A_526], %swap3A_529 {strides = array<i32>} : memref<128x64xf32, #tpu.memory_space<vmem>>, vector<1x16xf32>,
        %get3A_530 = arith.index_cast %add3A_499 : i32 to index
        %get3A_531 = arith.constant 48 : index
        %get3A_532 = tpu.vector_load %arg10[%get3A_530, %get3A_531] {strides = array<i32>} : memref<128x64xf32, #tpu.memory_space<vmem>>, vector<1x16xf32>,
        %get3A_533 = vector.shape_cast %get3A_532 : vector<1x16xf32> to vector<16xf32>
        %mul3A_534 = arith.mulf %get3A_533, %gather3A_495 : vector<16xf32>
        %swap3A_535 = arith.index_cast %add3A_499 : i32 to index
        %swap3A_536 = arith.constant 48 : index
        %swap3A_537 = tpu.vector_load %arg10[%swap3A_535, %swap3A_536] {strides = array<i32>} : memref<128x64xf32, #tpu.memory_space<vmem>>, vector<1x16xf32>,
        %swap3A_538 = vector.shape_cast %swap3A_537 : vector<1x16xf32> to vector<16xf32>
        %swap3A_539 = vector.shape_cast %mul3A_534 : vector<16xf32> to vector<1x16xf32>
        tpu.vector_store %arg10[%swap3A_535, %swap3A_536], %swap3A_539 {strides = array<i32>} : memref<128x64xf32, #tpu.memory_space<vmem>>, vector<1x16xf32>,
        %broadcast_in_dim3A_540 = arith.constant 10 : i32
        %broadcast_in_dim3A_541 = vector.broadcast %broadcast_in_dim3A_540 : i32 to vector<16x1xi32>
        %gather3A_542 = vector.shape_cast %broadcast_in_dim3A_541 : vector<16x1xi32> to vector<16xi32>
        %gather3A_543 = tpu.dynamic_gather %get3A_62[%gather3A_542] in [0] : vector<16xf32>, vector<16xi32> -> vector<16xf32>
        %mul3A_544 = arith.constant 16 : i32
        %mul3A_545 = arith.muli %scan3A_57, %mul3A_544 : i32
        %add3A_546 = arith.constant 10 : i32
        %add3A_547 = arith.addi %mul3A_545, %add3A_546 : i32
        %get3A_548 = arith.index_cast %add3A_547 : i32 to index
        %get3A_549 = arith.constant 0 : index
        %get3A_550 = tpu.vector_load %arg10[%get3A_548, %get3A_549] {strides = array<i32>} : memref<128x64xf32, #tpu.memory_space<vmem>>, vector<1x16xf32>,
        %get3A_551 = vector.shape_cast %get3A_550 : vector<1x16xf32> to vector<16xf32>
        %mul3A_552 = arith.mulf %get3A_551, %gather3A_543 : vector<16xf32>
        %swap3A_553 = arith.index_cast %add3A_547 : i32 to index
        %swap3A_554 = arith.constant 0 : index
        %swap3A_555 = tpu.vector_load %arg10[%swap3A_553, %swap3A_554] {strides = array<i32>} : memref<128x64xf32, #tpu.memory_space<vmem>>, vector<1x16xf32>,
        %swap3A_556 = vector.shape_cast %swap3A_555 : vector<1x16xf32> to vector<16xf32>
        %swap3A_557 = vector.shape_cast %mul3A_552 : vector<16xf32> to vector<1x16xf32>
        tpu.vector_store %arg10[%swap3A_553, %swap3A_554], %swap3A_557 {strides = array<i32>} : memref<128x64xf32, #tpu.memory_space<vmem>>, vector<1x16xf32>,
        %get3A_558 = arith.index_cast %add3A_547 : i32 to index
        %get3A_559 = arith.constant 16 : index
        %get3A_560 = tpu.vector_load %arg10[%get3A_558, %get3A_559] {strides = array<i32>} : memref<128x64xf32, #tpu.memory_space<vmem>>, vector<1x16xf32>,
        %get3A_561 = vector.shape_cast %get3A_560 : vector<1x16xf32> to vector<16xf32>
        %mul3A_562 = arith.mulf %get3A_561, %gather3A_543 : vector<16xf32>
        %swap3A_563 = arith.index_cast %add3A_547 : i32 to index
        %swap3A_564 = arith.constant 16 : index
        %swap3A_565 = tpu.vector_load %arg10[%swap3A_563, %swap3A_564] {strides = array<i32>} : memref<128x64xf32, #tpu.memory_space<vmem>>, vector<1x16xf32>,
        %swap3A_566 = vector.shape_cast %swap3A_565 : vector<1x16xf32> to vector<16xf32>
        %swap3A_567 = vector.shape_cast %mul3A_562 : vector<16xf32> to vector<1x16xf32>
        tpu.vector_store %arg10[%swap3A_563, %swap3A_564], %swap3A_567 {strides = array<i32>} : memref<128x64xf32, #tpu.memory_space<vmem>>, vector<1x16xf32>,
        %get3A_568 = arith.index_cast %add3A_547 : i32 to index
        %get3A_569 = arith.constant 32 : index
        %get3A_570 = tpu.vector_load %arg10[%get3A_568, %get3A_569] {strides = array<i32>} : memref<128x64xf32, #tpu.memory_space<vmem>>, vector<1x16xf32>,
        %get3A_571 = vector.shape_cast %get3A_570 : vector<1x16xf32> to vector<16xf32>
        %mul3A_572 = arith.mulf %get3A_571, %gather3A_543 : vector<16xf32>
        %swap3A_573 = arith.index_cast %add3A_547 : i32 to index
        %swap3A_574 = arith.constant 32 : index
        %swap3A_575 = tpu.vector_load %arg10[%swap3A_573, %swap3A_574] {strides = array<i32>} : memref<128x64xf32, #tpu.memory_space<vmem>>, vector<1x16xf32>,
        %swap3A_576 = vector.shape_cast %swap3A_575 : vector<1x16xf32> to vector<16xf32>
        %swap3A_577 = vector.shape_cast %mul3A_572 : vector<16xf32> to vector<1x16xf32>
        tpu.vector_store %arg10[%swap3A_573, %swap3A_574], %swap3A_577 {strides = array<i32>} : memref<128x64xf32, #tpu.memory_space<vmem>>, vector<1x16xf32>,
        %get3A_578 = arith.index_cast %add3A_547 : i32 to index
        %get3A_579 = arith.constant 48 : index
        %get3A_580 = tpu.vector_load %arg10[%get3A_578, %get3A_579] {strides = array<i32>} : memref<128x64xf32, #tpu.memory_space<vmem>>, vector<1x16xf32>,
        %get3A_581 = vector.shape_cast %get3A_580 : vector<1x16xf32> to vector<16xf32>
        %mul3A_582 = arith.mulf %get3A_581, %gather3A_543 : vector<16xf32>
        %swap3A_583 = arith.index_cast %add3A_547 : i32 to index
        %swap3A_584 = arith.constant 48 : index
        %swap3A_585 = tpu.vector_load %arg10[%swap3A_583, %swap3A_584] {strides = array<i32>} : memref<128x64xf32, #tpu.memory_space<vmem>>, vector<1x16xf32>,
        %swap3A_586 = vector.shape_cast %swap3A_585 : vector<1x16xf32> to vector<16xf32>
        %swap3A_587 = vector.shape_cast %mul3A_582 : vector<16xf32> to vector<1x16xf32>
        tpu.vector_store %arg10[%swap3A_583, %swap3A_584], %swap3A_587 {strides = array<i32>} : memref<128x64xf32, #tpu.memory_space<vmem>>, vector<1x16xf32>,
        %broadcast_in_dim3A_588 = arith.constant 11 : i32
        %broadcast_in_dim3A_589 = vector.broadcast %broadcast_in_dim3A_588 : i32 to vector<16x1xi32>
        %gather3A_590 = vector.shape_cast %broadcast_in_dim3A_589 : vector<16x1xi32> to vector<16xi32>
        %gather3A_591 = tpu.dynamic_gather %get3A_62[%gather3A_590] in [0] : vector<16xf32>, vector<16xi32> -> vector<16xf32>
        %mul3A_592 = arith.constant 16 : i32
        %mul3A_593 = arith.muli %scan3A_57, %mul3A_592 : i32
        %add3A_594 = arith.constant 11 : i32
        %add3A_595 = arith.addi %mul3A_593, %add3A_594 : i32
        %get3A_596 = arith.index_cast %add3A_595 : i32 to index
        %get3A_597 = arith.constant 0 : index
        %get3A_598 = tpu.vector_load %arg10[%get3A_596, %get3A_597] {strides = array<i32>} : memref<128x64xf32, #tpu.memory_space<vmem>>, vector<1x16xf32>,
        %get3A_599 = vector.shape_cast %get3A_598 : vector<1x16xf32> to vector<16xf32>
        %mul3A_600 = arith.mulf %get3A_599, %gather3A_591 : vector<16xf32>
        %swap3A_601 = arith.index_cast %add3A_595 : i32 to index
        %swap3A_602 = arith.constant 0 : index
        %swap3A_603 = tpu.vector_load %arg10[%swap3A_601, %swap3A_602] {strides = array<i32>} : memref<128x64xf32, #tpu.memory_space<vmem>>, vector<1x16xf32>,
        %swap3A_604 = vector.shape_cast %swap3A_603 : vector<1x16xf32> to vector<16xf32>
        %swap3A_605 = vector.shape_cast %mul3A_600 : vector<16xf32> to vector<1x16xf32>
        tpu.vector_store %arg10[%swap3A_601, %swap3A_602], %swap3A_605 {strides = array<i32>} : memref<128x64xf32, #tpu.memory_space<vmem>>, vector<1x16xf32>,
        %get3A_606 = arith.index_cast %add3A_595 : i32 to index
        %get3A_607 = arith.constant 16 : index
        %get3A_608 = tpu.vector_load %arg10[%get3A_606, %get3A_607] {strides = array<i32>} : memref<128x64xf32, #tpu.memory_space<vmem>>, vector<1x16xf32>,
        %get3A_609 = vector.shape_cast %get3A_608 : vector<1x16xf32> to vector<16xf32>
        %mul3A_610 = arith.mulf %get3A_609, %gather3A_591 : vector<16xf32>
        %swap3A_611 = arith.index_cast %add3A_595 : i32 to index
        %swap3A_612 = arith.constant 16 : index
        %swap3A_613 = tpu.vector_load %arg10[%swap3A_611, %swap3A_612] {strides = array<i32>} : memref<128x64xf32, #tpu.memory_space<vmem>>, vector<1x16xf32>,
        %swap3A_614 = vector.shape_cast %swap3A_613 : vector<1x16xf32> to vector<16xf32>
        %swap3A_615 = vector.shape_cast %mul3A_610 : vector<16xf32> to vector<1x16xf32>
        tpu.vector_store %arg10[%swap3A_611, %swap3A_612], %swap3A_615 {strides = array<i32>} : memref<128x64xf32, #tpu.memory_space<vmem>>, vector<1x16xf32>,
        %get3A_616 = arith.index_cast %add3A_595 : i32 to index
        %get3A_617 = arith.constant 32 : index
        %get3A_618 = tpu.vector_load %arg10[%get3A_616, %get3A_617] {strides = array<i32>} : memref<128x64xf32, #tpu.memory_space<vmem>>, vector<1x16xf32>,
        %get3A_619 = vector.shape_cast %get3A_618 : vector<1x16xf32> to vector<16xf32>
        %mul3A_620 = arith.mulf %get3A_619, %gather3A_591 : vector<16xf32>
        %swap3A_621 = arith.index_cast %add3A_595 : i32 to index
        %swap3A_622 = arith.constant 32 : index
        %swap3A_623 = tpu.vector_load %arg10[%swap3A_621, %swap3A_622] {strides = array<i32>} : memref<128x64xf32, #tpu.memory_space<vmem>>, vector<1x16xf32>,
        %swap3A_624 = vector.shape_cast %swap3A_623 : vector<1x16xf32> to vector<16xf32>
        %swap3A_625 = vector.shape_cast %mul3A_620 : vector<16xf32> to vector<1x16xf32>
        tpu.vector_store %arg10[%swap3A_621, %swap3A_622], %swap3A_625 {strides = array<i32>} : memref<128x64xf32, #tpu.memory_space<vmem>>, vector<1x16xf32>,
        %get3A_626 = arith.index_cast %add3A_595 : i32 to index
        %get3A_627 = arith.constant 48 : index
        %get3A_628 = tpu.vector_load %arg10[%get3A_626, %get3A_627] {strides = array<i32>} : memref<128x64xf32, #tpu.memory_space<vmem>>, vector<1x16xf32>,
        %get3A_629 = vector.shape_cast %get3A_628 : vector<1x16xf32> to vector<16xf32>
        %mul3A_630 = arith.mulf %get3A_629, %gather3A_591 : vector<16xf32>
        %swap3A_631 = arith.index_cast %add3A_595 : i32 to index
        %swap3A_632 = arith.constant 48 : index
        %swap3A_633 = tpu.vector_load %arg10[%swap3A_631, %swap3A_632] {strides = array<i32>} : memref<128x64xf32, #tpu.memory_space<vmem>>, vector<1x16xf32>,
        %swap3A_634 = vector.shape_cast %swap3A_633 : vector<1x16xf32> to vector<16xf32>
        %swap3A_635 = vector.shape_cast %mul3A_630 : vector<16xf32> to vector<1x16xf32>
        tpu.vector_store %arg10[%swap3A_631, %swap3A_632], %swap3A_635 {strides = array<i32>} : memref<128x64xf32, #tpu.memory_space<vmem>>, vector<1x16xf32>,
        %broadcast_in_dim3A_636 = arith.constant 12 : i32
        %broadcast_in_dim3A_637 = vector.broadcast %broadcast_in_dim3A_636 : i32 to vector<16x1xi32>
        %gather3A_638 = vector.shape_cast %broadcast_in_dim3A_637 : vector<16x1xi32> to vector<16xi32>
        %gather3A_639 = tpu.dynamic_gather %get3A_62[%gather3A_638] in [0] : vector<16xf32>, vector<16xi32> -> vector<16xf32>
        %mul3A_640 = arith.constant 16 : i32
        %mul3A_641 = arith.muli %scan3A_57, %mul3A_640 : i32
        %add3A_642 = arith.constant 12 : i32
        %add3A_643 = arith.addi %mul3A_641, %add3A_642 : i32
        %get3A_644 = arith.index_cast %add3A_643 : i32 to index
        %get3A_645 = arith.constant 0 : index
        %get3A_646 = tpu.vector_load %arg10[%get3A_644, %get3A_645] {strides = array<i32>} : memref<128x64xf32, #tpu.memory_space<vmem>>, vector<1x16xf32>,
        %get3A_647 = vector.shape_cast %get3A_646 : vector<1x16xf32> to vector<16xf32>
        %mul3A_648 = arith.mulf %get3A_647, %gather3A_639 : vector<16xf32>
        %swap3A_649 = arith.index_cast %add3A_643 : i32 to index
        %swap3A_650 = arith.constant 0 : index
        %swap3A_651 = tpu.vector_load %arg10[%swap3A_649, %swap3A_650] {strides = array<i32>} : memref<128x64xf32, #tpu.memory_space<vmem>>, vector<1x16xf32>,
        %swap3A_652 = vector.shape_cast %swap3A_651 : vector<1x16xf32> to vector<16xf32>
        %swap3A_653 = vector.shape_cast %mul3A_648 : vector<16xf32> to vector<1x16xf32>
        tpu.vector_store %arg10[%swap3A_649, %swap3A_650], %swap3A_653 {strides = array<i32>} : memref<128x64xf32, #tpu.memory_space<vmem>>, vector<1x16xf32>,
        %get3A_654 = arith.index_cast %add3A_643 : i32 to index
        %get3A_655 = arith.constant 16 : index
        %get3A_656 = tpu.vector_load %arg10[%get3A_654, %get3A_655] {strides = array<i32>} : memref<128x64xf32, #tpu.memory_space<vmem>>, vector<1x16xf32>,
        %get3A_657 = vector.shape_cast %get3A_656 : vector<1x16xf32> to vector<16xf32>
        %mul3A_658 = arith.mulf %get3A_657, %gather3A_639 : vector<16xf32>
        %swap3A_659 = arith.index_cast %add3A_643 : i32 to index
        %swap3A_660 = arith.constant 16 : index
        %swap3A_661 = tpu.vector_load %arg10[%swap3A_659, %swap3A_660] {strides = array<i32>} : memref<128x64xf32, #tpu.memory_space<vmem>>, vector<1x16xf32>,
        %swap3A_662 = vector.shape_cast %swap3A_661 : vector<1x16xf32> to vector<16xf32>
        %swap3A_663 = vector.shape_cast %mul3A_658 : vector<16xf32> to vector<1x16xf32>
        tpu.vector_store %arg10[%swap3A_659, %swap3A_660], %swap3A_663 {strides = array<i32>} : memref<128x64xf32, #tpu.memory_space<vmem>>, vector<1x16xf32>,
        %get3A_664 = arith.index_cast %add3A_643 : i32 to index
        %get3A_665 = arith.constant 32 : index
        %get3A_666 = tpu.vector_load %arg10[%get3A_664, %get3A_665] {strides = array<i32>} : memref<128x64xf32, #tpu.memory_space<vmem>>, vector<1x16xf32>,
        %get3A_667 = vector.shape_cast %get3A_666 : vector<1x16xf32> to vector<16xf32>
        %mul3A_668 = arith.mulf %get3A_667, %gather3A_639 : vector<16xf32>
        %swap3A_669 = arith.index_cast %add3A_643 : i32 to index
        %swap3A_670 = arith.constant 32 : index
        %swap3A_671 = tpu.vector_load %arg10[%swap3A_669, %swap3A_670] {strides = array<i32>} : memref<128x64xf32, #tpu.memory_space<vmem>>, vector<1x16xf32>,
        %swap3A_672 = vector.shape_cast %swap3A_671 : vector<1x16xf32> to vector<16xf32>
        %swap3A_673 = vector.shape_cast %mul3A_668 : vector<16xf32> to vector<1x16xf32>
        tpu.vector_store %arg10[%swap3A_669, %swap3A_670], %swap3A_673 {strides = array<i32>} : memref<128x64xf32, #tpu.memory_space<vmem>>, vector<1x16xf32>,
        %get3A_674 = arith.index_cast %add3A_643 : i32 to index
        %get3A_675 = arith.constant 48 : index
        %get3A_676 = tpu.vector_load %arg10[%get3A_674, %get3A_675] {strides = array<i32>} : memref<128x64xf32, #tpu.memory_space<vmem>>, vector<1x16xf32>,
        %get3A_677 = vector.shape_cast %get3A_676 : vector<1x16xf32> to vector<16xf32>
        %mul3A_678 = arith.mulf %get3A_677, %gather3A_639 : vector<16xf32>
        %swap3A_679 = arith.index_cast %add3A_643 : i32 to index
        %swap3A_680 = arith.constant 48 : index
        %swap3A_681 = tpu.vector_load %arg10[%swap3A_679, %swap3A_680] {strides = array<i32>} : memref<128x64xf32, #tpu.memory_space<vmem>>, vector<1x16xf32>,
        %swap3A_682 = vector.shape_cast %swap3A_681 : vector<1x16xf32> to vector<16xf32>
        %swap3A_683 = vector.shape_cast %mul3A_678 : vector<16xf32> to vector<1x16xf32>
        tpu.vector_store %arg10[%swap3A_679, %swap3A_680], %swap3A_683 {strides = array<i32>} : memref<128x64xf32, #tpu.memory_space<vmem>>, vector<1x16xf32>,
        %broadcast_in_dim3A_684 = arith.constant 13 : i32
        %broadcast_in_dim3A_685 = vector.broadcast %broadcast_in_dim3A_684 : i32 to vector<16x1xi32>
        %gather3A_686 = vector.shape_cast %broadcast_in_dim3A_685 : vector<16x1xi32> to vector<16xi32>
        %gather3A_687 = tpu.dynamic_gather %get3A_62[%gather3A_686] in [0] : vector<16xf32>, vector<16xi32> -> vector<16xf32>
        %mul3A_688 = arith.constant 16 : i32
        %mul3A_689 = arith.muli %scan3A_57, %mul3A_688 : i32
        %add3A_690 = arith.constant 13 : i32
        %add3A_691 = arith.addi %mul3A_689, %add3A_690 : i32
        %get3A_692 = arith.index_cast %add3A_691 : i32 to index
        %get3A_693 = arith.constant 0 : index
        %get3A_694 = tpu.vector_load %arg10[%get3A_692, %get3A_693] {strides = array<i32>} : memref<128x64xf32, #tpu.memory_space<vmem>>, vector<1x16xf32>,
        %get3A_695 = vector.shape_cast %get3A_694 : vector<1x16xf32> to vector<16xf32>
        %mul3A_696 = arith.mulf %get3A_695, %gather3A_687 : vector<16xf32>
        %swap3A_697 = arith.index_cast %add3A_691 : i32 to index
        %swap3A_698 = arith.constant 0 : index
        %swap3A_699 = tpu.vector_load %arg10[%swap3A_697, %swap3A_698] {strides = array<i32>} : memref<128x64xf32, #tpu.memory_space<vmem>>, vector<1x16xf32>,
        %swap3A_700 = vector.shape_cast %swap3A_699 : vector<1x16xf32> to vector<16xf32>
        %swap3A_701 = vector.shape_cast %mul3A_696 : vector<16xf32> to vector<1x16xf32>
        tpu.vector_store %arg10[%swap3A_697, %swap3A_698], %swap3A_701 {strides = array<i32>} : memref<128x64xf32, #tpu.memory_space<vmem>>, vector<1x16xf32>,
        %get3A_702 = arith.index_cast %add3A_691 : i32 to index
        %get3A_703 = arith.constant 16 : index
        %get3A_704 = tpu.vector_load %arg10[%get3A_702, %get3A_703] {strides = array<i32>} : memref<128x64xf32, #tpu.memory_space<vmem>>, vector<1x16xf32>,
        %get3A_705 = vector.shape_cast %get3A_704 : vector<1x16xf32> to vector<16xf32>
        %mul3A_706 = arith.mulf %get3A_705, %gather3A_687 : vector<16xf32>
        %swap3A_707 = arith.index_cast %add3A_691 : i32 to index
        %swap3A_708 = arith.constant 16 : index
        %swap3A_709 = tpu.vector_load %arg10[%swap3A_707, %swap3A_708] {strides = array<i32>} : memref<128x64xf32, #tpu.memory_space<vmem>>, vector<1x16xf32>,
        %swap3A_710 = vector.shape_cast %swap3A_709 : vector<1x16xf32> to vector<16xf32>
        %swap3A_711 = vector.shape_cast %mul3A_706 : vector<16xf32> to vector<1x16xf32>
        tpu.vector_store %arg10[%swap3A_707, %swap3A_708], %swap3A_711 {strides = array<i32>} : memref<128x64xf32, #tpu.memory_space<vmem>>, vector<1x16xf32>,
        %get3A_712 = arith.index_cast %add3A_691 : i32 to index
        %get3A_713 = arith.constant 32 : index
        %get3A_714 = tpu.vector_load %arg10[%get3A_712, %get3A_713] {strides = array<i32>} : memref<128x64xf32, #tpu.memory_space<vmem>>, vector<1x16xf32>,
        %get3A_715 = vector.shape_cast %get3A_714 : vector<1x16xf32> to vector<16xf32>
        %mul3A_716 = arith.mulf %get3A_715, %gather3A_687 : vector<16xf32>
        %swap3A_717 = arith.index_cast %add3A_691 : i32 to index
        %swap3A_718 = arith.constant 32 : index
        %swap3A_719 = tpu.vector_load %arg10[%swap3A_717, %swap3A_718] {strides = array<i32>} : memref<128x64xf32, #tpu.memory_space<vmem>>, vector<1x16xf32>,
        %swap3A_720 = vector.shape_cast %swap3A_719 : vector<1x16xf32> to vector<16xf32>
        %swap3A_721 = vector.shape_cast %mul3A_716 : vector<16xf32> to vector<1x16xf32>
        tpu.vector_store %arg10[%swap3A_717, %swap3A_718], %swap3A_721 {strides = array<i32>} : memref<128x64xf32, #tpu.memory_space<vmem>>, vector<1x16xf32>,
        %get3A_722 = arith.index_cast %add3A_691 : i32 to index
        %get3A_723 = arith.constant 48 : index
        %get3A_724 = tpu.vector_load %arg10[%get3A_722, %get3A_723] {strides = array<i32>} : memref<128x64xf32, #tpu.memory_space<vmem>>, vector<1x16xf32>,
        %get3A_725 = vector.shape_cast %get3A_724 : vector<1x16xf32> to vector<16xf32>
        %mul3A_726 = arith.mulf %get3A_725, %gather3A_687 : vector<16xf32>
        %swap3A_727 = arith.index_cast %add3A_691 : i32 to index
        %swap3A_728 = arith.constant 48 : index
        %swap3A_729 = tpu.vector_load %arg10[%swap3A_727, %swap3A_728] {strides = array<i32>} : memref<128x64xf32, #tpu.memory_space<vmem>>, vector<1x16xf32>,
        %swap3A_730 = vector.shape_cast %swap3A_729 : vector<1x16xf32> to vector<16xf32>
        %swap3A_731 = vector.shape_cast %mul3A_726 : vector<16xf32> to vector<1x16xf32>
        tpu.vector_store %arg10[%swap3A_727, %swap3A_728], %swap3A_731 {strides = array<i32>} : memref<128x64xf32, #tpu.memory_space<vmem>>, vector<1x16xf32>,
        %broadcast_in_dim3A_732 = arith.constant 14 : i32
        %broadcast_in_dim3A_733 = vector.broadcast %broadcast_in_dim3A_732 : i32 to vector<16x1xi32>
        %gather3A_734 = vector.shape_cast %broadcast_in_dim3A_733 : vector<16x1xi32> to vector<16xi32>
        %gather3A_735 = tpu.dynamic_gather %get3A_62[%gather3A_734] in [0] : vector<16xf32>, vector<16xi32> -> vector<16xf32>
        %mul3A_736 = arith.constant 16 : i32
        %mul3A_737 = arith.muli %scan3A_57, %mul3A_736 : i32
        %add3A_738 = arith.constant 14 : i32
        %add3A_739 = arith.addi %mul3A_737, %add3A_738 : i32
        %get3A_740 = arith.index_cast %add3A_739 : i32 to index
        %get3A_741 = arith.constant 0 : index
        %get3A_742 = tpu.vector_load %arg10[%get3A_740, %get3A_741] {strides = array<i32>} : memref<128x64xf32, #tpu.memory_space<vmem>>, vector<1x16xf32>,
        %get3A_743 = vector.shape_cast %get3A_742 : vector<1x16xf32> to vector<16xf32>
        %mul3A_744 = arith.mulf %get3A_743, %gather3A_735 : vector<16xf32>
        %swap3A_745 = arith.index_cast %add3A_739 : i32 to index
        %swap3A_746 = arith.constant 0 : index
        %swap3A_747 = tpu.vector_load %arg10[%swap3A_745, %swap3A_746] {strides = array<i32>} : memref<128x64xf32, #tpu.memory_space<vmem>>, vector<1x16xf32>,
        %swap3A_748 = vector.shape_cast %swap3A_747 : vector<1x16xf32> to vector<16xf32>
        %swap3A_749 = vector.shape_cast %mul3A_744 : vector<16xf32> to vector<1x16xf32>
        tpu.vector_store %arg10[%swap3A_745, %swap3A_746], %swap3A_749 {strides = array<i32>} : memref<128x64xf32, #tpu.memory_space<vmem>>, vector<1x16xf32>,
        %get3A_750 = arith.index_cast %add3A_739 : i32 to index
        %get3A_751 = arith.constant 16 : index
        %get3A_752 = tpu.vector_load %arg10[%get3A_750, %get3A_751] {strides = array<i32>} : memref<128x64xf32, #tpu.memory_space<vmem>>, vector<1x16xf32>,
        %get3A_753 = vector.shape_cast %get3A_752 : vector<1x16xf32> to vector<16xf32>
        %mul3A_754 = arith.mulf %get3A_753, %gather3A_735 : vector<16xf32>
        %swap3A_755 = arith.index_cast %add3A_739 : i32 to index
        %swap3A_756 = arith.constant 16 : index
        %swap3A_757 = tpu.vector_load %arg10[%swap3A_755, %swap3A_756] {strides = array<i32>} : memref<128x64xf32, #tpu.memory_space<vmem>>, vector<1x16xf32>,
        %swap3A_758 = vector.shape_cast %swap3A_757 : vector<1x16xf32> to vector<16xf32>
        %swap3A_759 = vector.shape_cast %mul3A_754 : vector<16xf32> to vector<1x16xf32>
        tpu.vector_store %arg10[%swap3A_755, %swap3A_756], %swap3A_759 {strides = array<i32>} : memref<128x64xf32, #tpu.memory_space<vmem>>, vector<1x16xf32>,
        %get3A_760 = arith.index_cast %add3A_739 : i32 to index
        %get3A_761 = arith.constant 32 : index
        %get3A_762 = tpu.vector_load %arg10[%get3A_760, %get3A_761] {strides = array<i32>} : memref<128x64xf32, #tpu.memory_space<vmem>>, vector<1x16xf32>,
        %get3A_763 = vector.shape_cast %get3A_762 : vector<1x16xf32> to vector<16xf32>
        %mul3A_764 = arith.mulf %get3A_763, %gather3A_735 : vector<16xf32>
        %swap3A_765 = arith.index_cast %add3A_739 : i32 to index
        %swap3A_766 = arith.constant 32 : index
        %swap3A_767 = tpu.vector_load %arg10[%swap3A_765, %swap3A_766] {strides = array<i32>} : memref<128x64xf32, #tpu.memory_space<vmem>>, vector<1x16xf32>,
        %swap3A_768 = vector.shape_cast %swap3A_767 : vector<1x16xf32> to vector<16xf32>
        %swap3A_769 = vector.shape_cast %mul3A_764 : vector<16xf32> to vector<1x16xf32>
        tpu.vector_store %arg10[%swap3A_765, %swap3A_766], %swap3A_769 {strides = array<i32>} : memref<128x64xf32, #tpu.memory_space<vmem>>, vector<1x16xf32>,
        %get3A_770 = arith.index_cast %add3A_739 : i32 to index
        %get3A_771 = arith.constant 48 : index
        %get3A_772 = tpu.vector_load %arg10[%get3A_770, %get3A_771] {strides = array<i32>} : memref<128x64xf32, #tpu.memory_space<vmem>>, vector<1x16xf32>,
        %get3A_773 = vector.shape_cast %get3A_772 : vector<1x16xf32> to vector<16xf32>
        %mul3A_774 = arith.mulf %get3A_773, %gather3A_735 : vector<16xf32>
        %swap3A_775 = arith.index_cast %add3A_739 : i32 to index
        %swap3A_776 = arith.constant 48 : index
        %swap3A_777 = tpu.vector_load %arg10[%swap3A_775, %swap3A_776] {strides = array<i32>} : memref<128x64xf32, #tpu.memory_space<vmem>>, vector<1x16xf32>,
        %swap3A_778 = vector.shape_cast %swap3A_777 : vector<1x16xf32> to vector<16xf32>
        %swap3A_779 = vector.shape_cast %mul3A_774 : vector<16xf32> to vector<1x16xf32>
        tpu.vector_store %arg10[%swap3A_775, %swap3A_776], %swap3A_779 {strides = array<i32>} : memref<128x64xf32, #tpu.memory_space<vmem>>, vector<1x16xf32>,
        %broadcast_in_dim3A_780 = arith.constant 15 : i32
        %broadcast_in_dim3A_781 = vector.broadcast %broadcast_in_dim3A_780 : i32 to vector<16x1xi32>
        %gather3A_782 = vector.shape_cast %broadcast_in_dim3A_781 : vector<16x1xi32> to vector<16xi32>
        %gather3A_783 = tpu.dynamic_gather %get3A_62[%gather3A_782] in [0] : vector<16xf32>, vector<16xi32> -> vector<16xf32>
        %mul3A_784 = arith.constant 16 : i32
        %mul3A_785 = arith.muli %scan3A_57, %mul3A_784 : i32
        %add3A_786 = arith.constant 15 : i32
        %add3A_787 = arith.addi %mul3A_785, %add3A_786 : i32
        %get3A_788 = arith.index_cast %add3A_787 : i32 to index
        %get3A_789 = arith.constant 0 : index
        %get3A_790 = tpu.vector_load %arg10[%get3A_788, %get3A_789] {strides = array<i32>} : memref<128x64xf32, #tpu.memory_space<vmem>>, vector<1x16xf32>,
        %get3A_791 = vector.shape_cast %get3A_790 : vector<1x16xf32> to vector<16xf32>
        %mul3A_792 = arith.mulf %get3A_791, %gather3A_783 : vector<16xf32>
        %swap3A_793 = arith.index_cast %add3A_787 : i32 to index
        %swap3A_794 = arith.constant 0 : index
        %swap3A_795 = tpu.vector_load %arg10[%swap3A_793, %swap3A_794] {strides = array<i32>} : memref<128x64xf32, #tpu.memory_space<vmem>>, vector<1x16xf32>,
        %swap3A_796 = vector.shape_cast %swap3A_795 : vector<1x16xf32> to vector<16xf32>
        %swap3A_797 = vector.shape_cast %mul3A_792 : vector<16xf32> to vector<1x16xf32>
        tpu.vector_store %arg10[%swap3A_793, %swap3A_794], %swap3A_797 {strides = array<i32>} : memref<128x64xf32, #tpu.memory_space<vmem>>, vector<1x16xf32>,
        %get3A_798 = arith.index_cast %add3A_787 : i32 to index
        %get3A_799 = arith.constant 16 : index
        %get3A_800 = tpu.vector_load %arg10[%get3A_798, %get3A_799] {strides = array<i32>} : memref<128x64xf32, #tpu.memory_space<vmem>>, vector<1x16xf32>,
        %get3A_801 = vector.shape_cast %get3A_800 : vector<1x16xf32> to vector<16xf32>
        %mul3A_802 = arith.mulf %get3A_801, %gather3A_783 : vector<16xf32>
        %swap3A_803 = arith.index_cast %add3A_787 : i32 to index
        %swap3A_804 = arith.constant 16 : index
        %swap3A_805 = tpu.vector_load %arg10[%swap3A_803, %swap3A_804] {strides = array<i32>} : memref<128x64xf32, #tpu.memory_space<vmem>>, vector<1x16xf32>,
        %swap3A_806 = vector.shape_cast %swap3A_805 : vector<1x16xf32> to vector<16xf32>
        %swap3A_807 = vector.shape_cast %mul3A_802 : vector<16xf32> to vector<1x16xf32>
        tpu.vector_store %arg10[%swap3A_803, %swap3A_804], %swap3A_807 {strides = array<i32>} : memref<128x64xf32, #tpu.memory_space<vmem>>, vector<1x16xf32>,
        %get3A_808 = arith.index_cast %add3A_787 : i32 to index
        %get3A_809 = arith.constant 32 : index
        %get3A_810 = tpu.vector_load %arg10[%get3A_808, %get3A_809] {strides = array<i32>} : memref<128x64xf32, #tpu.memory_space<vmem>>, vector<1x16xf32>,
        %get3A_811 = vector.shape_cast %get3A_810 : vector<1x16xf32> to vector<16xf32>
        %mul3A_812 = arith.mulf %get3A_811, %gather3A_783 : vector<16xf32>
        %swap3A_813 = arith.index_cast %add3A_787 : i32 to index
        %swap3A_814 = arith.constant 32 : index
        %swap3A_815 = tpu.vector_load %arg10[%swap3A_813, %swap3A_814] {strides = array<i32>} : memref<128x64xf32, #tpu.memory_space<vmem>>, vector<1x16xf32>,
        %swap3A_816 = vector.shape_cast %swap3A_815 : vector<1x16xf32> to vector<16xf32>
        %swap3A_817 = vector.shape_cast %mul3A_812 : vector<16xf32> to vector<1x16xf32>
        tpu.vector_store %arg10[%swap3A_813, %swap3A_814], %swap3A_817 {strides = array<i32>} : memref<128x64xf32, #tpu.memory_space<vmem>>, vector<1x16xf32>,
        %get3A_818 = arith.index_cast %add3A_787 : i32 to index
        %get3A_819 = arith.constant 48 : index
        %get3A_820 = tpu.vector_load %arg10[%get3A_818, %get3A_819] {strides = array<i32>} : memref<128x64xf32, #tpu.memory_space<vmem>>, vector<1x16xf32>,
        %get3A_821 = vector.shape_cast %get3A_820 : vector<1x16xf32> to vector<16xf32>
        %mul3A_822 = arith.mulf %get3A_821, %gather3A_783 : vector<16xf32>
        %swap3A_823 = arith.index_cast %add3A_787 : i32 to index
        %swap3A_824 = arith.constant 48 : index
        %swap3A_825 = tpu.vector_load %arg10[%swap3A_823, %swap3A_824] {strides = array<i32>} : memref<128x64xf32, #tpu.memory_space<vmem>>, vector<1x16xf32>,
        %swap3A_826 = vector.shape_cast %swap3A_825 : vector<1x16xf32> to vector<16xf32>
        %swap3A_827 = vector.shape_cast %mul3A_822 : vector<16xf32> to vector<1x16xf32>
        tpu.vector_store %arg10[%swap3A_823, %swap3A_824], %swap3A_827 {strides = array<i32>} : memref<128x64xf32, #tpu.memory_space<vmem>>, vector<1x16xf32>,
      }
      %scan3A_56 = arith.constant 8 : i32
      "tpu.region"() ({
        %run_scoped3A = tpu.sem_alloc : memref<!tpu.dma_semaphore, #tpu.memory_space<semaphore_mem>>
        %dma_start3A_57 = arith.constant 0 : i32
        %dma_start3A_58 = arith.constant 0 : i32
        %dma_start3A_59 = tpu.memref_slice %arg11[%dma_start3A_57, %dma_start3A_58] : memref<10240x64xf32, #tpu.memory_space<vmem_shared>> -> memref<10240x64xf32, #tpu.memory_space<vmem_shared>>
        tpu.enqueue_indirect_dma source(%arg10 : memref<128x64xf32, #tpu.memory_space<vmem>>) target(%dma_start3A_59 : memref<10240x64xf32, #tpu.memory_space<vmem_shared>>) offsets(%arg8 : memref<128xi32, #tpu.memory_space<vmem>>) semaphore(%run_scoped3A : memref<!tpu.dma_semaphore, #tpu.memory_space<semaphore_mem>>) {add = true}
        %dma_wait3A_60 = arith.constant 0 : i32
        %dma_wait3A_61 = arith.constant 0 : i32
        %dma_wait3A_62 = tpu.memref_slice %arg11[%dma_wait3A_60, %dma_wait3A_61] : memref<10240x64xf32, #tpu.memory_space<vmem_shared>> -> memref<10240x64xf32, #tpu.memory_space<vmem_shared>>
        tpu.wait_indirect_dma semaphore(%run_scoped3A : memref<!tpu.dma_semaphore, #tpu.memory_space<semaphore_mem>>) src(%arg10 : memref<128x64xf32, #tpu.memory_space<vmem>>) dst(%dma_wait3A_62 : memref<10240x64xf32, #tpu.memory_space<vmem_shared>>)
        tpu.yield
      }) : () -> ()
    }
    %scan3A_35 = arith.constant 79 : i32
    %barrier3A_36 = arith.constant 0 : index
    tpu.barrier barrier_id(%barrier3A_36)
    %mul3A_37 = arith.constant 640 : i32
    %mul3A_38 = arith.muli %arg1, %mul3A_37 : i32
    %multiple_of3A_39 = tpu.assume_multiple %mul3A_38, 128 : i32
    "tpu.region"() ({
      %run_scoped3A = tpu.sem_alloc : memref<!tpu.dma_semaphore, #tpu.memory_space<semaphore_mem>>
      %dma_start3A = arith.constant 0 : i32
      %dma_start3A_40 = arith.constant 0 : i32
      %dma_start3A_41 = tpu.memref_slice %arg6[%arg0, %dma_start3A, %dma_start3A_40] : memref<2x10240x64xf32, #tpu.memory_space<hbm>> -> memref<1x10240x64xf32, #tpu.memory_space<hbm>>
      %dma_start3A_42 = tpu.memref_squeeze %dma_start3A_41 : memref<1x10240x64xf32, #tpu.memory_space<hbm>> -> memref<10240x64xf32, #tpu.memory_space<hbm>>
      %dma_start3A_43 = arith.constant 0 : i32
      %dma_start3A_44 = tpu.memref_slice %dma_start3A_42[%multiple_of3A_39, %dma_start3A_43] : memref<10240x64xf32, #tpu.memory_space<hbm>> -> memref<640x64xf32, #tpu.memory_space<hbm>>
      %dma_start3A_45 = arith.constant 0 : i32
      %dma_start3A_46 = tpu.memref_slice %arg11[%multiple_of3A_39, %dma_start3A_45] : memref<10240x64xf32, #tpu.memory_space<vmem_shared>> -> memref<640x64xf32, #tpu.memory_space<vmem_shared>>
      tpu.enqueue_dma source(%dma_start3A_46 : memref<640x64xf32, #tpu.memory_space<vmem_shared>>) target(%dma_start3A_44 : memref<640x64xf32, #tpu.memory_space<hbm>>) target_semaphore(%run_scoped3A : memref<!tpu.dma_semaphore, #tpu.memory_space<semaphore_mem>>)
      %dma_wait3A = arith.constant 0 : i32
      %dma_wait3A_47 = arith.constant 0 : i32
      %dma_wait3A_48 = tpu.memref_slice %arg6[%arg0, %dma_wait3A, %dma_wait3A_47] : memref<2x10240x64xf32, #tpu.memory_space<hbm>> -> memref<1x10240x64xf32, #tpu.memory_space<hbm>>
      %dma_wait3A_49 = tpu.memref_squeeze %dma_wait3A_48 : memref<1x10240x64xf32, #tpu.memory_space<hbm>> -> memref<10240x64xf32, #tpu.memory_space<hbm>>
      %dma_wait3A_50 = arith.constant 0 : i32
      %dma_wait3A_51 = tpu.memref_slice %dma_wait3A_49[%multiple_of3A_39, %dma_wait3A_50] : memref<10240x64xf32, #tpu.memory_space<hbm>> -> memref<640x64xf32, #tpu.memory_space<hbm>>
      %dma_wait3A_52 = arith.constant 0 : i32
      %dma_wait3A_53 = tpu.memref_slice %arg11[%multiple_of3A_39, %dma_wait3A_52] : memref<10240x64xf32, #tpu.memory_space<vmem_shared>> -> memref<640x64xf32, #tpu.memory_space<vmem_shared>>
      tpu.wait_dma2 semaphore(%run_scoped3A : memref<!tpu.dma_semaphore, #tpu.memory_space<semaphore_mem>>) src(%dma_wait3A_53 : memref<640x64xf32, #tpu.memory_space<vmem_shared>>) dst(%dma_wait3A_51 : memref<640x64xf32, #tpu.memory_space<hbm>>)
      tpu.yield
    }) : () -> ()
    return
  }
}

module attributes {stable_mosaic.version = 14 : i64} {
  func.func @body(%arg0: i32, %arg1: memref<1000x128xf32, #tpu.memory_space<vmem>>, %arg2: memref<128x128xf32, #tpu.memory_space<vmem>>, %arg3: memref<1000x128xf32, #tpu.memory_space<vmem>>) attributes {dimension_semantics = [#tpu.dimension_semantics<arbitrary>], iteration_bounds = array<i64: 10>, scalar_prefetch = 0 : i64, scratch_operands = 0 : i64, tpu.core_type = #tpu.core_type<tc>, window_params = [{transform_indices = @transform_0, window_bounds = array<i64: 1000, 128>}, {pipeline_mode = #tpu.pipeline_mode<synchronous>, transform_indices = @transform_1, window_bounds = array<i64: 128, 128>}, {transform_indices = @transform_2, window_bounds = array<i64: 1000, 128>}]} {
    %get3A = arith.constant 0 : index
    %get3A_0 = arith.constant 0 : index
    %get3A_1 = vector.load %arg1[%get3A, %get3A_0] : memref<1000x128xf32, #tpu.memory_space<vmem>>, vector<1000x128xf32>
    %get3A_2 = arith.constant 0 : index
    %get3A_3 = arith.constant 0 : index
    %get3A_4 = vector.load %arg2[%get3A_2, %get3A_3] : memref<128x128xf32, #tpu.memory_space<vmem>>, vector<128x128xf32>
    %dot_general3A = arith.constant dense<0.000000e+00> : vector<1000x128xf32>
    %dot_general3A_5 = tpu.matmul %get3A_1, %get3A_4, %dot_general3A {dimension_numbers = #tpu.dot_dimension_numbers<[1], [0], [0], [1], [0, 0, 1, 1], [], []>, transpose_lhs_hint = false} : vector<1000x128xf32>, vector<128x128xf32>, vector<1000x128xf32> -> vector<1000x128xf32>
    %swap3A = arith.constant 0 : index
    %swap3A_6 = arith.constant 0 : index
    %swap3A_7 = vector.load %arg3[%swap3A, %swap3A_6] : memref<1000x128xf32, #tpu.memory_space<vmem>>, vector<1000x128xf32>
    tpu.vector_store %arg3[%swap3A, %swap3A_6], %dot_general3A_5 {strides = array<i32>} : memref<1000x128xf32, #tpu.memory_space<vmem>>, vector<1000x128xf32>,
    return
  }
  func.func @transform_0(%arg0: i32) -> (i32, i32) {
    %c0_i32 = arith.constant 0 : i32
    %c0_i32_0 = arith.constant 0 : i32
    return %arg0, %c0_i32 : i32, i32
  }
  func.func @transform_1(%arg0: i32) -> (i32, i32) {
    %c0_i32 = arith.constant 0 : i32
    %c0_i32_0 = arith.constant 0 : i32
    %c0_i32_1 = arith.constant 0 : i32
    return %c0_i32, %c0_i32_0 : i32, i32
  }
  func.func @transform_2(%arg0: i32) -> (i32, i32) {
    %c0_i32 = arith.constant 0 : i32
    %c0_i32_0 = arith.constant 0 : i32
    return %arg0, %c0_i32 : i32, i32
  }
}

module attributes {stable_mosaic.version = 14 : i64} {
  func.func @body(%arg0: i32, %arg1: memref<2x1000x128xf32, #tpu.memory_space<vmem>>, %arg2: memref<1x128xf32, #tpu.memory_space<vmem>>, %arg3: memref<128x64xf32, #tpu.memory_space<vmem>>, %arg4: memref<1000x64xf32, #tpu.memory_space<vmem>>) attributes {dimension_semantics = [#tpu.dimension_semantics<arbitrary>], iteration_bounds = array<i64: 10>, scalar_prefetch = 0 : i64, scratch_operands = 0 : i64, tpu.core_type = #tpu.core_type<tc>, window_params = [{transform_indices = @transform_0, window_bounds = array<i64: 2, 1000, 128>}, {pipeline_mode = #tpu.pipeline_mode<synchronous>, transform_indices = @transform_1, window_bounds = array<i64: 1, 128>}, {pipeline_mode = #tpu.pipeline_mode<synchronous>, transform_indices = @transform_2, window_bounds = array<i64: 128, 64>}, {transform_indices = @transform_3, window_bounds = array<i64: 1000, 64>}]} {
    %get3A = arith.constant 0 : index
    %get3A_0 = arith.constant 0 : index
    %get3A_1 = arith.constant 0 : index
    %get3A_2 = vector.load %arg1[%get3A, %get3A_0, %get3A_1] : memref<2x1000x128xf32, #tpu.memory_space<vmem>>, vector<1x1000x128xf32>
    %get3A_3 = vector.shape_cast %get3A_2 : vector<1x1000x128xf32> to vector<1000x128xf32>
    %get3A_4 = arith.constant 1 : index
    %get3A_5 = arith.constant 0 : index
    %get3A_6 = arith.constant 0 : index
    %get3A_7 = vector.load %arg1[%get3A_4, %get3A_5, %get3A_6] : memref<2x1000x128xf32, #tpu.memory_space<vmem>>, vector<1x1000x128xf32>
    %get3A_8 = vector.shape_cast %get3A_7 : vector<1x1000x128xf32> to vector<1000x128xf32>
    %add3A = arith.addf %get3A_3, %get3A_8 : vector<1000x128xf32>
    %get3A_9 = arith.constant 0 : index
    %get3A_10 = arith.constant 0 : index
    %get3A_11 = vector.load %arg2[%get3A_9, %get3A_10] : memref<1x128xf32, #tpu.memory_space<vmem>>, vector<1x128xf32>
    %add3A_12 = vector.broadcast %get3A_11 : vector<1x128xf32> to vector<1000x128xf32>
    %add3A_13 = arith.addf %add3A, %add3A_12 : vector<1000x128xf32>
    %max3A = arith.constant 0.000000e+00 : f32
    %max3A_14 = vector.broadcast %max3A : f32 to vector<1000x128xf32>
    %max3A_15 = arith.maximumf %add3A_13, %max3A_14 : vector<1000x128xf32>
    %get3A_16 = arith.constant 0 : index
    %get3A_17 = arith.constant 0 : index
    %get3A_18 = vector.load %arg3[%get3A_16, %get3A_17] : memref<128x64xf32, #tpu.memory_space<vmem>>, vector<128x64xf32>
    %dot_general3A = arith.constant dense<0.000000e+00> : vector<1000x64xf32>
    %dot_general3A_19 = tpu.matmul %max3A_15, %get3A_18, %dot_general3A {dimension_numbers = #tpu.dot_dimension_numbers<[1], [0], [0], [1], [0, 0, 1, 1], [], []>, transpose_lhs_hint = false} : vector<1000x128xf32>, vector<128x64xf32>, vector<1000x64xf32> -> vector<1000x64xf32>
    %swap3A = arith.constant 0 : index
    %swap3A_20 = arith.constant 0 : index
    %swap3A_21 = vector.load %arg4[%swap3A, %swap3A_20] : memref<1000x64xf32, #tpu.memory_space<vmem>>, vector<1000x64xf32>
    tpu.vector_store %arg4[%swap3A, %swap3A_20], %dot_general3A_19 {strides = array<i32>} : memref<1000x64xf32, #tpu.memory_space<vmem>>, vector<1000x64xf32>,
    return
  }
  func.func @transform_0(%arg0: i32) -> (i32, i32, i32) {
    %c0_i32 = arith.constant 0 : i32
    %c0_i32_0 = arith.constant 0 : i32
    %c0_i32_1 = arith.constant 0 : i32
    return %c0_i32, %arg0, %c0_i32_0 : i32, i32, i32
  }
  func.func @transform_1(%arg0: i32) -> (i32, i32) {
    %c0_i32 = arith.constant 0 : i32
    %c0_i32_0 = arith.constant 0 : i32
    %c0_i32_1 = arith.constant 0 : i32
    return %c0_i32, %c0_i32_0 : i32, i32
  }
  func.func @transform_2(%arg0: i32) -> (i32, i32) {
    %c0_i32 = arith.constant 0 : i32
    %c0_i32_0 = arith.constant 0 : i32
    %c0_i32_1 = arith.constant 0 : i32
    return %c0_i32, %c0_i32_0 : i32, i32
  }
  func.func @transform_3(%arg0: i32) -> (i32, i32) {
    %c0_i32 = arith.constant 0 : i32
    %c0_i32_0 = arith.constant 0 : i32
    return %arg0, %c0_i32 : i32, i32
  }
}

module attributes {stable_mosaic.version = 14 : i64} {
  func.func @body(%arg0: i32, %arg1: memref<2x1000x64xf32, #tpu.memory_space<vmem>>, %arg2: memref<1x64xf32, #tpu.memory_space<vmem>>, %arg3: memref<1000x64xf32, #tpu.memory_space<vmem>>) attributes {dimension_semantics = [#tpu.dimension_semantics<arbitrary>], iteration_bounds = array<i64: 10>, scalar_prefetch = 0 : i64, scratch_operands = 0 : i64, tpu.core_type = #tpu.core_type<tc>, window_params = [{transform_indices = @transform_0, window_bounds = array<i64: 2, 1000, 64>}, {pipeline_mode = #tpu.pipeline_mode<synchronous>, transform_indices = @transform_1, window_bounds = array<i64: 1, 64>}, {transform_indices = @transform_2, window_bounds = array<i64: 1000, 64>}]} {
    %get3A = arith.constant 0 : index
    %get3A_0 = arith.constant 0 : index
    %get3A_1 = arith.constant 0 : index
    %get3A_2 = vector.load %arg1[%get3A, %get3A_0, %get3A_1] : memref<2x1000x64xf32, #tpu.memory_space<vmem>>, vector<1x1000x64xf32>
    %get3A_3 = vector.shape_cast %get3A_2 : vector<1x1000x64xf32> to vector<1000x64xf32>
    %get3A_4 = arith.constant 1 : index
    %get3A_5 = arith.constant 0 : index
    %get3A_6 = arith.constant 0 : index
    %get3A_7 = vector.load %arg1[%get3A_4, %get3A_5, %get3A_6] : memref<2x1000x64xf32, #tpu.memory_space<vmem>>, vector<1x1000x64xf32>
    %get3A_8 = vector.shape_cast %get3A_7 : vector<1x1000x64xf32> to vector<1000x64xf32>
    %add3A = arith.addf %get3A_3, %get3A_8 : vector<1000x64xf32>
    %get3A_9 = arith.constant 0 : index
    %get3A_10 = arith.constant 0 : index
    %get3A_11 = vector.load %arg2[%get3A_9, %get3A_10] : memref<1x64xf32, #tpu.memory_space<vmem>>, vector<1x64xf32>
    %add3A_12 = vector.broadcast %get3A_11 : vector<1x64xf32> to vector<1000x64xf32>
    %add3A_13 = arith.addf %add3A, %add3A_12 : vector<1000x64xf32>
    %iota3A = tpu.iota {dimensions = array<i32: 1>} : vector<1000x64xi32>
    %lt3A = arith.constant 40 : i32
    %lt3A_14 = vector.broadcast %lt3A : i32 to vector<1000x64xi32>
    %lt3A_15 = arith.cmpi slt, %iota3A, %lt3A_14 : vector<1000x64xi32>
    %jit3A = arith.constant 0xFF800000 : f32
    %broadcast_in_dim3A = vector.broadcast %jit3A : f32 to vector<1000x64xf32>
    %select_n3A = arith.select %lt3A_15, %add3A_13, %broadcast_in_dim3A : vector<1000x64xi1>, vector<1000x64xf32>
    %reduce_max3A = arith.constant dense<0xFF800000> : vector<1000xf32>
    %reduce_max3A_16 = vector.multi_reduction <maximumf>, %select_n3A, %reduce_max3A [1] : vector<1000x64xf32> to vector<1000xf32>
    %broadcast_in_dim3A_17 = vector.shape_cast %reduce_max3A_16 : vector<1000xf32> to vector<1000x1xf32>
    %sub3A = vector.broadcast %broadcast_in_dim3A_17 : vector<1000x1xf32> to vector<1000x64xf32>
    %sub3A_18 = arith.subf %add3A_13, %sub3A : vector<1000x64xf32>
    %exp3A = math.exp %sub3A_18 : vector<1000x64xf32>
    %jit3A_19 = arith.constant 0.000000e+00 : f32
    %broadcast_in_dim3A_20 = vector.broadcast %jit3A_19 : f32 to vector<1000x64xf32>
    %select_n3A_21 = arith.select %lt3A_15, %exp3A, %broadcast_in_dim3A_20 : vector<1000x64xi1>, vector<1000x64xf32>
    %reduce_sum3A = arith.constant dense<0.000000e+00> : vector<1000xf32>
    %reduce_sum3A_22 = vector.multi_reduction <add>, %select_n3A_21, %reduce_sum3A [1] : vector<1000x64xf32> to vector<1000xf32>
    %broadcast_in_dim3A_23 = vector.shape_cast %reduce_sum3A_22 : vector<1000xf32> to vector<1000x1xf32>
    %log3A = math.log %broadcast_in_dim3A_23 : vector<1000x1xf32>
    %add3A_24 = arith.addf %log3A, %broadcast_in_dim3A_17 : vector<1000x1xf32>
    %sub3A_25 = vector.broadcast %add3A_24 : vector<1000x1xf32> to vector<1000x64xf32>
    %sub3A_26 = arith.subf %add3A_13, %sub3A_25 : vector<1000x64xf32>
    %swap3A = arith.constant 0 : index
    %swap3A_27 = arith.constant 0 : index
    %swap3A_28 = vector.load %arg3[%swap3A, %swap3A_27] : memref<1000x64xf32, #tpu.memory_space<vmem>>, vector<1000x64xf32>
    tpu.vector_store %arg3[%swap3A, %swap3A_27], %sub3A_26 {strides = array<i32>} : memref<1000x64xf32, #tpu.memory_space<vmem>>, vector<1000x64xf32>,
    return
  }
  func.func @transform_0(%arg0: i32) -> (i32, i32, i32) {
    %c0_i32 = arith.constant 0 : i32
    %c0_i32_0 = arith.constant 0 : i32
    %c0_i32_1 = arith.constant 0 : i32
    return %c0_i32, %arg0, %c0_i32_0 : i32, i32, i32
  }
  func.func @transform_1(%arg0: i32) -> (i32, i32) {
    %c0_i32 = arith.constant 0 : i32
    %c0_i32_0 = arith.constant 0 : i32
    %c0_i32_1 = arith.constant 0 : i32
    return %c0_i32, %c0_i32_0 : i32, i32
  }
  func.func @transform_2(%arg0: i32) -> (i32, i32) {
    %c0_i32 = arith.constant 0 : i32
    %c0_i32_0 = arith.constant 0 : i32
    return %arg0, %c0_i32 : i32, i32
  }
}

</mosaic_0001>

<sc_bundles>
// kernel: kernel.10.cloned.1.call-start
scs
__scs_entry_jumppad:
0x0: {  	(pc) =	sbr.rel $0x88, $3  }
0x1: {  	(tag) =	ssettag $0x0;
	lr =	simm.s32 $0x1  }
0x2: {  	[smem:$0x3F9A] =	sst lr;
	_ =	strace $0xD0000000  }
0x3: {  	_ = 	snop  }
0x4: {  	_ = 	snop  }
0x5: {  	_ = 	snop  }
0x6: {  	_ = 	snop  }
0x7: {  	_ = 	snop  }
__scs_overlays_trampoline_lowered:
0x8: {  	[smem:$0x3FA9] =	sst s0  }
0x9: {  	[smem:$0x3FAA] =	sst s1  }
0xa: {  	[smem:$0x3FAB] =	sst s2  }
0xb: {  	[smem:$0x3FAC] =	sst s3  }
0xc: {  	[smem:$0x3FAD] =	sst s4  }
0xd: {  	[smem:$0x3FAE] =	sst s5  }
0xe: {  	[smem:$0x3FAF] =	sst s6  }
0xf: {  	[smem:$0x3FB0] =	sst s7  }
0x10: {  	[smem:$0x3FB1] =	sst s8  }
0x11: {  	[smem:$0x3FB2] =	sst s9;
	s0 =	simm.s32 @!p0 $0x0  }
0x12: {  	s1 =	sld [smem:$0x3F98];
	s0 =	simm.s32 @p0 $0x1  }
0x13: {  	[smem:$0x3FB3] =	sst s0;
	s0 =	simm.s32 @!p1 $0x0  }
0x14: {  	s2 =	sld [smem:$0x3F97];
	s0 =	simm.s32 @p1 $0x1  }
0x15: {  	[smem:$0x3FB4] =	sst s0;
	s0 =	simm.s32 @!p2 $0x0  }
0x16: {  	s3 =	sld [smem:$0x3FDB];
	s0 =	simm.s32 @p2 $0x1  }
0x17: {  	s4 =	simm.s32 $0x1BF5;
	[smem:$0x3FB6] =	sst s0  }
0x18: {  	s0 =	sld [smem:$0x3F99];
	_ =	swait.ge [sflag:s4], $0x0  }
0x19: {  	s7 =	sld [smem:$0x3F9A]  }
0x1a: {  	s8 =	sadd.s32 $0xFFFFE003, lr  }
0x1b: {  	s9 =	sadd.s32 $0xFFFFFEF7, lr;
	s5 =	simm.s32 $0xFFFFFFFF;
	p2 =	slt.u32 s8, $0xFFFFF086  }
0x1c: {  	p1 =	slt.u32 s9, $0xF7A;
	s5 =	simm.s32 @!p2 $0x0  }
0x1d: {  	s5 =	simm.s32 @p1 $0x1;
	p0 =	seq.s32 s7, s2  }
0x1e: {  	s7 =	smul.u32 @!p0 $0xF7A, s2;
	p2 =	seq.s32 @!p0 s5, $0x0  }
0x1f: {  	s9 =	smul.u32 $0xF7A, s1;
	s8 =	simm.s32 @!p0 $0x1BF5;
	p2 =	por !p2, p0  }
0x20: {  	[sflag:s8] =	ssyncset.s32 @!p0 $0xFFFFF086;
	s6 =	sadd.s32 @!p0 s3, s7;
	s7 =	simm.s32 @!p0 $0x108  }
0x21: {  	s3 =	sadd.s32 s3, s9;
	s6 =	sadd.s32 @!p0 $0x88, s6;
	s7 =	simm.s32 @p2 $0x1082  }
0x22: {  	[simem:s7], [sflag:s8] =	dma.local @!p0 [hbm:s6], $0xF7A  }
0x23: {  	s9 =	sor.u32 $0xD0000000, s2;
	s6 =	simm.s32 $0x108;
	_ =	swait.ge @!p0 [sflag:s8], $0x0  }
0x24: {  	s3 =	sadd.s32 $0x88, s3;
	s6 =	simm.s32 @!p1 $0x1082;
	[sflag:s4] =	ssyncset.s32 $0xFFFFF086  }
0x25: {  	[simem:s6], [sflag:s4] =	dma.local [hbm:s3], $0xF7A  }
0x26: {  	[smem:$0x3F9A] =	sst s1;
	(tag) =	ssettag s2;
	_ =	strace s9  }
0x27: {  	s1 =	sld [smem:$0x3FAA]  }
0x28: {  	s2 =	sld [smem:$0x3FAB]  }
0x29: {  	s4 =	sld [smem:$0x3FAD]  }
0x2a: {  	p0 =	seq.s32 s5, $0x0;
	s5 =	sld [smem:$0x3FAE]  }
0x2b: {  	s6 =	sld [smem:$0x3FAF]  }
0x2c: {  	s7 =	sld [smem:$0x3FB0]  }
0x2d: {  	s3 =	simm.s32 $0x108;
	s8 =	sld [smem:$0x3FB1]  }
0x2e: {  	s3 =	simm.s32 @!p0 $0x1082;
	s9 =	sld [smem:$0x3FB2]  }
0x2f: {  	lr =	sadd.s32 s0, s3;
	s0 =	sld [smem:$0x3FA9]  }
0x30: {  	s3 =	sld [smem:$0x3FAC]  }
0x31: {  	[smem:$0x3FB5] =	sst s10  }
0x32: {  	s10 =	sld [smem:$0x3FB3];
	_ =	sdelay $0x3  }
0x33: {  	p0 =	seq.s32 s10, $0x1;
	s10 =	sld [smem:$0x3FB5];
	_ =	sdelay $0x3  }
0x34: {  	[smem:$0x3FB5] =	sst s10  }
0x35: {  	s10 =	sld [smem:$0x3FB4];
	_ =	sdelay $0x3  }
0x36: {  	p1 =	seq.s32 s10, $0x1;
	s10 =	sld [smem:$0x3FB5];
	_ =	sdelay $0x3  }
0x37: {  	[smem:$0x3FB5] =	sst s10  }
0x38: {  	s10 =	sld [smem:$0x3FB6]  }
0x39: {  	_ = 	snop;
	(pc) =	sbr.ind lr, $3  }
0x3a: {  	_ = 	snop  }
0x3b: {  	_ = 	snop  }
0x3c: {  	p2 =	seq.s32 s10, $0x1;
	s10 =	sld [smem:$0x3FB5]  }
0x3d: {  	_ =	shalt  }
0x3e: {  	_ =	shalt  }
0x3f: {  	_ =	shalt  }
0x40: {  	_ =	shalt  }
0x41: {  	_ =	shalt  }
0x42: {  	_ =	shalt  }
0x43: {  	_ =	shalt  }
0x44: {  	_ =	shalt  }
0x45: {  	_ =	shalt  }
0x46: {  	_ =	shalt  }
0x47: {  	_ =	shalt  }
0x48: {  	_ =	shalt  }
0x49: {  	_ =	shalt  }
0x4a: {  	_ =	shalt  }
0x4b: {  	_ =	shalt  }
0x4c: {  	_ =	shalt  }
0x4d: {  	_ =	shalt  }
0x4e: {  	_ =	shalt  }
0x4f: {  	_ =	shalt  }
0x50: {  	_ =	shalt  }
0x51: {  	_ =	shalt  }
0x52: {  	_ =	shalt  }
0x53: {  	_ =	shalt  }
0x54: {  	_ =	shalt  }
0x55: {  	_ =	shalt  }
0x56: {  	_ =	shalt  }
0x57: {  	_ =	shalt  }
0x58: {  	_ =	shalt  }
0x59: {  	_ =	shalt  }
0x5a: {  	_ =	shalt  }
0x5b: {  	_ =	shalt  }
0x5c: {  	_ =	shalt  }
0x5d: {  	_ =	shalt  }
0x5e: {  	_ =	shalt  }
0x5f: {  	_ =	shalt  }
0x60: {  	_ =	shalt  }
0x61: {  	_ =	shalt  }
0x62: {  	_ =	shalt  }
0x63: {  	_ =	shalt  }
0x64: {  	_ =	shalt  }
0x65: {  	_ =	shalt  }
0x66: {  	_ =	shalt  }
0x67: {  	_ =	shalt  }
0x68: {  	_ =	shalt  }
0x69: {  	_ =	shalt  }
0x6a: {  	_ =	shalt  }
0x6b: {  	_ =	shalt  }
0x6c: {  	_ =	shalt  }
0x6d: {  	_ =	shalt  }
0x6e: {  	_ =	shalt  }
0x6f: {  	_ =	shalt  }
0x70: {  	_ =	shalt  }
0x71: {  	_ =	shalt  }
0x72: {  	_ =	shalt  }
0x73: {  	_ =	shalt  }
0x74: {  	_ =	shalt  }
0x75: {  	_ =	shalt  }
0x76: {  	_ =	shalt  }
0x77: {  	_ =	shalt  }
0x78: {  	_ =	shalt  }
0x79: {  	_ =	shalt  }
0x7a: {  	_ =	shalt  }
0x7b: {  	_ =	shalt  }
0x7c: {  	_ =	shalt  }
0x7d: {  	_ =	shalt  }
0x7e: {  	_ =	shalt  }
0x7f: {  	_ =	shalt  }
0x80: {  	_ =	shalt  }
0x81: {  	_ =	shalt  }
0x82: {  	_ =	shalt  }
0x83: {  	_ =	shalt  }
0x84: {  	_ =	shalt  }
0x85: {  	_ =	shalt  }
0x86: {  	_ =	shalt  }
0x87: {  	_ =	shalt  }
.Lfunc_end0:
.L_simem_size_0:
called_computation.1_lowered:
.L_overlay_start_0:
0x88: {  	s2 =	sld [smem:$0x3FD9]  }
0x89: {  	s3 =	sld [smem:$0x3FFE];
	_ =	sdelay $0x1  }
0x8a: {  	s1 =	srdreg.scid  }
0x8b: {  	s0 =	sand.u32 $0x1, s1  }
0x8c: {  	s17 =	sshll.u32 s0, $0xA;
	s2 =	sadd.s32 s3, s2  }
0x8d: {  	s2 =	sadd.s32 s2, s17  }
0x8e: {  	[smem:$0x3FC1] =	sst s2  }
0x8f: {  	_ = 	snop  }
0x90: {  	s2 =	sld [smem:$0x3FD0];
	(tm) =	ssettm $0x1  }
0x91: {  	s18 =	sld [smem:$0x3FFB];
	_ =	sdelay $0x3  }
0x92: {  	_ =	strace s18  }
0x93: {  	s3 =	sld [smem:$0x3FFC];
	_ =	sdelay $0x3  }
0x94: {  	_ =	strace s3  }
0x95: {  	s3 =	sld [smem:$0x3FFD];
	_ =	sdelay $0x3  }
0x96: {  	_ =	strace s3  }
0x97: {  	_ =	strace $0x8FFFFFFF  }
0x98: {  	s19 =	sld [smem:$0x3FDB];
	_ =	sdelay $0x1  }
0x99: {  	s4 =	simm.s32 $_scs_section_size  }
0x9a: {  	s5 =	simm.s32 $_size__tile_overlayer_lowered;
	s6 =	simm.s32 $_tile_overlayer_lowered  }
0x9b: {  	s22 =	simm.s32 $0x1BFF;
	s21 =	sshll.u32 s6, $0x1;
	s3 =	sadd.s32 s4, s19  }
0x9c: {  	s7 =	simm.s32 $0x0;
	s20 =	sshll.u32 s5, $0x1;
	s5 =	sadd.s32 s21, s3  }
0x9d: {  	[timem:s7], [sflag:s22] =	dma.local [hbm:s5], s20  }
0x9e: {  	_ =	swait.ge [sflag:s22], s20  }
0x9f: {  	s4 =	ssub.s32 $0x0, s20;
	[sflag:s22] =	ssyncset.done $0x0  }
0xa0: {  	[sflag:s22] =	ssyncadd.s32 s4;
	_ =	sdelay $0x1  }
0xa1: {  	s23 =	simm.s32 $0x1B8B  }
0xa2: {  	_ =	swait.ge [sflag:s23], $0x1  }
0xa3: {  	[sflag:s23] =	ssyncset.done $0x0  }
0xa4: {  	s25 =	simm.s32 $0x1B8E;
	s24 =	sld [smem:$0x3FFE];
	[sflag:s23] =	ssyncadd.s32 $0xFFFFFFFF  }
0xa5: {  	s26 =	simm.s32 $execute0_lowered;
	[smem:$0x3FD2] =	sst s25  }
0xa6: {  	s5 =	sshll.u32 s26, $0x1;
	_ =	strace $0x80000049;
	[dreg:$0x1] =	wrdreg $0xFFFFFFFF  }
0xa7: {  	s28 =	simm.s32 $_size_execute0_lowered;
	s3 =	sadd.s32 s3, s5;
	[dreg:$0x0] =	wrdreg $0x0  }
0xa8: {  	s5 =	sshll.u32 s28, $0x1;
	[dreg:$0x2] =	wrdreg s3  }
0xa9: {  	[dreg:$0x3] =	wrdreg s5  }
0xaa: {  	[dreg:$0x4] =	wrdreg $0xC0  }
0xab: {  	_ =	task [dreg:s7], $0x5FFFF  }
0xac: {  	[dreg:$0x1] =	wrdreg $0xFFFFFFFF  }
0xad: {  	[dreg:$0x0] =	wrdreg $0x60  }
0xae: {  	[dreg:$0x2] =	wrdreg s24  }
0xaf: {  	[dreg:$0x3] =	wrdreg s2  }
0xb0: {  	[dreg:$0x4] =	wrdreg $0x21800  }
0xb1: {  	[dreg:$0x5] =	wrdreg $0x9  }
0xb2: {  	_ =	task.clear_ibuf [dreg:s7], $0x6FFFF;
	_ =	strace $0x90000049  }
0xb3: {  	s29 =	simm.s32 $0x9;
	_ =	strace $0x8000004B  }
0xb4: {  	_ =	swait.ge [sflag:s29], $0x1  }
0xb5: {  	[sflag:s29] =	ssyncadd.s32 $0xFFFFFFFF  }
0xb6: {  	_ =	strace $0x9000004B  }
0xb7: {  	_ =	sfence  }
0xb8: {  	s30 =	sld [smem:$0x0];
	_ =	sdelay $0x2  }
0xb9: {  	s31 =	sshll.u32 s1, $0xD;
	s1 =	sshrl.u32 s1, $0x2  }
0xba: {  	s3 =	sand.u32 $0x4000, s31;
	s1 =	sadd.s32 s1, s30  }
0xbb: {  	s0 =	sor.u32 s3, s0;
	s1 =	sshll.u32 s1, $0x11  }
0xbc: {  	s0 =	sor.u32 s1, s0  }
0xbd: {  	s0 =	sadd.s32 $0x8F2B, s0  }
0xbe: {  	[sflag:s0] =	ssyncadd.remote.s32 $0x1  }
0xbf: {  	_ =	sfence.sel $0xFFFF  }
0xc0: {  	[dreg:$0x0] =	wrdreg $0xFFFFFFFF;
	(pc) =	sbr.abs _section_cstart, $3  }
0xc1: {  	[dreg:$0x1] =	wrdreg $0xFFFFFFFF  }
0xc2: {  	_ =	task.clear_ibuf [dreg:s7], $0x2FFFF;
	_ =	strace $0x9FFFFFFF  }
0xc3: {  	(tm) =	ssettm $0x7FFFFFFF  }
tec
execute0_lowered:
.L_overlay_start_1:
0x0: {  	(tag) =	ssettag $0x1  }
0x1: {  	s8 =	rddreg [dreg:$0x0]  }
0x2: {  	s1 =	rddreg [dreg:$0x1]  }
0x3: {  	s2 =	rddreg [dreg:$0x2]  }
0x4: {  	s0 =	rddreg [dreg:$0x3];
	s3 =	simm.s32 $0x0;
	s4 =	srdreg.scid  }
0x5: {  	s17 =	simm.s32 $0x80;
	s18 =	simm.s32 $0x100;
	s19 =	simm.s32 $0x1  }
0x6: {  	[smem:$0x7FF] =	sst s3;
	s9 =	sand.u32 $0x1, s4;
	s5 =	sadd.s32 $0x15200, s8  }
0x7: {  	s4 =	stileid.u32;
	s6 =	sadd.s32 $0x1600, s8;
	s10 =	smul.u32 $0x14000, s9  }
0x8: {  	s7 =	sadd.s32 $0xB400, s8;
	_ =	strace $0x8000004A;
	s12 =	smul.u32 $0x28000, s4  }
0x9: {  	s11 =	ssub.s32 $0x2, s9;
	s31 =	sshll.u32 s4, $0x1;
	s15 =	smul.u32 $0xA000, s4  }
0xa: {  	v0 =	vimm.f32 $0.0e+00;
	v1 =	vimm.s32 $0x0;
	s30 =	sshrl.u32 s11, $0x1;
	s13 =	sor.u32 s9, s31;
	s14 =	sadd.s32 s10, s8  }
0xb: {  	v2 =	vimm.s32 $0x1;
	v3 =	vimm.s32 $0x2;
	v4 =	vimm.s32 $0x3;
	s12 =	sshrl.u32 s12, $0x2;
	s16 =	ssub.s32 s11, s30;
	s8 =	sadd.s32 s15, s2  }
0xc: {  	v5 =	vimm.s32 $0x4;
	v6 =	vimm.s32 $0x5;
	v7 =	vimm.s32 $0x6;
	s13 =	smul.u32 $0x2780, s13;
	s21 =	sshrl.u32 s15, $0x3;
	s15 =	simm.s32 $0x180  }
0xd: {  	v8 =	vimm.s32 $0x7;
	v9 =	vimm.s32 $0x8;
	v10 =	vimm.s32 $0x9;
	s12 =	sadd.s32 s12, s2;
	s20 =	sadd.s32 $0x28C00, s14;
	s14 =	smax.u32 s16, $0x1  }
0xe: {  	v11 =	vimm.s32 $0xA;
	v12 =	vimm.s32 $0xB;
	v13 =	vimm.s32 $0xC;
	s16 =	simm.s32 $0x2;
	s9 =	sadd.s32 $0x2000, s12;
	s10 =	sadd.s32 $0x4000, s12  }
0xf: {  	v14 =	vimm.s32 $0xD;
	v15 =	vimm.s32 $0xE;
	v16 =	vimm.s32 $0xF;
	s11 =	sadd.s32 $0x6000, s12;
	s12 =	sadd.s32 $0x8000, s12;
	s20 =	sadd.s32 s21, s20  }
.LBB2_1:
0x10: {  	s22 =	simm.s32 $0x100;
	s21 =	simm.s32 $0x0  }
.LBB2_2:
0x11: {  	p0 =	sne.s32 s22, $0x7F00;
	[tilespmem:s21+$0x1B0] =	vst v0;
	s23 =	smov.u32 s22;
	s22 =	sadd.s32 $0x100, s22  }
.Ltmp0:
0x12: {  	[tilespmem:s21+$0x1A0] =	vst v0;
	(pc) =	sbr.rel @p0 .LBB2_2-.Ltmp0, $3  }
0x13: {  	[tilespmem:s21+$0x180] =	vst v0  }
0x14: {  	[tilespmem:s21+$0x190] =	vst v0;
	_ =	sdelay $0x1  }
0x15: {  	s21 =	sshra.s32 s23, $0x2  }
0x16: {  	[tilespmem:s21+$0x1B0] =	vst v0  }
0x17: {  	[tilespmem:s21+$0x1A0] =	vst v0  }
0x18: {  	[tilespmem:s21+$0x180] =	vst v0  }
0x19: {  	[tilespmem:s21+$0x190] =	vst v0  }
0x1a: {  	[spmem:s8] =	stream.linear.scatter [tilespmem:s15], [sflag:$0x2], $0x2000, $0x38;
	[tilespmem:$0xC180] =	vst v63  }
0x1b: {  	_ =	swait.ge [sflag:s16], $0x2000  }
0x1c: {  	[sflag:s16] =	ssyncset.done $0x0  }
0x1d: {  	[sflag:s16] =	ssyncadd.s32 $0xFFFFE000  }
0x1e: {  	[spmem:s9] =	stream.linear.scatter [tilespmem:s15], [sflag:$0x2], $0x2000, $0x38;
	[tilespmem:$0xC180] =	vst v63  }
0x1f: {  	_ =	swait.ge [sflag:s16], $0x2000  }
0x20: {  	[sflag:s16] =	ssyncset.done $0x0  }
0x21: {  	[sflag:s16] =	ssyncadd.s32 $0xFFFFE000  }
0x22: {  	[spmem:s10] =	stream.linear.scatter [tilespmem:s15], [sflag:$0x2], $0x2000, $0x38;
	[tilespmem:$0xC180] =	vst v63  }
0x23: {  	_ =	swait.ge [sflag:s16], $0x2000  }
0x24: {  	[sflag:s16] =	ssyncset.done $0x0  }
0x25: {  	[sflag:s16] =	ssyncadd.s32 $0xFFFFE000  }
0x26: {  	[spmem:s11] =	stream.linear.scatter [tilespmem:s15], [sflag:$0x2], $0x2000, $0x38;
	[tilespmem:$0xC180] =	vst v63  }
0x27: {  	_ =	swait.ge [sflag:s16], $0x2000  }
0x28: {  	[sflag:s16] =	ssyncset.done $0x0  }
0x29: {  	[sflag:s16] =	ssyncadd.s32 $0xFFFFE000  }
0x2a: {  	[spmem:s12] =	stream.linear.scatter [tilespmem:s15], [sflag:$0x2], $0x2000, $0x38;
	[tilespmem:$0xC180] =	vst v63  }
0x2b: {  	_ =	swait.ge [sflag:s16], $0x2000  }
0x2c: {  	[sflag:s16] =	ssyncset.done $0x0  }
0x2d: {  	[sflag:s16] =	ssyncadd.s32 $0xFFFFE000  }
0x2e: {  	s21 =	simm.s32 $0x0;
	s22 =	simm.s32 $0x0;
	[bflag:$0x0] =	sbarrier.arrive $0xFFFF  }
.LBB2_4:
0x2f: {  	s23 =	sshll.u32 s22, $0x7  }
0x30: {  	s23 =	sadd.s32 s13, s23  }
0x31: {  	s23 =	sshrl.u32 s23, $0x3  }
0x32: {  	s24 =	sadd.s32 s1, s23  }
0x33: {  	[tilespmem:s21], [sflag:$0x2] =	stream.linear.gather [hbm4b:s24+s21], $0x80, $0x38;
	[tilespmem:$0xC180] =	vst v63  }
0x34: {  	_ =	swait.ge [sflag:s16], $0x80  }
0x35: {  	[sflag:s16] =	ssyncset.done $0x0  }
0x36: {  	s31 =	sadd.s32 s6, s23;
	[sflag:s16] =	ssyncadd.s32 $0xFFFFFF80  }
0x37: {  	[tilespmem:s17], [sflag:$0x2] =	stream.linear.gather [hbm4b:s31+s21], $0x80, $0x38;
	[tilespmem:$0xC180] =	vst v63  }
0x38: {  	_ =	swait.ge [sflag:s16], $0x80  }
0x39: {  	[sflag:s16] =	ssyncset.done $0x0  }
0x3a: {  	s23 =	sadd.s32 s7, s23;
	[sflag:s16] =	ssyncadd.s32 $0xFFFFFF80  }
0x3b: {  	[tilespmem:s18], [sflag:$0x2] =	stream.linear.gather [hbm4b:s23+s21], $0x80, $0x38;
	[tilespmem:$0xC180] =	vst v63  }
0x3c: {  	_ =	swait.ge [sflag:s16], $0x80  }
0x3d: {  	[sflag:s16] =	ssyncset.done $0x0  }
0x3e: {  	[sflag:s16] =	ssyncadd.s32 $0xFFFFFF80  }
0x3f: {  	[tilespmem:s15], [sflag:$0x1] =	stream.indirect.gather [hbm4b:s5+s17], $0x40, s21, s17, $0xb8;
	[tilespmem:$0xC180] =	vst v63  }
0x40: {  	_ =	swait.ge [sflag:s19], $0x2000  }
0x41: {  	[sflag:s19] =	ssyncset.done $0x0  }
0x42: {  	s24 =	simm.s32 $0x0;
	s23 =	simm.s32 $0x380;
	[sflag:s19] =	ssyncadd.s32 $0xFFFFE000  }
.LBB2_5:
0x43: {  	s25 =	sshra.s32 s24, $0x2  }
0x44: {  	v17 =	vld [tilespmem:s25+$0x100];
	_ =	sdelay $0x1  }
0x45: {  	v18 =	vld [tilespmem:s23+$0xFFFFFE00];
	_ =	sdelay $0x2  }
0x46: {  	v19 =	vperm.xlane v17, v1;
	_ =	sdelay $0x1  }
0x47: {  	v18 =	vmul.f32 v18, v19;
	_ =	sdelay $0x1  }
0x48: {  	[tilespmem:s23+$0xFFFFFE00] =	vst v18;
	v18 =	vld [tilespmem:s23+$0xFFFFFE10];
	_ =	sdelay $0x4  }
0x49: {  	v18 =	vmul.f32 v18, v19;
	_ =	sdelay $0x1  }
0x4a: {  	[tilespmem:s23+$0xFFFFFE10] =	vst v18;
	v18 =	vld [tilespmem:s23+$0xFFFFFE20];
	_ =	sdelay $0x4  }
0x4b: {  	v18 =	vmul.f32 v18, v19;
	_ =	sdelay $0x1  }
0x4c: {  	[tilespmem:s23+$0xFFFFFE20] =	vst v18;
	v18 =	vld [tilespmem:s23+$0xFFFFFE30];
	_ =	sdelay $0x4  }
0x4d: {  	v18 =	vmul.f32 v18, v19;
	_ =	sdelay $0x1  }
0x4e: {  	[tilespmem:s23+$0xFFFFFE30] =	vst v18;
	v18 =	vld [tilespmem:s23+$0xFFFFFE40];
	_ =	sdelay $0x2  }
0x4f: {  	v19 =	vperm.xlane v17, v2;
	_ =	sdelay $0x1  }
0x50: {  	v18 =	vmul.f32 v18, v19;
	_ =	sdelay $0x1  }
0x51: {  	[tilespmem:s23+$0xFFFFFE40] =	vst v18;
	v18 =	vld [tilespmem:s23+$0xFFFFFE50];
	_ =	sdelay $0x4  }
0x52: {  	v18 =	vmul.f32 v18, v19;
	_ =	sdelay $0x1  }
0x53: {  	[tilespmem:s23+$0xFFFFFE50] =	vst v18;
	v18 =	vld [tilespmem:s23+$0xFFFFFE60];
	_ =	sdelay $0x4  }
0x54: {  	v18 =	vmul.f32 v18, v19;
	_ =	sdelay $0x1  }
0x55: {  	[tilespmem:s23+$0xFFFFFE60] =	vst v18;
	v18 =	vld [tilespmem:s23+$0xFFFFFE70];
	_ =	sdelay $0x4  }
0x56: {  	v18 =	vmul.f32 v18, v19;
	_ =	sdelay $0x1  }
0x57: {  	[tilespmem:s23+$0xFFFFFE70] =	vst v18;
	v18 =	vld [tilespmem:s23+$0xFFFFFE80];
	_ =	sdelay $0x2  }
0x58: {  	v19 =	vperm.xlane v17, v3;
	_ =	sdelay $0x1  }
0x59: {  	v18 =	vmul.f32 v18, v19;
	_ =	sdelay $0x1  }
0x5a: {  	[tilespmem:s23+$0xFFFFFE80] =	vst v18;
	v18 =	vld [tilespmem:s23+$0xFFFFFE90];
	_ =	sdelay $0x4  }
0x5b: {  	v18 =	vmul.f32 v18, v19;
	_ =	sdelay $0x1  }
0x5c: {  	[tilespmem:s23+$0xFFFFFE90] =	vst v18;
	v18 =	vld [tilespmem:s23+$0xFFFFFEA0];
	_ =	sdelay $0x4  }
0x5d: {  	v18 =	vmul.f32 v18, v19;
	_ =	sdelay $0x1  }
0x5e: {  	[tilespmem:s23+$0xFFFFFEA0] =	vst v18;
	v18 =	vld [tilespmem:s23+$0xFFFFFEB0];
	_ =	sdelay $0x4  }
0x5f: {  	v18 =	vmul.f32 v18, v19;
	_ =	sdelay $0x1  }
0x60: {  	[tilespmem:s23+$0xFFFFFEB0] =	vst v18;
	v18 =	vld [tilespmem:s23+$0xFFFFFEC0];
	_ =	sdelay $0x2  }
0x61: {  	v19 =	vperm.xlane v17, v4;
	_ =	sdelay $0x1  }
0x62: {  	v18 =	vmul.f32 v18, v19;
	_ =	sdelay $0x1  }
0x63: {  	[tilespmem:s23+$0xFFFFFEC0] =	vst v18;
	v18 =	vld [tilespmem:s23+$0xFFFFFED0];
	_ =	sdelay $0x4  }
0x64: {  	v18 =	vmul.f32 v18, v19;
	_ =	sdelay $0x1  }
0x65: {  	[tilespmem:s23+$0xFFFFFED0] =	vst v18;
	v18 =	vld [tilespmem:s23+$0xFFFFFEE0];
	_ =	sdelay $0x4  }
0x66: {  	v18 =	vmul.f32 v18, v19;
	_ =	sdelay $0x1  }
0x67: {  	[tilespmem:s23+$0xFFFFFEE0] =	vst v18;
	v18 =	vld [tilespmem:s23+$0xFFFFFEF0];
	_ =	sdelay $0x4  }
0x68: {  	v18 =	vmul.f32 v18, v19;
	_ =	sdelay $0x1  }
0x69: {  	[tilespmem:s23+$0xFFFFFEF0] =	vst v18;
	v18 =	vld [tilespmem:s23+$0xFFFFFF00];
	_ =	sdelay $0x2  }
0x6a: {  	v19 =	vperm.xlane v17, v5;
	_ =	sdelay $0x1  }
0x6b: {  	v18 =	vmul.f32 v18, v19;
	_ =	sdelay $0x1  }
0x6c: {  	[tilespmem:s23+$0xFFFFFF00] =	vst v18;
	v18 =	vld [tilespmem:s23+$0xFFFFFF10];
	_ =	sdelay $0x4  }
0x6d: {  	v18 =	vmul.f32 v18, v19;
	_ =	sdelay $0x1  }
0x6e: {  	[tilespmem:s23+$0xFFFFFF10] =	vst v18;
	v18 =	vld [tilespmem:s23+$0xFFFFFF20];
	_ =	sdelay $0x4  }
0x6f: {  	v18 =	vmul.f32 v18, v19;
	_ =	sdelay $0x1  }
0x70: {  	[tilespmem:s23+$0xFFFFFF20] =	vst v18;
	v18 =	vld [tilespmem:s23+$0xFFFFFF30];
	_ =	sdelay $0x4  }
0x71: {  	v18 =	vmul.f32 v18, v19;
	_ =	sdelay $0x1  }
0x72: {  	[tilespmem:s23+$0xFFFFFF30] =	vst v18;
	v18 =	vld [tilespmem:s23+$0xFFFFFF40];
	_ =	sdelay $0x2  }
0x73: {  	v19 =	vperm.xlane v17, v6;
	_ =	sdelay $0x1  }
0x74: {  	v18 =	vmul.f32 v18, v19;
	_ =	sdelay $0x1  }
0x75: {  	[tilespmem:s23+$0xFFFFFF40] =	vst v18;
	v18 =	vld [tilespmem:s23+$0xFFFFFF50];
	_ =	sdelay $0x4  }
0x76: {  	v18 =	vmul.f32 v18, v19;
	_ =	sdelay $0x1  }
0x77: {  	[tilespmem:s23+$0xFFFFFF50] =	vst v18;
	v18 =	vld [tilespmem:s23+$0xFFFFFF60];
	_ =	sdelay $0x4  }
0x78: {  	v18 =	vmul.f32 v18, v19;
	_ =	sdelay $0x1  }
0x79: {  	[tilespmem:s23+$0xFFFFFF60] =	vst v18;
	v18 =	vld [tilespmem:s23+$0xFFFFFF70];
	_ =	sdelay $0x4  }
0x7a: {  	v18 =	vmul.f32 v18, v19;
	_ =	sdelay $0x1  }
0x7b: {  	[tilespmem:s23+$0xFFFFFF70] =	vst v18;
	v18 =	vld [tilespmem:s23+$0xFFFFFF80];
	_ =	sdelay $0x2  }
0x7c: {  	v19 =	vperm.xlane v17, v7;
	_ =	sdelay $0x1  }
0x7d: {  	v18 =	vmul.f32 v18, v19;
	_ =	sdelay $0x1  }
0x7e: {  	[tilespmem:s23+$0xFFFFFF80] =	vst v18;
	v18 =	vld [tilespmem:s23+$0xFFFFFF90];
	_ =	sdelay $0x4  }
0x7f: {  	v18 =	vmul.f32 v18, v19;
	_ =	sdelay $0x1  }
0x80: {  	[tilespmem:s23+$0xFFFFFF90] =	vst v18;
	v18 =	vld [tilespmem:s23+$0xFFFFFFA0];
	_ =	sdelay $0x4  }
0x81: {  	v18 =	vmul.f32 v18, v19;
	_ =	sdelay $0x1  }
0x82: {  	[tilespmem:s23+$0xFFFFFFA0] =	vst v18;
	v18 =	vld [tilespmem:s23+$0xFFFFFFB0];
	_ =	sdelay $0x4  }
0x83: {  	v18 =	vmul.f32 v18, v19;
	_ =	sdelay $0x1  }
0x84: {  	[tilespmem:s23+$0xFFFFFFB0] =	vst v18;
	v18 =	vld [tilespmem:s23+$0xFFFFFFC0];
	_ =	sdelay $0x2  }
0x85: {  	v19 =	vperm.xlane v17, v8;
	_ =	sdelay $0x1  }
0x86: {  	v18 =	vmul.f32 v18, v19;
	_ =	sdelay $0x1  }
0x87: {  	[tilespmem:s23+$0xFFFFFFC0] =	vst v18;
	v18 =	vld [tilespmem:s23+$0xFFFFFFD0];
	_ =	sdelay $0x4  }
0x88: {  	v18 =	vmul.f32 v18, v19;
	_ =	sdelay $0x1  }
0x89: {  	[tilespmem:s23+$0xFFFFFFD0] =	vst v18;
	v18 =	vld [tilespmem:s23+$0xFFFFFFE0];
	_ =	sdelay $0x4  }
0x8a: {  	v18 =	vmul.f32 v18, v19;
	_ =	sdelay $0x1  }
0x8b: {  	[tilespmem:s23+$0xFFFFFFE0] =	vst v18;
	v18 =	vld [tilespmem:s23+$0xFFFFFFF0];
	_ =	sdelay $0x4  }
0x8c: {  	v18 =	vmul.f32 v18, v19;
	_ =	sdelay $0x1  }
0x8d: {  	[tilespmem:s23+$0xFFFFFFF0] =	vst v18;
	v18 =	vld [tilespmem:s23+$0x0];
	_ =	sdelay $0x2  }
0x8e: {  	v19 =	vperm.xlane v17, v9;
	_ =	sdelay $0x1  }
0x8f: {  	v18 =	vmul.f32 v18, v19;
	_ =	sdelay $0x1  }
0x90: {  	[tilespmem:s23+$0x0] =	vst v18;
	v18 =	vld [tilespmem:s23+$0x10];
	_ =	sdelay $0x4  }
0x91: {  	v18 =	vmul.f32 v18, v19;
	_ =	sdelay $0x1  }
0x92: {  	[tilespmem:s23+$0x10] =	vst v18;
	v18 =	vld [tilespmem:s23+$0x20];
	_ =	sdelay $0x4  }
0x93: {  	v18 =	vmul.f32 v18, v19;
	_ =	sdelay $0x1  }
0x94: {  	[tilespmem:s23+$0x20] =	vst v18;
	v18 =	vld [tilespmem:s23+$0x30];
	_ =	sdelay $0x4  }
0x95: {  	v18 =	vmul.f32 v18, v19;
	_ =	sdelay $0x1  }
0x96: {  	[tilespmem:s23+$0x30] =	vst v18;
	v18 =	vld [tilespmem:s23+$0x40];
	_ =	sdelay $0x2  }
0x97: {  	v19 =	vperm.xlane v17, v10;
	_ =	sdelay $0x1  }
0x98: {  	v18 =	vmul.f32 v18, v19;
	_ =	sdelay $0x1  }
0x99: {  	[tilespmem:s23+$0x40] =	vst v18;
	v18 =	vld [tilespmem:s23+$0x50];
	_ =	sdelay $0x4  }
0x9a: {  	v18 =	vmul.f32 v18, v19;
	_ =	sdelay $0x1  }
0x9b: {  	[tilespmem:s23+$0x50] =	vst v18;
	v18 =	vld [tilespmem:s23+$0x60];
	_ =	sdelay $0x4  }
0x9c: {  	v18 =	vmul.f32 v18, v19;
	_ =	sdelay $0x1  }
0x9d: {  	[tilespmem:s23+$0x60] =	vst v18;
	v18 =	vld [tilespmem:s23+$0x70];
	_ =	sdelay $0x4  }
0x9e: {  	v18 =	vmul.f32 v18, v19;
	_ =	sdelay $0x1  }
0x9f: {  	[tilespmem:s23+$0x70] =	vst v18;
	v18 =	vld [tilespmem:s23+$0x80];
	_ =	sdelay $0x2  }
0xa0: {  	v19 =	vperm.xlane v17, v11;
	_ =	sdelay $0x1  }
0xa1: {  	v18 =	vmul.f32 v18, v19;
	_ =	sdelay $0x1  }
0xa2: {  	[tilespmem:s23+$0x80] =	vst v18;
	v18 =	vld [tilespmem:s23+$0x90];
	_ =	sdelay $0x4  }
0xa3: {  	v18 =	vmul.f32 v18, v19;
	_ =	sdelay $0x1  }
0xa4: {  	[tilespmem:s23+$0x90] =	vst v18;
	v18 =	vld [tilespmem:s23+$0xA0];
	_ =	sdelay $0x4  }
0xa5: {  	v18 =	vmul.f32 v18, v19;
	_ =	sdelay $0x1  }
0xa6: {  	[tilespmem:s23+$0xA0] =	vst v18;
	v18 =	vld [tilespmem:s23+$0xB0];
	_ =	sdelay $0x4  }
0xa7: {  	v18 =	vmul.f32 v18, v19;
	_ =	sdelay $0x1  }
0xa8: {  	[tilespmem:s23+$0xB0] =	vst v18;
	v18 =	vld [tilespmem:s23+$0xC0];
	_ =	sdelay $0x2  }
0xa9: {  	v19 =	vperm.xlane v17, v12;
	_ =	sdelay $0x1  }
0xaa: {  	v18 =	vmul.f32 v18, v19;
	_ =	sdelay $0x1  }
0xab: {  	[tilespmem:s23+$0xC0] =	vst v18;
	v18 =	vld [tilespmem:s23+$0xD0];
	_ =	sdelay $0x4  }
0xac: {  	v18 =	vmul.f32 v18, v19;
	_ =	sdelay $0x1  }
0xad: {  	[tilespmem:s23+$0xD0] =	vst v18;
	v18 =	vld [tilespmem:s23+$0xE0];
	_ =	sdelay $0x4  }
0xae: {  	v18 =	vmul.f32 v18, v19;
	_ =	sdelay $0x1  }
0xaf: {  	[tilespmem:s23+$0xE0] =	vst v18;
	v18 =	vld [tilespmem:s23+$0xF0];
	_ =	sdelay $0x4  }
0xb0: {  	v18 =	vmul.f32 v18, v19;
	_ =	sdelay $0x1  }
0xb1: {  	[tilespmem:s23+$0xF0] =	vst v18;
	v18 =	vld [tilespmem:s23+$0x100];
	_ =	sdelay $0x2  }
0xb2: {  	v19 =	vperm.xlane v17, v13;
	_ =	sdelay $0x1  }
0xb3: {  	v18 =	vmul.f32 v18, v19;
	_ =	sdelay $0x1  }
0xb4: {  	[tilespmem:s23+$0x100] =	vst v18;
	v18 =	vld [tilespmem:s23+$0x110];
	_ =	sdelay $0x4  }
0xb5: {  	v18 =	vmul.f32 v18, v19;
	_ =	sdelay $0x1  }
0xb6: {  	[tilespmem:s23+$0x110] =	vst v18;
	v18 =	vld [tilespmem:s23+$0x120];
	_ =	sdelay $0x4  }
0xb7: {  	v18 =	vmul.f32 v18, v19;
	_ =	sdelay $0x1  }
0xb8: {  	[tilespmem:s23+$0x120] =	vst v18;
	v18 =	vld [tilespmem:s23+$0x130];
	_ =	sdelay $0x4  }
0xb9: {  	v18 =	vmul.f32 v18, v19;
	_ =	sdelay $0x1  }
0xba: {  	[tilespmem:s23+$0x130] =	vst v18;
	v18 =	vld [tilespmem:s23+$0x140];
	_ =	sdelay $0x2  }
0xbb: {  	v19 =	vperm.xlane v17, v14;
	_ =	sdelay $0x1  }
0xbc: {  	v18 =	vmul.f32 v18, v19;
	_ =	sdelay $0x1  }
0xbd: {  	[tilespmem:s23+$0x140] =	vst v18;
	v18 =	vld [tilespmem:s23+$0x150];
	_ =	sdelay $0x4  }
0xbe: {  	v18 =	vmul.f32 v18, v19;
	_ =	sdelay $0x1  }
0xbf: {  	[tilespmem:s23+$0x150] =	vst v18;
	v18 =	vld [tilespmem:s23+$0x160];
	_ =	sdelay $0x4  }
0xc0: {  	v18 =	vmul.f32 v18, v19;
	_ =	sdelay $0x1  }
0xc1: {  	[tilespmem:s23+$0x160] =	vst v18;
	v18 =	vld [tilespmem:s23+$0x170];
	_ =	sdelay $0x4  }
0xc2: {  	v18 =	vmul.f32 v18, v19;
	_ =	sdelay $0x1  }
0xc3: {  	[tilespmem:s23+$0x170] =	vst v18;
	v18 =	vld [tilespmem:s23+$0x180];
	_ =	sdelay $0x2  }
0xc4: {  	v19 =	vperm.xlane v17, v15;
	_ =	sdelay $0x1  }
0xc5: {  	v18 =	vmul.f32 v18, v19;
	_ =	sdelay $0x1  }
0xc6: {  	[tilespmem:s23+$0x180] =	vst v18;
	v18 =	vld [tilespmem:s23+$0x190];
	_ =	sdelay $0x4  }
0xc7: {  	v18 =	vmul.f32 v18, v19;
	_ =	sdelay $0x1  }
0xc8: {  	[tilespmem:s23+$0x190] =	vst v18;
	v18 =	vld [tilespmem:s23+$0x1A0];
	_ =	sdelay $0x4  }
0xc9: {  	v18 =	vmul.f32 v18, v19;
	_ =	sdelay $0x1  }
0xca: {  	[tilespmem:s23+$0x1A0] =	vst v18;
	v18 =	vld [tilespmem:s23+$0x1B0];
	_ =	sdelay $0x4  }
0xcb: {  	v18 =	vmul.f32 v18, v19;
	_ =	sdelay $0x1  }
0xcc: {  	[tilespmem:s23+$0x1B0] =	vst v18;
	v18 =	vld [tilespmem:s23+$0x1C0];
	_ =	sdelay $0x2  }
0xcd: {  	v17 =	vperm.xlane v17, v16;
	_ =	sdelay $0x1  }
0xce: {  	v18 =	vmul.f32 v18, v17;
	_ =	sdelay $0x1  }
0xcf: {  	[tilespmem:s23+$0x1C0] =	vst v18;
	v18 =	vld [tilespmem:s23+$0x1D0];
	_ =	sdelay $0x4  }
0xd0: {  	v18 =	vmul.f32 v18, v17;
	_ =	sdelay $0x1  }
0xd1: {  	[tilespmem:s23+$0x1D0] =	vst v18;
	v18 =	vld [tilespmem:s23+$0x1E0];
	_ =	sdelay $0x4  }
0xd2: {  	v18 =	vmul.f32 v18, v17;
	_ =	sdelay $0x1  }
0xd3: {  	[tilespmem:s23+$0x1E0] =	vst v18;
	v18 =	vld [tilespmem:s23+$0x1F0];
	_ =	sdelay $0x1  }
0xd4: {  	p0 =	sne.s32 s24, $0x1C0  }
.Ltmp1:
0xd5: {  	_ = 	snop;
	(pc) =	sbr.rel @p0 .LBB2_5-.Ltmp1, $3  }
0xd6: {  	_ = 	snop  }
0xd7: {  	v17 =	vmul.f32 v18, v17;
	_ =	sdelay $0x1  }
0xd8: {  	s24 =	sadd.s32 $0x40, s24;
	[tilespmem:s23+$0x1F0] =	vst v17;
	s23 =	sadd.s32 $0x400, s23  }
0xd9: {  	s22 =	sadd.s32 $0x1, s22  }
0xda: {  	p0 =	sne.s32 s22, $0x4F  }
.Ltmp2:
0xdb: {  	_ = 	snop;
	(pc) =	sbr.rel @p0 .LBB2_4-.Ltmp2, $4  }
0xdc: {  	[spmem:s2] =	stream.indirect.scatter.add.f32 [tilespmem:s15], [sflag:$0x2], $0x40, s17, s17, $0xb8;
	[tilespmem:$0xC180] =	vst v63  }
0xdd: {  	_ =	swait.ge [sflag:s16], $0x2000  }
0xde: {  	[sflag:s16] =	ssyncset.done $0x0  }
0xdf: {  	[sflag:s16] =	ssyncadd.s32 $0xFFFFE000  }
0xe0: {  	s3 =	sadd.s32 $0x1, s3  }
0xe1: {  	s21 =	sshll.u32 s4, $0x6;
	[bflag:$0x0] =	sbarrier.arrive $0xFFFF;
	p0 =	sne.s32 s3, s14  }
.Ltmp3:
0xe2: {  	s22 =	sshrl.u32 s8, $0x3;
	s21 =	sor.u32 $0x1C02, s21;
	(pc) =	sbr.rel @p0 .LBB2_1-.Ltmp3, $4  }
0xe3: {  	[hbm:s20], [sflag:s21] =	dma.local [spmem:s22], $0x1400  }
0xe4: {  	_ =	swait.ge [sflag:s16], $0x1400  }
0xe5: {  	[sflag:s16] =	ssyncset.done $0x0  }
0xe6: {  	[sflag:s16] =	ssyncadd.s32 $0xFFFFEC00  }
0xe7: {  	_ =	sfence.sel $0x180000  }
0xe8: {  	[bflag:$0x0] =	sbarrier.arrive $0xFFFF  }
0xe9: {  	p0 =	sne.s32 s4, $0x0;
	_ =	strace $0x9000004A  }
0xea: {  	s0 =	sadd.s32 @!p0 $0x100000, s0;
	[bflag:$0x2] =	sbarrier.arrive $0xFFFF  }
0xeb: {  	[sflag:s0] =	ssyncadd.tile.s32 @!p0 $0x1;
	_ =	shalt  }
.Lfunc_end2:
_tile_overlayer_lowered:
.L_overlay_start_2:
0xec: {  	(tag) =	ssettag $0x2  }
0xed: {  	s0 =	rddreg [dreg:$0x0];
	s2 =	stileid.u32  }
0xee: {  	s1 =	rddreg [dreg:$0x1];
	p0 =	sne.s32 s2, $0x0  }
0xef: {  	s3 =	rddreg [dreg:$0x2];
	[bflag:$0x3] =	sbarrier.arrive $0xFFFF;
	s2 =	simm.s32 @!p0 $0x1C02  }
0xf0: {  	[timem:s3], [sflag:s2] =	dma.local @!p0 [hbm:s0], s1  }
0xf1: {  	s0 =	simm.s32 @!p0 $0x2  }
0xf2: {  	_ =	swait.ge @!p0 [sflag:s0], s1  }
0xf3: {  	s1 =	ssub.s32 @!p0 $0x0, s1;
	[sflag:s0] =	ssyncset.done @!p0 $0x0  }
0xf4: {  	[sflag:s0] =	ssyncadd.s32 @!p0 s1  }
0xf5: {  	[bflag:$0x3] =	sbarrier.arrive $0xFFFF  }
0xf6: {  	_ =	shalt  }

// kernel: kernel.7.cloned.1.call-start
scs
__scs_entry_jumppad:
0x0: {  	(pc) =	sbr.rel $0x88, $3  }
0x1: {  	(tag) =	ssettag $0x0;
	lr =	simm.s32 $0x1  }
0x2: {  	[smem:$0x3F9A] =	sst lr;
	_ =	strace $0xD0000000  }
0x3: {  	_ = 	snop  }
0x4: {  	_ = 	snop  }
0x5: {  	_ = 	snop  }
0x6: {  	_ = 	snop  }
0x7: {  	_ = 	snop  }
__scs_overlays_trampoline_lowered:
0x8: {  	[smem:$0x3FA9] =	sst s0  }
0x9: {  	[smem:$0x3FAA] =	sst s1  }
0xa: {  	[smem:$0x3FAB] =	sst s2  }
0xb: {  	[smem:$0x3FAC] =	sst s3  }
0xc: {  	[smem:$0x3FAD] =	sst s4  }
0xd: {  	[smem:$0x3FAE] =	sst s5  }
0xe: {  	[smem:$0x3FAF] =	sst s6  }
0xf: {  	[smem:$0x3FB0] =	sst s7  }
0x10: {  	[smem:$0x3FB1] =	sst s8  }
0x11: {  	[smem:$0x3FB2] =	sst s9;
	s0 =	simm.s32 @!p0 $0x0  }
0x12: {  	s1 =	sld [smem:$0x3F98];
	s0 =	simm.s32 @p0 $0x1  }
0x13: {  	[smem:$0x3FB3] =	sst s0;
	s0 =	simm.s32 @!p1 $0x0  }
0x14: {  	s2 =	sld [smem:$0x3F97];
	s0 =	simm.s32 @p1 $0x1  }
0x15: {  	[smem:$0x3FB4] =	sst s0;
	s0 =	simm.s32 @!p2 $0x0  }
0x16: {  	s3 =	sld [smem:$0x3FDB];
	s0 =	simm.s32 @p2 $0x1  }
0x17: {  	s4 =	simm.s32 $0x1BF5;
	[smem:$0x3FB6] =	sst s0  }
0x18: {  	s0 =	sld [smem:$0x3F99];
	_ =	swait.ge [sflag:s4], $0x0  }
0x19: {  	s7 =	sld [smem:$0x3F9A]  }
0x1a: {  	s8 =	sadd.s32 $0xFFFFE003, lr  }
0x1b: {  	s9 =	sadd.s32 $0xFFFFFEF7, lr;
	s5 =	simm.s32 $0xFFFFFFFF;
	p2 =	slt.u32 s8, $0xFFFFF086  }
0x1c: {  	p1 =	slt.u32 s9, $0xF7A;
	s5 =	simm.s32 @!p2 $0x0  }
0x1d: {  	s5 =	simm.s32 @p1 $0x1;
	p0 =	seq.s32 s7, s2  }
0x1e: {  	s7 =	smul.u32 @!p0 $0xF7A, s2;
	p2 =	seq.s32 @!p0 s5, $0x0  }
0x1f: {  	s9 =	smul.u32 $0xF7A, s1;
	s8 =	simm.s32 @!p0 $0x1BF5;
	p2 =	por !p2, p0  }
0x20: {  	[sflag:s8] =	ssyncset.s32 @!p0 $0xFFFFF086;
	s6 =	sadd.s32 @!p0 s3, s7;
	s7 =	simm.s32 @!p0 $0x108  }
0x21: {  	s3 =	sadd.s32 s3, s9;
	s6 =	sadd.s32 @!p0 $0x88, s6;
	s7 =	simm.s32 @p2 $0x1082  }
0x22: {  	[simem:s7], [sflag:s8] =	dma.local @!p0 [hbm:s6], $0xF7A  }
0x23: {  	s9 =	sor.u32 $0xD0000000, s2;
	s6 =	simm.s32 $0x108;
	_ =	swait.ge @!p0 [sflag:s8], $0x0  }
0x24: {  	s3 =	sadd.s32 $0x88, s3;
	s6 =	simm.s32 @!p1 $0x1082;
	[sflag:s4] =	ssyncset.s32 $0xFFFFF086  }
0x25: {  	[simem:s6], [sflag:s4] =	dma.local [hbm:s3], $0xF7A  }
0x26: {  	[smem:$0x3F9A] =	sst s1;
	(tag) =	ssettag s2;
	_ =	strace s9  }
0x27: {  	s1 =	sld [smem:$0x3FAA]  }
0x28: {  	s2 =	sld [smem:$0x3FAB]  }
0x29: {  	s4 =	sld [smem:$0x3FAD]  }
0x2a: {  	p0 =	seq.s32 s5, $0x0;
	s5 =	sld [smem:$0x3FAE]  }
0x2b: {  	s6 =	sld [smem:$0x3FAF]  }
0x2c: {  	s7 =	sld [smem:$0x3FB0]  }
0x2d: {  	s3 =	simm.s32 $0x108;
	s8 =	sld [smem:$0x3FB1]  }
0x2e: {  	s3 =	simm.s32 @!p0 $0x1082;
	s9 =	sld [smem:$0x3FB2]  }
0x2f: {  	lr =	sadd.s32 s0, s3;
	s0 =	sld [smem:$0x3FA9]  }
0x30: {  	s3 =	sld [smem:$0x3FAC]  }
0x31: {  	[smem:$0x3FB5] =	sst s10  }
0x32: {  	s10 =	sld [smem:$0x3FB3];
	_ =	sdelay $0x3  }
0x33: {  	p0 =	seq.s32 s10, $0x1;
	s10 =	sld [smem:$0x3FB5];
	_ =	sdelay $0x3  }
0x34: {  	[smem:$0x3FB5] =	sst s10  }
0x35: {  	s10 =	sld [smem:$0x3FB4];
	_ =	sdelay $0x3  }
0x36: {  	p1 =	seq.s32 s10, $0x1;
	s10 =	sld [smem:$0x3FB5];
	_ =	sdelay $0x3  }
0x37: {  	[smem:$0x3FB5] =	sst s10  }
0x38: {  	s10 =	sld [smem:$0x3FB6]  }
0x39: {  	_ = 	snop;
	(pc) =	sbr.ind lr, $3  }
0x3a: {  	_ = 	snop  }
0x3b: {  	_ = 	snop  }
0x3c: {  	p2 =	seq.s32 s10, $0x1;
	s10 =	sld [smem:$0x3FB5]  }
0x3d: {  	_ =	shalt  }
0x3e: {  	_ =	shalt  }
0x3f: {  	_ =	shalt  }
0x40: {  	_ =	shalt  }
0x41: {  	_ =	shalt  }
0x42: {  	_ =	shalt  }
0x43: {  	_ =	shalt  }
0x44: {  	_ =	shalt  }
0x45: {  	_ =	shalt  }
0x46: {  	_ =	shalt  }
0x47: {  	_ =	shalt  }
0x48: {  	_ =	shalt  }
0x49: {  	_ =	shalt  }
0x4a: {  	_ =	shalt  }
0x4b: {  	_ =	shalt  }
0x4c: {  	_ =	shalt  }
0x4d: {  	_ =	shalt  }
0x4e: {  	_ =	shalt  }
0x4f: {  	_ =	shalt  }
0x50: {  	_ =	shalt  }
0x51: {  	_ =	shalt  }
0x52: {  	_ =	shalt  }
0x53: {  	_ =	shalt  }
0x54: {  	_ =	shalt  }
0x55: {  	_ =	shalt  }
0x56: {  	_ =	shalt  }
0x57: {  	_ =	shalt  }
0x58: {  	_ =	shalt  }
0x59: {  	_ =	shalt  }
0x5a: {  	_ =	shalt  }
0x5b: {  	_ =	shalt  }
0x5c: {  	_ =	shalt  }
0x5d: {  	_ =	shalt  }
0x5e: {  	_ =	shalt  }
0x5f: {  	_ =	shalt  }
0x60: {  	_ =	shalt  }
0x61: {  	_ =	shalt  }
0x62: {  	_ =	shalt  }
0x63: {  	_ =	shalt  }
0x64: {  	_ =	shalt  }
0x65: {  	_ =	shalt  }
0x66: {  	_ =	shalt  }
0x67: {  	_ =	shalt  }
0x68: {  	_ =	shalt  }
0x69: {  	_ =	shalt  }
0x6a: {  	_ =	shalt  }
0x6b: {  	_ =	shalt  }
0x6c: {  	_ =	shalt  }
0x6d: {  	_ =	shalt  }
0x6e: {  	_ =	shalt  }
0x6f: {  	_ =	shalt  }
0x70: {  	_ =	shalt  }
0x71: {  	_ =	shalt  }
0x72: {  	_ =	shalt  }
0x73: {  	_ =	shalt  }
0x74: {  	_ =	shalt  }
0x75: {  	_ =	shalt  }
0x76: {  	_ =	shalt  }
0x77: {  	_ =	shalt  }
0x78: {  	_ =	shalt  }
0x79: {  	_ =	shalt  }
0x7a: {  	_ =	shalt  }
0x7b: {  	_ =	shalt  }
0x7c: {  	_ =	shalt  }
0x7d: {  	_ =	shalt  }
0x7e: {  	_ =	shalt  }
0x7f: {  	_ =	shalt  }
0x80: {  	_ =	shalt  }
0x81: {  	_ =	shalt  }
0x82: {  	_ =	shalt  }
0x83: {  	_ =	shalt  }
0x84: {  	_ =	shalt  }
0x85: {  	_ =	shalt  }
0x86: {  	_ =	shalt  }
0x87: {  	_ =	shalt  }
.Lfunc_end0:
.L_simem_size_0:
called_computation_lowered:
.L_overlay_start_0:
0x88: {  	s2 =	sld [smem:$0x3FD9]  }
0x89: {  	s3 =	sld [smem:$0x3FFE];
	_ =	sdelay $0x1  }
0x8a: {  	s1 =	srdreg.scid  }
0x8b: {  	s0 =	sand.u32 $0x1, s1  }
0x8c: {  	s17 =	sshll.u32 s0, $0xA;
	s2 =	sadd.s32 s3, s2  }
0x8d: {  	s2 =	sadd.s32 s2, s17  }
0x8e: {  	[smem:$0x3FC1] =	sst s2  }
0x8f: {  	_ = 	snop  }
0x90: {  	s2 =	sld [smem:$0x3FD0];
	(tm) =	ssettm $0x1  }
0x91: {  	s18 =	sld [smem:$0x3FFB];
	_ =	sdelay $0x3  }
0x92: {  	_ =	strace s18  }
0x93: {  	s3 =	sld [smem:$0x3FFC];
	_ =	sdelay $0x3  }
0x94: {  	_ =	strace s3  }
0x95: {  	s3 =	sld [smem:$0x3FFD];
	_ =	sdelay $0x3  }
0x96: {  	_ =	strace s3  }
0x97: {  	_ =	strace $0x8FFFFFFF  }
0x98: {  	s19 =	sld [smem:$0x3FDB];
	_ =	sdelay $0x1  }
0x99: {  	s4 =	simm.s32 $_scs_section_size  }
0x9a: {  	s5 =	simm.s32 $_size__tile_overlayer_lowered;
	s6 =	simm.s32 $_tile_overlayer_lowered  }
0x9b: {  	s22 =	simm.s32 $0x1BFF;
	s21 =	sshll.u32 s6, $0x1;
	s3 =	sadd.s32 s4, s19  }
0x9c: {  	s7 =	simm.s32 $0x0;
	s20 =	sshll.u32 s5, $0x1;
	s5 =	sadd.s32 s21, s3  }
0x9d: {  	[timem:s7], [sflag:s22] =	dma.local [hbm:s5], s20  }
0x9e: {  	_ =	swait.ge [sflag:s22], s20  }
0x9f: {  	s4 =	ssub.s32 $0x0, s20;
	[sflag:s22] =	ssyncset.done $0x0  }
0xa0: {  	[sflag:s22] =	ssyncadd.s32 s4;
	_ =	sdelay $0x1  }
0xa1: {  	s23 =	simm.s32 $0x1B8B  }
0xa2: {  	_ =	swait.ge [sflag:s23], $0x1  }
0xa3: {  	[sflag:s23] =	ssyncset.done $0x0  }
0xa4: {  	s25 =	simm.s32 $0x1B8E;
	s24 =	sld [smem:$0x3FFE];
	[sflag:s23] =	ssyncadd.s32 $0xFFFFFFFF  }
0xa5: {  	s26 =	simm.s32 $execute0_lowered;
	[smem:$0x3FD2] =	sst s25  }
0xa6: {  	s5 =	sshll.u32 s26, $0x1;
	_ =	strace $0x80000046;
	[dreg:$0x1] =	wrdreg $0xFFFFFFFF  }
0xa7: {  	s28 =	simm.s32 $_size_execute0_lowered;
	s3 =	sadd.s32 s3, s5;
	[dreg:$0x0] =	wrdreg $0x0  }
0xa8: {  	s5 =	sshll.u32 s28, $0x1;
	[dreg:$0x2] =	wrdreg s3  }
0xa9: {  	[dreg:$0x3] =	wrdreg s5  }
0xaa: {  	[dreg:$0x4] =	wrdreg $0xC0  }
0xab: {  	_ =	task [dreg:s7], $0x5FFFF  }
0xac: {  	[dreg:$0x1] =	wrdreg $0xFFFFFFFF  }
0xad: {  	[dreg:$0x0] =	wrdreg $0x60  }
0xae: {  	[dreg:$0x2] =	wrdreg s24  }
0xaf: {  	[dreg:$0x3] =	wrdreg s2  }
0xb0: {  	[dreg:$0x4] =	wrdreg $0x41800  }
0xb1: {  	[dreg:$0x5] =	wrdreg $0x9  }
0xb2: {  	_ =	task.clear_ibuf [dreg:s7], $0x6FFFF;
	_ =	strace $0x90000046  }
0xb3: {  	s29 =	simm.s32 $0x9;
	_ =	strace $0x80000048  }
0xb4: {  	_ =	swait.ge [sflag:s29], $0x1  }
0xb5: {  	[sflag:s29] =	ssyncadd.s32 $0xFFFFFFFF  }
0xb6: {  	_ =	strace $0x90000048  }
0xb7: {  	_ =	sfence  }
0xb8: {  	s30 =	sld [smem:$0x0];
	_ =	sdelay $0x2  }
0xb9: {  	s31 =	sshll.u32 s1, $0xD;
	s1 =	sshrl.u32 s1, $0x2  }
0xba: {  	s3 =	sand.u32 $0x4000, s31;
	s1 =	sadd.s32 s1, s30  }
0xbb: {  	s0 =	sor.u32 s3, s0;
	s1 =	sshll.u32 s1, $0x11  }
0xbc: {  	s0 =	sor.u32 s1, s0  }
0xbd: {  	s0 =	sadd.s32 $0x8F2B, s0  }
0xbe: {  	[sflag:s0] =	ssyncadd.remote.s32 $0x1  }
0xbf: {  	_ =	sfence.sel $0xFFFF  }
0xc0: {  	[dreg:$0x0] =	wrdreg $0xFFFFFFFF;
	(pc) =	sbr.abs _section_cstart, $3  }
0xc1: {  	[dreg:$0x1] =	wrdreg $0xFFFFFFFF  }
0xc2: {  	_ =	task.clear_ibuf [dreg:s7], $0x2FFFF;
	_ =	strace $0x9FFFFFFF  }
0xc3: {  	(tm) =	ssettm $0x7FFFFFFF  }
tec
execute0_lowered:
.L_overlay_start_1:
0x0: {  	(tag) =	ssettag $0x1  }
0x1: {  	s8 =	rddreg [dreg:$0x0]  }
0x2: {  	s1 =	rddreg [dreg:$0x1]  }
0x3: {  	s2 =	rddreg [dreg:$0x2]  }
0x4: {  	s0 =	rddreg [dreg:$0x3];
	s3 =	simm.s32 $0x0;
	s4 =	srdreg.scid  }
0x5: {  	s17 =	simm.s32 $0x80;
	s18 =	simm.s32 $0x100;
	s19 =	simm.s32 $0x1  }
0x6: {  	[smem:$0x7FF] =	sst s3;
	s9 =	sand.u32 $0x1, s4;
	s5 =	sadd.s32 $0x15200, s8  }
0x7: {  	s4 =	stileid.u32;
	s6 =	sadd.s32 $0x1600, s8;
	s10 =	smul.u32 $0x28000, s9  }
0x8: {  	s7 =	sadd.s32 $0xB400, s8;
	_ =	strace $0x80000047;
	s12 =	smul.u32 $0x50000, s4  }
0x9: {  	s11 =	ssub.s32 $0x2, s9;
	s31 =	sshll.u32 s4, $0x1;
	s15 =	smul.u32 $0x14000, s4  }
0xa: {  	v0 =	vimm.f32 $0.0e+00;
	v1 =	vimm.s32 $0x0;
	s30 =	sshrl.u32 s11, $0x1;
	s13 =	sor.u32 s9, s31;
	s14 =	sadd.s32 s10, s8  }
0xb: {  	v2 =	vimm.s32 $0x1;
	v3 =	vimm.s32 $0x2;
	v4 =	vimm.s32 $0x3;
	s12 =	sshrl.u32 s12, $0x2;
	s16 =	ssub.s32 s11, s30;
	s8 =	sadd.s32 s15, s2  }
0xc: {  	v5 =	vimm.s32 $0x4;
	v6 =	vimm.s32 $0x5;
	v7 =	vimm.s32 $0x6;
	s13 =	smul.u32 $0x2780, s13;
	s21 =	sshrl.u32 s15, $0x3;
	s15 =	simm.s32 $0x180  }
0xd: {  	v8 =	vimm.s32 $0x7;
	v9 =	vimm.s32 $0x8;
	v10 =	vimm.s32 $0x9;
	s12 =	sadd.s32 s12, s2;
	s20 =	sadd.s32 $0x3C400, s14;
	s14 =	smax.u32 s16, $0x1  }
0xe: {  	v11 =	vimm.s32 $0xA;
	v12 =	vimm.s32 $0xB;
	v13 =	vimm.s32 $0xC;
	s16 =	simm.s32 $0x2;
	s9 =	sadd.s32 $0x4000, s12;
	s10 =	sadd.s32 $0x8000, s12  }
0xf: {  	v14 =	vimm.s32 $0xD;
	v15 =	vimm.s32 $0xE;
	v16 =	vimm.s32 $0xF;
	s11 =	sadd.s32 $0xC000, s12;
	s12 =	sadd.s32 $0x10000, s12;
	s20 =	sadd.s32 s21, s20  }
.LBB2_1:
0x10: {  	s21 =	simm.s32 $0x0;
	s22 =	simm.s32 $0x200  }
.LBB2_2:
0x11: {  	p0 =	sne.s32 s22, $0xFE00;
	[tilespmem:s21+$0x1F0] =	vst v0  }
0x12: {  	[tilespmem:s21+$0x180] =	vst v0  }
0x13: {  	[tilespmem:s21+$0x190] =	vst v0  }
.Ltmp0:
0x14: {  	[tilespmem:s21+$0x1A0] =	vst v0;
	(pc) =	sbr.rel @p0 .LBB2_2-.Ltmp0, $4  }
0x15: {  	[tilespmem:s21+$0x1B0] =	vst v0  }
0x16: {  	[tilespmem:s21+$0x1C0] =	vst v0  }
0x17: {  	[tilespmem:s21+$0x1D0] =	vst v0  }
0x18: {  	[tilespmem:s21+$0x1E0] =	vst v0;
	s21 =	sshra.s32 s22, $0x2;
	s22 =	sadd.s32 $0x200, s22  }
0x19: {  	[tilespmem:s21+$0x1F0] =	vst v0  }
0x1a: {  	[tilespmem:s21+$0x180] =	vst v0  }
0x1b: {  	[tilespmem:s21+$0x190] =	vst v0  }
0x1c: {  	[tilespmem:s21+$0x1A0] =	vst v0  }
0x1d: {  	[tilespmem:s21+$0x1B0] =	vst v0  }
0x1e: {  	[tilespmem:s21+$0x1C0] =	vst v0  }
0x1f: {  	[tilespmem:s21+$0x1D0] =	vst v0  }
0x20: {  	[tilespmem:s21+$0x1E0] =	vst v0  }
0x21: {  	[spmem:s8] =	stream.linear.scatter [tilespmem:s15], [sflag:$0x2], $0x4000, $0x38;
	[tilespmem:$0x18180] =	vst v63  }
0x22: {  	_ =	swait.ge [sflag:s16], $0x4000  }
0x23: {  	[sflag:s16] =	ssyncset.done $0x0  }
0x24: {  	[sflag:s16] =	ssyncadd.s32 $0xFFFFC000  }
0x25: {  	[spmem:s9] =	stream.linear.scatter [tilespmem:s15], [sflag:$0x2], $0x4000, $0x38;
	[tilespmem:$0x18180] =	vst v63  }
0x26: {  	_ =	swait.ge [sflag:s16], $0x4000  }
0x27: {  	[sflag:s16] =	ssyncset.done $0x0  }
0x28: {  	[sflag:s16] =	ssyncadd.s32 $0xFFFFC000  }
0x29: {  	[spmem:s10] =	stream.linear.scatter [tilespmem:s15], [sflag:$0x2], $0x4000, $0x38;
	[tilespmem:$0x18180] =	vst v63  }
0x2a: {  	_ =	swait.ge [sflag:s16], $0x4000  }
0x2b: {  	[sflag:s16] =	ssyncset.done $0x0  }
0x2c: {  	[sflag:s16] =	ssyncadd.s32 $0xFFFFC000  }
0x2d: {  	[spmem:s11] =	stream.linear.scatter [tilespmem:s15], [sflag:$0x2], $0x4000, $0x38;
	[tilespmem:$0x18180] =	vst v63  }
0x2e: {  	_ =	swait.ge [sflag:s16], $0x4000  }
0x2f: {  	[sflag:s16] =	ssyncset.done $0x0  }
0x30: {  	[sflag:s16] =	ssyncadd.s32 $0xFFFFC000  }
0x31: {  	[spmem:s12] =	stream.linear.scatter [tilespmem:s15], [sflag:$0x2], $0x4000, $0x38;
	[tilespmem:$0x18180] =	vst v63  }
0x32: {  	_ =	swait.ge [sflag:s16], $0x4000  }
0x33: {  	[sflag:s16] =	ssyncset.done $0x0  }
0x34: {  	[sflag:s16] =	ssyncadd.s32 $0xFFFFC000  }
0x35: {  	s21 =	simm.s32 $0x0;
	s22 =	simm.s32 $0x0;
	[bflag:$0x0] =	sbarrier.arrive $0xFFFF  }
.LBB2_4:
0x36: {  	s23 =	sshll.u32 s22, $0x7  }
0x37: {  	s23 =	sadd.s32 s13, s23  }
0x38: {  	s23 =	sshrl.u32 s23, $0x3  }
0x39: {  	s24 =	sadd.s32 s1, s23  }
0x3a: {  	[tilespmem:s21], [sflag:$0x2] =	stream.linear.gather [hbm4b:s24+s21], $0x80, $0x38;
	[tilespmem:$0x18180] =	vst v63  }
0x3b: {  	_ =	swait.ge [sflag:s16], $0x80  }
0x3c: {  	[sflag:s16] =	ssyncset.done $0x0  }
0x3d: {  	s31 =	sadd.s32 s6, s23;
	[sflag:s16] =	ssyncadd.s32 $0xFFFFFF80  }
0x3e: {  	[tilespmem:s17], [sflag:$0x2] =	stream.linear.gather [hbm4b:s31+s21], $0x80, $0x38;
	[tilespmem:$0x18180] =	vst v63  }
0x3f: {  	_ =	swait.ge [sflag:s16], $0x80  }
0x40: {  	[sflag:s16] =	ssyncset.done $0x0  }
0x41: {  	s23 =	sadd.s32 s7, s23;
	[sflag:s16] =	ssyncadd.s32 $0xFFFFFF80  }
0x42: {  	[tilespmem:s18], [sflag:$0x2] =	stream.linear.gather [hbm4b:s23+s21], $0x80, $0x38;
	[tilespmem:$0x18180] =	vst v63  }
0x43: {  	_ =	swait.ge [sflag:s16], $0x80  }
0x44: {  	[sflag:s16] =	ssyncset.done $0x0  }
0x45: {  	[sflag:s16] =	ssyncadd.s32 $0xFFFFFF80  }
0x46: {  	[tilespmem:s15], [sflag:$0x1] =	stream.indirect.gather [hbm4b:s5+s17], $0x80, s21, s17, $0xb8;
	[tilespmem:$0x18180] =	vst v63  }
0x47: {  	_ =	swait.ge [sflag:s19], $0x4000  }
0x48: {  	[sflag:s19] =	ssyncset.done $0x0  }
0x49: {  	s23 =	simm.s32 $0x0;
	[sflag:s19] =	ssyncadd.s32 $0xFFFFC000  }
.LBB2_5:
0x4a: {  	s24 =	sshll.u32 s23, $0x4  }
0x4b: {  	s24 =	sand.u32 $0x3FFFFFF0, s24  }
0x4c: {  	s31 =	sshll.u32 s23, $0xB;
	v17 =	vld [tilespmem:s24+$0x100]  }
0x4d: {  	s24 =	sand.u32 $0x3FFFF800, s31  }
0x4e: {  	v18 =	vld [tilespmem:s24+$0x180]  }
0x4f: {  	v19 =	vld [tilespmem:s24+$0x190]  }
0x50: {  	v20 =	vld [tilespmem:s24+$0x1A0]  }
0x51: {  	v22 =	vld [tilespmem:s24+$0x1B0];
	v21 =	vperm.xlane v17, v1  }
0x52: {  	v23 =	vld [tilespmem:s24+$0x1C0]  }
0x53: {  	v24 =	vld [tilespmem:s24+$0x1D0];
	v18 =	vmul.f32 v18, v21  }
0x54: {  	v25 =	vld [tilespmem:s24+$0x1E0];
	v19 =	vmul.f32 v19, v21  }
0x55: {  	v38 =	vld [tilespmem:s24+$0x1F0];
	[tilespmem:s24+$0x180] =	vst v18;
	v18 =	vmul.f32 v20, v21  }
0x56: {  	v39 =	vld [tilespmem:s24+$0x200];
	[tilespmem:s24+$0x190] =	vst v19;
	v19 =	vmul.f32 v22, v21  }
0x57: {  	v40 =	vld [tilespmem:s24+$0x210];
	[tilespmem:s24+$0x1A0] =	vst v18;
	v18 =	vmul.f32 v23, v21  }
0x58: {  	v41 =	vld [tilespmem:s24+$0x220];
	[tilespmem:s24+$0x1B0] =	vst v19;
	v19 =	vmul.f32 v24, v21  }
0x59: {  	v26 =	vld [tilespmem:s24+$0x230];
	v42 =	vperm.xlane v17, v2;
	[tilespmem:s24+$0x1C0] =	vst v18;
	v18 =	vmul.f32 v25, v21  }
0x5a: {  	v43 =	vld [tilespmem:s24+$0x240];
	[tilespmem:s24+$0x1D0] =	vst v19;
	v19 =	vmul.f32 v38, v21  }
0x5b: {  	v44 =	vld [tilespmem:s24+$0x250];
	[tilespmem:s24+$0x1E0] =	vst v18;
	v18 =	vmul.f32 v39, v42  }
0x5c: {  	v45 =	vld [tilespmem:s24+$0x260];
	[tilespmem:s24+$0x1F0] =	vst v19;
	v19 =	vmul.f32 v40, v42  }
0x5d: {  	v46 =	vld [tilespmem:s24+$0x270];
	[tilespmem:s24+$0x200] =	vst v18;
	v18 =	vmul.f32 v41, v42  }
0x5e: {  	v47 =	vld [tilespmem:s24+$0x280];
	[tilespmem:s24+$0x210] =	vst v19;
	v19 =	vmul.f32 v26, v42  }
0x5f: {  	v48 =	vld [tilespmem:s24+$0x290];
	[tilespmem:s24+$0x220] =	vst v18;
	v18 =	vmul.f32 v43, v42  }
0x60: {  	v49 =	vld [tilespmem:s24+$0x2A0];
	[tilespmem:s24+$0x230] =	vst v19;
	v19 =	vmul.f32 v44, v42  }
0x61: {  	v51 =	vld [tilespmem:s24+$0x2B0];
	v50 =	vperm.xlane v17, v3;
	[tilespmem:s24+$0x240] =	vst v18;
	v18 =	vmul.f32 v45, v42  }
0x62: {  	v52 =	vld [tilespmem:s24+$0x2C0];
	[tilespmem:s24+$0x250] =	vst v19;
	v19 =	vmul.f32 v46, v42  }
0x63: {  	v53 =	vld [tilespmem:s24+$0x2D0];
	[tilespmem:s24+$0x260] =	vst v18;
	v18 =	vmul.f32 v47, v50  }
0x64: {  	v54 =	vld [tilespmem:s24+$0x2E0];
	[tilespmem:s24+$0x270] =	vst v19;
	v19 =	vmul.f32 v48, v50  }
0x65: {  	v55 =	vld [tilespmem:s24+$0x2F0];
	[tilespmem:s24+$0x280] =	vst v18;
	v18 =	vmul.f32 v49, v50  }
0x66: {  	v56 =	vld [tilespmem:s24+$0x300];
	[tilespmem:s24+$0x290] =	vst v19;
	v19 =	vmul.f32 v51, v50  }
0x67: {  	v57 =	vld [tilespmem:s24+$0x310];
	[tilespmem:s24+$0x2A0] =	vst v18;
	v18 =	vmul.f32 v52, v50  }
0x68: {  	v58 =	vld [tilespmem:s24+$0x320];
	[tilespmem:s24+$0x2B0] =	vst v19;
	v19 =	vmul.f32 v53, v50  }
0x69: {  	v60 =	vld [tilespmem:s24+$0x330];
	v59 =	vperm.xlane v17, v4;
	[tilespmem:s24+$0x2C0] =	vst v18;
	v18 =	vmul.f32 v54, v50  }
0x6a: {  	v61 =	vld [tilespmem:s24+$0x340];
	[tilespmem:s24+$0x2D0] =	vst v19;
	v19 =	vmul.f32 v55, v50  }
0x6b: {  	v62 =	vld [tilespmem:s24+$0x350];
	[tilespmem:s24+$0x2E0] =	vst v18;
	v18 =	vmul.f32 v56, v59  }
0x6c: {  	v63 =	vld [tilespmem:s24+$0x360];
	[tilespmem:s24+$0x2F0] =	vst v19;
	v19 =	vmul.f32 v57, v59  }
0x6d: {  	v28 =	vld [tilespmem:s24+$0x370];
	[tilespmem:s24+$0x300] =	vst v18;
	v18 =	vmul.f32 v58, v59  }
0x6e: {  	v29 =	vld [tilespmem:s24+$0x380];
	[tilespmem:s24+$0x310] =	vst v19;
	v19 =	vmul.f32 v60, v59  }
0x6f: {  	v30 =	vld [tilespmem:s24+$0x390];
	[tilespmem:s24+$0x320] =	vst v18;
	v18 =	vmul.f32 v61, v59  }
0x70: {  	v31 =	vld [tilespmem:s24+$0x3A0];
	[tilespmem:s24+$0x330] =	vst v19;
	v19 =	vmul.f32 v62, v59  }
0x71: {  	v33 =	vld [tilespmem:s24+$0x3B0];
	v32 =	vperm.xlane v17, v5;
	[tilespmem:s24+$0x340] =	vst v18;
	v18 =	vmul.f32 v63, v59  }
0x72: {  	v34 =	vld [tilespmem:s24+$0x3C0];
	[tilespmem:s24+$0x350] =	vst v19;
	v19 =	vmul.f32 v28, v59  }
0x73: {  	v35 =	vld [tilespmem:s24+$0x3D0];
	[tilespmem:s24+$0x360] =	vst v18;
	v18 =	vmul.f32 v29, v32  }
0x74: {  	v36 =	vld [tilespmem:s24+$0x3E0];
	[tilespmem:s24+$0x370] =	vst v19;
	v19 =	vmul.f32 v30, v32  }
0x75: {  	v37 =	vld [tilespmem:s24+$0x3F0];
	[tilespmem:s24+$0x380] =	vst v18;
	v18 =	vmul.f32 v31, v32  }
0x76: {  	v38 =	vld [tilespmem:s24+$0x400];
	[tilespmem:s24+$0x390] =	vst v19;
	v19 =	vmul.f32 v33, v32  }
0x77: {  	v39 =	vld [tilespmem:s24+$0x410];
	[tilespmem:s24+$0x3A0] =	vst v18;
	v18 =	vmul.f32 v34, v32  }
0x78: {  	v40 =	vld [tilespmem:s24+$0x420];
	[tilespmem:s24+$0x3B0] =	vst v19;
	v19 =	vmul.f32 v35, v32  }
0x79: {  	v41 =	vperm.xlane v17, v6;
	v42 =	vld [tilespmem:s24+$0x430];
	[tilespmem:s24+$0x3C0] =	vst v18;
	v18 =	vmul.f32 v36, v32  }
0x7a: {  	v43 =	vld [tilespmem:s24+$0x440];
	[tilespmem:s24+$0x3D0] =	vst v19;
	v19 =	vmul.f32 v37, v32  }
0x7b: {  	v44 =	vld [tilespmem:s24+$0x450];
	[tilespmem:s24+$0x3E0] =	vst v18;
	v18 =	vmul.f32 v38, v41  }
0x7c: {  	v45 =	vld [tilespmem:s24+$0x460];
	[tilespmem:s24+$0x3F0] =	vst v19;
	v19 =	vmul.f32 v39, v41  }
0x7d: {  	v46 =	vld [tilespmem:s24+$0x470];
	[tilespmem:s24+$0x400] =	vst v18;
	v18 =	vmul.f32 v40, v41  }
0x7e: {  	v47 =	vld [tilespmem:s24+$0x480];
	[tilespmem:s24+$0x410] =	vst v19;
	v19 =	vmul.f32 v42, v41  }
0x7f: {  	v48 =	vld [tilespmem:s24+$0x490];
	[tilespmem:s24+$0x420] =	vst v18;
	v18 =	vmul.f32 v43, v41  }
0x80: {  	v49 =	vld [tilespmem:s24+$0x4A0];
	[tilespmem:s24+$0x430] =	vst v19;
	v19 =	vmul.f32 v44, v41  }
0x81: {  	v51 =	vld [tilespmem:s24+$0x4B0];
	v50 =	vperm.xlane v17, v7;
	[tilespmem:s24+$0x440] =	vst v18;
	v18 =	vmul.f32 v45, v41  }
0x82: {  	v52 =	vld [tilespmem:s24+$0x4C0];
	[tilespmem:s24+$0x450] =	vst v19;
	v19 =	vmul.f32 v46, v41  }
0x83: {  	v53 =	vld [tilespmem:s24+$0x4D0];
	[tilespmem:s24+$0x460] =	vst v18;
	v18 =	vmul.f32 v47, v50  }
0x84: {  	v54 =	vld [tilespmem:s24+$0x4E0];
	[tilespmem:s24+$0x470] =	vst v19;
	v19 =	vmul.f32 v48, v50  }
0x85: {  	v55 =	vld [tilespmem:s24+$0x4F0];
	[tilespmem:s24+$0x480] =	vst v18;
	v18 =	vmul.f32 v49, v50  }
0x86: {  	v56 =	vld [tilespmem:s24+$0x500];
	[tilespmem:s24+$0x490] =	vst v19;
	v19 =	vmul.f32 v51, v50  }
0x87: {  	v57 =	vld [tilespmem:s24+$0x510];
	[tilespmem:s24+$0x4A0] =	vst v18;
	v18 =	vmul.f32 v52, v50  }
0x88: {  	v58 =	vld [tilespmem:s24+$0x520];
	[tilespmem:s24+$0x4B0] =	vst v19;
	v19 =	vmul.f32 v53, v50  }
0x89: {  	v60 =	vld [tilespmem:s24+$0x530];
	v59 =	vperm.xlane v17, v8;
	[tilespmem:s24+$0x4C0] =	vst v18;
	v18 =	vmul.f32 v54, v50  }
0x8a: {  	v61 =	vld [tilespmem:s24+$0x540];
	[tilespmem:s24+$0x4D0] =	vst v19;
	v19 =	vmul.f32 v55, v50  }
0x8b: {  	v62 =	vld [tilespmem:s24+$0x550];
	[tilespmem:s24+$0x4E0] =	vst v18;
	v18 =	vmul.f32 v56, v59  }
0x8c: {  	v63 =	vld [tilespmem:s24+$0x560];
	[tilespmem:s24+$0x4F0] =	vst v19;
	v19 =	vmul.f32 v57, v59  }
0x8d: {  	v28 =	vld [tilespmem:s24+$0x570];
	[tilespmem:s24+$0x500] =	vst v18;
	v18 =	vmul.f32 v58, v59  }
0x8e: {  	v29 =	vld [tilespmem:s24+$0x580];
	[tilespmem:s24+$0x510] =	vst v19;
	v19 =	vmul.f32 v60, v59  }
0x8f: {  	v30 =	vld [tilespmem:s24+$0x590];
	[tilespmem:s24+$0x520] =	vst v18;
	v18 =	vmul.f32 v61, v59  }
0x90: {  	v31 =	vld [tilespmem:s24+$0x5A0];
	[tilespmem:s24+$0x530] =	vst v19;
	v19 =	vmul.f32 v62, v59  }
0x91: {  	v33 =	vld [tilespmem:s24+$0x5B0];
	v32 =	vperm.xlane v17, v9;
	[tilespmem:s24+$0x540] =	vst v18;
	v18 =	vmul.f32 v63, v59  }
0x92: {  	v34 =	vld [tilespmem:s24+$0x5C0];
	[tilespmem:s24+$0x550] =	vst v19;
	v19 =	vmul.f32 v28, v59  }
0x93: {  	v35 =	vld [tilespmem:s24+$0x5D0];
	[tilespmem:s24+$0x560] =	vst v18;
	v18 =	vmul.f32 v29, v32  }
0x94: {  	v36 =	vld [tilespmem:s24+$0x5E0];
	[tilespmem:s24+$0x570] =	vst v19;
	v19 =	vmul.f32 v30, v32  }
0x95: {  	v37 =	vld [tilespmem:s24+$0x5F0];
	[tilespmem:s24+$0x580] =	vst v18;
	v18 =	vmul.f32 v31, v32  }
0x96: {  	v38 =	vld [tilespmem:s24+$0x600];
	[tilespmem:s24+$0x590] =	vst v19;
	v19 =	vmul.f32 v33, v32  }
0x97: {  	v39 =	vld [tilespmem:s24+$0x610];
	[tilespmem:s24+$0x5A0] =	vst v18;
	v18 =	vmul.f32 v34, v32  }
0x98: {  	v40 =	vld [tilespmem:s24+$0x620];
	[tilespmem:s24+$0x5B0] =	vst v19;
	v19 =	vmul.f32 v35, v32  }
0x99: {  	v42 =	vld [tilespmem:s24+$0x630];
	v41 =	vperm.xlane v17, v10;
	[tilespmem:s24+$0x5C0] =	vst v18;
	v18 =	vmul.f32 v36, v32  }
0x9a: {  	v43 =	vld [tilespmem:s24+$0x640];
	[tilespmem:s24+$0x5D0] =	vst v19;
	v19 =	vmul.f32 v37, v32  }
0x9b: {  	v44 =	vld [tilespmem:s24+$0x650];
	[tilespmem:s24+$0x5E0] =	vst v18;
	v18 =	vmul.f32 v38, v41  }
0x9c: {  	v45 =	vld [tilespmem:s24+$0x660];
	[tilespmem:s24+$0x5F0] =	vst v19;
	v19 =	vmul.f32 v39, v41  }
0x9d: {  	v46 =	vld [tilespmem:s24+$0x670];
	[tilespmem:s24+$0x600] =	vst v18;
	v18 =	vmul.f32 v40, v41  }
0x9e: {  	v47 =	vld [tilespmem:s24+$0x680];
	[tilespmem:s24+$0x610] =	vst v19;
	v19 =	vmul.f32 v42, v41  }
0x9f: {  	v48 =	vld [tilespmem:s24+$0x690];
	[tilespmem:s24+$0x620] =	vst v18;
	v18 =	vmul.f32 v43, v41  }
0xa0: {  	v49 =	vld [tilespmem:s24+$0x6A0];
	[tilespmem:s24+$0x630] =	vst v19;
	v19 =	vmul.f32 v44, v41  }
0xa1: {  	v51 =	vld [tilespmem:s24+$0x6B0];
	v50 =	vperm.xlane v17, v11;
	[tilespmem:s24+$0x640] =	vst v18;
	v18 =	vmul.f32 v45, v41  }
0xa2: {  	v52 =	vld [tilespmem:s24+$0x6C0];
	[tilespmem:s24+$0x650] =	vst v19;
	v19 =	vmul.f32 v46, v41  }
0xa3: {  	v53 =	vld [tilespmem:s24+$0x6D0];
	[tilespmem:s24+$0x660] =	vst v18;
	v18 =	vmul.f32 v47, v50  }
0xa4: {  	v54 =	vld [tilespmem:s24+$0x6E0];
	[tilespmem:s24+$0x670] =	vst v19;
	v19 =	vmul.f32 v48, v50  }
0xa5: {  	v55 =	vld [tilespmem:s24+$0x6F0];
	[tilespmem:s24+$0x680] =	vst v18;
	v18 =	vmul.f32 v49, v50  }
0xa6: {  	v56 =	vld [tilespmem:s24+$0x700];
	[tilespmem:s24+$0x690] =	vst v19;
	v19 =	vmul.f32 v51, v50  }
0xa7: {  	v57 =	vld [tilespmem:s24+$0x710];
	[tilespmem:s24+$0x6A0] =	vst v18;
	v18 =	vmul.f32 v52, v50  }
0xa8: {  	v58 =	vld [tilespmem:s24+$0x720];
	[tilespmem:s24+$0x6B0] =	vst v19;
	v19 =	vmul.f32 v53, v50  }
0xa9: {  	v60 =	vld [tilespmem:s24+$0x730];
	v59 =	vperm.xlane v17, v12;
	[tilespmem:s24+$0x6C0] =	vst v18;
	v18 =	vmul.f32 v54, v50  }
0xaa: {  	v61 =	vld [tilespmem:s24+$0x740];
	[tilespmem:s24+$0x6D0] =	vst v19;
	v19 =	vmul.f32 v55, v50  }
0xab: {  	v62 =	vld [tilespmem:s24+$0x750];
	[tilespmem:s24+$0x6E0] =	vst v18;
	v18 =	vmul.f32 v56, v59  }
0xac: {  	v63 =	vld [tilespmem:s24+$0x760];
	[tilespmem:s24+$0x6F0] =	vst v19;
	v19 =	vmul.f32 v57, v59  }
0xad: {  	v28 =	vld [tilespmem:s24+$0x770];
	[tilespmem:s24+$0x700] =	vst v18;
	v18 =	vmul.f32 v58, v59  }
0xae: {  	v29 =	vld [tilespmem:s24+$0x780];
	[tilespmem:s24+$0x710] =	vst v19;
	v19 =	vmul.f32 v60, v59  }
0xaf: {  	v30 =	vld [tilespmem:s24+$0x790];
	[tilespmem:s24+$0x720] =	vst v18;
	v18 =	vmul.f32 v61, v59  }
0xb0: {  	v31 =	vld [tilespmem:s24+$0x7A0];
	[tilespmem:s24+$0x730] =	vst v19;
	v19 =	vmul.f32 v62, v59  }
0xb1: {  	v33 =	vld [tilespmem:s24+$0x7B0];
	v32 =	vperm.xlane v17, v13;
	[tilespmem:s24+$0x740] =	vst v18;
	v18 =	vmul.f32 v63, v59  }
0xb2: {  	v34 =	vld [tilespmem:s24+$0x7C0];
	[tilespmem:s24+$0x750] =	vst v19;
	v19 =	vmul.f32 v28, v59  }
0xb3: {  	v35 =	vld [tilespmem:s24+$0x7D0];
	[tilespmem:s24+$0x760] =	vst v18;
	v18 =	vmul.f32 v29, v32  }
0xb4: {  	v36 =	vld [tilespmem:s24+$0x7E0];
	[tilespmem:s24+$0x770] =	vst v19;
	v19 =	vmul.f32 v30, v32  }
0xb5: {  	v37 =	vld [tilespmem:s24+$0x7F0];
	[tilespmem:s24+$0x780] =	vst v18;
	v18 =	vmul.f32 v31, v32  }
0xb6: {  	v38 =	vld [tilespmem:s24+$0x800];
	[tilespmem:s24+$0x790] =	vst v19;
	v19 =	vmul.f32 v33, v32  }
0xb7: {  	v39 =	vld [tilespmem:s24+$0x810];
	[tilespmem:s24+$0x7A0] =	vst v18;
	v18 =	vmul.f32 v34, v32  }
0xb8: {  	v40 =	vld [tilespmem:s24+$0x820];
	[tilespmem:s24+$0x7B0] =	vst v19;
	v19 =	vmul.f32 v35, v32  }
0xb9: {  	v42 =	vld [tilespmem:s24+$0x830];
	v41 =	vperm.xlane v17, v14;
	[tilespmem:s24+$0x7C0] =	vst v18;
	v18 =	vmul.f32 v36, v32  }
0xba: {  	v43 =	vld [tilespmem:s24+$0x840];
	[tilespmem:s24+$0x7D0] =	vst v19;
	v19 =	vmul.f32 v37, v32  }
0xbb: {  	v44 =	vld [tilespmem:s24+$0x850];
	[tilespmem:s24+$0x7E0] =	vst v18;
	v18 =	vmul.f32 v38, v41  }
0xbc: {  	v45 =	vld [tilespmem:s24+$0x860];
	[tilespmem:s24+$0x7F0] =	vst v19;
	v19 =	vmul.f32 v39, v41  }
0xbd: {  	v46 =	vld [tilespmem:s24+$0x870];
	[tilespmem:s24+$0x800] =	vst v18;
	v18 =	vmul.f32 v40, v41  }
0xbe: {  	v47 =	vld [tilespmem:s24+$0x880];
	[tilespmem:s24+$0x810] =	vst v19;
	v19 =	vmul.f32 v42, v41  }
0xbf: {  	v48 =	vld [tilespmem:s24+$0x890];
	[tilespmem:s24+$0x820] =	vst v18;
	v18 =	vmul.f32 v43, v41  }
0xc0: {  	v49 =	vld [tilespmem:s24+$0x8A0];
	[tilespmem:s24+$0x830] =	vst v19;
	v19 =	vmul.f32 v44, v41  }
0xc1: {  	v51 =	vld [tilespmem:s24+$0x8B0];
	v50 =	vperm.xlane v17, v15;
	[tilespmem:s24+$0x840] =	vst v18;
	v18 =	vmul.f32 v45, v41  }
0xc2: {  	v52 =	vld [tilespmem:s24+$0x8C0];
	[tilespmem:s24+$0x850] =	vst v19;
	v19 =	vmul.f32 v46, v41  }
0xc3: {  	v53 =	vld [tilespmem:s24+$0x8D0];
	[tilespmem:s24+$0x860] =	vst v18;
	v18 =	vmul.f32 v47, v50  }
0xc4: {  	v54 =	vld [tilespmem:s24+$0x8E0];
	[tilespmem:s24+$0x870] =	vst v19;
	v19 =	vmul.f32 v48, v50  }
0xc5: {  	v55 =	vld [tilespmem:s24+$0x8F0];
	[tilespmem:s24+$0x880] =	vst v18;
	v18 =	vmul.f32 v49, v50  }
0xc6: {  	v56 =	vld [tilespmem:s24+$0x900];
	[tilespmem:s24+$0x890] =	vst v19;
	v19 =	vmul.f32 v51, v50  }
0xc7: {  	v57 =	vld [tilespmem:s24+$0x910];
	[tilespmem:s24+$0x8A0] =	vst v18;
	v18 =	vmul.f32 v52, v50  }
0xc8: {  	v58 =	vld [tilespmem:s24+$0x920];
	[tilespmem:s24+$0x8B0] =	vst v19;
	v19 =	vmul.f32 v53, v50  }
0xc9: {  	v17 =	vperm.xlane v17, v16;
	v59 =	vld [tilespmem:s24+$0x930];
	[tilespmem:s24+$0x8C0] =	vst v18;
	v18 =	vmul.f32 v54, v50  }
0xca: {  	v60 =	vld [tilespmem:s24+$0x940];
	[tilespmem:s24+$0x8D0] =	vst v19;
	v19 =	vmul.f32 v55, v50  }
0xcb: {  	v61 =	vld [tilespmem:s24+$0x950];
	[tilespmem:s24+$0x8E0] =	vst v18;
	v18 =	vmul.f32 v56, v17  }
0xcc: {  	v62 =	vld [tilespmem:s24+$0x960];
	[tilespmem:s24+$0x8F0] =	vst v19;
	v19 =	vmul.f32 v57, v17  }
0xcd: {  	v63 =	vld [tilespmem:s24+$0x970];
	[tilespmem:s24+$0x900] =	vst v18;
	v18 =	vmul.f32 v58, v17  }
0xce: {  	[tilespmem:s24+$0x910] =	vst v19;
	v19 =	vmul.f32 v59, v17  }
0xcf: {  	p0 =	sne.s32 s23, $0x7;
	[tilespmem:s24+$0x920] =	vst v18;
	v18 =	vmul.f32 v60, v17  }
.Ltmp1:
0xd0: {  	[tilespmem:s24+$0x930] =	vst v19;
	v19 =	vmul.f32 v61, v17;
	(pc) =	sbr.rel @p0 .LBB2_5-.Ltmp1, $4  }
0xd1: {  	[tilespmem:s24+$0x940] =	vst v18;
	v18 =	vmul.f32 v62, v17  }
0xd2: {  	[tilespmem:s24+$0x950] =	vst v19;
	v17 =	vmul.f32 v63, v17  }
0xd3: {  	[tilespmem:s24+$0x960] =	vst v18  }
0xd4: {  	s23 =	sadd.s32 $0x1, s23;
	[tilespmem:s24+$0x970] =	vst v17  }
0xd5: {  	s22 =	sadd.s32 $0x1, s22  }
0xd6: {  	p0 =	sne.s32 s22, $0x4F  }
.Ltmp2:
0xd7: {  	_ = 	snop;
	(pc) =	sbr.rel @p0 .LBB2_4-.Ltmp2, $4  }
0xd8: {  	[spmem:s2] =	stream.indirect.scatter.add.f32 [tilespmem:s15], [sflag:$0x2], $0x80, s17, s17, $0xb8;
	[tilespmem:$0x18180] =	vst v63  }
0xd9: {  	_ =	swait.ge [sflag:s16], $0x4000  }
0xda: {  	[sflag:s16] =	ssyncset.done $0x0  }
0xdb: {  	[sflag:s16] =	ssyncadd.s32 $0xFFFFC000  }
0xdc: {  	s3 =	sadd.s32 $0x1, s3  }
0xdd: {  	s21 =	sshll.u32 s4, $0x6;
	[bflag:$0x0] =	sbarrier.arrive $0xFFFF;
	p0 =	sne.s32 s3, s14  }
.Ltmp3:
0xde: {  	s22 =	sshrl.u32 s8, $0x3;
	s21 =	sor.u32 $0x1C02, s21;
	(pc) =	sbr.rel @p0 .LBB2_1-.Ltmp3, $4  }
0xdf: {  	[hbm:s20], [sflag:s21] =	dma.local [spmem:s22], $0x2800  }
0xe0: {  	_ =	swait.ge [sflag:s16], $0x2800  }
0xe1: {  	[sflag:s16] =	ssyncset.done $0x0  }
0xe2: {  	[sflag:s16] =	ssyncadd.s32 $0xFFFFD800  }
0xe3: {  	_ =	sfence.sel $0x180000  }
0xe4: {  	[bflag:$0x0] =	sbarrier.arrive $0xFFFF  }
0xe5: {  	p0 =	sne.s32 s4, $0x0;
	_ =	strace $0x90000047  }
0xe6: {  	s0 =	sadd.s32 @!p0 $0x100000, s0;
	[bflag:$0x2] =	sbarrier.arrive $0xFFFF  }
0xe7: {  	[sflag:s0] =	ssyncadd.tile.s32 @!p0 $0x1;
	_ =	shalt  }
.Lfunc_end2:
_tile_overlayer_lowered:
.L_overlay_start_2:
0xe8: {  	(tag) =	ssettag $0x2  }
0xe9: {  	s0 =	rddreg [dreg:$0x0];
	s2 =	stileid.u32  }
0xea: {  	s1 =	rddreg [dreg:$0x1];
	p0 =	sne.s32 s2, $0x0  }
0xeb: {  	s3 =	rddreg [dreg:$0x2];
	[bflag:$0x3] =	sbarrier.arrive $0xFFFF;
	s2 =	simm.s32 @!p0 $0x1C02  }
0xec: {  	[timem:s3], [sflag:s2] =	dma.local @!p0 [hbm:s0], s1  }
0xed: {  	s0 =	simm.s32 @!p0 $0x2  }
0xee: {  	_ =	swait.ge @!p0 [sflag:s0], s1  }
0xef: {  	s1 =	ssub.s32 @!p0 $0x0, s1;
	[sflag:s0] =	ssyncset.done @!p0 $0x0  }
0xf0: {  	[sflag:s0] =	ssyncadd.s32 @!p0 s1  }
0xf1: {  	[bflag:$0x3] =	sbarrier.arrive $0xFFFF  }
0xf2: {  	_ =	shalt  }

</sc_bundles>
